<compile_context>
chip_gen: v7x
topology: tpu7x:2x2x1
jax: 0.10.2.dev20260603
libtpu: 0.0.44.dev20260713+nightly
codegen_flags: <defaults>
</compile_context>

<pallas_src>
import jax
import jax.numpy as jnp
from jax import lax
from jax.experimental import pallas as pl
from jax.experimental.pallas import tpu as pltpu
from jax.experimental.pallas import tpu_sc as plsc

D_MODEL = 1024
BATCH = 16384
LANES = 16
NUM_CORES = 2
NUM_SUBCORES = 16
BG = BATCH // NUM_SUBCORES
DH = D_MODEL // NUM_CORES
CHUNK = 32
NRING = 4
LOOKAHEAD = 2
NUM_CHUNKS = BG // CHUNK
NGROUP = NUM_CHUNKS // NRING
NVREG = DH // LANES
REP_ROWS = NUM_CORES * NUM_SUBCORES * 64


def _sc_kernel(src_w, dst_w, mov1, mov2, out, rep, t1, idx1_v, idx2_v,
               b0, b1, b2, b3, g0, g1, g2, g3, o0, o1, o2, o3):
    bufs = (b0, b1, b2, b3)
    gsems = (g0, g1, g2, g3)
    osems = (o0, o1, o2, o3)
    s = lax.axis_index("s")
    c = lax.axis_index("c")
    row_base = s * BG
    col = c * DH

    pltpu.sync_copy(src_w.at[:, pl.ds(col, DH)], t1)
    pltpu.sync_copy(mov1.at[pl.ds(row_base, BG)], idx1_v.at[pl.ds(0, BG)])
    pltpu.sync_copy(mov2.at[pl.ds(row_base, BG)], idx2_v)

    rep_base = (c * NUM_SUBCORES + s) * 64
    for half in range(2):
        pltpu.sync_copy(dst_w.at[pl.ds(half * 32, 32), pl.ds(col, DH)], b0)
        pltpu.sync_copy(b0, rep.at[pl.ds(rep_base + half * 32, 32)])

    lane_block = c * (NUM_SUBCORES * 64) + lax.iota(jnp.int32, LANES) * 64

    def transform(v, carry):
        sl = pl.ds(v * LANES, LANES)
        idx2_v[sl] = idx2_v[sl] + lane_block
        return carry

    lax.fori_loop(0, BG // LANES, transform, 0)
    plsc.subcore_barrier()

    def gather(k, buf, sem):
        off = pl.multiple_of(k * CHUNK, CHUNK)
        pltpu.async_copy(rep.at[idx2_v.at[pl.ds(off, CHUNK)]], buf, sem)

    def wait_gather(k, buf, sem):
        off = pl.multiple_of(k * CHUNK, CHUNK)
        pltpu.make_async_copy(rep.at[idx2_v.at[pl.ds(off, CHUNK)]], buf,
                              sem).wait()

    def out_slice(k):
        return out.at[pl.ds(row_base + k * CHUNK, CHUNK), pl.ds(col, DH)]

    def add_rows(k, buf):
        @plsc.parallel_loop(0, CHUNK, unroll=1)
        def row_body(i):
            r1 = idx1_v[pl.ds(k * CHUNK + i, LANES)][0]
            for j in range(NVREG):
                sl = pl.ds(j * LANES, LANES)
                plsc.addupdate(buf.at[i, sl], t1[r1, sl])

    gather(0, bufs[0], gsems[0])
    gather(1, bufs[1], gsems[1])

    def group_body(g, carry):
        for p in range(NRING):
            k = g * NRING + p
            kg = k + LOOKAHEAD
            q = (p + LOOKAHEAD) % NRING

            def prep(_):
                def drain(_):
                    pltpu.make_async_copy(bufs[q], out_slice(kg - NRING),
                                          osems[q]).wait()
                    return 0

                lax.cond(kg - NRING >= 0, drain, lambda _: 0, 0)
                gather(kg, bufs[q], gsems[q])
                return 0

            lax.cond(kg < NUM_CHUNKS, prep, lambda _: 0, 0)
            wait_gather(k, bufs[p], gsems[p])
            add_rows(k, bufs[p])
            pltpu.async_copy(bufs[p], out_slice(k), osems[p])
        return carry

    lax.fori_loop(0, NGROUP, group_body, 0)
    for p in range(NRING):
        k = NUM_CHUNKS - NRING + p
        pltpu.make_async_copy(bufs[p], out_slice(k), osems[p]).wait()


@jax.jit
def _run(src_w, dst_w, mov1, mov2):
    kern = pl.kernel(
        _sc_kernel,
        mesh=plsc.VectorSubcoreMesh(core_axis_name="c", subcore_axis_name="s"),
        out_type=jax.ShapeDtypeStruct((BATCH, D_MODEL), jnp.float32),
        scratch_types=[
            pltpu.HBM((REP_ROWS, DH), jnp.float32),
            pltpu.VMEM((64, DH), jnp.float32),
            pltpu.VMEM((BG + LANES,), jnp.int32),
            pltpu.VMEM((BG,), jnp.int32),
            pltpu.VMEM((CHUNK, DH), jnp.float32),
            pltpu.VMEM((CHUNK, DH), jnp.float32),
            pltpu.VMEM((CHUNK, DH), jnp.float32),
            pltpu.VMEM((CHUNK, DH), jnp.float32),
            pltpu.SemaphoreType.DMA,
            pltpu.SemaphoreType.DMA,
            pltpu.SemaphoreType.DMA,
            pltpu.SemaphoreType.DMA,
            pltpu.SemaphoreType.DMA,
            pltpu.SemaphoreType.DMA,
            pltpu.SemaphoreType.DMA,
            pltpu.SemaphoreType.DMA,
        ],
    )
    return kern(src_w, dst_w, mov1, mov2)


def kernel(pieces, mov1, mov2, mov_src_w, mov_dst_w):
    del pieces
    return _run(mov_src_w, mov_dst_w, mov1, mov2)

# --- scband reference (transcript-rebuilt; emitter-appended) ---
"""Pipeline reference for scband-chess-model-56195352101447 (READ-ONLY COPY).

The authoritative reference and input builder live on the scoring server;
editing this copy changes nothing except your own understanding.
"""

import jax, jax.numpy as jnp
import numpy as np

D_MODEL = 1024
BATCH = 16384

def setup_inputs(seed: int = 0) -> dict:
    key = jax.random.key(seed)
    k1, k2, k3, k4, k5 = jax.random.split(key, 5)
    pieces = jax.random.randint(k1, (BATCH, 64), 0, 13, dtype=jnp.int64 if jax.config.jax_enable_x64 else jnp.int32).astype(jnp.int32)
    mov1 = jax.random.randint(k2, (BATCH,), 0, 64).astype(jnp.int32)
    mov2 = jax.random.randint(k3, (BATCH,), 0, 64).astype(jnp.int32)
    mov_src_w = jax.random.normal(k4, (64, D_MODEL), dtype=jnp.float32)
    mov_dst_w = jax.random.normal(k5, (64, D_MODEL), dtype=jnp.float32)
    return {"pieces": pieces, "mov1": mov1, "mov2": mov2, "mov_src_w": mov_src_w, "mov_dst_w": mov_dst_w}

def reference(pieces, mov1, mov2, mov_src_w, mov_dst_w):
    # Faithful to ChessModel.forward: moves = mov_src(mov1) + mov_dst(mov2)
    # (original returns None; we return the computed `moves` tensor so the
    #  embedding-lookup computation is observable)
    moves = jnp.take(mov_src_w, mov1, axis=0) + jnp.take(mov_dst_w, mov2, axis=0)
    return moves

if __name__ == "__main__":
    import jax
    _d = setup_inputs()
    print(jax.jit(kernel)(*tuple(_d.values())))

</pallas_src>

<mosaic_0001>
#map = affine_map<(d0, d1) -> (0, 0)>
#map1 = affine_map<(d0, d1) -> (0)>
module attributes {stable_mosaic.version = 14 : i64} {
  func.func @_sc_kernel(%arg0: i32, %arg1: i32, %arg2: memref<64x1024xf32, #tpu.memory_space<hbm>>, %arg3: memref<64x1024xf32, #tpu.memory_space<hbm>>, %arg4: memref<16384xi32, #tpu.memory_space<hbm>>, %arg5: memref<16384xi32, #tpu.memory_space<hbm>>, %arg6: memref<16384x1024xf32, #tpu.memory_space<hbm>>, %arg7: memref<2048x512xf32, #tpu.memory_space<hbm>>, %arg8: memref<64x512xf32, #tpu.memory_space<vmem>>, %arg9: memref<1040xi32, #tpu.memory_space<vmem>>, %arg10: memref<1024xi32, #tpu.memory_space<vmem>>, %arg11: memref<32x512xf32, #tpu.memory_space<vmem>>, %arg12: memref<32x512xf32, #tpu.memory_space<vmem>>, %arg13: memref<32x512xf32, #tpu.memory_space<vmem>>, %arg14: memref<32x512xf32, #tpu.memory_space<vmem>>, %arg15: memref<!tpu.dma_semaphore, #tpu.memory_space<semaphore_mem>>, %arg16: memref<!tpu.dma_semaphore, #tpu.memory_space<semaphore_mem>>, %arg17: memref<!tpu.dma_semaphore, #tpu.memory_space<semaphore_mem>>, %arg18: memref<!tpu.dma_semaphore, #tpu.memory_space<semaphore_mem>>, %arg19: memref<!tpu.dma_semaphore, #tpu.memory_space<semaphore_mem>>, %arg20: memref<!tpu.dma_semaphore, #tpu.memory_space<semaphore_mem>>, %arg21: memref<!tpu.dma_semaphore, #tpu.memory_space<semaphore_mem>>, %arg22: memref<!tpu.dma_semaphore, #tpu.memory_space<semaphore_mem>>) attributes {dimension_semantics = [#tpu.dimension_semantics<core_parallel>, #tpu.dimension_semantics<subcore_parallel>], iteration_bounds = array<i64: 2, 16>, scalar_prefetch = 0 : i64, scratch_operands = 16 : i64, tpu.core_type = #tpu.core_type<sc_vector_subcore>, window_params = [{transform_indices = #map}, {transform_indices = #map}, {transform_indices = #map1}, {transform_indices = #map1}, {transform_indices = #map}]} {
    %mul3A = arith.constant 1024 : i32
    %mul3A_0 = arith.muli %arg1, %mul3A : i32
    %mul3A_1 = arith.constant 512 : i32
    %mul3A_2 = arith.muli %arg0, %mul3A_1 : i32
    "tpu.region"() ({
      %run_scoped3A = tpu.sem_alloc : memref<!tpu.dma_semaphore, #tpu.memory_space<semaphore_mem>>
      %dma_start3A_54 = arith.constant 0 : i32
      %dma_start3A_55 = tpu.memref_slice %arg2[%dma_start3A_54, %mul3A_2] : memref<64x1024xf32, #tpu.memory_space<hbm>> -> memref<64x512xf32, #tpu.memory_space<hbm>>
      %dma_start3A_56 = arith.constant 0 : i32
      %dma_start3A_57 = tpu.memref_slice %arg2[%dma_start3A_56, %mul3A_2] : memref<64x1024xf32, #tpu.memory_space<hbm>> -> memref<64x512xf32, #tpu.memory_space<hbm>>
      tpu.enqueue_dma source(%dma_start3A_57 : memref<64x512xf32, #tpu.memory_space<hbm>>) target(%arg8 : memref<64x512xf32, #tpu.memory_space<vmem>>) target_semaphore(%run_scoped3A : memref<!tpu.dma_semaphore, #tpu.memory_space<semaphore_mem>>)
      %dma_wait3A_58 = arith.constant 0 : i32
      %dma_wait3A_59 = tpu.memref_slice %arg2[%dma_wait3A_58, %mul3A_2] : memref<64x1024xf32, #tpu.memory_space<hbm>> -> memref<64x512xf32, #tpu.memory_space<hbm>>
      %dma_wait3A_60 = arith.constant 0 : i32
      %dma_wait3A_61 = tpu.memref_slice %arg2[%dma_wait3A_60, %mul3A_2] : memref<64x1024xf32, #tpu.memory_space<hbm>> -> memref<64x512xf32, #tpu.memory_space<hbm>>
      tpu.wait_dma2 semaphore(%run_scoped3A : memref<!tpu.dma_semaphore, #tpu.memory_space<semaphore_mem>>) src(%dma_wait3A_61 : memref<64x512xf32, #tpu.memory_space<hbm>>) dst(%arg8 : memref<64x512xf32, #tpu.memory_space<vmem>>)
      tpu.yield
    }) : () -> ()
    "tpu.region"() ({
      %run_scoped3A = tpu.sem_alloc : memref<!tpu.dma_semaphore, #tpu.memory_space<semaphore_mem>>
      %dma_start3A_54 = arith.constant 0 : i32
      %dma_start3A_55 = tpu.memref_slice %arg9[%dma_start3A_54] : memref<1040xi32, #tpu.memory_space<vmem>> -> memref<1024xi32, #tpu.memory_space<vmem>>
      %dma_start3A_56 = tpu.memref_slice %arg4[%mul3A_0] : memref<16384xi32, #tpu.memory_space<hbm>> -> memref<1024xi32, #tpu.memory_space<hbm>>
      %dma_start3A_57 = arith.constant 0 : i32
      %dma_start3A_58 = tpu.memref_slice %arg9[%dma_start3A_57] : memref<1040xi32, #tpu.memory_space<vmem>> -> memref<1024xi32, #tpu.memory_space<vmem>>
      %dma_start3A_59 = tpu.memref_slice %arg4[%mul3A_0] : memref<16384xi32, #tpu.memory_space<hbm>> -> memref<1024xi32, #tpu.memory_space<hbm>>
      tpu.enqueue_dma source(%dma_start3A_59 : memref<1024xi32, #tpu.memory_space<hbm>>) target(%dma_start3A_58 : memref<1024xi32, #tpu.memory_space<vmem>>) target_semaphore(%run_scoped3A : memref<!tpu.dma_semaphore, #tpu.memory_space<semaphore_mem>>)
      %dma_wait3A_60 = arith.constant 0 : i32
      %dma_wait3A_61 = tpu.memref_slice %arg9[%dma_wait3A_60] : memref<1040xi32, #tpu.memory_space<vmem>> -> memref<1024xi32, #tpu.memory_space<vmem>>
      %dma_wait3A_62 = tpu.memref_slice %arg4[%mul3A_0] : memref<16384xi32, #tpu.memory_space<hbm>> -> memref<1024xi32, #tpu.memory_space<hbm>>
      %dma_wait3A_63 = arith.constant 0 : i32
      %dma_wait3A_64 = tpu.memref_slice %arg9[%dma_wait3A_63] : memref<1040xi32, #tpu.memory_space<vmem>> -> memref<1024xi32, #tpu.memory_space<vmem>>
      %dma_wait3A_65 = tpu.memref_slice %arg4[%mul3A_0] : memref<16384xi32, #tpu.memory_space<hbm>> -> memref<1024xi32, #tpu.memory_space<hbm>>
      tpu.wait_dma2 semaphore(%run_scoped3A : memref<!tpu.dma_semaphore, #tpu.memory_space<semaphore_mem>>) src(%dma_wait3A_65 : memref<1024xi32, #tpu.memory_space<hbm>>) dst(%dma_wait3A_64 : memref<1024xi32, #tpu.memory_space<vmem>>)
      tpu.yield
    }) : () -> ()
    "tpu.region"() ({
      %run_scoped3A = tpu.sem_alloc : memref<!tpu.dma_semaphore, #tpu.memory_space<semaphore_mem>>
      %dma_start3A_54 = tpu.memref_slice %arg5[%mul3A_0] : memref<16384xi32, #tpu.memory_space<hbm>> -> memref<1024xi32, #tpu.memory_space<hbm>>
      %dma_start3A_55 = tpu.memref_slice %arg5[%mul3A_0] : memref<16384xi32, #tpu.memory_space<hbm>> -> memref<1024xi32, #tpu.memory_space<hbm>>
      tpu.enqueue_dma source(%dma_start3A_55 : memref<1024xi32, #tpu.memory_space<hbm>>) target(%arg10 : memref<1024xi32, #tpu.memory_space<vmem>>) target_semaphore(%run_scoped3A : memref<!tpu.dma_semaphore, #tpu.memory_space<semaphore_mem>>)
      %dma_wait3A_56 = tpu.memref_slice %arg5[%mul3A_0] : memref<16384xi32, #tpu.memory_space<hbm>> -> memref<1024xi32, #tpu.memory_space<hbm>>
      %dma_wait3A_57 = tpu.memref_slice %arg5[%mul3A_0] : memref<16384xi32, #tpu.memory_space<hbm>> -> memref<1024xi32, #tpu.memory_space<hbm>>
      tpu.wait_dma2 semaphore(%run_scoped3A : memref<!tpu.dma_semaphore, #tpu.memory_space<semaphore_mem>>) src(%dma_wait3A_57 : memref<1024xi32, #tpu.memory_space<hbm>>) dst(%arg10 : memref<1024xi32, #tpu.memory_space<vmem>>)
      tpu.yield
    }) : () -> ()
    %mul3A_3 = arith.constant 16 : i32
    %mul3A_4 = arith.muli %arg0, %mul3A_3 : i32
    %add3A = arith.addi %mul3A_4, %arg1 : i32
    %mul3A_5 = arith.constant 64 : i32
    %mul3A_6 = arith.muli %add3A, %mul3A_5 : i32
    "tpu.region"() ({
      %run_scoped3A = tpu.sem_alloc : memref<!tpu.dma_semaphore, #tpu.memory_space<semaphore_mem>>
      %dma_start3A_54 = arith.constant 0 : i32
      %dma_start3A_55 = tpu.memref_slice %arg3[%dma_start3A_54, %mul3A_2] : memref<64x1024xf32, #tpu.memory_space<hbm>> -> memref<32x512xf32, #tpu.memory_space<hbm>>
      %dma_start3A_56 = arith.constant 0 : i32
      %dma_start3A_57 = tpu.memref_slice %arg3[%dma_start3A_56, %mul3A_2] : memref<64x1024xf32, #tpu.memory_space<hbm>> -> memref<32x512xf32, #tpu.memory_space<hbm>>
      tpu.enqueue_dma source(%dma_start3A_57 : memref<32x512xf32, #tpu.memory_space<hbm>>) target(%arg11 : memref<32x512xf32, #tpu.memory_space<vmem>>) target_semaphore(%run_scoped3A : memref<!tpu.dma_semaphore, #tpu.memory_space<semaphore_mem>>)
      %dma_wait3A_58 = arith.constant 0 : i32
      %dma_wait3A_59 = tpu.memref_slice %arg3[%dma_wait3A_58, %mul3A_2] : memref<64x1024xf32, #tpu.memory_space<hbm>> -> memref<32x512xf32, #tpu.memory_space<hbm>>
      %dma_wait3A_60 = arith.constant 0 : i32
      %dma_wait3A_61 = tpu.memref_slice %arg3[%dma_wait3A_60, %mul3A_2] : memref<64x1024xf32, #tpu.memory_space<hbm>> -> memref<32x512xf32, #tpu.memory_space<hbm>>
      tpu.wait_dma2 semaphore(%run_scoped3A : memref<!tpu.dma_semaphore, #tpu.memory_space<semaphore_mem>>) src(%dma_wait3A_61 : memref<32x512xf32, #tpu.memory_space<hbm>>) dst(%arg11 : memref<32x512xf32, #tpu.memory_space<vmem>>)
      tpu.yield
    }) : () -> ()
    %add3A_7 = arith.constant 0 : i32
    %add3A_8 = arith.addi %mul3A_6, %add3A_7 : i32
    "tpu.region"() ({
      %run_scoped3A = tpu.sem_alloc : memref<!tpu.dma_semaphore, #tpu.memory_space<semaphore_mem>>
      %dma_start3A_54 = arith.constant 0 : i32
      %dma_start3A_55 = tpu.memref_slice %arg7[%add3A_8, %dma_start3A_54] : memref<2048x512xf32, #tpu.memory_space<hbm>> -> memref<32x512xf32, #tpu.memory_space<hbm>>
      %dma_start3A_56 = arith.constant 0 : i32
      %dma_start3A_57 = tpu.memref_slice %arg7[%add3A_8, %dma_start3A_56] : memref<2048x512xf32, #tpu.memory_space<hbm>> -> memref<32x512xf32, #tpu.memory_space<hbm>>
      tpu.enqueue_dma source(%arg11 : memref<32x512xf32, #tpu.memory_space<vmem>>) target(%dma_start3A_57 : memref<32x512xf32, #tpu.memory_space<hbm>>) target_semaphore(%run_scoped3A : memref<!tpu.dma_semaphore, #tpu.memory_space<semaphore_mem>>)
      %dma_wait3A_58 = arith.constant 0 : i32
      %dma_wait3A_59 = tpu.memref_slice %arg7[%add3A_8, %dma_wait3A_58] : memref<2048x512xf32, #tpu.memory_space<hbm>> -> memref<32x512xf32, #tpu.memory_space<hbm>>
      %dma_wait3A_60 = arith.constant 0 : i32
      %dma_wait3A_61 = tpu.memref_slice %arg7[%add3A_8, %dma_wait3A_60] : memref<2048x512xf32, #tpu.memory_space<hbm>> -> memref<32x512xf32, #tpu.memory_space<hbm>>
      tpu.wait_dma2 semaphore(%run_scoped3A : memref<!tpu.dma_semaphore, #tpu.memory_space<semaphore_mem>>) src(%arg11 : memref<32x512xf32, #tpu.memory_space<vmem>>) dst(%dma_wait3A_61 : memref<32x512xf32, #tpu.memory_space<hbm>>)
      tpu.yield
    }) : () -> ()
    "tpu.region"() ({
      %run_scoped3A = tpu.sem_alloc : memref<!tpu.dma_semaphore, #tpu.memory_space<semaphore_mem>>
      %dma_start3A_54 = arith.constant 32 : i32
      %dma_start3A_55 = tpu.memref_slice %arg3[%dma_start3A_54, %mul3A_2] : memref<64x1024xf32, #tpu.memory_space<hbm>> -> memref<32x512xf32, #tpu.memory_space<hbm>>
      %dma_start3A_56 = arith.constant 32 : i32
      %dma_start3A_57 = tpu.memref_slice %arg3[%dma_start3A_56, %mul3A_2] : memref<64x1024xf32, #tpu.memory_space<hbm>> -> memref<32x512xf32, #tpu.memory_space<hbm>>
      tpu.enqueue_dma source(%dma_start3A_57 : memref<32x512xf32, #tpu.memory_space<hbm>>) target(%arg11 : memref<32x512xf32, #tpu.memory_space<vmem>>) target_semaphore(%run_scoped3A : memref<!tpu.dma_semaphore, #tpu.memory_space<semaphore_mem>>)
      %dma_wait3A_58 = arith.constant 32 : i32
      %dma_wait3A_59 = tpu.memref_slice %arg3[%dma_wait3A_58, %mul3A_2] : memref<64x1024xf32, #tpu.memory_space<hbm>> -> memref<32x512xf32, #tpu.memory_space<hbm>>
      %dma_wait3A_60 = arith.constant 32 : i32
      %dma_wait3A_61 = tpu.memref_slice %arg3[%dma_wait3A_60, %mul3A_2] : memref<64x1024xf32, #tpu.memory_space<hbm>> -> memref<32x512xf32, #tpu.memory_space<hbm>>
      tpu.wait_dma2 semaphore(%run_scoped3A : memref<!tpu.dma_semaphore, #tpu.memory_space<semaphore_mem>>) src(%dma_wait3A_61 : memref<32x512xf32, #tpu.memory_space<hbm>>) dst(%arg11 : memref<32x512xf32, #tpu.memory_space<vmem>>)
      tpu.yield
    }) : () -> ()
    %add3A_9 = arith.constant 32 : i32
    %add3A_10 = arith.addi %mul3A_6, %add3A_9 : i32
    "tpu.region"() ({
      %run_scoped3A = tpu.sem_alloc : memref<!tpu.dma_semaphore, #tpu.memory_space<semaphore_mem>>
      %dma_start3A_54 = arith.constant 0 : i32
      %dma_start3A_55 = tpu.memref_slice %arg7[%add3A_10, %dma_start3A_54] : memref<2048x512xf32, #tpu.memory_space<hbm>> -> memref<32x512xf32, #tpu.memory_space<hbm>>
      %dma_start3A_56 = arith.constant 0 : i32
      %dma_start3A_57 = tpu.memref_slice %arg7[%add3A_10, %dma_start3A_56] : memref<2048x512xf32, #tpu.memory_space<hbm>> -> memref<32x512xf32, #tpu.memory_space<hbm>>
      tpu.enqueue_dma source(%arg11 : memref<32x512xf32, #tpu.memory_space<vmem>>) target(%dma_start3A_57 : memref<32x512xf32, #tpu.memory_space<hbm>>) target_semaphore(%run_scoped3A : memref<!tpu.dma_semaphore, #tpu.memory_space<semaphore_mem>>)
      %dma_wait3A_58 = arith.constant 0 : i32
      %dma_wait3A_59 = tpu.memref_slice %arg7[%add3A_10, %dma_wait3A_58] : memref<2048x512xf32, #tpu.memory_space<hbm>> -> memref<32x512xf32, #tpu.memory_space<hbm>>
      %dma_wait3A_60 = arith.constant 0 : i32
      %dma_wait3A_61 = tpu.memref_slice %arg7[%add3A_10, %dma_wait3A_60] : memref<2048x512xf32, #tpu.memory_space<hbm>> -> memref<32x512xf32, #tpu.memory_space<hbm>>
      tpu.wait_dma2 semaphore(%run_scoped3A : memref<!tpu.dma_semaphore, #tpu.memory_space<semaphore_mem>>) src(%arg11 : memref<32x512xf32, #tpu.memory_space<vmem>>) dst(%dma_wait3A_61 : memref<32x512xf32, #tpu.memory_space<hbm>>)
      tpu.yield
    }) : () -> ()
    %mul3A_11 = arith.constant 1024 : i32
    %mul3A_12 = arith.muli %arg0, %mul3A_11 : i32
    %iota3A = tpu.iota {dimensions = array<i32: 0>} : vector<16xi32>
    %mul3A_13 = arith.constant 64 : i32
    %mul3A_14 = vector.broadcast %mul3A_13 : i32 to vector<16xi32>
    %mul3A_15 = arith.muli %iota3A, %mul3A_14 : vector<16xi32>
    %add3A_16 = vector.broadcast %mul3A_12 : i32 to vector<16xi32>
    %add3A_17 = arith.addi %add3A_16, %mul3A_15 : vector<16xi32>
    %scan3A = arith.constant 0 : i32
    %scan3A_18 = arith.constant 0 : i32
    %scan3A_19 = arith.constant 64 : i32
    %scan3A_20 = arith.addi %scan3A_18, %scan3A_19 : i32
    %scan3A_21 = arith.constant 1 : i32
    scf.for %scan3A_54 = %scan3A_18 to %scan3A_20 step %scan3A_21  : i32 {
      %mul3A_55 = arith.constant 16 : i32
      %mul3A_56 = arith.muli %scan3A_54, %mul3A_55 : i32
      %get3A = arith.index_cast %mul3A_56 : i32 to index
      %get3A_57 = tpu.vector_load %arg10[%get3A] {strides = array<i32>} : memref<1024xi32, #tpu.memory_space<vmem>>, vector<16xi32>,
      %get3A_58 = vector.shape_cast %get3A_57 : vector<16xi32> to vector<16xi32>
      %add3A_59 = arith.addi %get3A_58, %add3A_17 : vector<16xi32>
      %swap3A = arith.index_cast %mul3A_56 : i32 to index
      %swap3A_60 = tpu.vector_load %arg10[%swap3A] {strides = array<i32>} : memref<1024xi32, #tpu.memory_space<vmem>>, vector<16xi32>,
      %swap3A_61 = vector.shape_cast %swap3A_60 : vector<16xi32> to vector<16xi32>
      %swap3A_62 = vector.shape_cast %add3A_59 : vector<16xi32> to vector<16xi32>
      tpu.vector_store %arg10[%swap3A], %swap3A_62 {strides = array<i32>} : memref<1024xi32, #tpu.memory_space<vmem>>, vector<16xi32>,
    }
    %scan3A_22 = arith.constant 64 : i32
    %barrier3A = arith.constant 0 : index
    tpu.barrier barrier_id(%barrier3A)
    %multiple_of3A = arith.constant 0 : i32
    %multiple_of3A_23 = tpu.assume_multiple %multiple_of3A, 32 : i32
    %dma_start3A = tpu.memref_slice %arg10[%multiple_of3A_23] : memref<1024xi32, #tpu.memory_space<vmem>> -> memref<32xi32, #tpu.memory_space<vmem>>
    %dma_start3A_24 = arith.constant 0 : i32
    %dma_start3A_25 = arith.constant 0 : i32
    %dma_start3A_26 = tpu.memref_slice %arg7[%dma_start3A_24, %dma_start3A_25] : memref<2048x512xf32, #tpu.memory_space<hbm>> -> memref<2048x512xf32, #tpu.memory_space<hbm>>
    tpu.enqueue_indirect_dma source(%dma_start3A_26 : memref<2048x512xf32, #tpu.memory_space<hbm>>) target(%arg11 : memref<32x512xf32, #tpu.memory_space<vmem>>) offsets(%dma_start3A : memref<32xi32, #tpu.memory_space<vmem>>) semaphore(%arg15 : memref<!tpu.dma_semaphore, #tpu.memory_space<semaphore_mem>>)
    %multiple_of3A_27 = arith.constant 32 : i32
    %multiple_of3A_28 = tpu.assume_multiple %multiple_of3A_27, 32 : i32
    %dma_start3A_29 = tpu.memref_slice %arg10[%multiple_of3A_28] : memref<1024xi32, #tpu.memory_space<vmem>> -> memref<32xi32, #tpu.memory_space<vmem>>
    %dma_start3A_30 = arith.constant 0 : i32
    %dma_start3A_31 = arith.constant 0 : i32
    %dma_start3A_32 = tpu.memref_slice %arg7[%dma_start3A_30, %dma_start3A_31] : memref<2048x512xf32, #tpu.memory_space<hbm>> -> memref<2048x512xf32, #tpu.memory_space<hbm>>
    tpu.enqueue_indirect_dma source(%dma_start3A_32 : memref<2048x512xf32, #tpu.memory_space<hbm>>) target(%arg12 : memref<32x512xf32, #tpu.memory_space<vmem>>) offsets(%dma_start3A_29 : memref<32xi32, #tpu.memory_space<vmem>>) semaphore(%arg16 : memref<!tpu.dma_semaphore, #tpu.memory_space<semaphore_mem>>)
    %scan3A_33 = arith.constant 0 : i32
    %scan3A_34 = arith.constant 0 : i32
    %scan3A_35 = arith.constant 8 : i32
    %scan3A_36 = arith.addi %scan3A_34, %scan3A_35 : i32
    %scan3A_37 = arith.constant 1 : i32
    scf.for %scan3A_54 = %scan3A_34 to %scan3A_36 step %scan3A_37  : i32 {
      %mul3A_55 = arith.constant 4 : i32
      %mul3A_56 = arith.muli %scan3A_54, %mul3A_55 : i32
      %add3A_57 = arith.constant 0 : i32
      %add3A_58 = arith.addi %mul3A_56, %add3A_57 : i32
      %add3A_59 = arith.constant 2 : i32
      %add3A_60 = arith.addi %add3A_58, %add3A_59 : i32
      %lt3A = arith.constant 32 : i32
      %lt3A_61 = arith.cmpi slt, %add3A_60, %lt3A : i32
      %convert_element_type3A = arith.extui %lt3A_61 : i1 to i32
      %cond3A = arith.constant 0 : i32
      %cond3A_62 = arith.constant 0 : i32
      %cond3A_63 = arith.cmpi ne, %convert_element_type3A, %cond3A_62 : i32
      %cond3A_64 = scf.if %cond3A_63 -> (i32) {
        %sub3A = arith.constant 4 : i32
        %sub3A_163 = arith.subi %add3A_60, %sub3A : i32
        %ge3A = arith.constant 0 : i32
        %ge3A_164 = arith.cmpi sge, %sub3A_163, %ge3A : i32
        %convert_element_type3A_165 = arith.extui %ge3A_164 : i1 to i32
        %cond3A_166 = arith.constant 0 : i32
        %cond3A_167 = arith.constant 0 : i32
        %cond3A_168 = arith.cmpi ne, %convert_element_type3A_165, %cond3A_167 : i32
        %cond3A_169 = scf.if %cond3A_168 -> (i32) {
          %sub3A_178 = arith.constant 4 : i32
          %sub3A_179 = arith.subi %add3A_60, %sub3A_178 : i32
          %mul3A_180 = arith.constant 32 : i32
          %mul3A_181 = arith.muli %sub3A_179, %mul3A_180 : i32
          %add3A_182 = arith.addi %mul3A_0, %mul3A_181 : i32
          %dma_wait3A_183 = tpu.memref_slice %arg6[%add3A_182, %mul3A_2] : memref<16384x1024xf32, #tpu.memory_space<hbm>> -> memref<32x512xf32, #tpu.memory_space<hbm>>
          %dma_wait3A_184 = tpu.memref_slice %arg6[%add3A_182, %mul3A_2] : memref<16384x1024xf32, #tpu.memory_space<hbm>> -> memref<32x512xf32, #tpu.memory_space<hbm>>
          tpu.wait_dma2 semaphore(%arg21 : memref<!tpu.dma_semaphore, #tpu.memory_space<semaphore_mem>>) src(%arg13 : memref<32x512xf32, #tpu.memory_space<vmem>>) dst(%dma_wait3A_184 : memref<32x512xf32, #tpu.memory_space<hbm>>)
          %cond3A_185 = arith.constant 0 : i32
          scf.yield %cond3A_185 : i32
        } else {
          %cond3A_178 = arith.constant 0 : i32
          scf.yield %cond3A_178 : i32
        }
        %mul3A_170 = arith.constant 32 : i32
        %mul3A_171 = arith.muli %add3A_60, %mul3A_170 : i32
        %multiple_of3A_172 = tpu.assume_multiple %mul3A_171, 32 : i32
        %dma_start3A_173 = tpu.memref_slice %arg10[%multiple_of3A_172] : memref<1024xi32, #tpu.memory_space<vmem>> -> memref<32xi32, #tpu.memory_space<vmem>>
        %dma_start3A_174 = arith.constant 0 : i32
        %dma_start3A_175 = arith.constant 0 : i32
        %dma_start3A_176 = tpu.memref_slice %arg7[%dma_start3A_174, %dma_start3A_175] : memref<2048x512xf32, #tpu.memory_space<hbm>> -> memref<2048x512xf32, #tpu.memory_space<hbm>>
        tpu.enqueue_indirect_dma source(%dma_start3A_176 : memref<2048x512xf32, #tpu.memory_space<hbm>>) target(%arg13 : memref<32x512xf32, #tpu.memory_space<vmem>>) offsets(%dma_start3A_173 : memref<32xi32, #tpu.memory_space<vmem>>) semaphore(%arg17 : memref<!tpu.dma_semaphore, #tpu.memory_space<semaphore_mem>>)
        %cond3A_177 = arith.constant 0 : i32
        scf.yield %cond3A_177 : i32
      } else {
        %cond3A_163 = arith.constant 0 : i32
        scf.yield %cond3A_163 : i32
      }
      %mul3A_65 = arith.constant 32 : i32
      %mul3A_66 = arith.muli %add3A_58, %mul3A_65 : i32
      %multiple_of3A_67 = tpu.assume_multiple %mul3A_66, 32 : i32
      %dma_wait3A_68 = tpu.memref_slice %arg10[%multiple_of3A_67] : memref<1024xi32, #tpu.memory_space<vmem>> -> memref<32xi32, #tpu.memory_space<vmem>>
      %dma_wait3A_69 = arith.constant 0 : i32
      %dma_wait3A_70 = arith.constant 0 : i32
      %dma_wait3A_71 = tpu.memref_slice %arg7[%dma_wait3A_69, %dma_wait3A_70] : memref<2048x512xf32, #tpu.memory_space<hbm>> -> memref<2048x512xf32, #tpu.memory_space<hbm>>
      tpu.wait_indirect_dma semaphore(%arg15 : memref<!tpu.dma_semaphore, #tpu.memory_space<semaphore_mem>>) src(%dma_wait3A_71 : memref<2048x512xf32, #tpu.memory_space<hbm>>) dst(%arg11 : memref<32x512xf32, #tpu.memory_space<vmem>>)
      %parallel_loop3A = arith.constant 0 : i32
      %parallel_loop3A_72 = arith.constant 32 : i32
      %parallel_loop3A_73 = arith.constant 1 : i32
      scf.for %parallel_loop3A_163 = %parallel_loop3A to %parallel_loop3A_72 step %parallel_loop3A_73  : i32 {
        %parallel_loop3A_164 = arith.constant 32 : i32
        %parallel_loop3A_165 = arith.muli %add3A_58, %parallel_loop3A_164 : i32
        %parallel_loop3A_166 = arith.addi %parallel_loop3A_165, %parallel_loop3A_163 : i32
        %parallel_loop3A_167 = arith.index_cast %parallel_loop3A_166 : i32 to index
        %parallel_loop3A_168 = tpu.vector_load %arg9[%parallel_loop3A_167] {strides = array<i32>} : memref<1040xi32, #tpu.memory_space<vmem>>, vector<16xi32>,
        %parallel_loop3A_169 = vector.shape_cast %parallel_loop3A_168 : vector<16xi32> to vector<16xi32>
        %parallel_loop3A_170 = vector.extract_strided_slice %parallel_loop3A_169 {offsets = [0], sizes = [1], strides = [1]} : vector<16xi32> to vector<1xi32>
        %parallel_loop3A_171 = vector.extract %parallel_loop3A_170[0] : i32 from vector<1xi32>
        %parallel_loop3A_172 = arith.index_cast %parallel_loop3A_171 : i32 to index
        %parallel_loop3A_173 = arith.constant 0 : index
        %parallel_loop3A_174 = tpu.vector_load %arg8[%parallel_loop3A_172, %parallel_loop3A_173] {strides = array<i32>} : memref<64x512xf32, #tpu.memory_space<vmem>>, vector<1x16xf32>,
        %parallel_loop3A_175 = vector.shape_cast %parallel_loop3A_174 : vector<1x16xf32> to vector<16xf32>
        %parallel_loop3A_176 = arith.index_cast %parallel_loop3A_163 : i32 to index
        %parallel_loop3A_177 = arith.constant 0 : index
        %parallel_loop3A_178 = tpu.vector_load %arg11[%parallel_loop3A_176, %parallel_loop3A_177] {strides = array<i32>} : memref<32x512xf32, #tpu.memory_space<vmem>>, vector<1x16xf32>,
        %parallel_loop3A_179 = vector.shape_cast %parallel_loop3A_178 : vector<1x16xf32> to vector<16xf32>
        %parallel_loop3A_180 = vector.shape_cast %parallel_loop3A_175 : vector<16xf32> to vector<1x16xf32>
        tpu.vector_store %arg11[%parallel_loop3A_176, %parallel_loop3A_177], %parallel_loop3A_180 {add = true, strides = array<i32>} : memref<32x512xf32, #tpu.memory_space<vmem>>, vector<1x16xf32>,
        %parallel_loop3A_181 = arith.index_cast %parallel_loop3A_171 : i32 to index
        %parallel_loop3A_182 = arith.constant 16 : index
        %parallel_loop3A_183 = tpu.vector_load %arg8[%parallel_loop3A_181, %parallel_loop3A_182] {strides = array<i32>} : memref<64x512xf32, #tpu.memory_space<vmem>>, vector<1x16xf32>,
        %parallel_loop3A_184 = vector.shape_cast %parallel_loop3A_183 : vector<1x16xf32> to vector<16xf32>
        %parallel_loop3A_185 = arith.index_cast %parallel_loop3A_163 : i32 to index
        %parallel_loop3A_186 = arith.constant 16 : index
        %parallel_loop3A_187 = tpu.vector_load %arg11[%parallel_loop3A_185, %parallel_loop3A_186] {strides = array<i32>} : memref<32x512xf32, #tpu.memory_space<vmem>>, vector<1x16xf32>,
        %parallel_loop3A_188 = vector.shape_cast %parallel_loop3A_187 : vector<1x16xf32> to vector<16xf32>
        %parallel_loop3A_189 = vector.shape_cast %parallel_loop3A_184 : vector<16xf32> to vector<1x16xf32>
        tpu.vector_store %arg11[%parallel_loop3A_185, %parallel_loop3A_186], %parallel_loop3A_189 {add = true, strides = array<i32>} : memref<32x512xf32, #tpu.memory_space<vmem>>, vector<1x16xf32>,
        %parallel_loop3A_190 = arith.index_cast %parallel_loop3A_171 : i32 to index
        %parallel_loop3A_191 = arith.constant 32 : index
        %parallel_loop3A_192 = tpu.vector_load %arg8[%parallel_loop3A_190, %parallel_loop3A_191] {strides = array<i32>} : memref<64x512xf32, #tpu.memory_space<vmem>>, vector<1x16xf32>,
        %parallel_loop3A_193 = vector.shape_cast %parallel_loop3A_192 : vector<1x16xf32> to vector<16xf32>
        %parallel_loop3A_194 = arith.index_cast %parallel_loop3A_163 : i32 to index
        %parallel_loop3A_195 = arith.constant 32 : index
        %parallel_loop3A_196 = tpu.vector_load %arg11[%parallel_loop3A_194, %parallel_loop3A_195] {strides = array<i32>} : memref<32x512xf32, #tpu.memory_space<vmem>>, vector<1x16xf32>,
        %parallel_loop3A_197 = vector.shape_cast %parallel_loop3A_196 : vector<1x16xf32> to vector<16xf32>
        %parallel_loop3A_198 = vector.shape_cast %parallel_loop3A_193 : vector<16xf32> to vector<1x16xf32>
        tpu.vector_store %arg11[%parallel_loop3A_194, %parallel_loop3A_195], %parallel_loop3A_198 {add = true, strides = array<i32>} : memref<32x512xf32, #tpu.memory_space<vmem>>, vector<1x16xf32>,
        %parallel_loop3A_199 = arith.index_cast %parallel_loop3A_171 : i32 to index
        %parallel_loop3A_200 = arith.constant 48 : index
        %parallel_loop3A_201 = tpu.vector_load %arg8[%parallel_loop3A_199, %parallel_loop3A_200] {strides = array<i32>} : memref<64x512xf32, #tpu.memory_space<vmem>>, vector<1x16xf32>,
        %parallel_loop3A_202 = vector.shape_cast %parallel_loop3A_201 : vector<1x16xf32> to vector<16xf32>
        %parallel_loop3A_203 = arith.index_cast %parallel_loop3A_163 : i32 to index
        %parallel_loop3A_204 = arith.constant 48 : index
        %parallel_loop3A_205 = tpu.vector_load %arg11[%parallel_loop3A_203, %parallel_loop3A_204] {strides = array<i32>} : memref<32x512xf32, #tpu.memory_space<vmem>>, vector<1x16xf32>,
        %parallel_loop3A_206 = vector.shape_cast %parallel_loop3A_205 : vector<1x16xf32> to vector<16xf32>
        %parallel_loop3A_207 = vector.shape_cast %parallel_loop3A_202 : vector<16xf32> to vector<1x16xf32>
        tpu.vector_store %arg11[%parallel_loop3A_203, %parallel_loop3A_204], %parallel_loop3A_207 {add = true, strides = array<i32>} : memref<32x512xf32, #tpu.memory_space<vmem>>, vector<1x16xf32>,
        %parallel_loop3A_208 = arith.index_cast %parallel_loop3A_171 : i32 to index
        %parallel_loop3A_209 = arith.constant 64 : index
        %parallel_loop3A_210 = tpu.vector_load %arg8[%parallel_loop3A_208, %parallel_loop3A_209] {strides = array<i32>} : memref<64x512xf32, #tpu.memory_space<vmem>>, vector<1x16xf32>,
        %parallel_loop3A_211 = vector.shape_cast %parallel_loop3A_210 : vector<1x16xf32> to vector<16xf32>
        %parallel_loop3A_212 = arith.index_cast %parallel_loop3A_163 : i32 to index
        %parallel_loop3A_213 = arith.constant 64 : index
        %parallel_loop3A_214 = tpu.vector_load %arg11[%parallel_loop3A_212, %parallel_loop3A_213] {strides = array<i32>} : memref<32x512xf32, #tpu.memory_space<vmem>>, vector<1x16xf32>,
        %parallel_loop3A_215 = vector.shape_cast %parallel_loop3A_214 : vector<1x16xf32> to vector<16xf32>
        %parallel_loop3A_216 = vector.shape_cast %parallel_loop3A_211 : vector<16xf32> to vector<1x16xf32>
        tpu.vector_store %arg11[%parallel_loop3A_212, %parallel_loop3A_213], %parallel_loop3A_216 {add = true, strides = array<i32>} : memref<32x512xf32, #tpu.memory_space<vmem>>, vector<1x16xf32>,
        %parallel_loop3A_217 = arith.index_cast %parallel_loop3A_171 : i32 to index
        %parallel_loop3A_218 = arith.constant 80 : index
        %parallel_loop3A_219 = tpu.vector_load %arg8[%parallel_loop3A_217, %parallel_loop3A_218] {strides = array<i32>} : memref<64x512xf32, #tpu.memory_space<vmem>>, vector<1x16xf32>,
        %parallel_loop3A_220 = vector.shape_cast %parallel_loop3A_219 : vector<1x16xf32> to vector<16xf32>
        %parallel_loop3A_221 = arith.index_cast %parallel_loop3A_163 : i32 to index
        %parallel_loop3A_222 = arith.constant 80 : index
        %parallel_loop3A_223 = tpu.vector_load %arg11[%parallel_loop3A_221, %parallel_loop3A_222] {strides = array<i32>} : memref<32x512xf32, #tpu.memory_space<vmem>>, vector<1x16xf32>,
        %parallel_loop3A_224 = vector.shape_cast %parallel_loop3A_223 : vector<1x16xf32> to vector<16xf32>
        %parallel_loop3A_225 = vector.shape_cast %parallel_loop3A_220 : vector<16xf32> to vector<1x16xf32>
        tpu.vector_store %arg11[%parallel_loop3A_221, %parallel_loop3A_222], %parallel_loop3A_225 {add = true, strides = array<i32>} : memref<32x512xf32, #tpu.memory_space<vmem>>, vector<1x16xf32>,
        %parallel_loop3A_226 = arith.index_cast %parallel_loop3A_171 : i32 to index
        %parallel_loop3A_227 = arith.constant 96 : index
        %parallel_loop3A_228 = tpu.vector_load %arg8[%parallel_loop3A_226, %parallel_loop3A_227] {strides = array<i32>} : memref<64x512xf32, #tpu.memory_space<vmem>>, vector<1x16xf32>,
        %parallel_loop3A_229 = vector.shape_cast %parallel_loop3A_228 : vector<1x16xf32> to vector<16xf32>
        %parallel_loop3A_230 = arith.index_cast %parallel_loop3A_163 : i32 to index
        %parallel_loop3A_231 = arith.constant 96 : index
        %parallel_loop3A_232 = tpu.vector_load %arg11[%parallel_loop3A_230, %parallel_loop3A_231] {strides = array<i32>} : memref<32x512xf32, #tpu.memory_space<vmem>>, vector<1x16xf32>,
        %parallel_loop3A_233 = vector.shape_cast %parallel_loop3A_232 : vector<1x16xf32> to vector<16xf32>
        %parallel_loop3A_234 = vector.shape_cast %parallel_loop3A_229 : vector<16xf32> to vector<1x16xf32>
        tpu.vector_store %arg11[%parallel_loop3A_230, %parallel_loop3A_231], %parallel_loop3A_234 {add = true, strides = array<i32>} : memref<32x512xf32, #tpu.memory_space<vmem>>, vector<1x16xf32>,
        %parallel_loop3A_235 = arith.index_cast %parallel_loop3A_171 : i32 to index
        %parallel_loop3A_236 = arith.constant 112 : index
        %parallel_loop3A_237 = tpu.vector_load %arg8[%parallel_loop3A_235, %parallel_loop3A_236] {strides = array<i32>} : memref<64x512xf32, #tpu.memory_space<vmem>>, vector<1x16xf32>,
        %parallel_loop3A_238 = vector.shape_cast %parallel_loop3A_237 : vector<1x16xf32> to vector<16xf32>
        %parallel_loop3A_239 = arith.index_cast %parallel_loop3A_163 : i32 to index
        %parallel_loop3A_240 = arith.constant 112 : index
        %parallel_loop3A_241 = tpu.vector_load %arg11[%parallel_loop3A_239, %parallel_loop3A_240] {strides = array<i32>} : memref<32x512xf32, #tpu.memory_space<vmem>>, vector<1x16xf32>,
        %parallel_loop3A_242 = vector.shape_cast %parallel_loop3A_241 : vector<1x16xf32> to vector<16xf32>
        %parallel_loop3A_243 = vector.shape_cast %parallel_loop3A_238 : vector<16xf32> to vector<1x16xf32>
        tpu.vector_store %arg11[%parallel_loop3A_239, %parallel_loop3A_240], %parallel_loop3A_243 {add = true, strides = array<i32>} : memref<32x512xf32, #tpu.memory_space<vmem>>, vector<1x16xf32>,
        %parallel_loop3A_244 = arith.index_cast %parallel_loop3A_171 : i32 to index
        %parallel_loop3A_245 = arith.constant 128 : index
        %parallel_loop3A_246 = tpu.vector_load %arg8[%parallel_loop3A_244, %parallel_loop3A_245] {strides = array<i32>} : memref<64x512xf32, #tpu.memory_space<vmem>>, vector<1x16xf32>,
        %parallel_loop3A_247 = vector.shape_cast %parallel_loop3A_246 : vector<1x16xf32> to vector<16xf32>
        %parallel_loop3A_248 = arith.index_cast %parallel_loop3A_163 : i32 to index
        %parallel_loop3A_249 = arith.constant 128 : index
        %parallel_loop3A_250 = tpu.vector_load %arg11[%parallel_loop3A_248, %parallel_loop3A_249] {strides = array<i32>} : memref<32x512xf32, #tpu.memory_space<vmem>>, vector<1x16xf32>,
        %parallel_loop3A_251 = vector.shape_cast %parallel_loop3A_250 : vector<1x16xf32> to vector<16xf32>
        %parallel_loop3A_252 = vector.shape_cast %parallel_loop3A_247 : vector<16xf32> to vector<1x16xf32>
        tpu.vector_store %arg11[%parallel_loop3A_248, %parallel_loop3A_249], %parallel_loop3A_252 {add = true, strides = array<i32>} : memref<32x512xf32, #tpu.memory_space<vmem>>, vector<1x16xf32>,
        %parallel_loop3A_253 = arith.index_cast %parallel_loop3A_171 : i32 to index
        %parallel_loop3A_254 = arith.constant 144 : index
        %parallel_loop3A_255 = tpu.vector_load %arg8[%parallel_loop3A_253, %parallel_loop3A_254] {strides = array<i32>} : memref<64x512xf32, #tpu.memory_space<vmem>>, vector<1x16xf32>,
        %parallel_loop3A_256 = vector.shape_cast %parallel_loop3A_255 : vector<1x16xf32> to vector<16xf32>
        %parallel_loop3A_257 = arith.index_cast %parallel_loop3A_163 : i32 to index
        %parallel_loop3A_258 = arith.constant 144 : index
        %parallel_loop3A_259 = tpu.vector_load %arg11[%parallel_loop3A_257, %parallel_loop3A_258] {strides = array<i32>} : memref<32x512xf32, #tpu.memory_space<vmem>>, vector<1x16xf32>,
        %parallel_loop3A_260 = vector.shape_cast %parallel_loop3A_259 : vector<1x16xf32> to vector<16xf32>
        %parallel_loop3A_261 = vector.shape_cast %parallel_loop3A_256 : vector<16xf32> to vector<1x16xf32>
        tpu.vector_store %arg11[%parallel_loop3A_257, %parallel_loop3A_258], %parallel_loop3A_261 {add = true, strides = array<i32>} : memref<32x512xf32, #tpu.memory_space<vmem>>, vector<1x16xf32>,
        %parallel_loop3A_262 = arith.index_cast %parallel_loop3A_171 : i32 to index
        %parallel_loop3A_263 = arith.constant 160 : index
        %parallel_loop3A_264 = tpu.vector_load %arg8[%parallel_loop3A_262, %parallel_loop3A_263] {strides = array<i32>} : memref<64x512xf32, #tpu.memory_space<vmem>>, vector<1x16xf32>,
        %parallel_loop3A_265 = vector.shape_cast %parallel_loop3A_264 : vector<1x16xf32> to vector<16xf32>
        %parallel_loop3A_266 = arith.index_cast %parallel_loop3A_163 : i32 to index
        %parallel_loop3A_267 = arith.constant 160 : index
        %parallel_loop3A_268 = tpu.vector_load %arg11[%parallel_loop3A_266, %parallel_loop3A_267] {strides = array<i32>} : memref<32x512xf32, #tpu.memory_space<vmem>>, vector<1x16xf32>,
        %parallel_loop3A_269 = vector.shape_cast %parallel_loop3A_268 : vector<1x16xf32> to vector<16xf32>
        %parallel_loop3A_270 = vector.shape_cast %parallel_loop3A_265 : vector<16xf32> to vector<1x16xf32>
        tpu.vector_store %arg11[%parallel_loop3A_266, %parallel_loop3A_267], %parallel_loop3A_270 {add = true, strides = array<i32>} : memref<32x512xf32, #tpu.memory_space<vmem>>, vector<1x16xf32>,
        %parallel_loop3A_271 = arith.index_cast %parallel_loop3A_171 : i32 to index
        %parallel_loop3A_272 = arith.constant 176 : index
        %parallel_loop3A_273 = tpu.vector_load %arg8[%parallel_loop3A_271, %parallel_loop3A_272] {strides = array<i32>} : memref<64x512xf32, #tpu.memory_space<vmem>>, vector<1x16xf32>,
        %parallel_loop3A_274 = vector.shape_cast %parallel_loop3A_273 : vector<1x16xf32> to vector<16xf32>
        %parallel_loop3A_275 = arith.index_cast %parallel_loop3A_163 : i32 to index
        %parallel_loop3A_276 = arith.constant 176 : index
        %parallel_loop3A_277 = tpu.vector_load %arg11[%parallel_loop3A_275, %parallel_loop3A_276] {strides = array<i32>} : memref<32x512xf32, #tpu.memory_space<vmem>>, vector<1x16xf32>,
        %parallel_loop3A_278 = vector.shape_cast %parallel_loop3A_277 : vector<1x16xf32> to vector<16xf32>
        %parallel_loop3A_279 = vector.shape_cast %parallel_loop3A_274 : vector<16xf32> to vector<1x16xf32>
        tpu.vector_store %arg11[%parallel_loop3A_275, %parallel_loop3A_276], %parallel_loop3A_279 {add = true, strides = array<i32>} : memref<32x512xf32, #tpu.memory_space<vmem>>, vector<1x16xf32>,
        %parallel_loop3A_280 = arith.index_cast %parallel_loop3A_171 : i32 to index
        %parallel_loop3A_281 = arith.constant 192 : index
        %parallel_loop3A_282 = tpu.vector_load %arg8[%parallel_loop3A_280, %parallel_loop3A_281] {strides = array<i32>} : memref<64x512xf32, #tpu.memory_space<vmem>>, vector<1x16xf32>,
        %parallel_loop3A_283 = vector.shape_cast %parallel_loop3A_282 : vector<1x16xf32> to vector<16xf32>
        %parallel_loop3A_284 = arith.index_cast %parallel_loop3A_163 : i32 to index
        %parallel_loop3A_285 = arith.constant 192 : index
        %parallel_loop3A_286 = tpu.vector_load %arg11[%parallel_loop3A_284, %parallel_loop3A_285] {strides = array<i32>} : memref<32x512xf32, #tpu.memory_space<vmem>>, vector<1x16xf32>,
        %parallel_loop3A_287 = vector.shape_cast %parallel_loop3A_286 : vector<1x16xf32> to vector<16xf32>
        %parallel_loop3A_288 = vector.shape_cast %parallel_loop3A_283 : vector<16xf32> to vector<1x16xf32>
        tpu.vector_store %arg11[%parallel_loop3A_284, %parallel_loop3A_285], %parallel_loop3A_288 {add = true, strides = array<i32>} : memref<32x512xf32, #tpu.memory_space<vmem>>, vector<1x16xf32>,
        %parallel_loop3A_289 = arith.index_cast %parallel_loop3A_171 : i32 to index
        %parallel_loop3A_290 = arith.constant 208 : index
        %parallel_loop3A_291 = tpu.vector_load %arg8[%parallel_loop3A_289, %parallel_loop3A_290] {strides = array<i32>} : memref<64x512xf32, #tpu.memory_space<vmem>>, vector<1x16xf32>,
        %parallel_loop3A_292 = vector.shape_cast %parallel_loop3A_291 : vector<1x16xf32> to vector<16xf32>
        %parallel_loop3A_293 = arith.index_cast %parallel_loop3A_163 : i32 to index
        %parallel_loop3A_294 = arith.constant 208 : index
        %parallel_loop3A_295 = tpu.vector_load %arg11[%parallel_loop3A_293, %parallel_loop3A_294] {strides = array<i32>} : memref<32x512xf32, #tpu.memory_space<vmem>>, vector<1x16xf32>,
        %parallel_loop3A_296 = vector.shape_cast %parallel_loop3A_295 : vector<1x16xf32> to vector<16xf32>
        %parallel_loop3A_297 = vector.shape_cast %parallel_loop3A_292 : vector<16xf32> to vector<1x16xf32>
        tpu.vector_store %arg11[%parallel_loop3A_293, %parallel_loop3A_294], %parallel_loop3A_297 {add = true, strides = array<i32>} : memref<32x512xf32, #tpu.memory_space<vmem>>, vector<1x16xf32>,
        %parallel_loop3A_298 = arith.index_cast %parallel_loop3A_171 : i32 to index
        %parallel_loop3A_299 = arith.constant 224 : index
        %parallel_loop3A_300 = tpu.vector_load %arg8[%parallel_loop3A_298, %parallel_loop3A_299] {strides = array<i32>} : memref<64x512xf32, #tpu.memory_space<vmem>>, vector<1x16xf32>,
        %parallel_loop3A_301 = vector.shape_cast %parallel_loop3A_300 : vector<1x16xf32> to vector<16xf32>
        %parallel_loop3A_302 = arith.index_cast %parallel_loop3A_163 : i32 to index
        %parallel_loop3A_303 = arith.constant 224 : index
        %parallel_loop3A_304 = tpu.vector_load %arg11[%parallel_loop3A_302, %parallel_loop3A_303] {strides = array<i32>} : memref<32x512xf32, #tpu.memory_space<vmem>>, vector<1x16xf32>,
        %parallel_loop3A_305 = vector.shape_cast %parallel_loop3A_304 : vector<1x16xf32> to vector<16xf32>
        %parallel_loop3A_306 = vector.shape_cast %parallel_loop3A_301 : vector<16xf32> to vector<1x16xf32>
        tpu.vector_store %arg11[%parallel_loop3A_302, %parallel_loop3A_303], %parallel_loop3A_306 {add = true, strides = array<i32>} : memref<32x512xf32, #tpu.memory_space<vmem>>, vector<1x16xf32>,
        %parallel_loop3A_307 = arith.index_cast %parallel_loop3A_171 : i32 to index
        %parallel_loop3A_308 = arith.constant 240 : index
        %parallel_loop3A_309 = tpu.vector_load %arg8[%parallel_loop3A_307, %parallel_loop3A_308] {strides = array<i32>} : memref<64x512xf32, #tpu.memory_space<vmem>>, vector<1x16xf32>,
        %parallel_loop3A_310 = vector.shape_cast %parallel_loop3A_309 : vector<1x16xf32> to vector<16xf32>
        %parallel_loop3A_311 = arith.index_cast %parallel_loop3A_163 : i32 to index
        %parallel_loop3A_312 = arith.constant 240 : index
        %parallel_loop3A_313 = tpu.vector_load %arg11[%parallel_loop3A_311, %parallel_loop3A_312] {strides = array<i32>} : memref<32x512xf32, #tpu.memory_space<vmem>>, vector<1x16xf32>,
        %parallel_loop3A_314 = vector.shape_cast %parallel_loop3A_313 : vector<1x16xf32> to vector<16xf32>
        %parallel_loop3A_315 = vector.shape_cast %parallel_loop3A_310 : vector<16xf32> to vector<1x16xf32>
        tpu.vector_store %arg11[%parallel_loop3A_311, %parallel_loop3A_312], %parallel_loop3A_315 {add = true, strides = array<i32>} : memref<32x512xf32, #tpu.memory_space<vmem>>, vector<1x16xf32>,
        %parallel_loop3A_316 = arith.index_cast %parallel_loop3A_171 : i32 to index
        %parallel_loop3A_317 = arith.constant 256 : index
        %parallel_loop3A_318 = tpu.vector_load %arg8[%parallel_loop3A_316, %parallel_loop3A_317] {strides = array<i32>} : memref<64x512xf32, #tpu.memory_space<vmem>>, vector<1x16xf32>,
        %parallel_loop3A_319 = vector.shape_cast %parallel_loop3A_318 : vector<1x16xf32> to vector<16xf32>
        %parallel_loop3A_320 = arith.index_cast %parallel_loop3A_163 : i32 to index
        %parallel_loop3A_321 = arith.constant 256 : index
        %parallel_loop3A_322 = tpu.vector_load %arg11[%parallel_loop3A_320, %parallel_loop3A_321] {strides = array<i32>} : memref<32x512xf32, #tpu.memory_space<vmem>>, vector<1x16xf32>,
        %parallel_loop3A_323 = vector.shape_cast %parallel_loop3A_322 : vector<1x16xf32> to vector<16xf32>
        %parallel_loop3A_324 = vector.shape_cast %parallel_loop3A_319 : vector<16xf32> to vector<1x16xf32>
        tpu.vector_store %arg11[%parallel_loop3A_320, %parallel_loop3A_321], %parallel_loop3A_324 {add = true, strides = array<i32>} : memref<32x512xf32, #tpu.memory_space<vmem>>, vector<1x16xf32>,
        %parallel_loop3A_325 = arith.index_cast %parallel_loop3A_171 : i32 to index
        %parallel_loop3A_326 = arith.constant 272 : index
        %parallel_loop3A_327 = tpu.vector_load %arg8[%parallel_loop3A_325, %parallel_loop3A_326] {strides = array<i32>} : memref<64x512xf32, #tpu.memory_space<vmem>>, vector<1x16xf32>,
        %parallel_loop3A_328 = vector.shape_cast %parallel_loop3A_327 : vector<1x16xf32> to vector<16xf32>
        %parallel_loop3A_329 = arith.index_cast %parallel_loop3A_163 : i32 to index
        %parallel_loop3A_330 = arith.constant 272 : index
        %parallel_loop3A_331 = tpu.vector_load %arg11[%parallel_loop3A_329, %parallel_loop3A_330] {strides = array<i32>} : memref<32x512xf32, #tpu.memory_space<vmem>>, vector<1x16xf32>,
        %parallel_loop3A_332 = vector.shape_cast %parallel_loop3A_331 : vector<1x16xf32> to vector<16xf32>
        %parallel_loop3A_333 = vector.shape_cast %parallel_loop3A_328 : vector<16xf32> to vector<1x16xf32>
        tpu.vector_store %arg11[%parallel_loop3A_329, %parallel_loop3A_330], %parallel_loop3A_333 {add = true, strides = array<i32>} : memref<32x512xf32, #tpu.memory_space<vmem>>, vector<1x16xf32>,
        %parallel_loop3A_334 = arith.index_cast %parallel_loop3A_171 : i32 to index
        %parallel_loop3A_335 = arith.constant 288 : index
        %parallel_loop3A_336 = tpu.vector_load %arg8[%parallel_loop3A_334, %parallel_loop3A_335] {strides = array<i32>} : memref<64x512xf32, #tpu.memory_space<vmem>>, vector<1x16xf32>,
        %parallel_loop3A_337 = vector.shape_cast %parallel_loop3A_336 : vector<1x16xf32> to vector<16xf32>
        %parallel_loop3A_338 = arith.index_cast %parallel_loop3A_163 : i32 to index
        %parallel_loop3A_339 = arith.constant 288 : index
        %parallel_loop3A_340 = tpu.vector_load %arg11[%parallel_loop3A_338, %parallel_loop3A_339] {strides = array<i32>} : memref<32x512xf32, #tpu.memory_space<vmem>>, vector<1x16xf32>,
        %parallel_loop3A_341 = vector.shape_cast %parallel_loop3A_340 : vector<1x16xf32> to vector<16xf32>
        %parallel_loop3A_342 = vector.shape_cast %parallel_loop3A_337 : vector<16xf32> to vector<1x16xf32>
        tpu.vector_store %arg11[%parallel_loop3A_338, %parallel_loop3A_339], %parallel_loop3A_342 {add = true, strides = array<i32>} : memref<32x512xf32, #tpu.memory_space<vmem>>, vector<1x16xf32>,
        %parallel_loop3A_343 = arith.index_cast %parallel_loop3A_171 : i32 to index
        %parallel_loop3A_344 = arith.constant 304 : index
        %parallel_loop3A_345 = tpu.vector_load %arg8[%parallel_loop3A_343, %parallel_loop3A_344] {strides = array<i32>} : memref<64x512xf32, #tpu.memory_space<vmem>>, vector<1x16xf32>,
        %parallel_loop3A_346 = vector.shape_cast %parallel_loop3A_345 : vector<1x16xf32> to vector<16xf32>
        %parallel_loop3A_347 = arith.index_cast %parallel_loop3A_163 : i32 to index
        %parallel_loop3A_348 = arith.constant 304 : index
        %parallel_loop3A_349 = tpu.vector_load %arg11[%parallel_loop3A_347, %parallel_loop3A_348] {strides = array<i32>} : memref<32x512xf32, #tpu.memory_space<vmem>>, vector<1x16xf32>,
        %parallel_loop3A_350 = vector.shape_cast %parallel_loop3A_349 : vector<1x16xf32> to vector<16xf32>
        %parallel_loop3A_351 = vector.shape_cast %parallel_loop3A_346 : vector<16xf32> to vector<1x16xf32>
        tpu.vector_store %arg11[%parallel_loop3A_347, %parallel_loop3A_348], %parallel_loop3A_351 {add = true, strides = array<i32>} : memref<32x512xf32, #tpu.memory_space<vmem>>, vector<1x16xf32>,
        %parallel_loop3A_352 = arith.index_cast %parallel_loop3A_171 : i32 to index
        %parallel_loop3A_353 = arith.constant 320 : index
        %parallel_loop3A_354 = tpu.vector_load %arg8[%parallel_loop3A_352, %parallel_loop3A_353] {strides = array<i32>} : memref<64x512xf32, #tpu.memory_space<vmem>>, vector<1x16xf32>,
        %parallel_loop3A_355 = vector.shape_cast %parallel_loop3A_354 : vector<1x16xf32> to vector<16xf32>
        %parallel_loop3A_356 = arith.index_cast %parallel_loop3A_163 : i32 to index
        %parallel_loop3A_357 = arith.constant 320 : index
        %parallel_loop3A_358 = tpu.vector_load %arg11[%parallel_loop3A_356, %parallel_loop3A_357] {strides = array<i32>} : memref<32x512xf32, #tpu.memory_space<vmem>>, vector<1x16xf32>,
        %parallel_loop3A_359 = vector.shape_cast %parallel_loop3A_358 : vector<1x16xf32> to vector<16xf32>
        %parallel_loop3A_360 = vector.shape_cast %parallel_loop3A_355 : vector<16xf32> to vector<1x16xf32>
        tpu.vector_store %arg11[%parallel_loop3A_356, %parallel_loop3A_357], %parallel_loop3A_360 {add = true, strides = array<i32>} : memref<32x512xf32, #tpu.memory_space<vmem>>, vector<1x16xf32>,
        %parallel_loop3A_361 = arith.index_cast %parallel_loop3A_171 : i32 to index
        %parallel_loop3A_362 = arith.constant 336 : index
        %parallel_loop3A_363 = tpu.vector_load %arg8[%parallel_loop3A_361, %parallel_loop3A_362] {strides = array<i32>} : memref<64x512xf32, #tpu.memory_space<vmem>>, vector<1x16xf32>,
        %parallel_loop3A_364 = vector.shape_cast %parallel_loop3A_363 : vector<1x16xf32> to vector<16xf32>
        %parallel_loop3A_365 = arith.index_cast %parallel_loop3A_163 : i32 to index
        %parallel_loop3A_366 = arith.constant 336 : index
        %parallel_loop3A_367 = tpu.vector_load %arg11[%parallel_loop3A_365, %parallel_loop3A_366] {strides = array<i32>} : memref<32x512xf32, #tpu.memory_space<vmem>>, vector<1x16xf32>,
        %parallel_loop3A_368 = vector.shape_cast %parallel_loop3A_367 : vector<1x16xf32> to vector<16xf32>
        %parallel_loop3A_369 = vector.shape_cast %parallel_loop3A_364 : vector<16xf32> to vector<1x16xf32>
        tpu.vector_store %arg11[%parallel_loop3A_365, %parallel_loop3A_366], %parallel_loop3A_369 {add = true, strides = array<i32>} : memref<32x512xf32, #tpu.memory_space<vmem>>, vector<1x16xf32>,
        %parallel_loop3A_370 = arith.index_cast %parallel_loop3A_171 : i32 to index
        %parallel_loop3A_371 = arith.constant 352 : index
        %parallel_loop3A_372 = tpu.vector_load %arg8[%parallel_loop3A_370, %parallel_loop3A_371] {strides = array<i32>} : memref<64x512xf32, #tpu.memory_space<vmem>>, vector<1x16xf32>,
        %parallel_loop3A_373 = vector.shape_cast %parallel_loop3A_372 : vector<1x16xf32> to vector<16xf32>
        %parallel_loop3A_374 = arith.index_cast %parallel_loop3A_163 : i32 to index
        %parallel_loop3A_375 = arith.constant 352 : index
        %parallel_loop3A_376 = tpu.vector_load %arg11[%parallel_loop3A_374, %parallel_loop3A_375] {strides = array<i32>} : memref<32x512xf32, #tpu.memory_space<vmem>>, vector<1x16xf32>,
        %parallel_loop3A_377 = vector.shape_cast %parallel_loop3A_376 : vector<1x16xf32> to vector<16xf32>
        %parallel_loop3A_378 = vector.shape_cast %parallel_loop3A_373 : vector<16xf32> to vector<1x16xf32>
        tpu.vector_store %arg11[%parallel_loop3A_374, %parallel_loop3A_375], %parallel_loop3A_378 {add = true, strides = array<i32>} : memref<32x512xf32, #tpu.memory_space<vmem>>, vector<1x16xf32>,
        %parallel_loop3A_379 = arith.index_cast %parallel_loop3A_171 : i32 to index
        %parallel_loop3A_380 = arith.constant 368 : index
        %parallel_loop3A_381 = tpu.vector_load %arg8[%parallel_loop3A_379, %parallel_loop3A_380] {strides = array<i32>} : memref<64x512xf32, #tpu.memory_space<vmem>>, vector<1x16xf32>,
        %parallel_loop3A_382 = vector.shape_cast %parallel_loop3A_381 : vector<1x16xf32> to vector<16xf32>
        %parallel_loop3A_383 = arith.index_cast %parallel_loop3A_163 : i32 to index
        %parallel_loop3A_384 = arith.constant 368 : index
        %parallel_loop3A_385 = tpu.vector_load %arg11[%parallel_loop3A_383, %parallel_loop3A_384] {strides = array<i32>} : memref<32x512xf32, #tpu.memory_space<vmem>>, vector<1x16xf32>,
        %parallel_loop3A_386 = vector.shape_cast %parallel_loop3A_385 : vector<1x16xf32> to vector<16xf32>
        %parallel_loop3A_387 = vector.shape_cast %parallel_loop3A_382 : vector<16xf32> to vector<1x16xf32>
        tpu.vector_store %arg11[%parallel_loop3A_383, %parallel_loop3A_384], %parallel_loop3A_387 {add = true, strides = array<i32>} : memref<32x512xf32, #tpu.memory_space<vmem>>, vector<1x16xf32>,
        %parallel_loop3A_388 = arith.index_cast %parallel_loop3A_171 : i32 to index
        %parallel_loop3A_389 = arith.constant 384 : index
        %parallel_loop3A_390 = tpu.vector_load %arg8[%parallel_loop3A_388, %parallel_loop3A_389] {strides = array<i32>} : memref<64x512xf32, #tpu.memory_space<vmem>>, vector<1x16xf32>,
        %parallel_loop3A_391 = vector.shape_cast %parallel_loop3A_390 : vector<1x16xf32> to vector<16xf32>
        %parallel_loop3A_392 = arith.index_cast %parallel_loop3A_163 : i32 to index
        %parallel_loop3A_393 = arith.constant 384 : index
        %parallel_loop3A_394 = tpu.vector_load %arg11[%parallel_loop3A_392, %parallel_loop3A_393] {strides = array<i32>} : memref<32x512xf32, #tpu.memory_space<vmem>>, vector<1x16xf32>,
        %parallel_loop3A_395 = vector.shape_cast %parallel_loop3A_394 : vector<1x16xf32> to vector<16xf32>
        %parallel_loop3A_396 = vector.shape_cast %parallel_loop3A_391 : vector<16xf32> to vector<1x16xf32>
        tpu.vector_store %arg11[%parallel_loop3A_392, %parallel_loop3A_393], %parallel_loop3A_396 {add = true, strides = array<i32>} : memref<32x512xf32, #tpu.memory_space<vmem>>, vector<1x16xf32>,
        %parallel_loop3A_397 = arith.index_cast %parallel_loop3A_171 : i32 to index
        %parallel_loop3A_398 = arith.constant 400 : index
        %parallel_loop3A_399 = tpu.vector_load %arg8[%parallel_loop3A_397, %parallel_loop3A_398] {strides = array<i32>} : memref<64x512xf32, #tpu.memory_space<vmem>>, vector<1x16xf32>,
        %parallel_loop3A_400 = vector.shape_cast %parallel_loop3A_399 : vector<1x16xf32> to vector<16xf32>
        %parallel_loop3A_401 = arith.index_cast %parallel_loop3A_163 : i32 to index
        %parallel_loop3A_402 = arith.constant 400 : index
        %parallel_loop3A_403 = tpu.vector_load %arg11[%parallel_loop3A_401, %parallel_loop3A_402] {strides = array<i32>} : memref<32x512xf32, #tpu.memory_space<vmem>>, vector<1x16xf32>,
        %parallel_loop3A_404 = vector.shape_cast %parallel_loop3A_403 : vector<1x16xf32> to vector<16xf32>
        %parallel_loop3A_405 = vector.shape_cast %parallel_loop3A_400 : vector<16xf32> to vector<1x16xf32>
        tpu.vector_store %arg11[%parallel_loop3A_401, %parallel_loop3A_402], %parallel_loop3A_405 {add = true, strides = array<i32>} : memref<32x512xf32, #tpu.memory_space<vmem>>, vector<1x16xf32>,
        %parallel_loop3A_406 = arith.index_cast %parallel_loop3A_171 : i32 to index
        %parallel_loop3A_407 = arith.constant 416 : index
        %parallel_loop3A_408 = tpu.vector_load %arg8[%parallel_loop3A_406, %parallel_loop3A_407] {strides = array<i32>} : memref<64x512xf32, #tpu.memory_space<vmem>>, vector<1x16xf32>,
        %parallel_loop3A_409 = vector.shape_cast %parallel_loop3A_408 : vector<1x16xf32> to vector<16xf32>
        %parallel_loop3A_410 = arith.index_cast %parallel_loop3A_163 : i32 to index
        %parallel_loop3A_411 = arith.constant 416 : index
        %parallel_loop3A_412 = tpu.vector_load %arg11[%parallel_loop3A_410, %parallel_loop3A_411] {strides = array<i32>} : memref<32x512xf32, #tpu.memory_space<vmem>>, vector<1x16xf32>,
        %parallel_loop3A_413 = vector.shape_cast %parallel_loop3A_412 : vector<1x16xf32> to vector<16xf32>
        %parallel_loop3A_414 = vector.shape_cast %parallel_loop3A_409 : vector<16xf32> to vector<1x16xf32>
        tpu.vector_store %arg11[%parallel_loop3A_410, %parallel_loop3A_411], %parallel_loop3A_414 {add = true, strides = array<i32>} : memref<32x512xf32, #tpu.memory_space<vmem>>, vector<1x16xf32>,
        %parallel_loop3A_415 = arith.index_cast %parallel_loop3A_171 : i32 to index
        %parallel_loop3A_416 = arith.constant 432 : index
        %parallel_loop3A_417 = tpu.vector_load %arg8[%parallel_loop3A_415, %parallel_loop3A_416] {strides = array<i32>} : memref<64x512xf32, #tpu.memory_space<vmem>>, vector<1x16xf32>,
        %parallel_loop3A_418 = vector.shape_cast %parallel_loop3A_417 : vector<1x16xf32> to vector<16xf32>
        %parallel_loop3A_419 = arith.index_cast %parallel_loop3A_163 : i32 to index
        %parallel_loop3A_420 = arith.constant 432 : index
        %parallel_loop3A_421 = tpu.vector_load %arg11[%parallel_loop3A_419, %parallel_loop3A_420] {strides = array<i32>} : memref<32x512xf32, #tpu.memory_space<vmem>>, vector<1x16xf32>,
        %parallel_loop3A_422 = vector.shape_cast %parallel_loop3A_421 : vector<1x16xf32> to vector<16xf32>
        %parallel_loop3A_423 = vector.shape_cast %parallel_loop3A_418 : vector<16xf32> to vector<1x16xf32>
        tpu.vector_store %arg11[%parallel_loop3A_419, %parallel_loop3A_420], %parallel_loop3A_423 {add = true, strides = array<i32>} : memref<32x512xf32, #tpu.memory_space<vmem>>, vector<1x16xf32>,
        %parallel_loop3A_424 = arith.index_cast %parallel_loop3A_171 : i32 to index
        %parallel_loop3A_425 = arith.constant 448 : index
        %parallel_loop3A_426 = tpu.vector_load %arg8[%parallel_loop3A_424, %parallel_loop3A_425] {strides = array<i32>} : memref<64x512xf32, #tpu.memory_space<vmem>>, vector<1x16xf32>,
        %parallel_loop3A_427 = vector.shape_cast %parallel_loop3A_426 : vector<1x16xf32> to vector<16xf32>
        %parallel_loop3A_428 = arith.index_cast %parallel_loop3A_163 : i32 to index
        %parallel_loop3A_429 = arith.constant 448 : index
        %parallel_loop3A_430 = tpu.vector_load %arg11[%parallel_loop3A_428, %parallel_loop3A_429] {strides = array<i32>} : memref<32x512xf32, #tpu.memory_space<vmem>>, vector<1x16xf32>,
        %parallel_loop3A_431 = vector.shape_cast %parallel_loop3A_430 : vector<1x16xf32> to vector<16xf32>
        %parallel_loop3A_432 = vector.shape_cast %parallel_loop3A_427 : vector<16xf32> to vector<1x16xf32>
        tpu.vector_store %arg11[%parallel_loop3A_428, %parallel_loop3A_429], %parallel_loop3A_432 {add = true, strides = array<i32>} : memref<32x512xf32, #tpu.memory_space<vmem>>, vector<1x16xf32>,
        %parallel_loop3A_433 = arith.index_cast %parallel_loop3A_171 : i32 to index
        %parallel_loop3A_434 = arith.constant 464 : index
        %parallel_loop3A_435 = tpu.vector_load %arg8[%parallel_loop3A_433, %parallel_loop3A_434] {strides = array<i32>} : memref<64x512xf32, #tpu.memory_space<vmem>>, vector<1x16xf32>,
        %parallel_loop3A_436 = vector.shape_cast %parallel_loop3A_435 : vector<1x16xf32> to vector<16xf32>
        %parallel_loop3A_437 = arith.index_cast %parallel_loop3A_163 : i32 to index
        %parallel_loop3A_438 = arith.constant 464 : index
        %parallel_loop3A_439 = tpu.vector_load %arg11[%parallel_loop3A_437, %parallel_loop3A_438] {strides = array<i32>} : memref<32x512xf32, #tpu.memory_space<vmem>>, vector<1x16xf32>,
        %parallel_loop3A_440 = vector.shape_cast %parallel_loop3A_439 : vector<1x16xf32> to vector<16xf32>
        %parallel_loop3A_441 = vector.shape_cast %parallel_loop3A_436 : vector<16xf32> to vector<1x16xf32>
        tpu.vector_store %arg11[%parallel_loop3A_437, %parallel_loop3A_438], %parallel_loop3A_441 {add = true, strides = array<i32>} : memref<32x512xf32, #tpu.memory_space<vmem>>, vector<1x16xf32>,
        %parallel_loop3A_442 = arith.index_cast %parallel_loop3A_171 : i32 to index
        %parallel_loop3A_443 = arith.constant 480 : index
        %parallel_loop3A_444 = tpu.vector_load %arg8[%parallel_loop3A_442, %parallel_loop3A_443] {strides = array<i32>} : memref<64x512xf32, #tpu.memory_space<vmem>>, vector<1x16xf32>,
        %parallel_loop3A_445 = vector.shape_cast %parallel_loop3A_444 : vector<1x16xf32> to vector<16xf32>
        %parallel_loop3A_446 = arith.index_cast %parallel_loop3A_163 : i32 to index
        %parallel_loop3A_447 = arith.constant 480 : index
        %parallel_loop3A_448 = tpu.vector_load %arg11[%parallel_loop3A_446, %parallel_loop3A_447] {strides = array<i32>} : memref<32x512xf32, #tpu.memory_space<vmem>>, vector<1x16xf32>,
        %parallel_loop3A_449 = vector.shape_cast %parallel_loop3A_448 : vector<1x16xf32> to vector<16xf32>
        %parallel_loop3A_450 = vector.shape_cast %parallel_loop3A_445 : vector<16xf32> to vector<1x16xf32>
        tpu.vector_store %arg11[%parallel_loop3A_446, %parallel_loop3A_447], %parallel_loop3A_450 {add = true, strides = array<i32>} : memref<32x512xf32, #tpu.memory_space<vmem>>, vector<1x16xf32>,
        %parallel_loop3A_451 = arith.index_cast %parallel_loop3A_171 : i32 to index
        %parallel_loop3A_452 = arith.constant 496 : index
        %parallel_loop3A_453 = tpu.vector_load %arg8[%parallel_loop3A_451, %parallel_loop3A_452] {strides = array<i32>} : memref<64x512xf32, #tpu.memory_space<vmem>>, vector<1x16xf32>,
        %parallel_loop3A_454 = vector.shape_cast %parallel_loop3A_453 : vector<1x16xf32> to vector<16xf32>
        %parallel_loop3A_455 = arith.index_cast %parallel_loop3A_163 : i32 to index
        %parallel_loop3A_456 = arith.constant 496 : index
        %parallel_loop3A_457 = tpu.vector_load %arg11[%parallel_loop3A_455, %parallel_loop3A_456] {strides = array<i32>} : memref<32x512xf32, #tpu.memory_space<vmem>>, vector<1x16xf32>,
        %parallel_loop3A_458 = vector.shape_cast %parallel_loop3A_457 : vector<1x16xf32> to vector<16xf32>
        %parallel_loop3A_459 = vector.shape_cast %parallel_loop3A_454 : vector<16xf32> to vector<1x16xf32>
        tpu.vector_store %arg11[%parallel_loop3A_455, %parallel_loop3A_456], %parallel_loop3A_459 {add = true, strides = array<i32>} : memref<32x512xf32, #tpu.memory_space<vmem>>, vector<1x16xf32>,
      } {sc.loop_unroll_factor = 1 : i64, sc.parallel_access}
      %mul3A_74 = arith.constant 32 : i32
      %mul3A_75 = arith.muli %add3A_58, %mul3A_74 : i32
      %add3A_76 = arith.addi %mul3A_0, %mul3A_75 : i32
      %dma_start3A_77 = tpu.memref_slice %arg6[%add3A_76, %mul3A_2] : memref<16384x1024xf32, #tpu.memory_space<hbm>> -> memref<32x512xf32, #tpu.memory_space<hbm>>
      %dma_start3A_78 = tpu.memref_slice %arg6[%add3A_76, %mul3A_2] : memref<16384x1024xf32, #tpu.memory_space<hbm>> -> memref<32x512xf32, #tpu.memory_space<hbm>>
      tpu.enqueue_dma source(%arg11 : memref<32x512xf32, #tpu.memory_space<vmem>>) target(%dma_start3A_78 : memref<32x512xf32, #tpu.memory_space<hbm>>) target_semaphore(%arg19 : memref<!tpu.dma_semaphore, #tpu.memory_space<semaphore_mem>>)
      %mul3A_79 = arith.constant 4 : i32
      %mul3A_80 = arith.muli %scan3A_54, %mul3A_79 : i32
      %add3A_81 = arith.constant 1 : i32
      %add3A_82 = arith.addi %mul3A_80, %add3A_81 : i32
      %add3A_83 = arith.constant 2 : i32
      %add3A_84 = arith.addi %add3A_82, %add3A_83 : i32
      %lt3A_85 = arith.constant 32 : i32
      %lt3A_86 = arith.cmpi slt, %add3A_84, %lt3A_85 : i32
      %convert_element_type3A_87 = arith.extui %lt3A_86 : i1 to i32
      %cond3A_88 = arith.constant 0 : i32
      %cond3A_89 = arith.constant 0 : i32
      %cond3A_90 = arith.cmpi ne, %convert_element_type3A_87, %cond3A_89 : i32
      %cond3A_91 = scf.if %cond3A_90 -> (i32) {
        %sub3A = arith.constant 4 : i32
        %sub3A_163 = arith.subi %add3A_84, %sub3A : i32
        %ge3A = arith.constant 0 : i32
        %ge3A_164 = arith.cmpi sge, %sub3A_163, %ge3A : i32
        %convert_element_type3A_165 = arith.extui %ge3A_164 : i1 to i32
        %cond3A_166 = arith.constant 0 : i32
        %cond3A_167 = arith.constant 0 : i32
        %cond3A_168 = arith.cmpi ne, %convert_element_type3A_165, %cond3A_167 : i32
        %cond3A_169 = scf.if %cond3A_168 -> (i32) {
          %sub3A_178 = arith.constant 4 : i32
          %sub3A_179 = arith.subi %add3A_84, %sub3A_178 : i32
          %mul3A_180 = arith.constant 32 : i32
          %mul3A_181 = arith.muli %sub3A_179, %mul3A_180 : i32
          %add3A_182 = arith.addi %mul3A_0, %mul3A_181 : i32
          %dma_wait3A_183 = tpu.memref_slice %arg6[%add3A_182, %mul3A_2] : memref<16384x1024xf32, #tpu.memory_space<hbm>> -> memref<32x512xf32, #tpu.memory_space<hbm>>
          %dma_wait3A_184 = tpu.memref_slice %arg6[%add3A_182, %mul3A_2] : memref<16384x1024xf32, #tpu.memory_space<hbm>> -> memref<32x512xf32, #tpu.memory_space<hbm>>
          tpu.wait_dma2 semaphore(%arg22 : memref<!tpu.dma_semaphore, #tpu.memory_space<semaphore_mem>>) src(%arg14 : memref<32x512xf32, #tpu.memory_space<vmem>>) dst(%dma_wait3A_184 : memref<32x512xf32, #tpu.memory_space<hbm>>)
          %cond3A_185 = arith.constant 0 : i32
          scf.yield %cond3A_185 : i32
        } else {
          %cond3A_178 = arith.constant 0 : i32
          scf.yield %cond3A_178 : i32
        }
        %mul3A_170 = arith.constant 32 : i32
        %mul3A_171 = arith.muli %add3A_84, %mul3A_170 : i32
        %multiple_of3A_172 = tpu.assume_multiple %mul3A_171, 32 : i32
        %dma_start3A_173 = tpu.memref_slice %arg10[%multiple_of3A_172] : memref<1024xi32, #tpu.memory_space<vmem>> -> memref<32xi32, #tpu.memory_space<vmem>>
        %dma_start3A_174 = arith.constant 0 : i32
        %dma_start3A_175 = arith.constant 0 : i32
        %dma_start3A_176 = tpu.memref_slice %arg7[%dma_start3A_174, %dma_start3A_175] : memref<2048x512xf32, #tpu.memory_space<hbm>> -> memref<2048x512xf32, #tpu.memory_space<hbm>>
        tpu.enqueue_indirect_dma source(%dma_start3A_176 : memref<2048x512xf32, #tpu.memory_space<hbm>>) target(%arg14 : memref<32x512xf32, #tpu.memory_space<vmem>>) offsets(%dma_start3A_173 : memref<32xi32, #tpu.memory_space<vmem>>) semaphore(%arg18 : memref<!tpu.dma_semaphore, #tpu.memory_space<semaphore_mem>>)
        %cond3A_177 = arith.constant 0 : i32
        scf.yield %cond3A_177 : i32
      } else {
        %cond3A_163 = arith.constant 0 : i32
        scf.yield %cond3A_163 : i32
      }
      %mul3A_92 = arith.constant 32 : i32
      %mul3A_93 = arith.muli %add3A_82, %mul3A_92 : i32
      %multiple_of3A_94 = tpu.assume_multiple %mul3A_93, 32 : i32
      %dma_wait3A_95 = tpu.memref_slice %arg10[%multiple_of3A_94] : memref<1024xi32, #tpu.memory_space<vmem>> -> memref<32xi32, #tpu.memory_space<vmem>>
      %dma_wait3A_96 = arith.constant 0 : i32
      %dma_wait3A_97 = arith.constant 0 : i32
      %dma_wait3A_98 = tpu.memref_slice %arg7[%dma_wait3A_96, %dma_wait3A_97] : memref<2048x512xf32, #tpu.memory_space<hbm>> -> memref<2048x512xf32, #tpu.memory_space<hbm>>
      tpu.wait_indirect_dma semaphore(%arg16 : memref<!tpu.dma_semaphore, #tpu.memory_space<semaphore_mem>>) src(%dma_wait3A_98 : memref<2048x512xf32, #tpu.memory_space<hbm>>) dst(%arg12 : memref<32x512xf32, #tpu.memory_space<vmem>>)
      %parallel_loop3A_99 = arith.constant 0 : i32
      %parallel_loop3A_100 = arith.constant 32 : i32
      %parallel_loop3A_101 = arith.constant 1 : i32
      scf.for %parallel_loop3A_163 = %parallel_loop3A_99 to %parallel_loop3A_100 step %parallel_loop3A_101  : i32 {
        %parallel_loop3A_164 = arith.constant 32 : i32
        %parallel_loop3A_165 = arith.muli %add3A_82, %parallel_loop3A_164 : i32
        %parallel_loop3A_166 = arith.addi %parallel_loop3A_165, %parallel_loop3A_163 : i32
        %parallel_loop3A_167 = arith.index_cast %parallel_loop3A_166 : i32 to index
        %parallel_loop3A_168 = tpu.vector_load %arg9[%parallel_loop3A_167] {strides = array<i32>} : memref<1040xi32, #tpu.memory_space<vmem>>, vector<16xi32>,
        %parallel_loop3A_169 = vector.shape_cast %parallel_loop3A_168 : vector<16xi32> to vector<16xi32>
        %parallel_loop3A_170 = vector.extract_strided_slice %parallel_loop3A_169 {offsets = [0], sizes = [1], strides = [1]} : vector<16xi32> to vector<1xi32>
        %parallel_loop3A_171 = vector.extract %parallel_loop3A_170[0] : i32 from vector<1xi32>
        %parallel_loop3A_172 = arith.index_cast %parallel_loop3A_171 : i32 to index
        %parallel_loop3A_173 = arith.constant 0 : index
        %parallel_loop3A_174 = tpu.vector_load %arg8[%parallel_loop3A_172, %parallel_loop3A_173] {strides = array<i32>} : memref<64x512xf32, #tpu.memory_space<vmem>>, vector<1x16xf32>,
        %parallel_loop3A_175 = vector.shape_cast %parallel_loop3A_174 : vector<1x16xf32> to vector<16xf32>
        %parallel_loop3A_176 = arith.index_cast %parallel_loop3A_163 : i32 to index
        %parallel_loop3A_177 = arith.constant 0 : index
        %parallel_loop3A_178 = tpu.vector_load %arg12[%parallel_loop3A_176, %parallel_loop3A_177] {strides = array<i32>} : memref<32x512xf32, #tpu.memory_space<vmem>>, vector<1x16xf32>,
        %parallel_loop3A_179 = vector.shape_cast %parallel_loop3A_178 : vector<1x16xf32> to vector<16xf32>
        %parallel_loop3A_180 = vector.shape_cast %parallel_loop3A_175 : vector<16xf32> to vector<1x16xf32>
        tpu.vector_store %arg12[%parallel_loop3A_176, %parallel_loop3A_177], %parallel_loop3A_180 {add = true, strides = array<i32>} : memref<32x512xf32, #tpu.memory_space<vmem>>, vector<1x16xf32>,
        %parallel_loop3A_181 = arith.index_cast %parallel_loop3A_171 : i32 to index
        %parallel_loop3A_182 = arith.constant 16 : index
        %parallel_loop3A_183 = tpu.vector_load %arg8[%parallel_loop3A_181, %parallel_loop3A_182] {strides = array<i32>} : memref<64x512xf32, #tpu.memory_space<vmem>>, vector<1x16xf32>,
        %parallel_loop3A_184 = vector.shape_cast %parallel_loop3A_183 : vector<1x16xf32> to vector<16xf32>
        %parallel_loop3A_185 = arith.index_cast %parallel_loop3A_163 : i32 to index
        %parallel_loop3A_186 = arith.constant 16 : index
        %parallel_loop3A_187 = tpu.vector_load %arg12[%parallel_loop3A_185, %parallel_loop3A_186] {strides = array<i32>} : memref<32x512xf32, #tpu.memory_space<vmem>>, vector<1x16xf32>,
        %parallel_loop3A_188 = vector.shape_cast %parallel_loop3A_187 : vector<1x16xf32> to vector<16xf32>
        %parallel_loop3A_189 = vector.shape_cast %parallel_loop3A_184 : vector<16xf32> to vector<1x16xf32>
        tpu.vector_store %arg12[%parallel_loop3A_185, %parallel_loop3A_186], %parallel_loop3A_189 {add = true, strides = array<i32>} : memref<32x512xf32, #tpu.memory_space<vmem>>, vector<1x16xf32>,
        %parallel_loop3A_190 = arith.index_cast %parallel_loop3A_171 : i32 to index
        %parallel_loop3A_191 = arith.constant 32 : index
        %parallel_loop3A_192 = tpu.vector_load %arg8[%parallel_loop3A_190, %parallel_loop3A_191] {strides = array<i32>} : memref<64x512xf32, #tpu.memory_space<vmem>>, vector<1x16xf32>,
        %parallel_loop3A_193 = vector.shape_cast %parallel_loop3A_192 : vector<1x16xf32> to vector<16xf32>
        %parallel_loop3A_194 = arith.index_cast %parallel_loop3A_163 : i32 to index
        %parallel_loop3A_195 = arith.constant 32 : index
        %parallel_loop3A_196 = tpu.vector_load %arg12[%parallel_loop3A_194, %parallel_loop3A_195] {strides = array<i32>} : memref<32x512xf32, #tpu.memory_space<vmem>>, vector<1x16xf32>,
        %parallel_loop3A_197 = vector.shape_cast %parallel_loop3A_196 : vector<1x16xf32> to vector<16xf32>
        %parallel_loop3A_198 = vector.shape_cast %parallel_loop3A_193 : vector<16xf32> to vector<1x16xf32>
        tpu.vector_store %arg12[%parallel_loop3A_194, %parallel_loop3A_195], %parallel_loop3A_198 {add = true, strides = array<i32>} : memref<32x512xf32, #tpu.memory_space<vmem>>, vector<1x16xf32>,
        %parallel_loop3A_199 = arith.index_cast %parallel_loop3A_171 : i32 to index
        %parallel_loop3A_200 = arith.constant 48 : index
        %parallel_loop3A_201 = tpu.vector_load %arg8[%parallel_loop3A_199, %parallel_loop3A_200] {strides = array<i32>} : memref<64x512xf32, #tpu.memory_space<vmem>>, vector<1x16xf32>,
        %parallel_loop3A_202 = vector.shape_cast %parallel_loop3A_201 : vector<1x16xf32> to vector<16xf32>
        %parallel_loop3A_203 = arith.index_cast %parallel_loop3A_163 : i32 to index
        %parallel_loop3A_204 = arith.constant 48 : index
        %parallel_loop3A_205 = tpu.vector_load %arg12[%parallel_loop3A_203, %parallel_loop3A_204] {strides = array<i32>} : memref<32x512xf32, #tpu.memory_space<vmem>>, vector<1x16xf32>,
        %parallel_loop3A_206 = vector.shape_cast %parallel_loop3A_205 : vector<1x16xf32> to vector<16xf32>
        %parallel_loop3A_207 = vector.shape_cast %parallel_loop3A_202 : vector<16xf32> to vector<1x16xf32>
        tpu.vector_store %arg12[%parallel_loop3A_203, %parallel_loop3A_204], %parallel_loop3A_207 {add = true, strides = array<i32>} : memref<32x512xf32, #tpu.memory_space<vmem>>, vector<1x16xf32>,
        %parallel_loop3A_208 = arith.index_cast %parallel_loop3A_171 : i32 to index
        %parallel_loop3A_209 = arith.constant 64 : index
        %parallel_loop3A_210 = tpu.vector_load %arg8[%parallel_loop3A_208, %parallel_loop3A_209] {strides = array<i32>} : memref<64x512xf32, #tpu.memory_space<vmem>>, vector<1x16xf32>,
        %parallel_loop3A_211 = vector.shape_cast %parallel_loop3A_210 : vector<1x16xf32> to vector<16xf32>
        %parallel_loop3A_212 = arith.index_cast %parallel_loop3A_163 : i32 to index
        %parallel_loop3A_213 = arith.constant 64 : index
        %parallel_loop3A_214 = tpu.vector_load %arg12[%parallel_loop3A_212, %parallel_loop3A_213] {strides = array<i32>} : memref<32x512xf32, #tpu.memory_space<vmem>>, vector<1x16xf32>,
        %parallel_loop3A_215 = vector.shape_cast %parallel_loop3A_214 : vector<1x16xf32> to vector<16xf32>
        %parallel_loop3A_216 = vector.shape_cast %parallel_loop3A_211 : vector<16xf32> to vector<1x16xf32>
        tpu.vector_store %arg12[%parallel_loop3A_212, %parallel_loop3A_213], %parallel_loop3A_216 {add = true, strides = array<i32>} : memref<32x512xf32, #tpu.memory_space<vmem>>, vector<1x16xf32>,
        %parallel_loop3A_217 = arith.index_cast %parallel_loop3A_171 : i32 to index
        %parallel_loop3A_218 = arith.constant 80 : index
        %parallel_loop3A_219 = tpu.vector_load %arg8[%parallel_loop3A_217, %parallel_loop3A_218] {strides = array<i32>} : memref<64x512xf32, #tpu.memory_space<vmem>>, vector<1x16xf32>,
        %parallel_loop3A_220 = vector.shape_cast %parallel_loop3A_219 : vector<1x16xf32> to vector<16xf32>
        %parallel_loop3A_221 = arith.index_cast %parallel_loop3A_163 : i32 to index
        %parallel_loop3A_222 = arith.constant 80 : index
        %parallel_loop3A_223 = tpu.vector_load %arg12[%parallel_loop3A_221, %parallel_loop3A_222] {strides = array<i32>} : memref<32x512xf32, #tpu.memory_space<vmem>>, vector<1x16xf32>,
        %parallel_loop3A_224 = vector.shape_cast %parallel_loop3A_223 : vector<1x16xf32> to vector<16xf32>
        %parallel_loop3A_225 = vector.shape_cast %parallel_loop3A_220 : vector<16xf32> to vector<1x16xf32>
        tpu.vector_store %arg12[%parallel_loop3A_221, %parallel_loop3A_222], %parallel_loop3A_225 {add = true, strides = array<i32>} : memref<32x512xf32, #tpu.memory_space<vmem>>, vector<1x16xf32>,
        %parallel_loop3A_226 = arith.index_cast %parallel_loop3A_171 : i32 to index
        %parallel_loop3A_227 = arith.constant 96 : index
        %parallel_loop3A_228 = tpu.vector_load %arg8[%parallel_loop3A_226, %parallel_loop3A_227] {strides = array<i32>} : memref<64x512xf32, #tpu.memory_space<vmem>>, vector<1x16xf32>,
        %parallel_loop3A_229 = vector.shape_cast %parallel_loop3A_228 : vector<1x16xf32> to vector<16xf32>
        %parallel_loop3A_230 = arith.index_cast %parallel_loop3A_163 : i32 to index
        %parallel_loop3A_231 = arith.constant 96 : index
        %parallel_loop3A_232 = tpu.vector_load %arg12[%parallel_loop3A_230, %parallel_loop3A_231] {strides = array<i32>} : memref<32x512xf32, #tpu.memory_space<vmem>>, vector<1x16xf32>,
        %parallel_loop3A_233 = vector.shape_cast %parallel_loop3A_232 : vector<1x16xf32> to vector<16xf32>
        %parallel_loop3A_234 = vector.shape_cast %parallel_loop3A_229 : vector<16xf32> to vector<1x16xf32>
        tpu.vector_store %arg12[%parallel_loop3A_230, %parallel_loop3A_231], %parallel_loop3A_234 {add = true, strides = array<i32>} : memref<32x512xf32, #tpu.memory_space<vmem>>, vector<1x16xf32>,
        %parallel_loop3A_235 = arith.index_cast %parallel_loop3A_171 : i32 to index
        %parallel_loop3A_236 = arith.constant 112 : index
        %parallel_loop3A_237 = tpu.vector_load %arg8[%parallel_loop3A_235, %parallel_loop3A_236] {strides = array<i32>} : memref<64x512xf32, #tpu.memory_space<vmem>>, vector<1x16xf32>,
        %parallel_loop3A_238 = vector.shape_cast %parallel_loop3A_237 : vector<1x16xf32> to vector<16xf32>
        %parallel_loop3A_239 = arith.index_cast %parallel_loop3A_163 : i32 to index
        %parallel_loop3A_240 = arith.constant 112 : index
        %parallel_loop3A_241 = tpu.vector_load %arg12[%parallel_loop3A_239, %parallel_loop3A_240] {strides = array<i32>} : memref<32x512xf32, #tpu.memory_space<vmem>>, vector<1x16xf32>,
        %parallel_loop3A_242 = vector.shape_cast %parallel_loop3A_241 : vector<1x16xf32> to vector<16xf32>
        %parallel_loop3A_243 = vector.shape_cast %parallel_loop3A_238 : vector<16xf32> to vector<1x16xf32>
        tpu.vector_store %arg12[%parallel_loop3A_239, %parallel_loop3A_240], %parallel_loop3A_243 {add = true, strides = array<i32>} : memref<32x512xf32, #tpu.memory_space<vmem>>, vector<1x16xf32>,
        %parallel_loop3A_244 = arith.index_cast %parallel_loop3A_171 : i32 to index
        %parallel_loop3A_245 = arith.constant 128 : index
        %parallel_loop3A_246 = tpu.vector_load %arg8[%parallel_loop3A_244, %parallel_loop3A_245] {strides = array<i32>} : memref<64x512xf32, #tpu.memory_space<vmem>>, vector<1x16xf32>,
        %parallel_loop3A_247 = vector.shape_cast %parallel_loop3A_246 : vector<1x16xf32> to vector<16xf32>
        %parallel_loop3A_248 = arith.index_cast %parallel_loop3A_163 : i32 to index
        %parallel_loop3A_249 = arith.constant 128 : index
        %parallel_loop3A_250 = tpu.vector_load %arg12[%parallel_loop3A_248, %parallel_loop3A_249] {strides = array<i32>} : memref<32x512xf32, #tpu.memory_space<vmem>>, vector<1x16xf32>,
        %parallel_loop3A_251 = vector.shape_cast %parallel_loop3A_250 : vector<1x16xf32> to vector<16xf32>
        %parallel_loop3A_252 = vector.shape_cast %parallel_loop3A_247 : vector<16xf32> to vector<1x16xf32>
        tpu.vector_store %arg12[%parallel_loop3A_248, %parallel_loop3A_249], %parallel_loop3A_252 {add = true, strides = array<i32>} : memref<32x512xf32, #tpu.memory_space<vmem>>, vector<1x16xf32>,
        %parallel_loop3A_253 = arith.index_cast %parallel_loop3A_171 : i32 to index
        %parallel_loop3A_254 = arith.constant 144 : index
        %parallel_loop3A_255 = tpu.vector_load %arg8[%parallel_loop3A_253, %parallel_loop3A_254] {strides = array<i32>} : memref<64x512xf32, #tpu.memory_space<vmem>>, vector<1x16xf32>,
        %parallel_loop3A_256 = vector.shape_cast %parallel_loop3A_255 : vector<1x16xf32> to vector<16xf32>
        %parallel_loop3A_257 = arith.index_cast %parallel_loop3A_163 : i32 to index
        %parallel_loop3A_258 = arith.constant 144 : index
        %parallel_loop3A_259 = tpu.vector_load %arg12[%parallel_loop3A_257, %parallel_loop3A_258] {strides = array<i32>} : memref<32x512xf32, #tpu.memory_space<vmem>>, vector<1x16xf32>,
        %parallel_loop3A_260 = vector.shape_cast %parallel_loop3A_259 : vector<1x16xf32> to vector<16xf32>
        %parallel_loop3A_261 = vector.shape_cast %parallel_loop3A_256 : vector<16xf32> to vector<1x16xf32>
        tpu.vector_store %arg12[%parallel_loop3A_257, %parallel_loop3A_258], %parallel_loop3A_261 {add = true, strides = array<i32>} : memref<32x512xf32, #tpu.memory_space<vmem>>, vector<1x16xf32>,
        %parallel_loop3A_262 = arith.index_cast %parallel_loop3A_171 : i32 to index
        %parallel_loop3A_263 = arith.constant 160 : index
        %parallel_loop3A_264 = tpu.vector_load %arg8[%parallel_loop3A_262, %parallel_loop3A_263] {strides = array<i32>} : memref<64x512xf32, #tpu.memory_space<vmem>>, vector<1x16xf32>,
        %parallel_loop3A_265 = vector.shape_cast %parallel_loop3A_264 : vector<1x16xf32> to vector<16xf32>
        %parallel_loop3A_266 = arith.index_cast %parallel_loop3A_163 : i32 to index
        %parallel_loop3A_267 = arith.constant 160 : index
        %parallel_loop3A_268 = tpu.vector_load %arg12[%parallel_loop3A_266, %parallel_loop3A_267] {strides = array<i32>} : memref<32x512xf32, #tpu.memory_space<vmem>>, vector<1x16xf32>,
        %parallel_loop3A_269 = vector.shape_cast %parallel_loop3A_268 : vector<1x16xf32> to vector<16xf32>
        %parallel_loop3A_270 = vector.shape_cast %parallel_loop3A_265 : vector<16xf32> to vector<1x16xf32>
        tpu.vector_store %arg12[%parallel_loop3A_266, %parallel_loop3A_267], %parallel_loop3A_270 {add = true, strides = array<i32>} : memref<32x512xf32, #tpu.memory_space<vmem>>, vector<1x16xf32>,
        %parallel_loop3A_271 = arith.index_cast %parallel_loop3A_171 : i32 to index
        %parallel_loop3A_272 = arith.constant 176 : index
        %parallel_loop3A_273 = tpu.vector_load %arg8[%parallel_loop3A_271, %parallel_loop3A_272] {strides = array<i32>} : memref<64x512xf32, #tpu.memory_space<vmem>>, vector<1x16xf32>,
        %parallel_loop3A_274 = vector.shape_cast %parallel_loop3A_273 : vector<1x16xf32> to vector<16xf32>
        %parallel_loop3A_275 = arith.index_cast %parallel_loop3A_163 : i32 to index
        %parallel_loop3A_276 = arith.constant 176 : index
        %parallel_loop3A_277 = tpu.vector_load %arg12[%parallel_loop3A_275, %parallel_loop3A_276] {strides = array<i32>} : memref<32x512xf32, #tpu.memory_space<vmem>>, vector<1x16xf32>,
        %parallel_loop3A_278 = vector.shape_cast %parallel_loop3A_277 : vector<1x16xf32> to vector<16xf32>
        %parallel_loop3A_279 = vector.shape_cast %parallel_loop3A_274 : vector<16xf32> to vector<1x16xf32>
        tpu.vector_store %arg12[%parallel_loop3A_275, %parallel_loop3A_276], %parallel_loop3A_279 {add = true, strides = array<i32>} : memref<32x512xf32, #tpu.memory_space<vmem>>, vector<1x16xf32>,
        %parallel_loop3A_280 = arith.index_cast %parallel_loop3A_171 : i32 to index
        %parallel_loop3A_281 = arith.constant 192 : index
        %parallel_loop3A_282 = tpu.vector_load %arg8[%parallel_loop3A_280, %parallel_loop3A_281] {strides = array<i32>} : memref<64x512xf32, #tpu.memory_space<vmem>>, vector<1x16xf32>,
        %parallel_loop3A_283 = vector.shape_cast %parallel_loop3A_282 : vector<1x16xf32> to vector<16xf32>
        %parallel_loop3A_284 = arith.index_cast %parallel_loop3A_163 : i32 to index
        %parallel_loop3A_285 = arith.constant 192 : index
        %parallel_loop3A_286 = tpu.vector_load %arg12[%parallel_loop3A_284, %parallel_loop3A_285] {strides = array<i32>} : memref<32x512xf32, #tpu.memory_space<vmem>>, vector<1x16xf32>,
        %parallel_loop3A_287 = vector.shape_cast %parallel_loop3A_286 : vector<1x16xf32> to vector<16xf32>
        %parallel_loop3A_288 = vector.shape_cast %parallel_loop3A_283 : vector<16xf32> to vector<1x16xf32>
        tpu.vector_store %arg12[%parallel_loop3A_284, %parallel_loop3A_285], %parallel_loop3A_288 {add = true, strides = array<i32>} : memref<32x512xf32, #tpu.memory_space<vmem>>, vector<1x16xf32>,
        %parallel_loop3A_289 = arith.index_cast %parallel_loop3A_171 : i32 to index
        %parallel_loop3A_290 = arith.constant 208 : index
        %parallel_loop3A_291 = tpu.vector_load %arg8[%parallel_loop3A_289, %parallel_loop3A_290] {strides = array<i32>} : memref<64x512xf32, #tpu.memory_space<vmem>>, vector<1x16xf32>,
        %parallel_loop3A_292 = vector.shape_cast %parallel_loop3A_291 : vector<1x16xf32> to vector<16xf32>
        %parallel_loop3A_293 = arith.index_cast %parallel_loop3A_163 : i32 to index
        %parallel_loop3A_294 = arith.constant 208 : index
        %parallel_loop3A_295 = tpu.vector_load %arg12[%parallel_loop3A_293, %parallel_loop3A_294] {strides = array<i32>} : memref<32x512xf32, #tpu.memory_space<vmem>>, vector<1x16xf32>,
        %parallel_loop3A_296 = vector.shape_cast %parallel_loop3A_295 : vector<1x16xf32> to vector<16xf32>
        %parallel_loop3A_297 = vector.shape_cast %parallel_loop3A_292 : vector<16xf32> to vector<1x16xf32>
        tpu.vector_store %arg12[%parallel_loop3A_293, %parallel_loop3A_294], %parallel_loop3A_297 {add = true, strides = array<i32>} : memref<32x512xf32, #tpu.memory_space<vmem>>, vector<1x16xf32>,
        %parallel_loop3A_298 = arith.index_cast %parallel_loop3A_171 : i32 to index
        %parallel_loop3A_299 = arith.constant 224 : index
        %parallel_loop3A_300 = tpu.vector_load %arg8[%parallel_loop3A_298, %parallel_loop3A_299] {strides = array<i32>} : memref<64x512xf32, #tpu.memory_space<vmem>>, vector<1x16xf32>,
        %parallel_loop3A_301 = vector.shape_cast %parallel_loop3A_300 : vector<1x16xf32> to vector<16xf32>
        %parallel_loop3A_302 = arith.index_cast %parallel_loop3A_163 : i32 to index
        %parallel_loop3A_303 = arith.constant 224 : index
        %parallel_loop3A_304 = tpu.vector_load %arg12[%parallel_loop3A_302, %parallel_loop3A_303] {strides = array<i32>} : memref<32x512xf32, #tpu.memory_space<vmem>>, vector<1x16xf32>,
        %parallel_loop3A_305 = vector.shape_cast %parallel_loop3A_304 : vector<1x16xf32> to vector<16xf32>
        %parallel_loop3A_306 = vector.shape_cast %parallel_loop3A_301 : vector<16xf32> to vector<1x16xf32>
        tpu.vector_store %arg12[%parallel_loop3A_302, %parallel_loop3A_303], %parallel_loop3A_306 {add = true, strides = array<i32>} : memref<32x512xf32, #tpu.memory_space<vmem>>, vector<1x16xf32>,
        %parallel_loop3A_307 = arith.index_cast %parallel_loop3A_171 : i32 to index
        %parallel_loop3A_308 = arith.constant 240 : index
        %parallel_loop3A_309 = tpu.vector_load %arg8[%parallel_loop3A_307, %parallel_loop3A_308] {strides = array<i32>} : memref<64x512xf32, #tpu.memory_space<vmem>>, vector<1x16xf32>,
        %parallel_loop3A_310 = vector.shape_cast %parallel_loop3A_309 : vector<1x16xf32> to vector<16xf32>
        %parallel_loop3A_311 = arith.index_cast %parallel_loop3A_163 : i32 to index
        %parallel_loop3A_312 = arith.constant 240 : index
        %parallel_loop3A_313 = tpu.vector_load %arg12[%parallel_loop3A_311, %parallel_loop3A_312] {strides = array<i32>} : memref<32x512xf32, #tpu.memory_space<vmem>>, vector<1x16xf32>,
        %parallel_loop3A_314 = vector.shape_cast %parallel_loop3A_313 : vector<1x16xf32> to vector<16xf32>
        %parallel_loop3A_315 = vector.shape_cast %parallel_loop3A_310 : vector<16xf32> to vector<1x16xf32>
        tpu.vector_store %arg12[%parallel_loop3A_311, %parallel_loop3A_312], %parallel_loop3A_315 {add = true, strides = array<i32>} : memref<32x512xf32, #tpu.memory_space<vmem>>, vector<1x16xf32>,
        %parallel_loop3A_316 = arith.index_cast %parallel_loop3A_171 : i32 to index
        %parallel_loop3A_317 = arith.constant 256 : index
        %parallel_loop3A_318 = tpu.vector_load %arg8[%parallel_loop3A_316, %parallel_loop3A_317] {strides = array<i32>} : memref<64x512xf32, #tpu.memory_space<vmem>>, vector<1x16xf32>,
        %parallel_loop3A_319 = vector.shape_cast %parallel_loop3A_318 : vector<1x16xf32> to vector<16xf32>
        %parallel_loop3A_320 = arith.index_cast %parallel_loop3A_163 : i32 to index
        %parallel_loop3A_321 = arith.constant 256 : index
        %parallel_loop3A_322 = tpu.vector_load %arg12[%parallel_loop3A_320, %parallel_loop3A_321] {strides = array<i32>} : memref<32x512xf32, #tpu.memory_space<vmem>>, vector<1x16xf32>,
        %parallel_loop3A_323 = vector.shape_cast %parallel_loop3A_322 : vector<1x16xf32> to vector<16xf32>
        %parallel_loop3A_324 = vector.shape_cast %parallel_loop3A_319 : vector<16xf32> to vector<1x16xf32>
        tpu.vector_store %arg12[%parallel_loop3A_320, %parallel_loop3A_321], %parallel_loop3A_324 {add = true, strides = array<i32>} : memref<32x512xf32, #tpu.memory_space<vmem>>, vector<1x16xf32>,
        %parallel_loop3A_325 = arith.index_cast %parallel_loop3A_171 : i32 to index
        %parallel_loop3A_326 = arith.constant 272 : index
        %parallel_loop3A_327 = tpu.vector_load %arg8[%parallel_loop3A_325, %parallel_loop3A_326] {strides = array<i32>} : memref<64x512xf32, #tpu.memory_space<vmem>>, vector<1x16xf32>,
        %parallel_loop3A_328 = vector.shape_cast %parallel_loop3A_327 : vector<1x16xf32> to vector<16xf32>
        %parallel_loop3A_329 = arith.index_cast %parallel_loop3A_163 : i32 to index
        %parallel_loop3A_330 = arith.constant 272 : index
        %parallel_loop3A_331 = tpu.vector_load %arg12[%parallel_loop3A_329, %parallel_loop3A_330] {strides = array<i32>} : memref<32x512xf32, #tpu.memory_space<vmem>>, vector<1x16xf32>,
        %parallel_loop3A_332 = vector.shape_cast %parallel_loop3A_331 : vector<1x16xf32> to vector<16xf32>
        %parallel_loop3A_333 = vector.shape_cast %parallel_loop3A_328 : vector<16xf32> to vector<1x16xf32>
        tpu.vector_store %arg12[%parallel_loop3A_329, %parallel_loop3A_330], %parallel_loop3A_333 {add = true, strides = array<i32>} : memref<32x512xf32, #tpu.memory_space<vmem>>, vector<1x16xf32>,
        %parallel_loop3A_334 = arith.index_cast %parallel_loop3A_171 : i32 to index
        %parallel_loop3A_335 = arith.constant 288 : index
        %parallel_loop3A_336 = tpu.vector_load %arg8[%parallel_loop3A_334, %parallel_loop3A_335] {strides = array<i32>} : memref<64x512xf32, #tpu.memory_space<vmem>>, vector<1x16xf32>,
        %parallel_loop3A_337 = vector.shape_cast %parallel_loop3A_336 : vector<1x16xf32> to vector<16xf32>
        %parallel_loop3A_338 = arith.index_cast %parallel_loop3A_163 : i32 to index
        %parallel_loop3A_339 = arith.constant 288 : index
        %parallel_loop3A_340 = tpu.vector_load %arg12[%parallel_loop3A_338, %parallel_loop3A_339] {strides = array<i32>} : memref<32x512xf32, #tpu.memory_space<vmem>>, vector<1x16xf32>,
        %parallel_loop3A_341 = vector.shape_cast %parallel_loop3A_340 : vector<1x16xf32> to vector<16xf32>
        %parallel_loop3A_342 = vector.shape_cast %parallel_loop3A_337 : vector<16xf32> to vector<1x16xf32>
        tpu.vector_store %arg12[%parallel_loop3A_338, %parallel_loop3A_339], %parallel_loop3A_342 {add = true, strides = array<i32>} : memref<32x512xf32, #tpu.memory_space<vmem>>, vector<1x16xf32>,
        %parallel_loop3A_343 = arith.index_cast %parallel_loop3A_171 : i32 to index
        %parallel_loop3A_344 = arith.constant 304 : index
        %parallel_loop3A_345 = tpu.vector_load %arg8[%parallel_loop3A_343, %parallel_loop3A_344] {strides = array<i32>} : memref<64x512xf32, #tpu.memory_space<vmem>>, vector<1x16xf32>,
        %parallel_loop3A_346 = vector.shape_cast %parallel_loop3A_345 : vector<1x16xf32> to vector<16xf32>
        %parallel_loop3A_347 = arith.index_cast %parallel_loop3A_163 : i32 to index
        %parallel_loop3A_348 = arith.constant 304 : index
        %parallel_loop3A_349 = tpu.vector_load %arg12[%parallel_loop3A_347, %parallel_loop3A_348] {strides = array<i32>} : memref<32x512xf32, #tpu.memory_space<vmem>>, vector<1x16xf32>,
        %parallel_loop3A_350 = vector.shape_cast %parallel_loop3A_349 : vector<1x16xf32> to vector<16xf32>
        %parallel_loop3A_351 = vector.shape_cast %parallel_loop3A_346 : vector<16xf32> to vector<1x16xf32>
        tpu.vector_store %arg12[%parallel_loop3A_347, %parallel_loop3A_348], %parallel_loop3A_351 {add = true, strides = array<i32>} : memref<32x512xf32, #tpu.memory_space<vmem>>, vector<1x16xf32>,
        %parallel_loop3A_352 = arith.index_cast %parallel_loop3A_171 : i32 to index
        %parallel_loop3A_353 = arith.constant 320 : index
        %parallel_loop3A_354 = tpu.vector_load %arg8[%parallel_loop3A_352, %parallel_loop3A_353] {strides = array<i32>} : memref<64x512xf32, #tpu.memory_space<vmem>>, vector<1x16xf32>,
        %parallel_loop3A_355 = vector.shape_cast %parallel_loop3A_354 : vector<1x16xf32> to vector<16xf32>
        %parallel_loop3A_356 = arith.index_cast %parallel_loop3A_163 : i32 to index
        %parallel_loop3A_357 = arith.constant 320 : index
        %parallel_loop3A_358 = tpu.vector_load %arg12[%parallel_loop3A_356, %parallel_loop3A_357] {strides = array<i32>} : memref<32x512xf32, #tpu.memory_space<vmem>>, vector<1x16xf32>,
        %parallel_loop3A_359 = vector.shape_cast %parallel_loop3A_358 : vector<1x16xf32> to vector<16xf32>
        %parallel_loop3A_360 = vector.shape_cast %parallel_loop3A_355 : vector<16xf32> to vector<1x16xf32>
        tpu.vector_store %arg12[%parallel_loop3A_356, %parallel_loop3A_357], %parallel_loop3A_360 {add = true, strides = array<i32>} : memref<32x512xf32, #tpu.memory_space<vmem>>, vector<1x16xf32>,
        %parallel_loop3A_361 = arith.index_cast %parallel_loop3A_171 : i32 to index
        %parallel_loop3A_362 = arith.constant 336 : index
        %parallel_loop3A_363 = tpu.vector_load %arg8[%parallel_loop3A_361, %parallel_loop3A_362] {strides = array<i32>} : memref<64x512xf32, #tpu.memory_space<vmem>>, vector<1x16xf32>,
        %parallel_loop3A_364 = vector.shape_cast %parallel_loop3A_363 : vector<1x16xf32> to vector<16xf32>
        %parallel_loop3A_365 = arith.index_cast %parallel_loop3A_163 : i32 to index
        %parallel_loop3A_366 = arith.constant 336 : index
        %parallel_loop3A_367 = tpu.vector_load %arg12[%parallel_loop3A_365, %parallel_loop3A_366] {strides = array<i32>} : memref<32x512xf32, #tpu.memory_space<vmem>>, vector<1x16xf32>,
        %parallel_loop3A_368 = vector.shape_cast %parallel_loop3A_367 : vector<1x16xf32> to vector<16xf32>
        %parallel_loop3A_369 = vector.shape_cast %parallel_loop3A_364 : vector<16xf32> to vector<1x16xf32>
        tpu.vector_store %arg12[%parallel_loop3A_365, %parallel_loop3A_366], %parallel_loop3A_369 {add = true, strides = array<i32>} : memref<32x512xf32, #tpu.memory_space<vmem>>, vector<1x16xf32>,
        %parallel_loop3A_370 = arith.index_cast %parallel_loop3A_171 : i32 to index
        %parallel_loop3A_371 = arith.constant 352 : index
        %parallel_loop3A_372 = tpu.vector_load %arg8[%parallel_loop3A_370, %parallel_loop3A_371] {strides = array<i32>} : memref<64x512xf32, #tpu.memory_space<vmem>>, vector<1x16xf32>,
        %parallel_loop3A_373 = vector.shape_cast %parallel_loop3A_372 : vector<1x16xf32> to vector<16xf32>
        %parallel_loop3A_374 = arith.index_cast %parallel_loop3A_163 : i32 to index
        %parallel_loop3A_375 = arith.constant 352 : index
        %parallel_loop3A_376 = tpu.vector_load %arg12[%parallel_loop3A_374, %parallel_loop3A_375] {strides = array<i32>} : memref<32x512xf32, #tpu.memory_space<vmem>>, vector<1x16xf32>,
        %parallel_loop3A_377 = vector.shape_cast %parallel_loop3A_376 : vector<1x16xf32> to vector<16xf32>
        %parallel_loop3A_378 = vector.shape_cast %parallel_loop3A_373 : vector<16xf32> to vector<1x16xf32>
        tpu.vector_store %arg12[%parallel_loop3A_374, %parallel_loop3A_375], %parallel_loop3A_378 {add = true, strides = array<i32>} : memref<32x512xf32, #tpu.memory_space<vmem>>, vector<1x16xf32>,
        %parallel_loop3A_379 = arith.index_cast %parallel_loop3A_171 : i32 to index
        %parallel_loop3A_380 = arith.constant 368 : index
        %parallel_loop3A_381 = tpu.vector_load %arg8[%parallel_loop3A_379, %parallel_loop3A_380] {strides = array<i32>} : memref<64x512xf32, #tpu.memory_space<vmem>>, vector<1x16xf32>,
        %parallel_loop3A_382 = vector.shape_cast %parallel_loop3A_381 : vector<1x16xf32> to vector<16xf32>
        %parallel_loop3A_383 = arith.index_cast %parallel_loop3A_163 : i32 to index
        %parallel_loop3A_384 = arith.constant 368 : index
        %parallel_loop3A_385 = tpu.vector_load %arg12[%parallel_loop3A_383, %parallel_loop3A_384] {strides = array<i32>} : memref<32x512xf32, #tpu.memory_space<vmem>>, vector<1x16xf32>,
        %parallel_loop3A_386 = vector.shape_cast %parallel_loop3A_385 : vector<1x16xf32> to vector<16xf32>
        %parallel_loop3A_387 = vector.shape_cast %parallel_loop3A_382 : vector<16xf32> to vector<1x16xf32>
        tpu.vector_store %arg12[%parallel_loop3A_383, %parallel_loop3A_384], %parallel_loop3A_387 {add = true, strides = array<i32>} : memref<32x512xf32, #tpu.memory_space<vmem>>, vector<1x16xf32>,
        %parallel_loop3A_388 = arith.index_cast %parallel_loop3A_171 : i32 to index
        %parallel_loop3A_389 = arith.constant 384 : index
        %parallel_loop3A_390 = tpu.vector_load %arg8[%parallel_loop3A_388, %parallel_loop3A_389] {strides = array<i32>} : memref<64x512xf32, #tpu.memory_space<vmem>>, vector<1x16xf32>,
        %parallel_loop3A_391 = vector.shape_cast %parallel_loop3A_390 : vector<1x16xf32> to vector<16xf32>
        %parallel_loop3A_392 = arith.index_cast %parallel_loop3A_163 : i32 to index
        %parallel_loop3A_393 = arith.constant 384 : index
        %parallel_loop3A_394 = tpu.vector_load %arg12[%parallel_loop3A_392, %parallel_loop3A_393] {strides = array<i32>} : memref<32x512xf32, #tpu.memory_space<vmem>>, vector<1x16xf32>,
        %parallel_loop3A_395 = vector.shape_cast %parallel_loop3A_394 : vector<1x16xf32> to vector<16xf32>
        %parallel_loop3A_396 = vector.shape_cast %parallel_loop3A_391 : vector<16xf32> to vector<1x16xf32>
        tpu.vector_store %arg12[%parallel_loop3A_392, %parallel_loop3A_393], %parallel_loop3A_396 {add = true, strides = array<i32>} : memref<32x512xf32, #tpu.memory_space<vmem>>, vector<1x16xf32>,
        %parallel_loop3A_397 = arith.index_cast %parallel_loop3A_171 : i32 to index
        %parallel_loop3A_398 = arith.constant 400 : index
        %parallel_loop3A_399 = tpu.vector_load %arg8[%parallel_loop3A_397, %parallel_loop3A_398] {strides = array<i32>} : memref<64x512xf32, #tpu.memory_space<vmem>>, vector<1x16xf32>,
        %parallel_loop3A_400 = vector.shape_cast %parallel_loop3A_399 : vector<1x16xf32> to vector<16xf32>
        %parallel_loop3A_401 = arith.index_cast %parallel_loop3A_163 : i32 to index
        %parallel_loop3A_402 = arith.constant 400 : index
        %parallel_loop3A_403 = tpu.vector_load %arg12[%parallel_loop3A_401, %parallel_loop3A_402] {strides = array<i32>} : memref<32x512xf32, #tpu.memory_space<vmem>>, vector<1x16xf32>,
        %parallel_loop3A_404 = vector.shape_cast %parallel_loop3A_403 : vector<1x16xf32> to vector<16xf32>
        %parallel_loop3A_405 = vector.shape_cast %parallel_loop3A_400 : vector<16xf32> to vector<1x16xf32>
        tpu.vector_store %arg12[%parallel_loop3A_401, %parallel_loop3A_402], %parallel_loop3A_405 {add = true, strides = array<i32>} : memref<32x512xf32, #tpu.memory_space<vmem>>, vector<1x16xf32>,
        %parallel_loop3A_406 = arith.index_cast %parallel_loop3A_171 : i32 to index
        %parallel_loop3A_407 = arith.constant 416 : index
        %parallel_loop3A_408 = tpu.vector_load %arg8[%parallel_loop3A_406, %parallel_loop3A_407] {strides = array<i32>} : memref<64x512xf32, #tpu.memory_space<vmem>>, vector<1x16xf32>,
        %parallel_loop3A_409 = vector.shape_cast %parallel_loop3A_408 : vector<1x16xf32> to vector<16xf32>
        %parallel_loop3A_410 = arith.index_cast %parallel_loop3A_163 : i32 to index
        %parallel_loop3A_411 = arith.constant 416 : index
        %parallel_loop3A_412 = tpu.vector_load %arg12[%parallel_loop3A_410, %parallel_loop3A_411] {strides = array<i32>} : memref<32x512xf32, #tpu.memory_space<vmem>>, vector<1x16xf32>,
        %parallel_loop3A_413 = vector.shape_cast %parallel_loop3A_412 : vector<1x16xf32> to vector<16xf32>
        %parallel_loop3A_414 = vector.shape_cast %parallel_loop3A_409 : vector<16xf32> to vector<1x16xf32>
        tpu.vector_store %arg12[%parallel_loop3A_410, %parallel_loop3A_411], %parallel_loop3A_414 {add = true, strides = array<i32>} : memref<32x512xf32, #tpu.memory_space<vmem>>, vector<1x16xf32>,
        %parallel_loop3A_415 = arith.index_cast %parallel_loop3A_171 : i32 to index
        %parallel_loop3A_416 = arith.constant 432 : index
        %parallel_loop3A_417 = tpu.vector_load %arg8[%parallel_loop3A_415, %parallel_loop3A_416] {strides = array<i32>} : memref<64x512xf32, #tpu.memory_space<vmem>>, vector<1x16xf32>,
        %parallel_loop3A_418 = vector.shape_cast %parallel_loop3A_417 : vector<1x16xf32> to vector<16xf32>
        %parallel_loop3A_419 = arith.index_cast %parallel_loop3A_163 : i32 to index
        %parallel_loop3A_420 = arith.constant 432 : index
        %parallel_loop3A_421 = tpu.vector_load %arg12[%parallel_loop3A_419, %parallel_loop3A_420] {strides = array<i32>} : memref<32x512xf32, #tpu.memory_space<vmem>>, vector<1x16xf32>,
        %parallel_loop3A_422 = vector.shape_cast %parallel_loop3A_421 : vector<1x16xf32> to vector<16xf32>
        %parallel_loop3A_423 = vector.shape_cast %parallel_loop3A_418 : vector<16xf32> to vector<1x16xf32>
        tpu.vector_store %arg12[%parallel_loop3A_419, %parallel_loop3A_420], %parallel_loop3A_423 {add = true, strides = array<i32>} : memref<32x512xf32, #tpu.memory_space<vmem>>, vector<1x16xf32>,
        %parallel_loop3A_424 = arith.index_cast %parallel_loop3A_171 : i32 to index
        %parallel_loop3A_425 = arith.constant 448 : index
        %parallel_loop3A_426 = tpu.vector_load %arg8[%parallel_loop3A_424, %parallel_loop3A_425] {strides = array<i32>} : memref<64x512xf32, #tpu.memory_space<vmem>>, vector<1x16xf32>,
        %parallel_loop3A_427 = vector.shape_cast %parallel_loop3A_426 : vector<1x16xf32> to vector<16xf32>
        %parallel_loop3A_428 = arith.index_cast %parallel_loop3A_163 : i32 to index
        %parallel_loop3A_429 = arith.constant 448 : index
        %parallel_loop3A_430 = tpu.vector_load %arg12[%parallel_loop3A_428, %parallel_loop3A_429] {strides = array<i32>} : memref<32x512xf32, #tpu.memory_space<vmem>>, vector<1x16xf32>,
        %parallel_loop3A_431 = vector.shape_cast %parallel_loop3A_430 : vector<1x16xf32> to vector<16xf32>
        %parallel_loop3A_432 = vector.shape_cast %parallel_loop3A_427 : vector<16xf32> to vector<1x16xf32>
        tpu.vector_store %arg12[%parallel_loop3A_428, %parallel_loop3A_429], %parallel_loop3A_432 {add = true, strides = array<i32>} : memref<32x512xf32, #tpu.memory_space<vmem>>, vector<1x16xf32>,
        %parallel_loop3A_433 = arith.index_cast %parallel_loop3A_171 : i32 to index
        %parallel_loop3A_434 = arith.constant 464 : index
        %parallel_loop3A_435 = tpu.vector_load %arg8[%parallel_loop3A_433, %parallel_loop3A_434] {strides = array<i32>} : memref<64x512xf32, #tpu.memory_space<vmem>>, vector<1x16xf32>,
        %parallel_loop3A_436 = vector.shape_cast %parallel_loop3A_435 : vector<1x16xf32> to vector<16xf32>
        %parallel_loop3A_437 = arith.index_cast %parallel_loop3A_163 : i32 to index
        %parallel_loop3A_438 = arith.constant 464 : index
        %parallel_loop3A_439 = tpu.vector_load %arg12[%parallel_loop3A_437, %parallel_loop3A_438] {strides = array<i32>} : memref<32x512xf32, #tpu.memory_space<vmem>>, vector<1x16xf32>,
        %parallel_loop3A_440 = vector.shape_cast %parallel_loop3A_439 : vector<1x16xf32> to vector<16xf32>
        %parallel_loop3A_441 = vector.shape_cast %parallel_loop3A_436 : vector<16xf32> to vector<1x16xf32>
        tpu.vector_store %arg12[%parallel_loop3A_437, %parallel_loop3A_438], %parallel_loop3A_441 {add = true, strides = array<i32>} : memref<32x512xf32, #tpu.memory_space<vmem>>, vector<1x16xf32>,
        %parallel_loop3A_442 = arith.index_cast %parallel_loop3A_171 : i32 to index
        %parallel_loop3A_443 = arith.constant 480 : index
        %parallel_loop3A_444 = tpu.vector_load %arg8[%parallel_loop3A_442, %parallel_loop3A_443] {strides = array<i32>} : memref<64x512xf32, #tpu.memory_space<vmem>>, vector<1x16xf32>,
        %parallel_loop3A_445 = vector.shape_cast %parallel_loop3A_444 : vector<1x16xf32> to vector<16xf32>
        %parallel_loop3A_446 = arith.index_cast %parallel_loop3A_163 : i32 to index
        %parallel_loop3A_447 = arith.constant 480 : index
        %parallel_loop3A_448 = tpu.vector_load %arg12[%parallel_loop3A_446, %parallel_loop3A_447] {strides = array<i32>} : memref<32x512xf32, #tpu.memory_space<vmem>>, vector<1x16xf32>,
        %parallel_loop3A_449 = vector.shape_cast %parallel_loop3A_448 : vector<1x16xf32> to vector<16xf32>
        %parallel_loop3A_450 = vector.shape_cast %parallel_loop3A_445 : vector<16xf32> to vector<1x16xf32>
        tpu.vector_store %arg12[%parallel_loop3A_446, %parallel_loop3A_447], %parallel_loop3A_450 {add = true, strides = array<i32>} : memref<32x512xf32, #tpu.memory_space<vmem>>, vector<1x16xf32>,
        %parallel_loop3A_451 = arith.index_cast %parallel_loop3A_171 : i32 to index
        %parallel_loop3A_452 = arith.constant 496 : index
        %parallel_loop3A_453 = tpu.vector_load %arg8[%parallel_loop3A_451, %parallel_loop3A_452] {strides = array<i32>} : memref<64x512xf32, #tpu.memory_space<vmem>>, vector<1x16xf32>,
        %parallel_loop3A_454 = vector.shape_cast %parallel_loop3A_453 : vector<1x16xf32> to vector<16xf32>
        %parallel_loop3A_455 = arith.index_cast %parallel_loop3A_163 : i32 to index
        %parallel_loop3A_456 = arith.constant 496 : index
        %parallel_loop3A_457 = tpu.vector_load %arg12[%parallel_loop3A_455, %parallel_loop3A_456] {strides = array<i32>} : memref<32x512xf32, #tpu.memory_space<vmem>>, vector<1x16xf32>,
        %parallel_loop3A_458 = vector.shape_cast %parallel_loop3A_457 : vector<1x16xf32> to vector<16xf32>
        %parallel_loop3A_459 = vector.shape_cast %parallel_loop3A_454 : vector<16xf32> to vector<1x16xf32>
        tpu.vector_store %arg12[%parallel_loop3A_455, %parallel_loop3A_456], %parallel_loop3A_459 {add = true, strides = array<i32>} : memref<32x512xf32, #tpu.memory_space<vmem>>, vector<1x16xf32>,
      } {sc.loop_unroll_factor = 1 : i64, sc.parallel_access}
      %mul3A_102 = arith.constant 32 : i32
      %mul3A_103 = arith.muli %add3A_82, %mul3A_102 : i32
      %add3A_104 = arith.addi %mul3A_0, %mul3A_103 : i32
      %dma_start3A_105 = tpu.memref_slice %arg6[%add3A_104, %mul3A_2] : memref<16384x1024xf32, #tpu.memory_space<hbm>> -> memref<32x512xf32, #tpu.memory_space<hbm>>
      %dma_start3A_106 = tpu.memref_slice %arg6[%add3A_104, %mul3A_2] : memref<16384x1024xf32, #tpu.memory_space<hbm>> -> memref<32x512xf32, #tpu.memory_space<hbm>>
      tpu.enqueue_dma source(%arg12 : memref<32x512xf32, #tpu.memory_space<vmem>>) target(%dma_start3A_106 : memref<32x512xf32, #tpu.memory_space<hbm>>) target_semaphore(%arg20 : memref<!tpu.dma_semaphore, #tpu.memory_space<semaphore_mem>>)
      %mul3A_107 = arith.constant 4 : i32
      %mul3A_108 = arith.muli %scan3A_54, %mul3A_107 : i32
      %add3A_109 = arith.constant 2 : i32
      %add3A_110 = arith.addi %mul3A_108, %add3A_109 : i32
      %add3A_111 = arith.constant 2 : i32
      %add3A_112 = arith.addi %add3A_110, %add3A_111 : i32
      %lt3A_113 = arith.constant 32 : i32
      %lt3A_114 = arith.cmpi slt, %add3A_112, %lt3A_113 : i32
      %convert_element_type3A_115 = arith.extui %lt3A_114 : i1 to i32
      %cond3A_116 = arith.constant 0 : i32
      %cond3A_117 = arith.constant 0 : i32
      %cond3A_118 = arith.cmpi ne, %convert_element_type3A_115, %cond3A_117 : i32
      %cond3A_119 = scf.if %cond3A_118 -> (i32) {
        %sub3A = arith.constant 4 : i32
        %sub3A_163 = arith.subi %add3A_112, %sub3A : i32
        %ge3A = arith.constant 0 : i32
        %ge3A_164 = arith.cmpi sge, %sub3A_163, %ge3A : i32
        %convert_element_type3A_165 = arith.extui %ge3A_164 : i1 to i32
        %cond3A_166 = arith.constant 0 : i32
        %cond3A_167 = arith.constant 0 : i32
        %cond3A_168 = arith.cmpi ne, %convert_element_type3A_165, %cond3A_167 : i32
        %cond3A_169 = scf.if %cond3A_168 -> (i32) {
          %sub3A_178 = arith.constant 4 : i32
          %sub3A_179 = arith.subi %add3A_112, %sub3A_178 : i32
          %mul3A_180 = arith.constant 32 : i32
          %mul3A_181 = arith.muli %sub3A_179, %mul3A_180 : i32
          %add3A_182 = arith.addi %mul3A_0, %mul3A_181 : i32
          %dma_wait3A_183 = tpu.memref_slice %arg6[%add3A_182, %mul3A_2] : memref<16384x1024xf32, #tpu.memory_space<hbm>> -> memref<32x512xf32, #tpu.memory_space<hbm>>
          %dma_wait3A_184 = tpu.memref_slice %arg6[%add3A_182, %mul3A_2] : memref<16384x1024xf32, #tpu.memory_space<hbm>> -> memref<32x512xf32, #tpu.memory_space<hbm>>
          tpu.wait_dma2 semaphore(%arg19 : memref<!tpu.dma_semaphore, #tpu.memory_space<semaphore_mem>>) src(%arg11 : memref<32x512xf32, #tpu.memory_space<vmem>>) dst(%dma_wait3A_184 : memref<32x512xf32, #tpu.memory_space<hbm>>)
          %cond3A_185 = arith.constant 0 : i32
          scf.yield %cond3A_185 : i32
        } else {
          %cond3A_178 = arith.constant 0 : i32
          scf.yield %cond3A_178 : i32
        }
        %mul3A_170 = arith.constant 32 : i32
        %mul3A_171 = arith.muli %add3A_112, %mul3A_170 : i32
        %multiple_of3A_172 = tpu.assume_multiple %mul3A_171, 32 : i32
        %dma_start3A_173 = tpu.memref_slice %arg10[%multiple_of3A_172] : memref<1024xi32, #tpu.memory_space<vmem>> -> memref<32xi32, #tpu.memory_space<vmem>>
        %dma_start3A_174 = arith.constant 0 : i32
        %dma_start3A_175 = arith.constant 0 : i32
        %dma_start3A_176 = tpu.memref_slice %arg7[%dma_start3A_174, %dma_start3A_175] : memref<2048x512xf32, #tpu.memory_space<hbm>> -> memref<2048x512xf32, #tpu.memory_space<hbm>>
        tpu.enqueue_indirect_dma source(%dma_start3A_176 : memref<2048x512xf32, #tpu.memory_space<hbm>>) target(%arg11 : memref<32x512xf32, #tpu.memory_space<vmem>>) offsets(%dma_start3A_173 : memref<32xi32, #tpu.memory_space<vmem>>) semaphore(%arg15 : memref<!tpu.dma_semaphore, #tpu.memory_space<semaphore_mem>>)
        %cond3A_177 = arith.constant 0 : i32
        scf.yield %cond3A_177 : i32
      } else {
        %cond3A_163 = arith.constant 0 : i32
        scf.yield %cond3A_163 : i32
      }
      %mul3A_120 = arith.constant 32 : i32
      %mul3A_121 = arith.muli %add3A_110, %mul3A_120 : i32
      %multiple_of3A_122 = tpu.assume_multiple %mul3A_121, 32 : i32
      %dma_wait3A_123 = tpu.memref_slice %arg10[%multiple_of3A_122] : memref<1024xi32, #tpu.memory_space<vmem>> -> memref<32xi32, #tpu.memory_space<vmem>>
      %dma_wait3A_124 = arith.constant 0 : i32
      %dma_wait3A_125 = arith.constant 0 : i32
      %dma_wait3A_126 = tpu.memref_slice %arg7[%dma_wait3A_124, %dma_wait3A_125] : memref<2048x512xf32, #tpu.memory_space<hbm>> -> memref<2048x512xf32, #tpu.memory_space<hbm>>
      tpu.wait_indirect_dma semaphore(%arg17 : memref<!tpu.dma_semaphore, #tpu.memory_space<semaphore_mem>>) src(%dma_wait3A_126 : memref<2048x512xf32, #tpu.memory_space<hbm>>) dst(%arg13 : memref<32x512xf32, #tpu.memory_space<vmem>>)
      %parallel_loop3A_127 = arith.constant 0 : i32
      %parallel_loop3A_128 = arith.constant 32 : i32
      %parallel_loop3A_129 = arith.constant 1 : i32
      scf.for %parallel_loop3A_163 = %parallel_loop3A_127 to %parallel_loop3A_128 step %parallel_loop3A_129  : i32 {
        %parallel_loop3A_164 = arith.constant 32 : i32
        %parallel_loop3A_165 = arith.muli %add3A_110, %parallel_loop3A_164 : i32
        %parallel_loop3A_166 = arith.addi %parallel_loop3A_165, %parallel_loop3A_163 : i32
        %parallel_loop3A_167 = arith.index_cast %parallel_loop3A_166 : i32 to index
        %parallel_loop3A_168 = tpu.vector_load %arg9[%parallel_loop3A_167] {strides = array<i32>} : memref<1040xi32, #tpu.memory_space<vmem>>, vector<16xi32>,
        %parallel_loop3A_169 = vector.shape_cast %parallel_loop3A_168 : vector<16xi32> to vector<16xi32>
        %parallel_loop3A_170 = vector.extract_strided_slice %parallel_loop3A_169 {offsets = [0], sizes = [1], strides = [1]} : vector<16xi32> to vector<1xi32>
        %parallel_loop3A_171 = vector.extract %parallel_loop3A_170[0] : i32 from vector<1xi32>
        %parallel_loop3A_172 = arith.index_cast %parallel_loop3A_171 : i32 to index
        %parallel_loop3A_173 = arith.constant 0 : index
        %parallel_loop3A_174 = tpu.vector_load %arg8[%parallel_loop3A_172, %parallel_loop3A_173] {strides = array<i32>} : memref<64x512xf32, #tpu.memory_space<vmem>>, vector<1x16xf32>,
        %parallel_loop3A_175 = vector.shape_cast %parallel_loop3A_174 : vector<1x16xf32> to vector<16xf32>
        %parallel_loop3A_176 = arith.index_cast %parallel_loop3A_163 : i32 to index
        %parallel_loop3A_177 = arith.constant 0 : index
        %parallel_loop3A_178 = tpu.vector_load %arg13[%parallel_loop3A_176, %parallel_loop3A_177] {strides = array<i32>} : memref<32x512xf32, #tpu.memory_space<vmem>>, vector<1x16xf32>,
        %parallel_loop3A_179 = vector.shape_cast %parallel_loop3A_178 : vector<1x16xf32> to vector<16xf32>
        %parallel_loop3A_180 = vector.shape_cast %parallel_loop3A_175 : vector<16xf32> to vector<1x16xf32>
        tpu.vector_store %arg13[%parallel_loop3A_176, %parallel_loop3A_177], %parallel_loop3A_180 {add = true, strides = array<i32>} : memref<32x512xf32, #tpu.memory_space<vmem>>, vector<1x16xf32>,
        %parallel_loop3A_181 = arith.index_cast %parallel_loop3A_171 : i32 to index
        %parallel_loop3A_182 = arith.constant 16 : index
        %parallel_loop3A_183 = tpu.vector_load %arg8[%parallel_loop3A_181, %parallel_loop3A_182] {strides = array<i32>} : memref<64x512xf32, #tpu.memory_space<vmem>>, vector<1x16xf32>,
        %parallel_loop3A_184 = vector.shape_cast %parallel_loop3A_183 : vector<1x16xf32> to vector<16xf32>
        %parallel_loop3A_185 = arith.index_cast %parallel_loop3A_163 : i32 to index
        %parallel_loop3A_186 = arith.constant 16 : index
        %parallel_loop3A_187 = tpu.vector_load %arg13[%parallel_loop3A_185, %parallel_loop3A_186] {strides = array<i32>} : memref<32x512xf32, #tpu.memory_space<vmem>>, vector<1x16xf32>,
        %parallel_loop3A_188 = vector.shape_cast %parallel_loop3A_187 : vector<1x16xf32> to vector<16xf32>
        %parallel_loop3A_189 = vector.shape_cast %parallel_loop3A_184 : vector<16xf32> to vector<1x16xf32>
        tpu.vector_store %arg13[%parallel_loop3A_185, %parallel_loop3A_186], %parallel_loop3A_189 {add = true, strides = array<i32>} : memref<32x512xf32, #tpu.memory_space<vmem>>, vector<1x16xf32>,
        %parallel_loop3A_190 = arith.index_cast %parallel_loop3A_171 : i32 to index
        %parallel_loop3A_191 = arith.constant 32 : index
        %parallel_loop3A_192 = tpu.vector_load %arg8[%parallel_loop3A_190, %parallel_loop3A_191] {strides = array<i32>} : memref<64x512xf32, #tpu.memory_space<vmem>>, vector<1x16xf32>,
        %parallel_loop3A_193 = vector.shape_cast %parallel_loop3A_192 : vector<1x16xf32> to vector<16xf32>
        %parallel_loop3A_194 = arith.index_cast %parallel_loop3A_163 : i32 to index
        %parallel_loop3A_195 = arith.constant 32 : index
        %parallel_loop3A_196 = tpu.vector_load %arg13[%parallel_loop3A_194, %parallel_loop3A_195] {strides = array<i32>} : memref<32x512xf32, #tpu.memory_space<vmem>>, vector<1x16xf32>,
        %parallel_loop3A_197 = vector.shape_cast %parallel_loop3A_196 : vector<1x16xf32> to vector<16xf32>
        %parallel_loop3A_198 = vector.shape_cast %parallel_loop3A_193 : vector<16xf32> to vector<1x16xf32>
        tpu.vector_store %arg13[%parallel_loop3A_194, %parallel_loop3A_195], %parallel_loop3A_198 {add = true, strides = array<i32>} : memref<32x512xf32, #tpu.memory_space<vmem>>, vector<1x16xf32>,
        %parallel_loop3A_199 = arith.index_cast %parallel_loop3A_171 : i32 to index
        %parallel_loop3A_200 = arith.constant 48 : index
        %parallel_loop3A_201 = tpu.vector_load %arg8[%parallel_loop3A_199, %parallel_loop3A_200] {strides = array<i32>} : memref<64x512xf32, #tpu.memory_space<vmem>>, vector<1x16xf32>,
        %parallel_loop3A_202 = vector.shape_cast %parallel_loop3A_201 : vector<1x16xf32> to vector<16xf32>
        %parallel_loop3A_203 = arith.index_cast %parallel_loop3A_163 : i32 to index
        %parallel_loop3A_204 = arith.constant 48 : index
        %parallel_loop3A_205 = tpu.vector_load %arg13[%parallel_loop3A_203, %parallel_loop3A_204] {strides = array<i32>} : memref<32x512xf32, #tpu.memory_space<vmem>>, vector<1x16xf32>,
        %parallel_loop3A_206 = vector.shape_cast %parallel_loop3A_205 : vector<1x16xf32> to vector<16xf32>
        %parallel_loop3A_207 = vector.shape_cast %parallel_loop3A_202 : vector<16xf32> to vector<1x16xf32>
        tpu.vector_store %arg13[%parallel_loop3A_203, %parallel_loop3A_204], %parallel_loop3A_207 {add = true, strides = array<i32>} : memref<32x512xf32, #tpu.memory_space<vmem>>, vector<1x16xf32>,
        %parallel_loop3A_208 = arith.index_cast %parallel_loop3A_171 : i32 to index
        %parallel_loop3A_209 = arith.constant 64 : index
        %parallel_loop3A_210 = tpu.vector_load %arg8[%parallel_loop3A_208, %parallel_loop3A_209] {strides = array<i32>} : memref<64x512xf32, #tpu.memory_space<vmem>>, vector<1x16xf32>,
        %parallel_loop3A_211 = vector.shape_cast %parallel_loop3A_210 : vector<1x16xf32> to vector<16xf32>
        %parallel_loop3A_212 = arith.index_cast %parallel_loop3A_163 : i32 to index
        %parallel_loop3A_213 = arith.constant 64 : index
        %parallel_loop3A_214 = tpu.vector_load %arg13[%parallel_loop3A_212, %parallel_loop3A_213] {strides = array<i32>} : memref<32x512xf32, #tpu.memory_space<vmem>>, vector<1x16xf32>,
        %parallel_loop3A_215 = vector.shape_cast %parallel_loop3A_214 : vector<1x16xf32> to vector<16xf32>
        %parallel_loop3A_216 = vector.shape_cast %parallel_loop3A_211 : vector<16xf32> to vector<1x16xf32>
        tpu.vector_store %arg13[%parallel_loop3A_212, %parallel_loop3A_213], %parallel_loop3A_216 {add = true, strides = array<i32>} : memref<32x512xf32, #tpu.memory_space<vmem>>, vector<1x16xf32>,
        %parallel_loop3A_217 = arith.index_cast %parallel_loop3A_171 : i32 to index
        %parallel_loop3A_218 = arith.constant 80 : index
        %parallel_loop3A_219 = tpu.vector_load %arg8[%parallel_loop3A_217, %parallel_loop3A_218] {strides = array<i32>} : memref<64x512xf32, #tpu.memory_space<vmem>>, vector<1x16xf32>,
        %parallel_loop3A_220 = vector.shape_cast %parallel_loop3A_219 : vector<1x16xf32> to vector<16xf32>
        %parallel_loop3A_221 = arith.index_cast %parallel_loop3A_163 : i32 to index
        %parallel_loop3A_222 = arith.constant 80 : index
        %parallel_loop3A_223 = tpu.vector_load %arg13[%parallel_loop3A_221, %parallel_loop3A_222] {strides = array<i32>} : memref<32x512xf32, #tpu.memory_space<vmem>>, vector<1x16xf32>,
        %parallel_loop3A_224 = vector.shape_cast %parallel_loop3A_223 : vector<1x16xf32> to vector<16xf32>
        %parallel_loop3A_225 = vector.shape_cast %parallel_loop3A_220 : vector<16xf32> to vector<1x16xf32>
        tpu.vector_store %arg13[%parallel_loop3A_221, %parallel_loop3A_222], %parallel_loop3A_225 {add = true, strides = array<i32>} : memref<32x512xf32, #tpu.memory_space<vmem>>, vector<1x16xf32>,
        %parallel_loop3A_226 = arith.index_cast %parallel_loop3A_171 : i32 to index
        %parallel_loop3A_227 = arith.constant 96 : index
        %parallel_loop3A_228 = tpu.vector_load %arg8[%parallel_loop3A_226, %parallel_loop3A_227] {strides = array<i32>} : memref<64x512xf32, #tpu.memory_space<vmem>>, vector<1x16xf32>,
        %parallel_loop3A_229 = vector.shape_cast %parallel_loop3A_228 : vector<1x16xf32> to vector<16xf32>
        %parallel_loop3A_230 = arith.index_cast %parallel_loop3A_163 : i32 to index
        %parallel_loop3A_231 = arith.constant 96 : index
        %parallel_loop3A_232 = tpu.vector_load %arg13[%parallel_loop3A_230, %parallel_loop3A_231] {strides = array<i32>} : memref<32x512xf32, #tpu.memory_space<vmem>>, vector<1x16xf32>,
        %parallel_loop3A_233 = vector.shape_cast %parallel_loop3A_232 : vector<1x16xf32> to vector<16xf32>
        %parallel_loop3A_234 = vector.shape_cast %parallel_loop3A_229 : vector<16xf32> to vector<1x16xf32>
        tpu.vector_store %arg13[%parallel_loop3A_230, %parallel_loop3A_231], %parallel_loop3A_234 {add = true, strides = array<i32>} : memref<32x512xf32, #tpu.memory_space<vmem>>, vector<1x16xf32>,
        %parallel_loop3A_235 = arith.index_cast %parallel_loop3A_171 : i32 to index
        %parallel_loop3A_236 = arith.constant 112 : index
        %parallel_loop3A_237 = tpu.vector_load %arg8[%parallel_loop3A_235, %parallel_loop3A_236] {strides = array<i32>} : memref<64x512xf32, #tpu.memory_space<vmem>>, vector<1x16xf32>,
        %parallel_loop3A_238 = vector.shape_cast %parallel_loop3A_237 : vector<1x16xf32> to vector<16xf32>
        %parallel_loop3A_239 = arith.index_cast %parallel_loop3A_163 : i32 to index
        %parallel_loop3A_240 = arith.constant 112 : index
        %parallel_loop3A_241 = tpu.vector_load %arg13[%parallel_loop3A_239, %parallel_loop3A_240] {strides = array<i32>} : memref<32x512xf32, #tpu.memory_space<vmem>>, vector<1x16xf32>,
        %parallel_loop3A_242 = vector.shape_cast %parallel_loop3A_241 : vector<1x16xf32> to vector<16xf32>
        %parallel_loop3A_243 = vector.shape_cast %parallel_loop3A_238 : vector<16xf32> to vector<1x16xf32>
        tpu.vector_store %arg13[%parallel_loop3A_239, %parallel_loop3A_240], %parallel_loop3A_243 {add = true, strides = array<i32>} : memref<32x512xf32, #tpu.memory_space<vmem>>, vector<1x16xf32>,
        %parallel_loop3A_244 = arith.index_cast %parallel_loop3A_171 : i32 to index
        %parallel_loop3A_245 = arith.constant 128 : index
        %parallel_loop3A_246 = tpu.vector_load %arg8[%parallel_loop3A_244, %parallel_loop3A_245] {strides = array<i32>} : memref<64x512xf32, #tpu.memory_space<vmem>>, vector<1x16xf32>,
        %parallel_loop3A_247 = vector.shape_cast %parallel_loop3A_246 : vector<1x16xf32> to vector<16xf32>
        %parallel_loop3A_248 = arith.index_cast %parallel_loop3A_163 : i32 to index
        %parallel_loop3A_249 = arith.constant 128 : index
        %parallel_loop3A_250 = tpu.vector_load %arg13[%parallel_loop3A_248, %parallel_loop3A_249] {strides = array<i32>} : memref<32x512xf32, #tpu.memory_space<vmem>>, vector<1x16xf32>,
        %parallel_loop3A_251 = vector.shape_cast %parallel_loop3A_250 : vector<1x16xf32> to vector<16xf32>
        %parallel_loop3A_252 = vector.shape_cast %parallel_loop3A_247 : vector<16xf32> to vector<1x16xf32>
        tpu.vector_store %arg13[%parallel_loop3A_248, %parallel_loop3A_249], %parallel_loop3A_252 {add = true, strides = array<i32>} : memref<32x512xf32, #tpu.memory_space<vmem>>, vector<1x16xf32>,
        %parallel_loop3A_253 = arith.index_cast %parallel_loop3A_171 : i32 to index
        %parallel_loop3A_254 = arith.constant 144 : index
        %parallel_loop3A_255 = tpu.vector_load %arg8[%parallel_loop3A_253, %parallel_loop3A_254] {strides = array<i32>} : memref<64x512xf32, #tpu.memory_space<vmem>>, vector<1x16xf32>,
        %parallel_loop3A_256 = vector.shape_cast %parallel_loop3A_255 : vector<1x16xf32> to vector<16xf32>
        %parallel_loop3A_257 = arith.index_cast %parallel_loop3A_163 : i32 to index
        %parallel_loop3A_258 = arith.constant 144 : index
        %parallel_loop3A_259 = tpu.vector_load %arg13[%parallel_loop3A_257, %parallel_loop3A_258] {strides = array<i32>} : memref<32x512xf32, #tpu.memory_space<vmem>>, vector<1x16xf32>,
        %parallel_loop3A_260 = vector.shape_cast %parallel_loop3A_259 : vector<1x16xf32> to vector<16xf32>
        %parallel_loop3A_261 = vector.shape_cast %parallel_loop3A_256 : vector<16xf32> to vector<1x16xf32>
        tpu.vector_store %arg13[%parallel_loop3A_257, %parallel_loop3A_258], %parallel_loop3A_261 {add = true, strides = array<i32>} : memref<32x512xf32, #tpu.memory_space<vmem>>, vector<1x16xf32>,
        %parallel_loop3A_262 = arith.index_cast %parallel_loop3A_171 : i32 to index
        %parallel_loop3A_263 = arith.constant 160 : index
        %parallel_loop3A_264 = tpu.vector_load %arg8[%parallel_loop3A_262, %parallel_loop3A_263] {strides = array<i32>} : memref<64x512xf32, #tpu.memory_space<vmem>>, vector<1x16xf32>,
        %parallel_loop3A_265 = vector.shape_cast %parallel_loop3A_264 : vector<1x16xf32> to vector<16xf32>
        %parallel_loop3A_266 = arith.index_cast %parallel_loop3A_163 : i32 to index
        %parallel_loop3A_267 = arith.constant 160 : index
        %parallel_loop3A_268 = tpu.vector_load %arg13[%parallel_loop3A_266, %parallel_loop3A_267] {strides = array<i32>} : memref<32x512xf32, #tpu.memory_space<vmem>>, vector<1x16xf32>,
        %parallel_loop3A_269 = vector.shape_cast %parallel_loop3A_268 : vector<1x16xf32> to vector<16xf32>
        %parallel_loop3A_270 = vector.shape_cast %parallel_loop3A_265 : vector<16xf32> to vector<1x16xf32>
        tpu.vector_store %arg13[%parallel_loop3A_266, %parallel_loop3A_267], %parallel_loop3A_270 {add = true, strides = array<i32>} : memref<32x512xf32, #tpu.memory_space<vmem>>, vector<1x16xf32>,
        %parallel_loop3A_271 = arith.index_cast %parallel_loop3A_171 : i32 to index
        %parallel_loop3A_272 = arith.constant 176 : index
        %parallel_loop3A_273 = tpu.vector_load %arg8[%parallel_loop3A_271, %parallel_loop3A_272] {strides = array<i32>} : memref<64x512xf32, #tpu.memory_space<vmem>>, vector<1x16xf32>,
        %parallel_loop3A_274 = vector.shape_cast %parallel_loop3A_273 : vector<1x16xf32> to vector<16xf32>
        %parallel_loop3A_275 = arith.index_cast %parallel_loop3A_163 : i32 to index
        %parallel_loop3A_276 = arith.constant 176 : index
        %parallel_loop3A_277 = tpu.vector_load %arg13[%parallel_loop3A_275, %parallel_loop3A_276] {strides = array<i32>} : memref<32x512xf32, #tpu.memory_space<vmem>>, vector<1x16xf32>,
        %parallel_loop3A_278 = vector.shape_cast %parallel_loop3A_277 : vector<1x16xf32> to vector<16xf32>
        %parallel_loop3A_279 = vector.shape_cast %parallel_loop3A_274 : vector<16xf32> to vector<1x16xf32>
        tpu.vector_store %arg13[%parallel_loop3A_275, %parallel_loop3A_276], %parallel_loop3A_279 {add = true, strides = array<i32>} : memref<32x512xf32, #tpu.memory_space<vmem>>, vector<1x16xf32>,
        %parallel_loop3A_280 = arith.index_cast %parallel_loop3A_171 : i32 to index
        %parallel_loop3A_281 = arith.constant 192 : index
        %parallel_loop3A_282 = tpu.vector_load %arg8[%parallel_loop3A_280, %parallel_loop3A_281] {strides = array<i32>} : memref<64x512xf32, #tpu.memory_space<vmem>>, vector<1x16xf32>,
        %parallel_loop3A_283 = vector.shape_cast %parallel_loop3A_282 : vector<1x16xf32> to vector<16xf32>
        %parallel_loop3A_284 = arith.index_cast %parallel_loop3A_163 : i32 to index
        %parallel_loop3A_285 = arith.constant 192 : index
        %parallel_loop3A_286 = tpu.vector_load %arg13[%parallel_loop3A_284, %parallel_loop3A_285] {strides = array<i32>} : memref<32x512xf32, #tpu.memory_space<vmem>>, vector<1x16xf32>,
        %parallel_loop3A_287 = vector.shape_cast %parallel_loop3A_286 : vector<1x16xf32> to vector<16xf32>
        %parallel_loop3A_288 = vector.shape_cast %parallel_loop3A_283 : vector<16xf32> to vector<1x16xf32>
        tpu.vector_store %arg13[%parallel_loop3A_284, %parallel_loop3A_285], %parallel_loop3A_288 {add = true, strides = array<i32>} : memref<32x512xf32, #tpu.memory_space<vmem>>, vector<1x16xf32>,
        %parallel_loop3A_289 = arith.index_cast %parallel_loop3A_171 : i32 to index
        %parallel_loop3A_290 = arith.constant 208 : index
        %parallel_loop3A_291 = tpu.vector_load %arg8[%parallel_loop3A_289, %parallel_loop3A_290] {strides = array<i32>} : memref<64x512xf32, #tpu.memory_space<vmem>>, vector<1x16xf32>,
        %parallel_loop3A_292 = vector.shape_cast %parallel_loop3A_291 : vector<1x16xf32> to vector<16xf32>
        %parallel_loop3A_293 = arith.index_cast %parallel_loop3A_163 : i32 to index
        %parallel_loop3A_294 = arith.constant 208 : index
        %parallel_loop3A_295 = tpu.vector_load %arg13[%parallel_loop3A_293, %parallel_loop3A_294] {strides = array<i32>} : memref<32x512xf32, #tpu.memory_space<vmem>>, vector<1x16xf32>,
        %parallel_loop3A_296 = vector.shape_cast %parallel_loop3A_295 : vector<1x16xf32> to vector<16xf32>
        %parallel_loop3A_297 = vector.shape_cast %parallel_loop3A_292 : vector<16xf32> to vector<1x16xf32>
        tpu.vector_store %arg13[%parallel_loop3A_293, %parallel_loop3A_294], %parallel_loop3A_297 {add = true, strides = array<i32>} : memref<32x512xf32, #tpu.memory_space<vmem>>, vector<1x16xf32>,
        %parallel_loop3A_298 = arith.index_cast %parallel_loop3A_171 : i32 to index
        %parallel_loop3A_299 = arith.constant 224 : index
        %parallel_loop3A_300 = tpu.vector_load %arg8[%parallel_loop3A_298, %parallel_loop3A_299] {strides = array<i32>} : memref<64x512xf32, #tpu.memory_space<vmem>>, vector<1x16xf32>,
        %parallel_loop3A_301 = vector.shape_cast %parallel_loop3A_300 : vector<1x16xf32> to vector<16xf32>
        %parallel_loop3A_302 = arith.index_cast %parallel_loop3A_163 : i32 to index
        %parallel_loop3A_303 = arith.constant 224 : index
        %parallel_loop3A_304 = tpu.vector_load %arg13[%parallel_loop3A_302, %parallel_loop3A_303] {strides = array<i32>} : memref<32x512xf32, #tpu.memory_space<vmem>>, vector<1x16xf32>,
        %parallel_loop3A_305 = vector.shape_cast %parallel_loop3A_304 : vector<1x16xf32> to vector<16xf32>
        %parallel_loop3A_306 = vector.shape_cast %parallel_loop3A_301 : vector<16xf32> to vector<1x16xf32>
        tpu.vector_store %arg13[%parallel_loop3A_302, %parallel_loop3A_303], %parallel_loop3A_306 {add = true, strides = array<i32>} : memref<32x512xf32, #tpu.memory_space<vmem>>, vector<1x16xf32>,
        %parallel_loop3A_307 = arith.index_cast %parallel_loop3A_171 : i32 to index
        %parallel_loop3A_308 = arith.constant 240 : index
        %parallel_loop3A_309 = tpu.vector_load %arg8[%parallel_loop3A_307, %parallel_loop3A_308] {strides = array<i32>} : memref<64x512xf32, #tpu.memory_space<vmem>>, vector<1x16xf32>,
        %parallel_loop3A_310 = vector.shape_cast %parallel_loop3A_309 : vector<1x16xf32> to vector<16xf32>
        %parallel_loop3A_311 = arith.index_cast %parallel_loop3A_163 : i32 to index
        %parallel_loop3A_312 = arith.constant 240 : index
        %parallel_loop3A_313 = tpu.vector_load %arg13[%parallel_loop3A_311, %parallel_loop3A_312] {strides = array<i32>} : memref<32x512xf32, #tpu.memory_space<vmem>>, vector<1x16xf32>,
        %parallel_loop3A_314 = vector.shape_cast %parallel_loop3A_313 : vector<1x16xf32> to vector<16xf32>
        %parallel_loop3A_315 = vector.shape_cast %parallel_loop3A_310 : vector<16xf32> to vector<1x16xf32>
        tpu.vector_store %arg13[%parallel_loop3A_311, %parallel_loop3A_312], %parallel_loop3A_315 {add = true, strides = array<i32>} : memref<32x512xf32, #tpu.memory_space<vmem>>, vector<1x16xf32>,
        %parallel_loop3A_316 = arith.index_cast %parallel_loop3A_171 : i32 to index
        %parallel_loop3A_317 = arith.constant 256 : index
        %parallel_loop3A_318 = tpu.vector_load %arg8[%parallel_loop3A_316, %parallel_loop3A_317] {strides = array<i32>} : memref<64x512xf32, #tpu.memory_space<vmem>>, vector<1x16xf32>,
        %parallel_loop3A_319 = vector.shape_cast %parallel_loop3A_318 : vector<1x16xf32> to vector<16xf32>
        %parallel_loop3A_320 = arith.index_cast %parallel_loop3A_163 : i32 to index
        %parallel_loop3A_321 = arith.constant 256 : index
        %parallel_loop3A_322 = tpu.vector_load %arg13[%parallel_loop3A_320, %parallel_loop3A_321] {strides = array<i32>} : memref<32x512xf32, #tpu.memory_space<vmem>>, vector<1x16xf32>,
        %parallel_loop3A_323 = vector.shape_cast %parallel_loop3A_322 : vector<1x16xf32> to vector<16xf32>
        %parallel_loop3A_324 = vector.shape_cast %parallel_loop3A_319 : vector<16xf32> to vector<1x16xf32>
        tpu.vector_store %arg13[%parallel_loop3A_320, %parallel_loop3A_321], %parallel_loop3A_324 {add = true, strides = array<i32>} : memref<32x512xf32, #tpu.memory_space<vmem>>, vector<1x16xf32>,
        %parallel_loop3A_325 = arith.index_cast %parallel_loop3A_171 : i32 to index
        %parallel_loop3A_326 = arith.constant 272 : index
        %parallel_loop3A_327 = tpu.vector_load %arg8[%parallel_loop3A_325, %parallel_loop3A_326] {strides = array<i32>} : memref<64x512xf32, #tpu.memory_space<vmem>>, vector<1x16xf32>,
        %parallel_loop3A_328 = vector.shape_cast %parallel_loop3A_327 : vector<1x16xf32> to vector<16xf32>
        %parallel_loop3A_329 = arith.index_cast %parallel_loop3A_163 : i32 to index
        %parallel_loop3A_330 = arith.constant 272 : index
        %parallel_loop3A_331 = tpu.vector_load %arg13[%parallel_loop3A_329, %parallel_loop3A_330] {strides = array<i32>} : memref<32x512xf32, #tpu.memory_space<vmem>>, vector<1x16xf32>,
        %parallel_loop3A_332 = vector.shape_cast %parallel_loop3A_331 : vector<1x16xf32> to vector<16xf32>
        %parallel_loop3A_333 = vector.shape_cast %parallel_loop3A_328 : vector<16xf32> to vector<1x16xf32>
        tpu.vector_store %arg13[%parallel_loop3A_329, %parallel_loop3A_330], %parallel_loop3A_333 {add = true, strides = array<i32>} : memref<32x512xf32, #tpu.memory_space<vmem>>, vector<1x16xf32>,
        %parallel_loop3A_334 = arith.index_cast %parallel_loop3A_171 : i32 to index
        %parallel_loop3A_335 = arith.constant 288 : index
        %parallel_loop3A_336 = tpu.vector_load %arg8[%parallel_loop3A_334, %parallel_loop3A_335] {strides = array<i32>} : memref<64x512xf32, #tpu.memory_space<vmem>>, vector<1x16xf32>,
        %parallel_loop3A_337 = vector.shape_cast %parallel_loop3A_336 : vector<1x16xf32> to vector<16xf32>
        %parallel_loop3A_338 = arith.index_cast %parallel_loop3A_163 : i32 to index
        %parallel_loop3A_339 = arith.constant 288 : index
        %parallel_loop3A_340 = tpu.vector_load %arg13[%parallel_loop3A_338, %parallel_loop3A_339] {strides = array<i32>} : memref<32x512xf32, #tpu.memory_space<vmem>>, vector<1x16xf32>,
        %parallel_loop3A_341 = vector.shape_cast %parallel_loop3A_340 : vector<1x16xf32> to vector<16xf32>
        %parallel_loop3A_342 = vector.shape_cast %parallel_loop3A_337 : vector<16xf32> to vector<1x16xf32>
        tpu.vector_store %arg13[%parallel_loop3A_338, %parallel_loop3A_339], %parallel_loop3A_342 {add = true, strides = array<i32>} : memref<32x512xf32, #tpu.memory_space<vmem>>, vector<1x16xf32>,
        %parallel_loop3A_343 = arith.index_cast %parallel_loop3A_171 : i32 to index
        %parallel_loop3A_344 = arith.constant 304 : index
        %parallel_loop3A_345 = tpu.vector_load %arg8[%parallel_loop3A_343, %parallel_loop3A_344] {strides = array<i32>} : memref<64x512xf32, #tpu.memory_space<vmem>>, vector<1x16xf32>,
        %parallel_loop3A_346 = vector.shape_cast %parallel_loop3A_345 : vector<1x16xf32> to vector<16xf32>
        %parallel_loop3A_347 = arith.index_cast %parallel_loop3A_163 : i32 to index
        %parallel_loop3A_348 = arith.constant 304 : index
        %parallel_loop3A_349 = tpu.vector_load %arg13[%parallel_loop3A_347, %parallel_loop3A_348] {strides = array<i32>} : memref<32x512xf32, #tpu.memory_space<vmem>>, vector<1x16xf32>,
        %parallel_loop3A_350 = vector.shape_cast %parallel_loop3A_349 : vector<1x16xf32> to vector<16xf32>
        %parallel_loop3A_351 = vector.shape_cast %parallel_loop3A_346 : vector<16xf32> to vector<1x16xf32>
        tpu.vector_store %arg13[%parallel_loop3A_347, %parallel_loop3A_348], %parallel_loop3A_351 {add = true, strides = array<i32>} : memref<32x512xf32, #tpu.memory_space<vmem>>, vector<1x16xf32>,
        %parallel_loop3A_352 = arith.index_cast %parallel_loop3A_171 : i32 to index
        %parallel_loop3A_353 = arith.constant 320 : index
        %parallel_loop3A_354 = tpu.vector_load %arg8[%parallel_loop3A_352, %parallel_loop3A_353] {strides = array<i32>} : memref<64x512xf32, #tpu.memory_space<vmem>>, vector<1x16xf32>,
        %parallel_loop3A_355 = vector.shape_cast %parallel_loop3A_354 : vector<1x16xf32> to vector<16xf32>
        %parallel_loop3A_356 = arith.index_cast %parallel_loop3A_163 : i32 to index
        %parallel_loop3A_357 = arith.constant 320 : index
        %parallel_loop3A_358 = tpu.vector_load %arg13[%parallel_loop3A_356, %parallel_loop3A_357] {strides = array<i32>} : memref<32x512xf32, #tpu.memory_space<vmem>>, vector<1x16xf32>,
        %parallel_loop3A_359 = vector.shape_cast %parallel_loop3A_358 : vector<1x16xf32> to vector<16xf32>
        %parallel_loop3A_360 = vector.shape_cast %parallel_loop3A_355 : vector<16xf32> to vector<1x16xf32>
        tpu.vector_store %arg13[%parallel_loop3A_356, %parallel_loop3A_357], %parallel_loop3A_360 {add = true, strides = array<i32>} : memref<32x512xf32, #tpu.memory_space<vmem>>, vector<1x16xf32>,
        %parallel_loop3A_361 = arith.index_cast %parallel_loop3A_171 : i32 to index
        %parallel_loop3A_362 = arith.constant 336 : index
        %parallel_loop3A_363 = tpu.vector_load %arg8[%parallel_loop3A_361, %parallel_loop3A_362] {strides = array<i32>} : memref<64x512xf32, #tpu.memory_space<vmem>>, vector<1x16xf32>,
        %parallel_loop3A_364 = vector.shape_cast %parallel_loop3A_363 : vector<1x16xf32> to vector<16xf32>
        %parallel_loop3A_365 = arith.index_cast %parallel_loop3A_163 : i32 to index
        %parallel_loop3A_366 = arith.constant 336 : index
        %parallel_loop3A_367 = tpu.vector_load %arg13[%parallel_loop3A_365, %parallel_loop3A_366] {strides = array<i32>} : memref<32x512xf32, #tpu.memory_space<vmem>>, vector<1x16xf32>,
        %parallel_loop3A_368 = vector.shape_cast %parallel_loop3A_367 : vector<1x16xf32> to vector<16xf32>
        %parallel_loop3A_369 = vector.shape_cast %parallel_loop3A_364 : vector<16xf32> to vector<1x16xf32>
        tpu.vector_store %arg13[%parallel_loop3A_365, %parallel_loop3A_366], %parallel_loop3A_369 {add = true, strides = array<i32>} : memref<32x512xf32, #tpu.memory_space<vmem>>, vector<1x16xf32>,
        %parallel_loop3A_370 = arith.index_cast %parallel_loop3A_171 : i32 to index
        %parallel_loop3A_371 = arith.constant 352 : index
        %parallel_loop3A_372 = tpu.vector_load %arg8[%parallel_loop3A_370, %parallel_loop3A_371] {strides = array<i32>} : memref<64x512xf32, #tpu.memory_space<vmem>>, vector<1x16xf32>,
        %parallel_loop3A_373 = vector.shape_cast %parallel_loop3A_372 : vector<1x16xf32> to vector<16xf32>
        %parallel_loop3A_374 = arith.index_cast %parallel_loop3A_163 : i32 to index
        %parallel_loop3A_375 = arith.constant 352 : index
        %parallel_loop3A_376 = tpu.vector_load %arg13[%parallel_loop3A_374, %parallel_loop3A_375] {strides = array<i32>} : memref<32x512xf32, #tpu.memory_space<vmem>>, vector<1x16xf32>,
        %parallel_loop3A_377 = vector.shape_cast %parallel_loop3A_376 : vector<1x16xf32> to vector<16xf32>
        %parallel_loop3A_378 = vector.shape_cast %parallel_loop3A_373 : vector<16xf32> to vector<1x16xf32>
        tpu.vector_store %arg13[%parallel_loop3A_374, %parallel_loop3A_375], %parallel_loop3A_378 {add = true, strides = array<i32>} : memref<32x512xf32, #tpu.memory_space<vmem>>, vector<1x16xf32>,
        %parallel_loop3A_379 = arith.index_cast %parallel_loop3A_171 : i32 to index
        %parallel_loop3A_380 = arith.constant 368 : index
        %parallel_loop3A_381 = tpu.vector_load %arg8[%parallel_loop3A_379, %parallel_loop3A_380] {strides = array<i32>} : memref<64x512xf32, #tpu.memory_space<vmem>>, vector<1x16xf32>,
        %parallel_loop3A_382 = vector.shape_cast %parallel_loop3A_381 : vector<1x16xf32> to vector<16xf32>
        %parallel_loop3A_383 = arith.index_cast %parallel_loop3A_163 : i32 to index
        %parallel_loop3A_384 = arith.constant 368 : index
        %parallel_loop3A_385 = tpu.vector_load %arg13[%parallel_loop3A_383, %parallel_loop3A_384] {strides = array<i32>} : memref<32x512xf32, #tpu.memory_space<vmem>>, vector<1x16xf32>,
        %parallel_loop3A_386 = vector.shape_cast %parallel_loop3A_385 : vector<1x16xf32> to vector<16xf32>
        %parallel_loop3A_387 = vector.shape_cast %parallel_loop3A_382 : vector<16xf32> to vector<1x16xf32>
        tpu.vector_store %arg13[%parallel_loop3A_383, %parallel_loop3A_384], %parallel_loop3A_387 {add = true, strides = array<i32>} : memref<32x512xf32, #tpu.memory_space<vmem>>, vector<1x16xf32>,
        %parallel_loop3A_388 = arith.index_cast %parallel_loop3A_171 : i32 to index
        %parallel_loop3A_389 = arith.constant 384 : index
        %parallel_loop3A_390 = tpu.vector_load %arg8[%parallel_loop3A_388, %parallel_loop3A_389] {strides = array<i32>} : memref<64x512xf32, #tpu.memory_space<vmem>>, vector<1x16xf32>,
        %parallel_loop3A_391 = vector.shape_cast %parallel_loop3A_390 : vector<1x16xf32> to vector<16xf32>
        %parallel_loop3A_392 = arith.index_cast %parallel_loop3A_163 : i32 to index
        %parallel_loop3A_393 = arith.constant 384 : index
        %parallel_loop3A_394 = tpu.vector_load %arg13[%parallel_loop3A_392, %parallel_loop3A_393] {strides = array<i32>} : memref<32x512xf32, #tpu.memory_space<vmem>>, vector<1x16xf32>,
        %parallel_loop3A_395 = vector.shape_cast %parallel_loop3A_394 : vector<1x16xf32> to vector<16xf32>
        %parallel_loop3A_396 = vector.shape_cast %parallel_loop3A_391 : vector<16xf32> to vector<1x16xf32>
        tpu.vector_store %arg13[%parallel_loop3A_392, %parallel_loop3A_393], %parallel_loop3A_396 {add = true, strides = array<i32>} : memref<32x512xf32, #tpu.memory_space<vmem>>, vector<1x16xf32>,
        %parallel_loop3A_397 = arith.index_cast %parallel_loop3A_171 : i32 to index
        %parallel_loop3A_398 = arith.constant 400 : index
        %parallel_loop3A_399 = tpu.vector_load %arg8[%parallel_loop3A_397, %parallel_loop3A_398] {strides = array<i32>} : memref<64x512xf32, #tpu.memory_space<vmem>>, vector<1x16xf32>,
        %parallel_loop3A_400 = vector.shape_cast %parallel_loop3A_399 : vector<1x16xf32> to vector<16xf32>
        %parallel_loop3A_401 = arith.index_cast %parallel_loop3A_163 : i32 to index
        %parallel_loop3A_402 = arith.constant 400 : index
        %parallel_loop3A_403 = tpu.vector_load %arg13[%parallel_loop3A_401, %parallel_loop3A_402] {strides = array<i32>} : memref<32x512xf32, #tpu.memory_space<vmem>>, vector<1x16xf32>,
        %parallel_loop3A_404 = vector.shape_cast %parallel_loop3A_403 : vector<1x16xf32> to vector<16xf32>
        %parallel_loop3A_405 = vector.shape_cast %parallel_loop3A_400 : vector<16xf32> to vector<1x16xf32>
        tpu.vector_store %arg13[%parallel_loop3A_401, %parallel_loop3A_402], %parallel_loop3A_405 {add = true, strides = array<i32>} : memref<32x512xf32, #tpu.memory_space<vmem>>, vector<1x16xf32>,
        %parallel_loop3A_406 = arith.index_cast %parallel_loop3A_171 : i32 to index
        %parallel_loop3A_407 = arith.constant 416 : index
        %parallel_loop3A_408 = tpu.vector_load %arg8[%parallel_loop3A_406, %parallel_loop3A_407] {strides = array<i32>} : memref<64x512xf32, #tpu.memory_space<vmem>>, vector<1x16xf32>,
        %parallel_loop3A_409 = vector.shape_cast %parallel_loop3A_408 : vector<1x16xf32> to vector<16xf32>
        %parallel_loop3A_410 = arith.index_cast %parallel_loop3A_163 : i32 to index
        %parallel_loop3A_411 = arith.constant 416 : index
        %parallel_loop3A_412 = tpu.vector_load %arg13[%parallel_loop3A_410, %parallel_loop3A_411] {strides = array<i32>} : memref<32x512xf32, #tpu.memory_space<vmem>>, vector<1x16xf32>,
        %parallel_loop3A_413 = vector.shape_cast %parallel_loop3A_412 : vector<1x16xf32> to vector<16xf32>
        %parallel_loop3A_414 = vector.shape_cast %parallel_loop3A_409 : vector<16xf32> to vector<1x16xf32>
        tpu.vector_store %arg13[%parallel_loop3A_410, %parallel_loop3A_411], %parallel_loop3A_414 {add = true, strides = array<i32>} : memref<32x512xf32, #tpu.memory_space<vmem>>, vector<1x16xf32>,
        %parallel_loop3A_415 = arith.index_cast %parallel_loop3A_171 : i32 to index
        %parallel_loop3A_416 = arith.constant 432 : index
        %parallel_loop3A_417 = tpu.vector_load %arg8[%parallel_loop3A_415, %parallel_loop3A_416] {strides = array<i32>} : memref<64x512xf32, #tpu.memory_space<vmem>>, vector<1x16xf32>,
        %parallel_loop3A_418 = vector.shape_cast %parallel_loop3A_417 : vector<1x16xf32> to vector<16xf32>
        %parallel_loop3A_419 = arith.index_cast %parallel_loop3A_163 : i32 to index
        %parallel_loop3A_420 = arith.constant 432 : index
        %parallel_loop3A_421 = tpu.vector_load %arg13[%parallel_loop3A_419, %parallel_loop3A_420] {strides = array<i32>} : memref<32x512xf32, #tpu.memory_space<vmem>>, vector<1x16xf32>,
        %parallel_loop3A_422 = vector.shape_cast %parallel_loop3A_421 : vector<1x16xf32> to vector<16xf32>
        %parallel_loop3A_423 = vector.shape_cast %parallel_loop3A_418 : vector<16xf32> to vector<1x16xf32>
        tpu.vector_store %arg13[%parallel_loop3A_419, %parallel_loop3A_420], %parallel_loop3A_423 {add = true, strides = array<i32>} : memref<32x512xf32, #tpu.memory_space<vmem>>, vector<1x16xf32>,
        %parallel_loop3A_424 = arith.index_cast %parallel_loop3A_171 : i32 to index
        %parallel_loop3A_425 = arith.constant 448 : index
        %parallel_loop3A_426 = tpu.vector_load %arg8[%parallel_loop3A_424, %parallel_loop3A_425] {strides = array<i32>} : memref<64x512xf32, #tpu.memory_space<vmem>>, vector<1x16xf32>,
        %parallel_loop3A_427 = vector.shape_cast %parallel_loop3A_426 : vector<1x16xf32> to vector<16xf32>
        %parallel_loop3A_428 = arith.index_cast %parallel_loop3A_163 : i32 to index
        %parallel_loop3A_429 = arith.constant 448 : index
        %parallel_loop3A_430 = tpu.vector_load %arg13[%parallel_loop3A_428, %parallel_loop3A_429] {strides = array<i32>} : memref<32x512xf32, #tpu.memory_space<vmem>>, vector<1x16xf32>,
        %parallel_loop3A_431 = vector.shape_cast %parallel_loop3A_430 : vector<1x16xf32> to vector<16xf32>
        %parallel_loop3A_432 = vector.shape_cast %parallel_loop3A_427 : vector<16xf32> to vector<1x16xf32>
        tpu.vector_store %arg13[%parallel_loop3A_428, %parallel_loop3A_429], %parallel_loop3A_432 {add = true, strides = array<i32>} : memref<32x512xf32, #tpu.memory_space<vmem>>, vector<1x16xf32>,
        %parallel_loop3A_433 = arith.index_cast %parallel_loop3A_171 : i32 to index
        %parallel_loop3A_434 = arith.constant 464 : index
        %parallel_loop3A_435 = tpu.vector_load %arg8[%parallel_loop3A_433, %parallel_loop3A_434] {strides = array<i32>} : memref<64x512xf32, #tpu.memory_space<vmem>>, vector<1x16xf32>,
        %parallel_loop3A_436 = vector.shape_cast %parallel_loop3A_435 : vector<1x16xf32> to vector<16xf32>
        %parallel_loop3A_437 = arith.index_cast %parallel_loop3A_163 : i32 to index
        %parallel_loop3A_438 = arith.constant 464 : index
        %parallel_loop3A_439 = tpu.vector_load %arg13[%parallel_loop3A_437, %parallel_loop3A_438] {strides = array<i32>} : memref<32x512xf32, #tpu.memory_space<vmem>>, vector<1x16xf32>,
        %parallel_loop3A_440 = vector.shape_cast %parallel_loop3A_439 : vector<1x16xf32> to vector<16xf32>
        %parallel_loop3A_441 = vector.shape_cast %parallel_loop3A_436 : vector<16xf32> to vector<1x16xf32>
        tpu.vector_store %arg13[%parallel_loop3A_437, %parallel_loop3A_438], %parallel_loop3A_441 {add = true, strides = array<i32>} : memref<32x512xf32, #tpu.memory_space<vmem>>, vector<1x16xf32>,
        %parallel_loop3A_442 = arith.index_cast %parallel_loop3A_171 : i32 to index
        %parallel_loop3A_443 = arith.constant 480 : index
        %parallel_loop3A_444 = tpu.vector_load %arg8[%parallel_loop3A_442, %parallel_loop3A_443] {strides = array<i32>} : memref<64x512xf32, #tpu.memory_space<vmem>>, vector<1x16xf32>,
        %parallel_loop3A_445 = vector.shape_cast %parallel_loop3A_444 : vector<1x16xf32> to vector<16xf32>
        %parallel_loop3A_446 = arith.index_cast %parallel_loop3A_163 : i32 to index
        %parallel_loop3A_447 = arith.constant 480 : index
        %parallel_loop3A_448 = tpu.vector_load %arg13[%parallel_loop3A_446, %parallel_loop3A_447] {strides = array<i32>} : memref<32x512xf32, #tpu.memory_space<vmem>>, vector<1x16xf32>,
        %parallel_loop3A_449 = vector.shape_cast %parallel_loop3A_448 : vector<1x16xf32> to vector<16xf32>
        %parallel_loop3A_450 = vector.shape_cast %parallel_loop3A_445 : vector<16xf32> to vector<1x16xf32>
        tpu.vector_store %arg13[%parallel_loop3A_446, %parallel_loop3A_447], %parallel_loop3A_450 {add = true, strides = array<i32>} : memref<32x512xf32, #tpu.memory_space<vmem>>, vector<1x16xf32>,
        %parallel_loop3A_451 = arith.index_cast %parallel_loop3A_171 : i32 to index
        %parallel_loop3A_452 = arith.constant 496 : index
        %parallel_loop3A_453 = tpu.vector_load %arg8[%parallel_loop3A_451, %parallel_loop3A_452] {strides = array<i32>} : memref<64x512xf32, #tpu.memory_space<vmem>>, vector<1x16xf32>,
        %parallel_loop3A_454 = vector.shape_cast %parallel_loop3A_453 : vector<1x16xf32> to vector<16xf32>
        %parallel_loop3A_455 = arith.index_cast %parallel_loop3A_163 : i32 to index
        %parallel_loop3A_456 = arith.constant 496 : index
        %parallel_loop3A_457 = tpu.vector_load %arg13[%parallel_loop3A_455, %parallel_loop3A_456] {strides = array<i32>} : memref<32x512xf32, #tpu.memory_space<vmem>>, vector<1x16xf32>,
        %parallel_loop3A_458 = vector.shape_cast %parallel_loop3A_457 : vector<1x16xf32> to vector<16xf32>
        %parallel_loop3A_459 = vector.shape_cast %parallel_loop3A_454 : vector<16xf32> to vector<1x16xf32>
        tpu.vector_store %arg13[%parallel_loop3A_455, %parallel_loop3A_456], %parallel_loop3A_459 {add = true, strides = array<i32>} : memref<32x512xf32, #tpu.memory_space<vmem>>, vector<1x16xf32>,
      } {sc.loop_unroll_factor = 1 : i64, sc.parallel_access}
      %mul3A_130 = arith.constant 32 : i32
      %mul3A_131 = arith.muli %add3A_110, %mul3A_130 : i32
      %add3A_132 = arith.addi %mul3A_0, %mul3A_131 : i32
      %dma_start3A_133 = tpu.memref_slice %arg6[%add3A_132, %mul3A_2] : memref<16384x1024xf32, #tpu.memory_space<hbm>> -> memref<32x512xf32, #tpu.memory_space<hbm>>
      %dma_start3A_134 = tpu.memref_slice %arg6[%add3A_132, %mul3A_2] : memref<16384x1024xf32, #tpu.memory_space<hbm>> -> memref<32x512xf32, #tpu.memory_space<hbm>>
      tpu.enqueue_dma source(%arg13 : memref<32x512xf32, #tpu.memory_space<vmem>>) target(%dma_start3A_134 : memref<32x512xf32, #tpu.memory_space<hbm>>) target_semaphore(%arg21 : memref<!tpu.dma_semaphore, #tpu.memory_space<semaphore_mem>>)
      %mul3A_135 = arith.constant 4 : i32
      %mul3A_136 = arith.muli %scan3A_54, %mul3A_135 : i32
      %add3A_137 = arith.constant 3 : i32
      %add3A_138 = arith.addi %mul3A_136, %add3A_137 : i32
      %add3A_139 = arith.constant 2 : i32
      %add3A_140 = arith.addi %add3A_138, %add3A_139 : i32
      %lt3A_141 = arith.constant 32 : i32
      %lt3A_142 = arith.cmpi slt, %add3A_140, %lt3A_141 : i32
      %convert_element_type3A_143 = arith.extui %lt3A_142 : i1 to i32
      %cond3A_144 = arith.constant 0 : i32
      %cond3A_145 = arith.constant 0 : i32
      %cond3A_146 = arith.cmpi ne, %convert_element_type3A_143, %cond3A_145 : i32
      %cond3A_147 = scf.if %cond3A_146 -> (i32) {
        %sub3A = arith.constant 4 : i32
        %sub3A_163 = arith.subi %add3A_140, %sub3A : i32
        %ge3A = arith.constant 0 : i32
        %ge3A_164 = arith.cmpi sge, %sub3A_163, %ge3A : i32
        %convert_element_type3A_165 = arith.extui %ge3A_164 : i1 to i32
        %cond3A_166 = arith.constant 0 : i32
        %cond3A_167 = arith.constant 0 : i32
        %cond3A_168 = arith.cmpi ne, %convert_element_type3A_165, %cond3A_167 : i32
        %cond3A_169 = scf.if %cond3A_168 -> (i32) {
          %sub3A_178 = arith.constant 4 : i32
          %sub3A_179 = arith.subi %add3A_140, %sub3A_178 : i32
          %mul3A_180 = arith.constant 32 : i32
          %mul3A_181 = arith.muli %sub3A_179, %mul3A_180 : i32
          %add3A_182 = arith.addi %mul3A_0, %mul3A_181 : i32
          %dma_wait3A_183 = tpu.memref_slice %arg6[%add3A_182, %mul3A_2] : memref<16384x1024xf32, #tpu.memory_space<hbm>> -> memref<32x512xf32, #tpu.memory_space<hbm>>
          %dma_wait3A_184 = tpu.memref_slice %arg6[%add3A_182, %mul3A_2] : memref<16384x1024xf32, #tpu.memory_space<hbm>> -> memref<32x512xf32, #tpu.memory_space<hbm>>
          tpu.wait_dma2 semaphore(%arg20 : memref<!tpu.dma_semaphore, #tpu.memory_space<semaphore_mem>>) src(%arg12 : memref<32x512xf32, #tpu.memory_space<vmem>>) dst(%dma_wait3A_184 : memref<32x512xf32, #tpu.memory_space<hbm>>)
          %cond3A_185 = arith.constant 0 : i32
          scf.yield %cond3A_185 : i32
        } else {
          %cond3A_178 = arith.constant 0 : i32
          scf.yield %cond3A_178 : i32
        }
        %mul3A_170 = arith.constant 32 : i32
        %mul3A_171 = arith.muli %add3A_140, %mul3A_170 : i32
        %multiple_of3A_172 = tpu.assume_multiple %mul3A_171, 32 : i32
        %dma_start3A_173 = tpu.memref_slice %arg10[%multiple_of3A_172] : memref<1024xi32, #tpu.memory_space<vmem>> -> memref<32xi32, #tpu.memory_space<vmem>>
        %dma_start3A_174 = arith.constant 0 : i32
        %dma_start3A_175 = arith.constant 0 : i32
        %dma_start3A_176 = tpu.memref_slice %arg7[%dma_start3A_174, %dma_start3A_175] : memref<2048x512xf32, #tpu.memory_space<hbm>> -> memref<2048x512xf32, #tpu.memory_space<hbm>>
        tpu.enqueue_indirect_dma source(%dma_start3A_176 : memref<2048x512xf32, #tpu.memory_space<hbm>>) target(%arg12 : memref<32x512xf32, #tpu.memory_space<vmem>>) offsets(%dma_start3A_173 : memref<32xi32, #tpu.memory_space<vmem>>) semaphore(%arg16 : memref<!tpu.dma_semaphore, #tpu.memory_space<semaphore_mem>>)
        %cond3A_177 = arith.constant 0 : i32
        scf.yield %cond3A_177 : i32
      } else {
        %cond3A_163 = arith.constant 0 : i32
        scf.yield %cond3A_163 : i32
      }
      %mul3A_148 = arith.constant 32 : i32
      %mul3A_149 = arith.muli %add3A_138, %mul3A_148 : i32
      %multiple_of3A_150 = tpu.assume_multiple %mul3A_149, 32 : i32
      %dma_wait3A_151 = tpu.memref_slice %arg10[%multiple_of3A_150] : memref<1024xi32, #tpu.memory_space<vmem>> -> memref<32xi32, #tpu.memory_space<vmem>>
      %dma_wait3A_152 = arith.constant 0 : i32
      %dma_wait3A_153 = arith.constant 0 : i32
      %dma_wait3A_154 = tpu.memref_slice %arg7[%dma_wait3A_152, %dma_wait3A_153] : memref<2048x512xf32, #tpu.memory_space<hbm>> -> memref<2048x512xf32, #tpu.memory_space<hbm>>
      tpu.wait_indirect_dma semaphore(%arg18 : memref<!tpu.dma_semaphore, #tpu.memory_space<semaphore_mem>>) src(%dma_wait3A_154 : memref<2048x512xf32, #tpu.memory_space<hbm>>) dst(%arg14 : memref<32x512xf32, #tpu.memory_space<vmem>>)
      %parallel_loop3A_155 = arith.constant 0 : i32
      %parallel_loop3A_156 = arith.constant 32 : i32
      %parallel_loop3A_157 = arith.constant 1 : i32
      scf.for %parallel_loop3A_163 = %parallel_loop3A_155 to %parallel_loop3A_156 step %parallel_loop3A_157  : i32 {
        %parallel_loop3A_164 = arith.constant 32 : i32
        %parallel_loop3A_165 = arith.muli %add3A_138, %parallel_loop3A_164 : i32
        %parallel_loop3A_166 = arith.addi %parallel_loop3A_165, %parallel_loop3A_163 : i32
        %parallel_loop3A_167 = arith.index_cast %parallel_loop3A_166 : i32 to index
        %parallel_loop3A_168 = tpu.vector_load %arg9[%parallel_loop3A_167] {strides = array<i32>} : memref<1040xi32, #tpu.memory_space<vmem>>, vector<16xi32>,
        %parallel_loop3A_169 = vector.shape_cast %parallel_loop3A_168 : vector<16xi32> to vector<16xi32>
        %parallel_loop3A_170 = vector.extract_strided_slice %parallel_loop3A_169 {offsets = [0], sizes = [1], strides = [1]} : vector<16xi32> to vector<1xi32>
        %parallel_loop3A_171 = vector.extract %parallel_loop3A_170[0] : i32 from vector<1xi32>
        %parallel_loop3A_172 = arith.index_cast %parallel_loop3A_171 : i32 to index
        %parallel_loop3A_173 = arith.constant 0 : index
        %parallel_loop3A_174 = tpu.vector_load %arg8[%parallel_loop3A_172, %parallel_loop3A_173] {strides = array<i32>} : memref<64x512xf32, #tpu.memory_space<vmem>>, vector<1x16xf32>,
        %parallel_loop3A_175 = vector.shape_cast %parallel_loop3A_174 : vector<1x16xf32> to vector<16xf32>
        %parallel_loop3A_176 = arith.index_cast %parallel_loop3A_163 : i32 to index
        %parallel_loop3A_177 = arith.constant 0 : index
        %parallel_loop3A_178 = tpu.vector_load %arg14[%parallel_loop3A_176, %parallel_loop3A_177] {strides = array<i32>} : memref<32x512xf32, #tpu.memory_space<vmem>>, vector<1x16xf32>,
        %parallel_loop3A_179 = vector.shape_cast %parallel_loop3A_178 : vector<1x16xf32> to vector<16xf32>
        %parallel_loop3A_180 = vector.shape_cast %parallel_loop3A_175 : vector<16xf32> to vector<1x16xf32>
        tpu.vector_store %arg14[%parallel_loop3A_176, %parallel_loop3A_177], %parallel_loop3A_180 {add = true, strides = array<i32>} : memref<32x512xf32, #tpu.memory_space<vmem>>, vector<1x16xf32>,
        %parallel_loop3A_181 = arith.index_cast %parallel_loop3A_171 : i32 to index
        %parallel_loop3A_182 = arith.constant 16 : index
        %parallel_loop3A_183 = tpu.vector_load %arg8[%parallel_loop3A_181, %parallel_loop3A_182] {strides = array<i32>} : memref<64x512xf32, #tpu.memory_space<vmem>>, vector<1x16xf32>,
        %parallel_loop3A_184 = vector.shape_cast %parallel_loop3A_183 : vector<1x16xf32> to vector<16xf32>
        %parallel_loop3A_185 = arith.index_cast %parallel_loop3A_163 : i32 to index
        %parallel_loop3A_186 = arith.constant 16 : index
        %parallel_loop3A_187 = tpu.vector_load %arg14[%parallel_loop3A_185, %parallel_loop3A_186] {strides = array<i32>} : memref<32x512xf32, #tpu.memory_space<vmem>>, vector<1x16xf32>,
        %parallel_loop3A_188 = vector.shape_cast %parallel_loop3A_187 : vector<1x16xf32> to vector<16xf32>
        %parallel_loop3A_189 = vector.shape_cast %parallel_loop3A_184 : vector<16xf32> to vector<1x16xf32>
        tpu.vector_store %arg14[%parallel_loop3A_185, %parallel_loop3A_186], %parallel_loop3A_189 {add = true, strides = array<i32>} : memref<32x512xf32, #tpu.memory_space<vmem>>, vector<1x16xf32>,
        %parallel_loop3A_190 = arith.index_cast %parallel_loop3A_171 : i32 to index
        %parallel_loop3A_191 = arith.constant 32 : index
        %parallel_loop3A_192 = tpu.vector_load %arg8[%parallel_loop3A_190, %parallel_loop3A_191] {strides = array<i32>} : memref<64x512xf32, #tpu.memory_space<vmem>>, vector<1x16xf32>,
        %parallel_loop3A_193 = vector.shape_cast %parallel_loop3A_192 : vector<1x16xf32> to vector<16xf32>
        %parallel_loop3A_194 = arith.index_cast %parallel_loop3A_163 : i32 to index
        %parallel_loop3A_195 = arith.constant 32 : index
        %parallel_loop3A_196 = tpu.vector_load %arg14[%parallel_loop3A_194, %parallel_loop3A_195] {strides = array<i32>} : memref<32x512xf32, #tpu.memory_space<vmem>>, vector<1x16xf32>,
        %parallel_loop3A_197 = vector.shape_cast %parallel_loop3A_196 : vector<1x16xf32> to vector<16xf32>
        %parallel_loop3A_198 = vector.shape_cast %parallel_loop3A_193 : vector<16xf32> to vector<1x16xf32>
        tpu.vector_store %arg14[%parallel_loop3A_194, %parallel_loop3A_195], %parallel_loop3A_198 {add = true, strides = array<i32>} : memref<32x512xf32, #tpu.memory_space<vmem>>, vector<1x16xf32>,
        %parallel_loop3A_199 = arith.index_cast %parallel_loop3A_171 : i32 to index
        %parallel_loop3A_200 = arith.constant 48 : index
        %parallel_loop3A_201 = tpu.vector_load %arg8[%parallel_loop3A_199, %parallel_loop3A_200] {strides = array<i32>} : memref<64x512xf32, #tpu.memory_space<vmem>>, vector<1x16xf32>,
        %parallel_loop3A_202 = vector.shape_cast %parallel_loop3A_201 : vector<1x16xf32> to vector<16xf32>
        %parallel_loop3A_203 = arith.index_cast %parallel_loop3A_163 : i32 to index
        %parallel_loop3A_204 = arith.constant 48 : index
        %parallel_loop3A_205 = tpu.vector_load %arg14[%parallel_loop3A_203, %parallel_loop3A_204] {strides = array<i32>} : memref<32x512xf32, #tpu.memory_space<vmem>>, vector<1x16xf32>,
        %parallel_loop3A_206 = vector.shape_cast %parallel_loop3A_205 : vector<1x16xf32> to vector<16xf32>
        %parallel_loop3A_207 = vector.shape_cast %parallel_loop3A_202 : vector<16xf32> to vector<1x16xf32>
        tpu.vector_store %arg14[%parallel_loop3A_203, %parallel_loop3A_204], %parallel_loop3A_207 {add = true, strides = array<i32>} : memref<32x512xf32, #tpu.memory_space<vmem>>, vector<1x16xf32>,
        %parallel_loop3A_208 = arith.index_cast %parallel_loop3A_171 : i32 to index
        %parallel_loop3A_209 = arith.constant 64 : index
        %parallel_loop3A_210 = tpu.vector_load %arg8[%parallel_loop3A_208, %parallel_loop3A_209] {strides = array<i32>} : memref<64x512xf32, #tpu.memory_space<vmem>>, vector<1x16xf32>,
        %parallel_loop3A_211 = vector.shape_cast %parallel_loop3A_210 : vector<1x16xf32> to vector<16xf32>
        %parallel_loop3A_212 = arith.index_cast %parallel_loop3A_163 : i32 to index
        %parallel_loop3A_213 = arith.constant 64 : index
        %parallel_loop3A_214 = tpu.vector_load %arg14[%parallel_loop3A_212, %parallel_loop3A_213] {strides = array<i32>} : memref<32x512xf32, #tpu.memory_space<vmem>>, vector<1x16xf32>,
        %parallel_loop3A_215 = vector.shape_cast %parallel_loop3A_214 : vector<1x16xf32> to vector<16xf32>
        %parallel_loop3A_216 = vector.shape_cast %parallel_loop3A_211 : vector<16xf32> to vector<1x16xf32>
        tpu.vector_store %arg14[%parallel_loop3A_212, %parallel_loop3A_213], %parallel_loop3A_216 {add = true, strides = array<i32>} : memref<32x512xf32, #tpu.memory_space<vmem>>, vector<1x16xf32>,
        %parallel_loop3A_217 = arith.index_cast %parallel_loop3A_171 : i32 to index
        %parallel_loop3A_218 = arith.constant 80 : index
        %parallel_loop3A_219 = tpu.vector_load %arg8[%parallel_loop3A_217, %parallel_loop3A_218] {strides = array<i32>} : memref<64x512xf32, #tpu.memory_space<vmem>>, vector<1x16xf32>,
        %parallel_loop3A_220 = vector.shape_cast %parallel_loop3A_219 : vector<1x16xf32> to vector<16xf32>
        %parallel_loop3A_221 = arith.index_cast %parallel_loop3A_163 : i32 to index
        %parallel_loop3A_222 = arith.constant 80 : index
        %parallel_loop3A_223 = tpu.vector_load %arg14[%parallel_loop3A_221, %parallel_loop3A_222] {strides = array<i32>} : memref<32x512xf32, #tpu.memory_space<vmem>>, vector<1x16xf32>,
        %parallel_loop3A_224 = vector.shape_cast %parallel_loop3A_223 : vector<1x16xf32> to vector<16xf32>
        %parallel_loop3A_225 = vector.shape_cast %parallel_loop3A_220 : vector<16xf32> to vector<1x16xf32>
        tpu.vector_store %arg14[%parallel_loop3A_221, %parallel_loop3A_222], %parallel_loop3A_225 {add = true, strides = array<i32>} : memref<32x512xf32, #tpu.memory_space<vmem>>, vector<1x16xf32>,
        %parallel_loop3A_226 = arith.index_cast %parallel_loop3A_171 : i32 to index
        %parallel_loop3A_227 = arith.constant 96 : index
        %parallel_loop3A_228 = tpu.vector_load %arg8[%parallel_loop3A_226, %parallel_loop3A_227] {strides = array<i32>} : memref<64x512xf32, #tpu.memory_space<vmem>>, vector<1x16xf32>,
        %parallel_loop3A_229 = vector.shape_cast %parallel_loop3A_228 : vector<1x16xf32> to vector<16xf32>
        %parallel_loop3A_230 = arith.index_cast %parallel_loop3A_163 : i32 to index
        %parallel_loop3A_231 = arith.constant 96 : index
        %parallel_loop3A_232 = tpu.vector_load %arg14[%parallel_loop3A_230, %parallel_loop3A_231] {strides = array<i32>} : memref<32x512xf32, #tpu.memory_space<vmem>>, vector<1x16xf32>,
        %parallel_loop3A_233 = vector.shape_cast %parallel_loop3A_232 : vector<1x16xf32> to vector<16xf32>
        %parallel_loop3A_234 = vector.shape_cast %parallel_loop3A_229 : vector<16xf32> to vector<1x16xf32>
        tpu.vector_store %arg14[%parallel_loop3A_230, %parallel_loop3A_231], %parallel_loop3A_234 {add = true, strides = array<i32>} : memref<32x512xf32, #tpu.memory_space<vmem>>, vector<1x16xf32>,
        %parallel_loop3A_235 = arith.index_cast %parallel_loop3A_171 : i32 to index
        %parallel_loop3A_236 = arith.constant 112 : index
        %parallel_loop3A_237 = tpu.vector_load %arg8[%parallel_loop3A_235, %parallel_loop3A_236] {strides = array<i32>} : memref<64x512xf32, #tpu.memory_space<vmem>>, vector<1x16xf32>,
        %parallel_loop3A_238 = vector.shape_cast %parallel_loop3A_237 : vector<1x16xf32> to vector<16xf32>
        %parallel_loop3A_239 = arith.index_cast %parallel_loop3A_163 : i32 to index
        %parallel_loop3A_240 = arith.constant 112 : index
        %parallel_loop3A_241 = tpu.vector_load %arg14[%parallel_loop3A_239, %parallel_loop3A_240] {strides = array<i32>} : memref<32x512xf32, #tpu.memory_space<vmem>>, vector<1x16xf32>,
        %parallel_loop3A_242 = vector.shape_cast %parallel_loop3A_241 : vector<1x16xf32> to vector<16xf32>
        %parallel_loop3A_243 = vector.shape_cast %parallel_loop3A_238 : vector<16xf32> to vector<1x16xf32>
        tpu.vector_store %arg14[%parallel_loop3A_239, %parallel_loop3A_240], %parallel_loop3A_243 {add = true, strides = array<i32>} : memref<32x512xf32, #tpu.memory_space<vmem>>, vector<1x16xf32>,
        %parallel_loop3A_244 = arith.index_cast %parallel_loop3A_171 : i32 to index
        %parallel_loop3A_245 = arith.constant 128 : index
        %parallel_loop3A_246 = tpu.vector_load %arg8[%parallel_loop3A_244, %parallel_loop3A_245] {strides = array<i32>} : memref<64x512xf32, #tpu.memory_space<vmem>>, vector<1x16xf32>,
        %parallel_loop3A_247 = vector.shape_cast %parallel_loop3A_246 : vector<1x16xf32> to vector<16xf32>
        %parallel_loop3A_248 = arith.index_cast %parallel_loop3A_163 : i32 to index
        %parallel_loop3A_249 = arith.constant 128 : index
        %parallel_loop3A_250 = tpu.vector_load %arg14[%parallel_loop3A_248, %parallel_loop3A_249] {strides = array<i32>} : memref<32x512xf32, #tpu.memory_space<vmem>>, vector<1x16xf32>,
        %parallel_loop3A_251 = vector.shape_cast %parallel_loop3A_250 : vector<1x16xf32> to vector<16xf32>
        %parallel_loop3A_252 = vector.shape_cast %parallel_loop3A_247 : vector<16xf32> to vector<1x16xf32>
        tpu.vector_store %arg14[%parallel_loop3A_248, %parallel_loop3A_249], %parallel_loop3A_252 {add = true, strides = array<i32>} : memref<32x512xf32, #tpu.memory_space<vmem>>, vector<1x16xf32>,
        %parallel_loop3A_253 = arith.index_cast %parallel_loop3A_171 : i32 to index
        %parallel_loop3A_254 = arith.constant 144 : index
        %parallel_loop3A_255 = tpu.vector_load %arg8[%parallel_loop3A_253, %parallel_loop3A_254] {strides = array<i32>} : memref<64x512xf32, #tpu.memory_space<vmem>>, vector<1x16xf32>,
        %parallel_loop3A_256 = vector.shape_cast %parallel_loop3A_255 : vector<1x16xf32> to vector<16xf32>
        %parallel_loop3A_257 = arith.index_cast %parallel_loop3A_163 : i32 to index
        %parallel_loop3A_258 = arith.constant 144 : index
        %parallel_loop3A_259 = tpu.vector_load %arg14[%parallel_loop3A_257, %parallel_loop3A_258] {strides = array<i32>} : memref<32x512xf32, #tpu.memory_space<vmem>>, vector<1x16xf32>,
        %parallel_loop3A_260 = vector.shape_cast %parallel_loop3A_259 : vector<1x16xf32> to vector<16xf32>
        %parallel_loop3A_261 = vector.shape_cast %parallel_loop3A_256 : vector<16xf32> to vector<1x16xf32>
        tpu.vector_store %arg14[%parallel_loop3A_257, %parallel_loop3A_258], %parallel_loop3A_261 {add = true, strides = array<i32>} : memref<32x512xf32, #tpu.memory_space<vmem>>, vector<1x16xf32>,
        %parallel_loop3A_262 = arith.index_cast %parallel_loop3A_171 : i32 to index
        %parallel_loop3A_263 = arith.constant 160 : index
        %parallel_loop3A_264 = tpu.vector_load %arg8[%parallel_loop3A_262, %parallel_loop3A_263] {strides = array<i32>} : memref<64x512xf32, #tpu.memory_space<vmem>>, vector<1x16xf32>,
        %parallel_loop3A_265 = vector.shape_cast %parallel_loop3A_264 : vector<1x16xf32> to vector<16xf32>
        %parallel_loop3A_266 = arith.index_cast %parallel_loop3A_163 : i32 to index
        %parallel_loop3A_267 = arith.constant 160 : index
        %parallel_loop3A_268 = tpu.vector_load %arg14[%parallel_loop3A_266, %parallel_loop3A_267] {strides = array<i32>} : memref<32x512xf32, #tpu.memory_space<vmem>>, vector<1x16xf32>,
        %parallel_loop3A_269 = vector.shape_cast %parallel_loop3A_268 : vector<1x16xf32> to vector<16xf32>
        %parallel_loop3A_270 = vector.shape_cast %parallel_loop3A_265 : vector<16xf32> to vector<1x16xf32>
        tpu.vector_store %arg14[%parallel_loop3A_266, %parallel_loop3A_267], %parallel_loop3A_270 {add = true, strides = array<i32>} : memref<32x512xf32, #tpu.memory_space<vmem>>, vector<1x16xf32>,
        %parallel_loop3A_271 = arith.index_cast %parallel_loop3A_171 : i32 to index
        %parallel_loop3A_272 = arith.constant 176 : index
        %parallel_loop3A_273 = tpu.vector_load %arg8[%parallel_loop3A_271, %parallel_loop3A_272] {strides = array<i32>} : memref<64x512xf32, #tpu.memory_space<vmem>>, vector<1x16xf32>,
        %parallel_loop3A_274 = vector.shape_cast %parallel_loop3A_273 : vector<1x16xf32> to vector<16xf32>
        %parallel_loop3A_275 = arith.index_cast %parallel_loop3A_163 : i32 to index
        %parallel_loop3A_276 = arith.constant 176 : index
        %parallel_loop3A_277 = tpu.vector_load %arg14[%parallel_loop3A_275, %parallel_loop3A_276] {strides = array<i32>} : memref<32x512xf32, #tpu.memory_space<vmem>>, vector<1x16xf32>,
        %parallel_loop3A_278 = vector.shape_cast %parallel_loop3A_277 : vector<1x16xf32> to vector<16xf32>
        %parallel_loop3A_279 = vector.shape_cast %parallel_loop3A_274 : vector<16xf32> to vector<1x16xf32>
        tpu.vector_store %arg14[%parallel_loop3A_275, %parallel_loop3A_276], %parallel_loop3A_279 {add = true, strides = array<i32>} : memref<32x512xf32, #tpu.memory_space<vmem>>, vector<1x16xf32>,
        %parallel_loop3A_280 = arith.index_cast %parallel_loop3A_171 : i32 to index
        %parallel_loop3A_281 = arith.constant 192 : index
        %parallel_loop3A_282 = tpu.vector_load %arg8[%parallel_loop3A_280, %parallel_loop3A_281] {strides = array<i32>} : memref<64x512xf32, #tpu.memory_space<vmem>>, vector<1x16xf32>,
        %parallel_loop3A_283 = vector.shape_cast %parallel_loop3A_282 : vector<1x16xf32> to vector<16xf32>
        %parallel_loop3A_284 = arith.index_cast %parallel_loop3A_163 : i32 to index
        %parallel_loop3A_285 = arith.constant 192 : index
        %parallel_loop3A_286 = tpu.vector_load %arg14[%parallel_loop3A_284, %parallel_loop3A_285] {strides = array<i32>} : memref<32x512xf32, #tpu.memory_space<vmem>>, vector<1x16xf32>,
        %parallel_loop3A_287 = vector.shape_cast %parallel_loop3A_286 : vector<1x16xf32> to vector<16xf32>
        %parallel_loop3A_288 = vector.shape_cast %parallel_loop3A_283 : vector<16xf32> to vector<1x16xf32>
        tpu.vector_store %arg14[%parallel_loop3A_284, %parallel_loop3A_285], %parallel_loop3A_288 {add = true, strides = array<i32>} : memref<32x512xf32, #tpu.memory_space<vmem>>, vector<1x16xf32>,
        %parallel_loop3A_289 = arith.index_cast %parallel_loop3A_171 : i32 to index
        %parallel_loop3A_290 = arith.constant 208 : index
        %parallel_loop3A_291 = tpu.vector_load %arg8[%parallel_loop3A_289, %parallel_loop3A_290] {strides = array<i32>} : memref<64x512xf32, #tpu.memory_space<vmem>>, vector<1x16xf32>,
        %parallel_loop3A_292 = vector.shape_cast %parallel_loop3A_291 : vector<1x16xf32> to vector<16xf32>
        %parallel_loop3A_293 = arith.index_cast %parallel_loop3A_163 : i32 to index
        %parallel_loop3A_294 = arith.constant 208 : index
        %parallel_loop3A_295 = tpu.vector_load %arg14[%parallel_loop3A_293, %parallel_loop3A_294] {strides = array<i32>} : memref<32x512xf32, #tpu.memory_space<vmem>>, vector<1x16xf32>,
        %parallel_loop3A_296 = vector.shape_cast %parallel_loop3A_295 : vector<1x16xf32> to vector<16xf32>
        %parallel_loop3A_297 = vector.shape_cast %parallel_loop3A_292 : vector<16xf32> to vector<1x16xf32>
        tpu.vector_store %arg14[%parallel_loop3A_293, %parallel_loop3A_294], %parallel_loop3A_297 {add = true, strides = array<i32>} : memref<32x512xf32, #tpu.memory_space<vmem>>, vector<1x16xf32>,
        %parallel_loop3A_298 = arith.index_cast %parallel_loop3A_171 : i32 to index
        %parallel_loop3A_299 = arith.constant 224 : index
        %parallel_loop3A_300 = tpu.vector_load %arg8[%parallel_loop3A_298, %parallel_loop3A_299] {strides = array<i32>} : memref<64x512xf32, #tpu.memory_space<vmem>>, vector<1x16xf32>,
        %parallel_loop3A_301 = vector.shape_cast %parallel_loop3A_300 : vector<1x16xf32> to vector<16xf32>
        %parallel_loop3A_302 = arith.index_cast %parallel_loop3A_163 : i32 to index
        %parallel_loop3A_303 = arith.constant 224 : index
        %parallel_loop3A_304 = tpu.vector_load %arg14[%parallel_loop3A_302, %parallel_loop3A_303] {strides = array<i32>} : memref<32x512xf32, #tpu.memory_space<vmem>>, vector<1x16xf32>,
        %parallel_loop3A_305 = vector.shape_cast %parallel_loop3A_304 : vector<1x16xf32> to vector<16xf32>
        %parallel_loop3A_306 = vector.shape_cast %parallel_loop3A_301 : vector<16xf32> to vector<1x16xf32>
        tpu.vector_store %arg14[%parallel_loop3A_302, %parallel_loop3A_303], %parallel_loop3A_306 {add = true, strides = array<i32>} : memref<32x512xf32, #tpu.memory_space<vmem>>, vector<1x16xf32>,
        %parallel_loop3A_307 = arith.index_cast %parallel_loop3A_171 : i32 to index
        %parallel_loop3A_308 = arith.constant 240 : index
        %parallel_loop3A_309 = tpu.vector_load %arg8[%parallel_loop3A_307, %parallel_loop3A_308] {strides = array<i32>} : memref<64x512xf32, #tpu.memory_space<vmem>>, vector<1x16xf32>,
        %parallel_loop3A_310 = vector.shape_cast %parallel_loop3A_309 : vector<1x16xf32> to vector<16xf32>
        %parallel_loop3A_311 = arith.index_cast %parallel_loop3A_163 : i32 to index
        %parallel_loop3A_312 = arith.constant 240 : index
        %parallel_loop3A_313 = tpu.vector_load %arg14[%parallel_loop3A_311, %parallel_loop3A_312] {strides = array<i32>} : memref<32x512xf32, #tpu.memory_space<vmem>>, vector<1x16xf32>,
        %parallel_loop3A_314 = vector.shape_cast %parallel_loop3A_313 : vector<1x16xf32> to vector<16xf32>
        %parallel_loop3A_315 = vector.shape_cast %parallel_loop3A_310 : vector<16xf32> to vector<1x16xf32>
        tpu.vector_store %arg14[%parallel_loop3A_311, %parallel_loop3A_312], %parallel_loop3A_315 {add = true, strides = array<i32>} : memref<32x512xf32, #tpu.memory_space<vmem>>, vector<1x16xf32>,
        %parallel_loop3A_316 = arith.index_cast %parallel_loop3A_171 : i32 to index
        %parallel_loop3A_317 = arith.constant 256 : index
        %parallel_loop3A_318 = tpu.vector_load %arg8[%parallel_loop3A_316, %parallel_loop3A_317] {strides = array<i32>} : memref<64x512xf32, #tpu.memory_space<vmem>>, vector<1x16xf32>,
        %parallel_loop3A_319 = vector.shape_cast %parallel_loop3A_318 : vector<1x16xf32> to vector<16xf32>
        %parallel_loop3A_320 = arith.index_cast %parallel_loop3A_163 : i32 to index
        %parallel_loop3A_321 = arith.constant 256 : index
        %parallel_loop3A_322 = tpu.vector_load %arg14[%parallel_loop3A_320, %parallel_loop3A_321] {strides = array<i32>} : memref<32x512xf32, #tpu.memory_space<vmem>>, vector<1x16xf32>,
        %parallel_loop3A_323 = vector.shape_cast %parallel_loop3A_322 : vector<1x16xf32> to vector<16xf32>
        %parallel_loop3A_324 = vector.shape_cast %parallel_loop3A_319 : vector<16xf32> to vector<1x16xf32>
        tpu.vector_store %arg14[%parallel_loop3A_320, %parallel_loop3A_321], %parallel_loop3A_324 {add = true, strides = array<i32>} : memref<32x512xf32, #tpu.memory_space<vmem>>, vector<1x16xf32>,
        %parallel_loop3A_325 = arith.index_cast %parallel_loop3A_171 : i32 to index
        %parallel_loop3A_326 = arith.constant 272 : index
        %parallel_loop3A_327 = tpu.vector_load %arg8[%parallel_loop3A_325, %parallel_loop3A_326] {strides = array<i32>} : memref<64x512xf32, #tpu.memory_space<vmem>>, vector<1x16xf32>,
        %parallel_loop3A_328 = vector.shape_cast %parallel_loop3A_327 : vector<1x16xf32> to vector<16xf32>
        %parallel_loop3A_329 = arith.index_cast %parallel_loop3A_163 : i32 to index
        %parallel_loop3A_330 = arith.constant 272 : index
        %parallel_loop3A_331 = tpu.vector_load %arg14[%parallel_loop3A_329, %parallel_loop3A_330] {strides = array<i32>} : memref<32x512xf32, #tpu.memory_space<vmem>>, vector<1x16xf32>,
        %parallel_loop3A_332 = vector.shape_cast %parallel_loop3A_331 : vector<1x16xf32> to vector<16xf32>
        %parallel_loop3A_333 = vector.shape_cast %parallel_loop3A_328 : vector<16xf32> to vector<1x16xf32>
        tpu.vector_store %arg14[%parallel_loop3A_329, %parallel_loop3A_330], %parallel_loop3A_333 {add = true, strides = array<i32>} : memref<32x512xf32, #tpu.memory_space<vmem>>, vector<1x16xf32>,
        %parallel_loop3A_334 = arith.index_cast %parallel_loop3A_171 : i32 to index
        %parallel_loop3A_335 = arith.constant 288 : index
        %parallel_loop3A_336 = tpu.vector_load %arg8[%parallel_loop3A_334, %parallel_loop3A_335] {strides = array<i32>} : memref<64x512xf32, #tpu.memory_space<vmem>>, vector<1x16xf32>,
        %parallel_loop3A_337 = vector.shape_cast %parallel_loop3A_336 : vector<1x16xf32> to vector<16xf32>
        %parallel_loop3A_338 = arith.index_cast %parallel_loop3A_163 : i32 to index
        %parallel_loop3A_339 = arith.constant 288 : index
        %parallel_loop3A_340 = tpu.vector_load %arg14[%parallel_loop3A_338, %parallel_loop3A_339] {strides = array<i32>} : memref<32x512xf32, #tpu.memory_space<vmem>>, vector<1x16xf32>,
        %parallel_loop3A_341 = vector.shape_cast %parallel_loop3A_340 : vector<1x16xf32> to vector<16xf32>
        %parallel_loop3A_342 = vector.shape_cast %parallel_loop3A_337 : vector<16xf32> to vector<1x16xf32>
        tpu.vector_store %arg14[%parallel_loop3A_338, %parallel_loop3A_339], %parallel_loop3A_342 {add = true, strides = array<i32>} : memref<32x512xf32, #tpu.memory_space<vmem>>, vector<1x16xf32>,
        %parallel_loop3A_343 = arith.index_cast %parallel_loop3A_171 : i32 to index
        %parallel_loop3A_344 = arith.constant 304 : index
        %parallel_loop3A_345 = tpu.vector_load %arg8[%parallel_loop3A_343, %parallel_loop3A_344] {strides = array<i32>} : memref<64x512xf32, #tpu.memory_space<vmem>>, vector<1x16xf32>,
        %parallel_loop3A_346 = vector.shape_cast %parallel_loop3A_345 : vector<1x16xf32> to vector<16xf32>
        %parallel_loop3A_347 = arith.index_cast %parallel_loop3A_163 : i32 to index
        %parallel_loop3A_348 = arith.constant 304 : index
        %parallel_loop3A_349 = tpu.vector_load %arg14[%parallel_loop3A_347, %parallel_loop3A_348] {strides = array<i32>} : memref<32x512xf32, #tpu.memory_space<vmem>>, vector<1x16xf32>,
        %parallel_loop3A_350 = vector.shape_cast %parallel_loop3A_349 : vector<1x16xf32> to vector<16xf32>
        %parallel_loop3A_351 = vector.shape_cast %parallel_loop3A_346 : vector<16xf32> to vector<1x16xf32>
        tpu.vector_store %arg14[%parallel_loop3A_347, %parallel_loop3A_348], %parallel_loop3A_351 {add = true, strides = array<i32>} : memref<32x512xf32, #tpu.memory_space<vmem>>, vector<1x16xf32>,
        %parallel_loop3A_352 = arith.index_cast %parallel_loop3A_171 : i32 to index
        %parallel_loop3A_353 = arith.constant 320 : index
        %parallel_loop3A_354 = tpu.vector_load %arg8[%parallel_loop3A_352, %parallel_loop3A_353] {strides = array<i32>} : memref<64x512xf32, #tpu.memory_space<vmem>>, vector<1x16xf32>,
        %parallel_loop3A_355 = vector.shape_cast %parallel_loop3A_354 : vector<1x16xf32> to vector<16xf32>
        %parallel_loop3A_356 = arith.index_cast %parallel_loop3A_163 : i32 to index
        %parallel_loop3A_357 = arith.constant 320 : index
        %parallel_loop3A_358 = tpu.vector_load %arg14[%parallel_loop3A_356, %parallel_loop3A_357] {strides = array<i32>} : memref<32x512xf32, #tpu.memory_space<vmem>>, vector<1x16xf32>,
        %parallel_loop3A_359 = vector.shape_cast %parallel_loop3A_358 : vector<1x16xf32> to vector<16xf32>
        %parallel_loop3A_360 = vector.shape_cast %parallel_loop3A_355 : vector<16xf32> to vector<1x16xf32>
        tpu.vector_store %arg14[%parallel_loop3A_356, %parallel_loop3A_357], %parallel_loop3A_360 {add = true, strides = array<i32>} : memref<32x512xf32, #tpu.memory_space<vmem>>, vector<1x16xf32>,
        %parallel_loop3A_361 = arith.index_cast %parallel_loop3A_171 : i32 to index
        %parallel_loop3A_362 = arith.constant 336 : index
        %parallel_loop3A_363 = tpu.vector_load %arg8[%parallel_loop3A_361, %parallel_loop3A_362] {strides = array<i32>} : memref<64x512xf32, #tpu.memory_space<vmem>>, vector<1x16xf32>,
        %parallel_loop3A_364 = vector.shape_cast %parallel_loop3A_363 : vector<1x16xf32> to vector<16xf32>
        %parallel_loop3A_365 = arith.index_cast %parallel_loop3A_163 : i32 to index
        %parallel_loop3A_366 = arith.constant 336 : index
        %parallel_loop3A_367 = tpu.vector_load %arg14[%parallel_loop3A_365, %parallel_loop3A_366] {strides = array<i32>} : memref<32x512xf32, #tpu.memory_space<vmem>>, vector<1x16xf32>,
        %parallel_loop3A_368 = vector.shape_cast %parallel_loop3A_367 : vector<1x16xf32> to vector<16xf32>
        %parallel_loop3A_369 = vector.shape_cast %parallel_loop3A_364 : vector<16xf32> to vector<1x16xf32>
        tpu.vector_store %arg14[%parallel_loop3A_365, %parallel_loop3A_366], %parallel_loop3A_369 {add = true, strides = array<i32>} : memref<32x512xf32, #tpu.memory_space<vmem>>, vector<1x16xf32>,
        %parallel_loop3A_370 = arith.index_cast %parallel_loop3A_171 : i32 to index
        %parallel_loop3A_371 = arith.constant 352 : index
        %parallel_loop3A_372 = tpu.vector_load %arg8[%parallel_loop3A_370, %parallel_loop3A_371] {strides = array<i32>} : memref<64x512xf32, #tpu.memory_space<vmem>>, vector<1x16xf32>,
        %parallel_loop3A_373 = vector.shape_cast %parallel_loop3A_372 : vector<1x16xf32> to vector<16xf32>
        %parallel_loop3A_374 = arith.index_cast %parallel_loop3A_163 : i32 to index
        %parallel_loop3A_375 = arith.constant 352 : index
        %parallel_loop3A_376 = tpu.vector_load %arg14[%parallel_loop3A_374, %parallel_loop3A_375] {strides = array<i32>} : memref<32x512xf32, #tpu.memory_space<vmem>>, vector<1x16xf32>,
        %parallel_loop3A_377 = vector.shape_cast %parallel_loop3A_376 : vector<1x16xf32> to vector<16xf32>
        %parallel_loop3A_378 = vector.shape_cast %parallel_loop3A_373 : vector<16xf32> to vector<1x16xf32>
        tpu.vector_store %arg14[%parallel_loop3A_374, %parallel_loop3A_375], %parallel_loop3A_378 {add = true, strides = array<i32>} : memref<32x512xf32, #tpu.memory_space<vmem>>, vector<1x16xf32>,
        %parallel_loop3A_379 = arith.index_cast %parallel_loop3A_171 : i32 to index
        %parallel_loop3A_380 = arith.constant 368 : index
        %parallel_loop3A_381 = tpu.vector_load %arg8[%parallel_loop3A_379, %parallel_loop3A_380] {strides = array<i32>} : memref<64x512xf32, #tpu.memory_space<vmem>>, vector<1x16xf32>,
        %parallel_loop3A_382 = vector.shape_cast %parallel_loop3A_381 : vector<1x16xf32> to vector<16xf32>
        %parallel_loop3A_383 = arith.index_cast %parallel_loop3A_163 : i32 to index
        %parallel_loop3A_384 = arith.constant 368 : index
        %parallel_loop3A_385 = tpu.vector_load %arg14[%parallel_loop3A_383, %parallel_loop3A_384] {strides = array<i32>} : memref<32x512xf32, #tpu.memory_space<vmem>>, vector<1x16xf32>,
        %parallel_loop3A_386 = vector.shape_cast %parallel_loop3A_385 : vector<1x16xf32> to vector<16xf32>
        %parallel_loop3A_387 = vector.shape_cast %parallel_loop3A_382 : vector<16xf32> to vector<1x16xf32>
        tpu.vector_store %arg14[%parallel_loop3A_383, %parallel_loop3A_384], %parallel_loop3A_387 {add = true, strides = array<i32>} : memref<32x512xf32, #tpu.memory_space<vmem>>, vector<1x16xf32>,
        %parallel_loop3A_388 = arith.index_cast %parallel_loop3A_171 : i32 to index
        %parallel_loop3A_389 = arith.constant 384 : index
        %parallel_loop3A_390 = tpu.vector_load %arg8[%parallel_loop3A_388, %parallel_loop3A_389] {strides = array<i32>} : memref<64x512xf32, #tpu.memory_space<vmem>>, vector<1x16xf32>,
        %parallel_loop3A_391 = vector.shape_cast %parallel_loop3A_390 : vector<1x16xf32> to vector<16xf32>
        %parallel_loop3A_392 = arith.index_cast %parallel_loop3A_163 : i32 to index
        %parallel_loop3A_393 = arith.constant 384 : index
        %parallel_loop3A_394 = tpu.vector_load %arg14[%parallel_loop3A_392, %parallel_loop3A_393] {strides = array<i32>} : memref<32x512xf32, #tpu.memory_space<vmem>>, vector<1x16xf32>,
        %parallel_loop3A_395 = vector.shape_cast %parallel_loop3A_394 : vector<1x16xf32> to vector<16xf32>
        %parallel_loop3A_396 = vector.shape_cast %parallel_loop3A_391 : vector<16xf32> to vector<1x16xf32>
        tpu.vector_store %arg14[%parallel_loop3A_392, %parallel_loop3A_393], %parallel_loop3A_396 {add = true, strides = array<i32>} : memref<32x512xf32, #tpu.memory_space<vmem>>, vector<1x16xf32>,
        %parallel_loop3A_397 = arith.index_cast %parallel_loop3A_171 : i32 to index
        %parallel_loop3A_398 = arith.constant 400 : index
        %parallel_loop3A_399 = tpu.vector_load %arg8[%parallel_loop3A_397, %parallel_loop3A_398] {strides = array<i32>} : memref<64x512xf32, #tpu.memory_space<vmem>>, vector<1x16xf32>,
        %parallel_loop3A_400 = vector.shape_cast %parallel_loop3A_399 : vector<1x16xf32> to vector<16xf32>
        %parallel_loop3A_401 = arith.index_cast %parallel_loop3A_163 : i32 to index
        %parallel_loop3A_402 = arith.constant 400 : index
        %parallel_loop3A_403 = tpu.vector_load %arg14[%parallel_loop3A_401, %parallel_loop3A_402] {strides = array<i32>} : memref<32x512xf32, #tpu.memory_space<vmem>>, vector<1x16xf32>,
        %parallel_loop3A_404 = vector.shape_cast %parallel_loop3A_403 : vector<1x16xf32> to vector<16xf32>
        %parallel_loop3A_405 = vector.shape_cast %parallel_loop3A_400 : vector<16xf32> to vector<1x16xf32>
        tpu.vector_store %arg14[%parallel_loop3A_401, %parallel_loop3A_402], %parallel_loop3A_405 {add = true, strides = array<i32>} : memref<32x512xf32, #tpu.memory_space<vmem>>, vector<1x16xf32>,
        %parallel_loop3A_406 = arith.index_cast %parallel_loop3A_171 : i32 to index
        %parallel_loop3A_407 = arith.constant 416 : index
        %parallel_loop3A_408 = tpu.vector_load %arg8[%parallel_loop3A_406, %parallel_loop3A_407] {strides = array<i32>} : memref<64x512xf32, #tpu.memory_space<vmem>>, vector<1x16xf32>,
        %parallel_loop3A_409 = vector.shape_cast %parallel_loop3A_408 : vector<1x16xf32> to vector<16xf32>
        %parallel_loop3A_410 = arith.index_cast %parallel_loop3A_163 : i32 to index
        %parallel_loop3A_411 = arith.constant 416 : index
        %parallel_loop3A_412 = tpu.vector_load %arg14[%parallel_loop3A_410, %parallel_loop3A_411] {strides = array<i32>} : memref<32x512xf32, #tpu.memory_space<vmem>>, vector<1x16xf32>,
        %parallel_loop3A_413 = vector.shape_cast %parallel_loop3A_412 : vector<1x16xf32> to vector<16xf32>
        %parallel_loop3A_414 = vector.shape_cast %parallel_loop3A_409 : vector<16xf32> to vector<1x16xf32>
        tpu.vector_store %arg14[%parallel_loop3A_410, %parallel_loop3A_411], %parallel_loop3A_414 {add = true, strides = array<i32>} : memref<32x512xf32, #tpu.memory_space<vmem>>, vector<1x16xf32>,
        %parallel_loop3A_415 = arith.index_cast %parallel_loop3A_171 : i32 to index
        %parallel_loop3A_416 = arith.constant 432 : index
        %parallel_loop3A_417 = tpu.vector_load %arg8[%parallel_loop3A_415, %parallel_loop3A_416] {strides = array<i32>} : memref<64x512xf32, #tpu.memory_space<vmem>>, vector<1x16xf32>,
        %parallel_loop3A_418 = vector.shape_cast %parallel_loop3A_417 : vector<1x16xf32> to vector<16xf32>
        %parallel_loop3A_419 = arith.index_cast %parallel_loop3A_163 : i32 to index
        %parallel_loop3A_420 = arith.constant 432 : index
        %parallel_loop3A_421 = tpu.vector_load %arg14[%parallel_loop3A_419, %parallel_loop3A_420] {strides = array<i32>} : memref<32x512xf32, #tpu.memory_space<vmem>>, vector<1x16xf32>,
        %parallel_loop3A_422 = vector.shape_cast %parallel_loop3A_421 : vector<1x16xf32> to vector<16xf32>
        %parallel_loop3A_423 = vector.shape_cast %parallel_loop3A_418 : vector<16xf32> to vector<1x16xf32>
        tpu.vector_store %arg14[%parallel_loop3A_419, %parallel_loop3A_420], %parallel_loop3A_423 {add = true, strides = array<i32>} : memref<32x512xf32, #tpu.memory_space<vmem>>, vector<1x16xf32>,
        %parallel_loop3A_424 = arith.index_cast %parallel_loop3A_171 : i32 to index
        %parallel_loop3A_425 = arith.constant 448 : index
        %parallel_loop3A_426 = tpu.vector_load %arg8[%parallel_loop3A_424, %parallel_loop3A_425] {strides = array<i32>} : memref<64x512xf32, #tpu.memory_space<vmem>>, vector<1x16xf32>,
        %parallel_loop3A_427 = vector.shape_cast %parallel_loop3A_426 : vector<1x16xf32> to vector<16xf32>
        %parallel_loop3A_428 = arith.index_cast %parallel_loop3A_163 : i32 to index
        %parallel_loop3A_429 = arith.constant 448 : index
        %parallel_loop3A_430 = tpu.vector_load %arg14[%parallel_loop3A_428, %parallel_loop3A_429] {strides = array<i32>} : memref<32x512xf32, #tpu.memory_space<vmem>>, vector<1x16xf32>,
        %parallel_loop3A_431 = vector.shape_cast %parallel_loop3A_430 : vector<1x16xf32> to vector<16xf32>
        %parallel_loop3A_432 = vector.shape_cast %parallel_loop3A_427 : vector<16xf32> to vector<1x16xf32>
        tpu.vector_store %arg14[%parallel_loop3A_428, %parallel_loop3A_429], %parallel_loop3A_432 {add = true, strides = array<i32>} : memref<32x512xf32, #tpu.memory_space<vmem>>, vector<1x16xf32>,
        %parallel_loop3A_433 = arith.index_cast %parallel_loop3A_171 : i32 to index
        %parallel_loop3A_434 = arith.constant 464 : index
        %parallel_loop3A_435 = tpu.vector_load %arg8[%parallel_loop3A_433, %parallel_loop3A_434] {strides = array<i32>} : memref<64x512xf32, #tpu.memory_space<vmem>>, vector<1x16xf32>,
        %parallel_loop3A_436 = vector.shape_cast %parallel_loop3A_435 : vector<1x16xf32> to vector<16xf32>
        %parallel_loop3A_437 = arith.index_cast %parallel_loop3A_163 : i32 to index
        %parallel_loop3A_438 = arith.constant 464 : index
        %parallel_loop3A_439 = tpu.vector_load %arg14[%parallel_loop3A_437, %parallel_loop3A_438] {strides = array<i32>} : memref<32x512xf32, #tpu.memory_space<vmem>>, vector<1x16xf32>,
        %parallel_loop3A_440 = vector.shape_cast %parallel_loop3A_439 : vector<1x16xf32> to vector<16xf32>
        %parallel_loop3A_441 = vector.shape_cast %parallel_loop3A_436 : vector<16xf32> to vector<1x16xf32>
        tpu.vector_store %arg14[%parallel_loop3A_437, %parallel_loop3A_438], %parallel_loop3A_441 {add = true, strides = array<i32>} : memref<32x512xf32, #tpu.memory_space<vmem>>, vector<1x16xf32>,
        %parallel_loop3A_442 = arith.index_cast %parallel_loop3A_171 : i32 to index
        %parallel_loop3A_443 = arith.constant 480 : index
        %parallel_loop3A_444 = tpu.vector_load %arg8[%parallel_loop3A_442, %parallel_loop3A_443] {strides = array<i32>} : memref<64x512xf32, #tpu.memory_space<vmem>>, vector<1x16xf32>,
        %parallel_loop3A_445 = vector.shape_cast %parallel_loop3A_444 : vector<1x16xf32> to vector<16xf32>
        %parallel_loop3A_446 = arith.index_cast %parallel_loop3A_163 : i32 to index
        %parallel_loop3A_447 = arith.constant 480 : index
        %parallel_loop3A_448 = tpu.vector_load %arg14[%parallel_loop3A_446, %parallel_loop3A_447] {strides = array<i32>} : memref<32x512xf32, #tpu.memory_space<vmem>>, vector<1x16xf32>,
        %parallel_loop3A_449 = vector.shape_cast %parallel_loop3A_448 : vector<1x16xf32> to vector<16xf32>
        %parallel_loop3A_450 = vector.shape_cast %parallel_loop3A_445 : vector<16xf32> to vector<1x16xf32>
        tpu.vector_store %arg14[%parallel_loop3A_446, %parallel_loop3A_447], %parallel_loop3A_450 {add = true, strides = array<i32>} : memref<32x512xf32, #tpu.memory_space<vmem>>, vector<1x16xf32>,
        %parallel_loop3A_451 = arith.index_cast %parallel_loop3A_171 : i32 to index
        %parallel_loop3A_452 = arith.constant 496 : index
        %parallel_loop3A_453 = tpu.vector_load %arg8[%parallel_loop3A_451, %parallel_loop3A_452] {strides = array<i32>} : memref<64x512xf32, #tpu.memory_space<vmem>>, vector<1x16xf32>,
        %parallel_loop3A_454 = vector.shape_cast %parallel_loop3A_453 : vector<1x16xf32> to vector<16xf32>
        %parallel_loop3A_455 = arith.index_cast %parallel_loop3A_163 : i32 to index
        %parallel_loop3A_456 = arith.constant 496 : index
        %parallel_loop3A_457 = tpu.vector_load %arg14[%parallel_loop3A_455, %parallel_loop3A_456] {strides = array<i32>} : memref<32x512xf32, #tpu.memory_space<vmem>>, vector<1x16xf32>,
        %parallel_loop3A_458 = vector.shape_cast %parallel_loop3A_457 : vector<1x16xf32> to vector<16xf32>
        %parallel_loop3A_459 = vector.shape_cast %parallel_loop3A_454 : vector<16xf32> to vector<1x16xf32>
        tpu.vector_store %arg14[%parallel_loop3A_455, %parallel_loop3A_456], %parallel_loop3A_459 {add = true, strides = array<i32>} : memref<32x512xf32, #tpu.memory_space<vmem>>, vector<1x16xf32>,
      } {sc.loop_unroll_factor = 1 : i64, sc.parallel_access}
      %mul3A_158 = arith.constant 32 : i32
      %mul3A_159 = arith.muli %add3A_138, %mul3A_158 : i32
      %add3A_160 = arith.addi %mul3A_0, %mul3A_159 : i32
      %dma_start3A_161 = tpu.memref_slice %arg6[%add3A_160, %mul3A_2] : memref<16384x1024xf32, #tpu.memory_space<hbm>> -> memref<32x512xf32, #tpu.memory_space<hbm>>
      %dma_start3A_162 = tpu.memref_slice %arg6[%add3A_160, %mul3A_2] : memref<16384x1024xf32, #tpu.memory_space<hbm>> -> memref<32x512xf32, #tpu.memory_space<hbm>>
      tpu.enqueue_dma source(%arg14 : memref<32x512xf32, #tpu.memory_space<vmem>>) target(%dma_start3A_162 : memref<32x512xf32, #tpu.memory_space<hbm>>) target_semaphore(%arg22 : memref<!tpu.dma_semaphore, #tpu.memory_space<semaphore_mem>>)
    }
    %scan3A_38 = arith.constant 8 : i32
    %add3A_39 = arith.constant 896 : i32
    %add3A_40 = arith.addi %mul3A_0, %add3A_39 : i32
    %dma_wait3A = tpu.memref_slice %arg6[%add3A_40, %mul3A_2] : memref<16384x1024xf32, #tpu.memory_space<hbm>> -> memref<32x512xf32, #tpu.memory_space<hbm>>
    %dma_wait3A_41 = tpu.memref_slice %arg6[%add3A_40, %mul3A_2] : memref<16384x1024xf32, #tpu.memory_space<hbm>> -> memref<32x512xf32, #tpu.memory_space<hbm>>
    tpu.wait_dma2 semaphore(%arg19 : memref<!tpu.dma_semaphore, #tpu.memory_space<semaphore_mem>>) src(%arg11 : memref<32x512xf32, #tpu.memory_space<vmem>>) dst(%dma_wait3A_41 : memref<32x512xf32, #tpu.memory_space<hbm>>)
    %add3A_42 = arith.constant 928 : i32
    %add3A_43 = arith.addi %mul3A_0, %add3A_42 : i32
    %dma_wait3A_44 = tpu.memref_slice %arg6[%add3A_43, %mul3A_2] : memref<16384x1024xf32, #tpu.memory_space<hbm>> -> memref<32x512xf32, #tpu.memory_space<hbm>>
    %dma_wait3A_45 = tpu.memref_slice %arg6[%add3A_43, %mul3A_2] : memref<16384x1024xf32, #tpu.memory_space<hbm>> -> memref<32x512xf32, #tpu.memory_space<hbm>>
    tpu.wait_dma2 semaphore(%arg20 : memref<!tpu.dma_semaphore, #tpu.memory_space<semaphore_mem>>) src(%arg12 : memref<32x512xf32, #tpu.memory_space<vmem>>) dst(%dma_wait3A_45 : memref<32x512xf32, #tpu.memory_space<hbm>>)
    %add3A_46 = arith.constant 960 : i32
    %add3A_47 = arith.addi %mul3A_0, %add3A_46 : i32
    %dma_wait3A_48 = tpu.memref_slice %arg6[%add3A_47, %mul3A_2] : memref<16384x1024xf32, #tpu.memory_space<hbm>> -> memref<32x512xf32, #tpu.memory_space<hbm>>
    %dma_wait3A_49 = tpu.memref_slice %arg6[%add3A_47, %mul3A_2] : memref<16384x1024xf32, #tpu.memory_space<hbm>> -> memref<32x512xf32, #tpu.memory_space<hbm>>
    tpu.wait_dma2 semaphore(%arg21 : memref<!tpu.dma_semaphore, #tpu.memory_space<semaphore_mem>>) src(%arg13 : memref<32x512xf32, #tpu.memory_space<vmem>>) dst(%dma_wait3A_49 : memref<32x512xf32, #tpu.memory_space<hbm>>)
    %add3A_50 = arith.constant 992 : i32
    %add3A_51 = arith.addi %mul3A_0, %add3A_50 : i32
    %dma_wait3A_52 = tpu.memref_slice %arg6[%add3A_51, %mul3A_2] : memref<16384x1024xf32, #tpu.memory_space<hbm>> -> memref<32x512xf32, #tpu.memory_space<hbm>>
    %dma_wait3A_53 = tpu.memref_slice %arg6[%add3A_51, %mul3A_2] : memref<16384x1024xf32, #tpu.memory_space<hbm>> -> memref<32x512xf32, #tpu.memory_space<hbm>>
    tpu.wait_dma2 semaphore(%arg22 : memref<!tpu.dma_semaphore, #tpu.memory_space<semaphore_mem>>) src(%arg14 : memref<32x512xf32, #tpu.memory_space<vmem>>) dst(%dma_wait3A_53 : memref<32x512xf32, #tpu.memory_space<hbm>>)
    return
  }
}

</mosaic_0001>

<sc_bundles>
// kernel: _run.3.cloned.1.call-start
scs
__scs_entry_jumppad:
0x0: {  	(pc) =	sbr.rel $0x88, $3  }
0x1: {  	(tag) =	ssettag $0x0;
	lr =	simm.s32 $0x1  }
0x2: {  	[smem:$0x3F9D] =	sst lr;
	_ =	strace $0xD0000000  }
0x3: {  	_ = 	snop  }
0x4: {  	_ = 	snop  }
0x5: {  	_ = 	snop  }
0x6: {  	_ = 	snop  }
0x7: {  	_ = 	snop  }
__scs_overlays_trampoline_lowered:
0x8: {  	[smem:$0x3FAC] =	sst s0  }
0x9: {  	[smem:$0x3FAD] =	sst s1  }
0xa: {  	[smem:$0x3FAE] =	sst s2  }
0xb: {  	[smem:$0x3FAF] =	sst s3  }
0xc: {  	[smem:$0x3FB0] =	sst s4  }
0xd: {  	[smem:$0x3FB1] =	sst s5  }
0xe: {  	[smem:$0x3FB2] =	sst s6  }
0xf: {  	[smem:$0x3FB3] =	sst s7  }
0x10: {  	[smem:$0x3FB4] =	sst s8  }
0x11: {  	[smem:$0x3FB5] =	sst s9;
	s0 =	simm.s32 @!p0 $0x0  }
0x12: {  	s1 =	sld [smem:$0x3F9B];
	s0 =	simm.s32 @p0 $0x1  }
0x13: {  	[smem:$0x3FB6] =	sst s0;
	s0 =	simm.s32 @!p1 $0x0  }
0x14: {  	s2 =	sld [smem:$0x3F9A];
	s0 =	simm.s32 @p1 $0x1  }
0x15: {  	[smem:$0x3FB7] =	sst s0;
	s0 =	simm.s32 @!p2 $0x0  }
0x16: {  	s3 =	sld [smem:$0x3FDB];
	s0 =	simm.s32 @p2 $0x1  }
0x17: {  	s4 =	simm.s32 $0x1BF5;
	[smem:$0x3FB9] =	sst s0  }
0x18: {  	s0 =	sld [smem:$0x3F9C];
	_ =	swait.ge [sflag:s4], $0x0  }
0x19: {  	s7 =	sld [smem:$0x3F9D]  }
0x1a: {  	s8 =	sadd.s32 $0xFFFFE003, lr  }
0x1b: {  	s9 =	sadd.s32 $0xFFFFFEF7, lr;
	s5 =	simm.s32 $0xFFFFFFFF;
	p2 =	slt.u32 s8, $0xFFFFF086  }
0x1c: {  	p1 =	slt.u32 s9, $0xF7A;
	s5 =	simm.s32 @!p2 $0x0  }
0x1d: {  	s5 =	simm.s32 @p1 $0x1;
	p0 =	seq.s32 s7, s2  }
0x1e: {  	s7 =	smul.u32 @!p0 $0xF7A, s2;
	p2 =	seq.s32 @!p0 s5, $0x0  }
0x1f: {  	s9 =	smul.u32 $0xF7A, s1;
	s8 =	simm.s32 @!p0 $0x1BF5;
	p2 =	por !p2, p0  }
0x20: {  	[sflag:s8] =	ssyncset.s32 @!p0 $0xFFFFF086;
	s6 =	sadd.s32 @!p0 s3, s7;
	s7 =	simm.s32 @!p0 $0x108  }
0x21: {  	s3 =	sadd.s32 s3, s9;
	s6 =	sadd.s32 @!p0 $0x88, s6;
	s7 =	simm.s32 @p2 $0x1082  }
0x22: {  	[simem:s7], [sflag:s8] =	dma.local @!p0 [hbm:s6], $0xF7A  }
0x23: {  	s9 =	sor.u32 $0xD0000000, s2;
	s6 =	simm.s32 $0x108;
	_ =	swait.ge @!p0 [sflag:s8], $0x0  }
0x24: {  	s3 =	sadd.s32 $0x88, s3;
	s6 =	simm.s32 @!p1 $0x1082;
	[sflag:s4] =	ssyncset.s32 $0xFFFFF086  }
0x25: {  	[simem:s6], [sflag:s4] =	dma.local [hbm:s3], $0xF7A  }
0x26: {  	[smem:$0x3F9D] =	sst s1;
	(tag) =	ssettag s2;
	_ =	strace s9  }
0x27: {  	s1 =	sld [smem:$0x3FAD]  }
0x28: {  	s2 =	sld [smem:$0x3FAE]  }
0x29: {  	s4 =	sld [smem:$0x3FB0]  }
0x2a: {  	p0 =	seq.s32 s5, $0x0;
	s5 =	sld [smem:$0x3FB1]  }
0x2b: {  	s6 =	sld [smem:$0x3FB2]  }
0x2c: {  	s7 =	sld [smem:$0x3FB3]  }
0x2d: {  	s3 =	simm.s32 $0x108;
	s8 =	sld [smem:$0x3FB4]  }
0x2e: {  	s3 =	simm.s32 @!p0 $0x1082;
	s9 =	sld [smem:$0x3FB5]  }
0x2f: {  	lr =	sadd.s32 s0, s3;
	s0 =	sld [smem:$0x3FAC]  }
0x30: {  	s3 =	sld [smem:$0x3FAF]  }
0x31: {  	[smem:$0x3FB8] =	sst s10  }
0x32: {  	s10 =	sld [smem:$0x3FB6];
	_ =	sdelay $0x3  }
0x33: {  	p0 =	seq.s32 s10, $0x1;
	s10 =	sld [smem:$0x3FB8];
	_ =	sdelay $0x3  }
0x34: {  	[smem:$0x3FB8] =	sst s10  }
0x35: {  	s10 =	sld [smem:$0x3FB7];
	_ =	sdelay $0x3  }
0x36: {  	p1 =	seq.s32 s10, $0x1;
	s10 =	sld [smem:$0x3FB8];
	_ =	sdelay $0x3  }
0x37: {  	[smem:$0x3FB8] =	sst s10  }
0x38: {  	s10 =	sld [smem:$0x3FB9]  }
0x39: {  	_ = 	snop;
	(pc) =	sbr.ind lr, $3  }
0x3a: {  	_ = 	snop  }
0x3b: {  	_ = 	snop  }
0x3c: {  	p2 =	seq.s32 s10, $0x1;
	s10 =	sld [smem:$0x3FB8]  }
0x3d: {  	_ =	shalt  }
0x3e: {  	_ =	shalt  }
0x3f: {  	_ =	shalt  }
0x40: {  	_ =	shalt  }
0x41: {  	_ =	shalt  }
0x42: {  	_ =	shalt  }
0x43: {  	_ =	shalt  }
0x44: {  	_ =	shalt  }
0x45: {  	_ =	shalt  }
0x46: {  	_ =	shalt  }
0x47: {  	_ =	shalt  }
0x48: {  	_ =	shalt  }
0x49: {  	_ =	shalt  }
0x4a: {  	_ =	shalt  }
0x4b: {  	_ =	shalt  }
0x4c: {  	_ =	shalt  }
0x4d: {  	_ =	shalt  }
0x4e: {  	_ =	shalt  }
0x4f: {  	_ =	shalt  }
0x50: {  	_ =	shalt  }
0x51: {  	_ =	shalt  }
0x52: {  	_ =	shalt  }
0x53: {  	_ =	shalt  }
0x54: {  	_ =	shalt  }
0x55: {  	_ =	shalt  }
0x56: {  	_ =	shalt  }
0x57: {  	_ =	shalt  }
0x58: {  	_ =	shalt  }
0x59: {  	_ =	shalt  }
0x5a: {  	_ =	shalt  }
0x5b: {  	_ =	shalt  }
0x5c: {  	_ =	shalt  }
0x5d: {  	_ =	shalt  }
0x5e: {  	_ =	shalt  }
0x5f: {  	_ =	shalt  }
0x60: {  	_ =	shalt  }
0x61: {  	_ =	shalt  }
0x62: {  	_ =	shalt  }
0x63: {  	_ =	shalt  }
0x64: {  	_ =	shalt  }
0x65: {  	_ =	shalt  }
0x66: {  	_ =	shalt  }
0x67: {  	_ =	shalt  }
0x68: {  	_ =	shalt  }
0x69: {  	_ =	shalt  }
0x6a: {  	_ =	shalt  }
0x6b: {  	_ =	shalt  }
0x6c: {  	_ =	shalt  }
0x6d: {  	_ =	shalt  }
0x6e: {  	_ =	shalt  }
0x6f: {  	_ =	shalt  }
0x70: {  	_ =	shalt  }
0x71: {  	_ =	shalt  }
0x72: {  	_ =	shalt  }
0x73: {  	_ =	shalt  }
0x74: {  	_ =	shalt  }
0x75: {  	_ =	shalt  }
0x76: {  	_ =	shalt  }
0x77: {  	_ =	shalt  }
0x78: {  	_ =	shalt  }
0x79: {  	_ =	shalt  }
0x7a: {  	_ =	shalt  }
0x7b: {  	_ =	shalt  }
0x7c: {  	_ =	shalt  }
0x7d: {  	_ =	shalt  }
0x7e: {  	_ =	shalt  }
0x7f: {  	_ =	shalt  }
0x80: {  	_ =	shalt  }
0x81: {  	_ =	shalt  }
0x82: {  	_ =	shalt  }
0x83: {  	_ =	shalt  }
0x84: {  	_ =	shalt  }
0x85: {  	_ =	shalt  }
0x86: {  	_ =	shalt  }
0x87: {  	_ =	shalt  }
.Lfunc_end0:
.L_simem_size_0:
called_computation_lowered:
.L_overlay_start_0:
0x88: {  	s2 =	sld [smem:$0x3FD9]  }
0x89: {  	s3 =	sld [smem:$0x3FFE];
	_ =	sdelay $0x1  }
0x8a: {  	s1 =	srdreg.scid  }
0x8b: {  	s0 =	sand.u32 $0x1, s1  }
0x8c: {  	s19 =	sshll.u32 s0, $0xA;
	s2 =	sadd.s32 s3, s2  }
0x8d: {  	s3 =	sadd.s32 s2, s19  }
0x8e: {  	[smem:$0x3FC4] =	sst s3  }
0x8f: {  	_ = 	snop  }
0x90: {  	s3 =	sld [smem:$0x3FC9]  }
0x91: {  	s4 =	sld [smem:$0x3FC8]  }
0x92: {  	s5 =	sld [smem:$0x3FC7]  }
0x93: {  	s6 =	sld [smem:$0x3FC6]  }
0x94: {  	s7 =	sld [smem:$0x3FD0];
	(tm) =	ssettm $0x1  }
0x95: {  	s8 =	sld [smem:$0x3FFB];
	_ =	sdelay $0x3  }
0x96: {  	_ =	strace s8  }
0x97: {  	s8 =	sld [smem:$0x3FFC];
	_ =	sdelay $0x3  }
0x98: {  	_ =	strace s8  }
0x99: {  	s8 =	sld [smem:$0x3FFD];
	_ =	sdelay $0x3  }
0x9a: {  	_ =	strace s8  }
0x9b: {  	_ =	strace $0x8FFFFFFF  }
0x9c: {  	s20 =	sld [smem:$0x3FDB];
	_ =	sdelay $0x1  }
0x9d: {  	s9 =	simm.s32 $_scs_section_size  }
0x9e: {  	s10 =	simm.s32 $_size__tile_overlayer_lowered;
	s11 =	simm.s32 $_tile_overlayer_lowered  }
0x9f: {  	s23 =	simm.s32 $0x1BFF;
	s22 =	sshll.u32 s11, $0x1;
	s8 =	sadd.s32 s9, s20  }
0xa0: {  	s12 =	simm.s32 $0x0;
	s21 =	sshll.u32 s10, $0x1;
	s10 =	sadd.s32 s22, s8  }
0xa1: {  	[timem:s12], [sflag:s23] =	dma.local [hbm:s10], s21  }
0xa2: {  	_ =	swait.ge [sflag:s23], s21  }
0xa3: {  	s9 =	ssub.s32 $0x0, s21;
	[sflag:s23] =	ssyncset.done $0x0  }
0xa4: {  	[sflag:s23] =	ssyncadd.s32 s9;
	_ =	sdelay $0x1  }
0xa5: {  	s24 =	simm.s32 $0x1B8B  }
0xa6: {  	_ =	swait.ge [sflag:s24], $0x1  }
0xa7: {  	[sflag:s24] =	ssyncset.done $0x0  }
0xa8: {  	s25 =	simm.s32 $0x1B8E;
	[sflag:s24] =	ssyncadd.s32 $0xFFFFFFFF  }
0xa9: {  	s26 =	simm.s32 $execute0_lowered;
	[smem:$0x3FD2] =	sst s25  }
0xaa: {  	s9 =	sshll.u32 s26, $0x1;
	_ =	strace $0x80000046;
	[dreg:$0x1] =	wrdreg $0xFFFFFFFF  }
0xab: {  	s28 =	simm.s32 $_size_execute0_lowered;
	s8 =	sadd.s32 s8, s9;
	[dreg:$0x0] =	wrdreg $0x0  }
0xac: {  	s9 =	sshll.u32 s28, $0x1;
	[dreg:$0x2] =	wrdreg s8  }
0xad: {  	[dreg:$0x3] =	wrdreg s9  }
0xae: {  	[dreg:$0x4] =	wrdreg $0xC0  }
0xaf: {  	_ =	task [dreg:s12], $0x5FFFF  }
0xb0: {  	[dreg:$0x1] =	wrdreg $0xFFFFFFFF  }
0xb1: {  	[dreg:$0x0] =	wrdreg $0x60  }
0xb2: {  	[dreg:$0x2] =	wrdreg s3  }
0xb3: {  	[dreg:$0x3] =	wrdreg s4  }
0xb4: {  	[dreg:$0x4] =	wrdreg s5  }
0xb5: {  	[dreg:$0x5] =	wrdreg s6  }
0xb6: {  	s2 =	sadd.s32 $0x800, s2;
	[dreg:$0x6] =	wrdreg s7  }
0xb7: {  	[dreg:$0x7] =	wrdreg s2  }
0xb8: {  	[dreg:$0x8] =	wrdreg $0x9  }
0xb9: {  	_ =	task.clear_ibuf [dreg:s12], $0x9FFFF;
	_ =	strace $0x90000046  }
0xba: {  	s29 =	simm.s32 $0x9;
	_ =	strace $0x80000048  }
0xbb: {  	_ =	swait.ge [sflag:s29], $0x1  }
0xbc: {  	[sflag:s29] =	ssyncadd.s32 $0xFFFFFFFF  }
0xbd: {  	_ =	strace $0x90000048  }
0xbe: {  	_ =	sfence  }
0xbf: {  	s30 =	sld [smem:$0x0];
	_ =	sdelay $0x2  }
0xc0: {  	s31 =	sshll.u32 s1, $0xD;
	s1 =	sshrl.u32 s1, $0x2  }
0xc1: {  	s3 =	sand.u32 $0x4000, s31;
	s1 =	sadd.s32 s1, s30  }
0xc2: {  	s0 =	sor.u32 s3, s0;
	s1 =	sshll.u32 s1, $0x11  }
0xc3: {  	s0 =	sor.u32 s1, s0  }
0xc4: {  	s0 =	sadd.s32 $0x8F2B, s0  }
0xc5: {  	[sflag:s0] =	ssyncadd.remote.s32 $0x1  }
0xc6: {  	_ =	sfence.sel $0xFFFF  }
0xc7: {  	[dreg:$0x0] =	wrdreg $0xFFFFFFFF;
	(pc) =	sbr.abs _section_cstart, $3  }
0xc8: {  	[dreg:$0x1] =	wrdreg $0xFFFFFFFF  }
0xc9: {  	_ =	task.clear_ibuf [dreg:s12], $0x2FFFF;
	_ =	strace $0x9FFFFFFF  }
0xca: {  	(tm) =	ssettm $0x7FFFFFFF  }
0xcb: {  	_ =	shalt  }
tec
execute0_lowered:
.L_overlay_start_1:
0x0: {  	(tag) =	ssettag $0x1  }
0x1: {  	s0 =	rddreg [dreg:$0x0]  }
0x2: {  	s3 =	rddreg [dreg:$0x1]  }
0x3: {  	s4 =	rddreg [dreg:$0x2]  }
0x4: {  	s5 =	rddreg [dreg:$0x3]  }
0x5: {  	s1 =	rddreg [dreg:$0x4]  }
0x6: {  	s2 =	rddreg [dreg:$0x5];
	s6 =	srdreg.scid;
	s7 =	simm.s32 $0x0  }
0x7: {  	s11 =	stileid.u32;
	s12 =	simm.s32 $0x1000;
	s13 =	simm.s32 $0x2000  }
0x8: {  	s18 =	simm.s32 $0x3;
	s19 =	simm.s32 $0x4;
	s6 =	sand.u32 $0x1, s6  }
0x9: {  	[smem:$0x7FF] =	sst s7;
	s9 =	sshll.u32 s11, $0x7;
	s24 =	sshll.u32 s11, $0xC  }
0xa: {  	s29 =	sshll.u32 s11, $0x14;
	s11 =	simm.s32 $0x2;
	s20 =	ssub.s32 $0x2, s6  }
0xb: {  	_ =	strace $0x80000047;
	s21 =	sshll.u32 s6, $0x9;
	s10 =	sshll.u32 s6, $0xC  }
0xc: {  	s22 =	sadd.s32 s4, s9;
	s23 =	sadd.s32 s5, s9;
	s25 =	sshll.u32 s6, $0x10  }
0xd: {  	s26 =	sshll.u32 s6, $0xA;
	s5 =	simm.s32 $0x0;
	[dreg:$0x8] =	wrdreg s22  }
0xe: {  	s8 =	sshrl.u32 s20, $0x1;
	s0 =	sadd.s32 s0, s21;
	[dreg:$0x9] =	wrdreg s23  }
0xf: {  	s3 =	sadd.s32 s3, s21;
	s10 =	sor.u32 s10, s29;
	[dreg:$0x7] =	wrdreg s0  }
0x10: {  	s7 =	ssub.s32 s20, s8;
	[dreg:$0xa] =	wrdreg s3;
	s3 =	sadd.s32 $0x1000, s3  }
0x11: {  	v3 =	vlaneseq.u32;
	s0 =	sor.u32 s25, s24;
	[dreg:$0xb] =	wrdreg s3;
	s30 =	smax.u32 s7, $0x1  }
0x12: {  	v0 =	vmul.u32 $0x40, v3;
	s28 =	sor.u32 $0x800, s0;
	s0 =	sadd.s32 s0, s2;
	[dreg:$0xc] =	wrdreg s30  }
0x13: {  	vm0 =	vmmov $0xffff;
	v1 =	vand.u32 $0x7, v3;
	v2 =	vshrl.u32 v3, $0x3;
	s22 =	simm.s32 $0x10880;
	[dreg:$0xd] =	wrdreg s0;
	s31 =	sadd.s32 s2, s28  }
0x14: {  	v3 =	vor.u32 $0x8, v3;
	v2 =	vmul.u32 $0x8, v2;
	v0 =	vor.u32 s26, v0;
	s20 =	sadd.s32 $0x100, s2;
	s0 =	simm.s32 $0x1;
	[dreg:$0xe] =	wrdreg s31  }
.LBB2_1:
0x15: {  	[dreg:$0xf] =	wrdreg s5  }
0x16: {  	s3 =	simm.s32 $0x0;
	s4 =	rddreg [dreg:$0x7];
	s21 =	simm.s32 $0x9  }
0x17: {  	[tilespmem:s3], [sflag:$0x9] =	stream.strided.gather [hbm4b:s4+s12], $0x8000, s13, s12, $0x38;
	[tilespmem:$0x18880] =	vst v63  }
0x18: {  	_ =	swait.ge [sflag:s21], $0x8000  }
0x19: {  	[sflag:s21] =	ssyncset.done $0x0  }
0x1a: {  	s6 =	simm.s32 $0x8000;
	s23 =	rddreg [dreg:$0x8];
	[sflag:s21] =	ssyncadd.s32 $0xFFFF8000  }
0x1b: {  	[tilespmem:s6], [sflag:$0x9] =	stream.linear.gather [hbm4b:s23+s3], $0x400, $0x38;
	[tilespmem:$0x18880] =	vst v63  }
0x1c: {  	_ =	swait.ge [sflag:s21], $0x400  }
0x1d: {  	[sflag:s21] =	ssyncset.done $0x0  }
0x1e: {  	s25 =	simm.s32 $0x8480;
	s24 =	rddreg [dreg:$0x9];
	[sflag:s21] =	ssyncadd.s32 $0xFFFFFC00  }
0x1f: {  	[tilespmem:s25], [sflag:$0x9] =	stream.linear.gather [hbm4b:s24+s3], $0x400, $0x38;
	[tilespmem:$0x18880] =	vst v63  }
0x20: {  	_ =	swait.ge [sflag:s21], $0x400  }
0x21: {  	[sflag:s21] =	ssyncset.done $0x0  }
0x22: {  	s28 =	simm.s32 $0x8880;
	s26 =	rddreg [dreg:$0xa];
	[sflag:s21] =	ssyncadd.s32 $0xFFFFFC00  }
0x23: {  	[tilespmem:s28], [sflag:$0x9] =	stream.strided.gather [hbm4b:s26+s12], $0x4000, s13, s12, $0x38;
	[tilespmem:$0x18880] =	vst v63  }
0x24: {  	_ =	swait.ge [sflag:s21], $0x4000  }
0x25: {  	[sflag:s21] =	ssyncset.done $0x0  }
0x26: {  	s29 =	rddreg [dreg:$0xd];
	[sflag:s21] =	ssyncadd.s32 $0xFFFFC000  }
0x27: {  	[hbm4b:s29+s3] =	stream.linear.scatter [tilespmem:s28], [sflag:$0x9], $0x4000, $0x38;
	[tilespmem:$0x18880] =	vst v63  }
0x28: {  	_ =	swait.ge [sflag:s21], $0x4000  }
0x29: {  	[sflag:s21] =	ssyncset.done $0x0  }
0x2a: {  	s30 =	rddreg [dreg:$0xb];
	[sflag:s21] =	ssyncadd.s32 $0xFFFFC000  }
0x2b: {  	[tilespmem:s28], [sflag:$0x9] =	stream.strided.gather [hbm4b:s30+s12], $0x4000, s13, s12, $0x38;
	[tilespmem:$0x18880] =	vst v63  }
0x2c: {  	_ =	swait.ge [sflag:s21], $0x4000  }
0x2d: {  	[sflag:s21] =	ssyncset.done $0x0  }
0x2e: {  	s31 =	rddreg [dreg:$0xe];
	[sflag:s21] =	ssyncadd.s32 $0xFFFFC000  }
0x2f: {  	[hbm4b:s31+s3] =	stream.linear.scatter [tilespmem:s28], [sflag:$0x9], $0x4000, $0x38;
	[tilespmem:$0x18880] =	vst v63  }
0x30: {  	_ =	swait.ge [sflag:s21], $0x4000  }
0x31: {  	[sflag:s21] =	ssyncset.done $0x0  }
0x32: {  	s5 =	simm.s32 $0x40;
	s3 =	simm.s32 $0x0;
	[sflag:s21] =	ssyncadd.s32 $0xFFFFC000  }
.LBB2_2:
0x33: {  	p0 =	sne.s32 s5, $0xFC0;
	v4 =	vld [tilespmem:s3+$0x8480];
	_ =	sdelay $0x1  }
.Ltmp0:
0x34: {  	(pc) =	sbr.rel @p0 .LBB2_2-.Ltmp0, $3  }
0x35: {  	_ =	sdelay $0x1  }
0x36: {  	v4 =	vadd.s32 v4, v0  }
0x37: {  	[tilespmem:s3+$0x8480] =	vst v4;
	s3 =	sshra.s32 s5, $0x2;
	s5 =	sadd.s32 $0x40, s5  }
0x38: {  	v4 =	vld [tilespmem:s3+$0x8480];
	_ =	sdelay $0x4  }
0x39: {  	v4 =	vadd.s32 v4, v0  }
0x3a: {  	[tilespmem:s3+$0x8480] =	vst v4  }
0x3b: {  	[bflag:$0x0] =	sbarrier.arrive $0xFFFF  }
0x3c: {  	v4 =	vld [tilespmem:$0x8480];
	_ =	sdelay $0x4  }
0x3d: {  	v5 =	vshll.u32 v4, $0x2  }
0x3e: {  	v4 =	vand.u32 $0x7, v4;
	v5 =	vand.u32 $0xFFFFFFE0, v5  }
0x3f: {  	v4 =	vor.u32 v4, v5  }
0x40: {  	v5 =	vperm.xlane v4, v1;
	_ =	sdelay $0x1  }
0x41: {  	v5 =	vadd.s32 v2, v5;
	_ =	sdelay $0x1  }
0x42: {  	v4 =	vperm.xlane v4, v3;
	_ =	sdelay $0x1  }
0x43: {  	s4 =	simm.s32 $0x8880;
	s3 =	simm.s32 $0x0;
	v4 =	vadd.s32 v2, v4  }
0x44: {  	[tilespmem:s4], [sflag:$0x1] =	stream.indirect_vreg.gather [hbm4b:s2+s3], $0x80, v5, vm0, $0xb8;
	[tilespmem:$0x18880] =	vst v63  }
0x45: {  	s8 =	simm.s32 $0x9080  }
0x46: {  	[tilespmem:s8], [sflag:$0x1] =	stream.indirect_vreg.gather [hbm4b:s20+s3], $0x80, v5, vm0, $0xb8;
	[tilespmem:$0x18880] =	vst v63  }
0x47: {  	s9 =	simm.s32 $0x9880  }
0x48: {  	[tilespmem:s9], [sflag:$0x1] =	stream.indirect_vreg.gather [hbm4b:s2+s3], $0x80, v4, vm0, $0xb8;
	[tilespmem:$0x18880] =	vst v63  }
0x49: {  	s14 =	simm.s32 $0xA080  }
0x4a: {  	[tilespmem:s14], [sflag:$0x1] =	stream.indirect_vreg.gather [hbm4b:s20+s3], $0x80, v4, vm0, $0xb8;
	[tilespmem:$0x18880] =	vst v63  }
0x4b: {  	v4 =	vld [tilespmem:$0x8490];
	_ =	sdelay $0x4  }
0x4c: {  	v5 =	vshll.u32 v4, $0x2  }
0x4d: {  	v4 =	vand.u32 $0x7, v4;
	v5 =	vand.u32 $0xFFFFFFE0, v5  }
0x4e: {  	v4 =	vor.u32 v4, v5  }
0x4f: {  	v5 =	vperm.xlane v4, v1;
	_ =	sdelay $0x1  }
0x50: {  	v5 =	vadd.s32 v2, v5;
	_ =	sdelay $0x1  }
0x51: {  	v4 =	vperm.xlane v4, v3;
	_ =	sdelay $0x1  }
0x52: {  	s15 =	simm.s32 $0xA880;
	v4 =	vadd.s32 v2, v4  }
0x53: {  	[tilespmem:s15], [sflag:$0x1] =	stream.indirect_vreg.gather [hbm4b:s2+s3], $0x80, v5, vm0, $0xb8;
	[tilespmem:$0x18880] =	vst v63  }
0x54: {  	s16 =	simm.s32 $0xB080  }
0x55: {  	[tilespmem:s16], [sflag:$0x1] =	stream.indirect_vreg.gather [hbm4b:s20+s3], $0x80, v5, vm0, $0xb8;
	[tilespmem:$0x18880] =	vst v63  }
0x56: {  	s17 =	simm.s32 $0xB880  }
0x57: {  	[tilespmem:s17], [sflag:$0x1] =	stream.indirect_vreg.gather [hbm4b:s2+s3], $0x80, v4, vm0, $0xb8;
	[tilespmem:$0x18880] =	vst v63  }
0x58: {  	s21 =	simm.s32 $0xC080  }
0x59: {  	[tilespmem:s21], [sflag:$0x1] =	stream.indirect_vreg.gather [hbm4b:s20+s3], $0x80, v4, vm0, $0xb8;
	[tilespmem:$0x18880] =	vst v63  }
0x5a: {  	v4 =	vld [tilespmem:$0x84A0];
	_ =	sdelay $0x4  }
0x5b: {  	v5 =	vshll.u32 v4, $0x2  }
0x5c: {  	v4 =	vand.u32 $0x7, v4;
	v5 =	vand.u32 $0xFFFFFFE0, v5  }
0x5d: {  	v4 =	vor.u32 v4, v5  }
0x5e: {  	v5 =	vperm.xlane v4, v1;
	_ =	sdelay $0x1  }
0x5f: {  	v5 =	vadd.s32 v2, v5;
	_ =	sdelay $0x1  }
0x60: {  	v4 =	vperm.xlane v4, v3;
	_ =	sdelay $0x1  }
0x61: {  	s23 =	simm.s32 $0xC880;
	v4 =	vadd.s32 v2, v4  }
0x62: {  	[tilespmem:s23], [sflag:$0x2] =	stream.indirect_vreg.gather [hbm4b:s2+s3], $0x80, v5, vm0, $0xb8;
	[tilespmem:$0x18880] =	vst v63  }
0x63: {  	s24 =	simm.s32 $0xD080  }
0x64: {  	[tilespmem:s24], [sflag:$0x2] =	stream.indirect_vreg.gather [hbm4b:s20+s3], $0x80, v5, vm0, $0xb8;
	[tilespmem:$0x18880] =	vst v63  }
0x65: {  	s25 =	simm.s32 $0xD880  }
0x66: {  	[tilespmem:s25], [sflag:$0x2] =	stream.indirect_vreg.gather [hbm4b:s2+s3], $0x80, v4, vm0, $0xb8;
	[tilespmem:$0x18880] =	vst v63  }
0x67: {  	s26 =	simm.s32 $0xE080  }
0x68: {  	[tilespmem:s26], [sflag:$0x2] =	stream.indirect_vreg.gather [hbm4b:s20+s3], $0x80, v4, vm0, $0xb8;
	[tilespmem:$0x18880] =	vst v63  }
0x69: {  	v4 =	vld [tilespmem:$0x84B0];
	_ =	sdelay $0x4  }
0x6a: {  	v5 =	vshll.u32 v4, $0x2  }
0x6b: {  	v4 =	vand.u32 $0x7, v4;
	v5 =	vand.u32 $0xFFFFFFE0, v5  }
0x6c: {  	v4 =	vor.u32 v4, v5  }
0x6d: {  	v5 =	vperm.xlane v4, v1;
	_ =	sdelay $0x1  }
0x6e: {  	v5 =	vadd.s32 v2, v5;
	_ =	sdelay $0x1  }
0x6f: {  	v4 =	vperm.xlane v4, v3;
	_ =	sdelay $0x1  }
0x70: {  	s28 =	simm.s32 $0xE880;
	v4 =	vadd.s32 v2, v4  }
0x71: {  	[tilespmem:s28], [sflag:$0x2] =	stream.indirect_vreg.gather [hbm4b:s2+s3], $0x80, v5, vm0, $0xb8;
	[tilespmem:$0x18880] =	vst v63  }
0x72: {  	s29 =	simm.s32 $0xF080;
	s30 =	simm.s32 $0xF880  }
0x73: {  	[tilespmem:s29], [sflag:$0x2] =	stream.indirect_vreg.gather [hbm4b:s20+s3], $0x80, v5, vm0, $0xb8;
	[tilespmem:$0x18880] =	vst v63  }
0x74: {  	s31 =	simm.s32 $0x10080;
	s8 =	simm.s32 $0x8000;
	s14 =	simm.s32 $0x8020  }
0x75: {  	[tilespmem:s30], [sflag:$0x2] =	stream.indirect_vreg.gather [hbm4b:s2+s3], $0x80, v4, vm0, $0xb8;
	[tilespmem:$0x18880] =	vst v63  }
0x76: {  	s23 =	simm.s32 $0x8040;
	s24 =	simm.s32 $0x8060;
	s25 =	simm.s32 $0x0  }
0x77: {  	[tilespmem:s31], [sflag:$0x2] =	stream.indirect_vreg.gather [hbm4b:s20+s3], $0x80, v4, vm0, $0xb8;
	[tilespmem:$0x18880] =	vst v63  }
.LBB2_4:
0x78: {  	p0 =	seq.s32 s25, $0x0  }
0x79: {  	s31 =	sshll.u32 s25, $0x2;
	s5 =	simm.s32 @!p0 $0x7  }
0x7a: {  	s28 =	sor.u32 $0x2, s31;
	_ =	swait.ge @!p0 [sflag:s5], $0x4000  }
0x7b: {  	s6 =	sshll.u32 s28, $0x5;
	[sflag:s5] =	ssyncset.done @!p0 $0x0  }
0x7c: {  	s7 =	sand.u32 $0x3FFFFFE0, s6;
	[sflag:s5] =	ssyncadd.s32 @!p0 $0xFFFFC000  }
0x7d: {  	v4 =	vld [tilespmem:s7+$0x8480];
	_ =	sdelay $0x4  }
0x7e: {  	v5 =	vshll.u32 v4, $0x2  }
0x7f: {  	v4 =	vand.u32 $0x7, v4;
	v5 =	vand.u32 $0xFFFFFFE0, v5  }
0x80: {  	v4 =	vor.u32 v4, v5  }
0x81: {  	v5 =	vperm.xlane v4, v1;
	_ =	sdelay $0x1  }
0x82: {  	v5 =	vadd.s32 v2, v5;
	_ =	sdelay $0x1  }
0x83: {  	v4 =	vperm.xlane v4, v3;
	_ =	sdelay $0x1  }
0x84: {  	v4 =	vadd.s32 v2, v4  }
0x85: {  	[tilespmem:s22], [sflag:$0x3] =	stream.indirect_vreg.gather [hbm4b:s2+s3], $0x80, v5, vm0, $0xb8;
	[tilespmem:$0x18880] =	vst v63  }
0x86: {  	s4 =	simm.s32 $0x11080  }
0x87: {  	[tilespmem:s4], [sflag:$0x3] =	stream.indirect_vreg.gather [hbm4b:s20+s3], $0x80, v5, vm0, $0xb8;
	[tilespmem:$0x18880] =	vst v63  }
0x88: {  	s9 =	simm.s32 $0x11880  }
0x89: {  	[tilespmem:s9], [sflag:$0x3] =	stream.indirect_vreg.gather [hbm4b:s2+s3], $0x80, v4, vm0, $0xb8;
	[tilespmem:$0x18880] =	vst v63  }
0x8a: {  	s15 =	simm.s32 $0x12080  }
0x8b: {  	[tilespmem:s15], [sflag:$0x3] =	stream.indirect_vreg.gather [hbm4b:s20+s3], $0x80, v4, vm0, $0xb8;
	[tilespmem:$0x18880] =	vst v63  }
0x8c: {  	v4 =	vld [tilespmem:s7+$0x8490];
	_ =	sdelay $0x4  }
0x8d: {  	v5 =	vshll.u32 v4, $0x2  }
0x8e: {  	v4 =	vand.u32 $0x7, v4;
	v5 =	vand.u32 $0xFFFFFFE0, v5  }
0x8f: {  	v4 =	vor.u32 v4, v5  }
0x90: {  	v5 =	vperm.xlane v4, v1;
	_ =	sdelay $0x1  }
0x91: {  	v5 =	vadd.s32 v2, v5;
	_ =	sdelay $0x1  }
0x92: {  	v4 =	vperm.xlane v4, v3;
	_ =	sdelay $0x1  }
0x93: {  	s16 =	simm.s32 $0x12880;
	v4 =	vadd.s32 v2, v4  }
0x94: {  	[tilespmem:s16], [sflag:$0x3] =	stream.indirect_vreg.gather [hbm4b:s2+s3], $0x80, v5, vm0, $0xb8;
	[tilespmem:$0x18880] =	vst v63  }
0x95: {  	s17 =	simm.s32 $0x13080  }
0x96: {  	[tilespmem:s17], [sflag:$0x3] =	stream.indirect_vreg.gather [hbm4b:s20+s3], $0x80, v5, vm0, $0xb8;
	[tilespmem:$0x18880] =	vst v63  }
0x97: {  	s21 =	simm.s32 $0x13880  }
0x98: {  	[tilespmem:s21], [sflag:$0x3] =	stream.indirect_vreg.gather [hbm4b:s2+s3], $0x80, v4, vm0, $0xb8;
	[tilespmem:$0x18880] =	vst v63  }
0x99: {  	s22 =	simm.s32 $0x14080  }
0x9a: {  	[tilespmem:s22], [sflag:$0x3] =	stream.indirect_vreg.gather [hbm4b:s20+s3], $0x80, v4, vm0, $0xb8;
	[tilespmem:$0x18880] =	vst v63  }
0x9b: {  	_ =	swait.ge [sflag:s0], $0x4000  }
0x9c: {  	[sflag:s0] =	ssyncset.done $0x0  }
0x9d: {  	[sflag:s0] =	ssyncadd.s32 $0xFFFFC000  }
0x9e: {  	v4 =	vld [tilespmem:s8+$0x0];
	_ =	sdelay $0x4  }
0x9f: {  	(v2sf) =	vpush v4, $0x0;
	_ =	sdelay $0xe  }
0xa0: {  	s26 =	spop (v2sf)  }
0xa1: {  	s4 =	sshll.u32 s26, $0x9;
	s5 =	sshll.u32 s26, $0x7  }
0xa2: {  	s6 =	sand.u32 $0xFFFFF000, s4;
	s5 =	sand.u32 $0x380, s5  }
0xa3: {  	s21 =	sor.u32 s5, s6  }
0xa4: {  	v4 =	vld [tilespmem:s21+$0x0];
	_ =	sdelay $0x2  }
0xa5: {  	s7 =	sand.u32 $0x380, s3;
	s6 =	sand.u32 $0x3000, s3  }
0xa6: {  	s26 =	sor.u32 s7, s6  }
0xa7: {  	[tilespmem:s26+$0x8880] =	vst.add.f32.msk $0xffff, v4  }
0xa8: {  	v4 =	vld [tilespmem:s21+$0x10];
	_ =	sdelay $0x4  }
0xa9: {  	[tilespmem:s26+$0x8890] =	vst.add.f32.msk $0xffff, v4  }
0xaa: {  	v4 =	vld [tilespmem:s21+$0x20];
	_ =	sdelay $0x4  }
0xab: {  	[tilespmem:s26+$0x88A0] =	vst.add.f32.msk $0xffff, v4  }
0xac: {  	v4 =	vld [tilespmem:s21+$0x30];
	_ =	sdelay $0x4  }
0xad: {  	[tilespmem:s26+$0x88B0] =	vst.add.f32.msk $0xffff, v4  }
0xae: {  	v4 =	vld [tilespmem:s21+$0x40];
	_ =	sdelay $0x4  }
0xaf: {  	[tilespmem:s26+$0x88C0] =	vst.add.f32.msk $0xffff, v4  }
0xb0: {  	v4 =	vld [tilespmem:s21+$0x50];
	_ =	sdelay $0x4  }
0xb1: {  	[tilespmem:s26+$0x88D0] =	vst.add.f32.msk $0xffff, v4  }
0xb2: {  	v4 =	vld [tilespmem:s21+$0x60];
	_ =	sdelay $0x2  }
0xb3: {  	s9 =	sadd.s32 $0x1, s8  }
0xb4: {  	v5 =	vld [tilespmem:s9+$0x0]  }
0xb5: {  	[tilespmem:s26+$0x88E0] =	vst.add.f32.msk $0xffff, v4  }
0xb6: {  	v4 =	vld [tilespmem:s21+$0x70];
	_ =	sdelay $0x2  }
0xb7: {  	(v2sf) =	vpush v5, $0x0;
	_ =	sdelay $0x1  }
0xb8: {  	[tilespmem:s26+$0x88F0] =	vst.add.f32.msk $0xffff, v4  }
0xb9: {  	v4 =	vld [tilespmem:s21+$0x400];
	_ =	sdelay $0x4  }
0xba: {  	[tilespmem:s26+$0x8C80] =	vst.add.f32.msk $0xffff, v4  }
0xbb: {  	v4 =	vld [tilespmem:s21+$0x410];
	_ =	sdelay $0x4  }
0xbc: {  	[tilespmem:s26+$0x8C90] =	vst.add.f32.msk $0xffff, v4  }
0xbd: {  	s17 =	spop (v2sf);
	v4 =	vld [tilespmem:s21+$0x420]  }
0xbe: {  	s7 =	sshll.u32 s17, $0x9;
	s6 =	sshll.u32 s17, $0x7  }
0xbf: {  	s7 =	sand.u32 $0xFFFFF000, s7;
	s6 =	sand.u32 $0x380, s6  }
0xc0: {  	s15 =	sor.u32 s6, s7  }
0xc1: {  	v5 =	vld [tilespmem:s15+$0x0]  }
0xc2: {  	[tilespmem:s26+$0x8CA0] =	vst.add.f32.msk $0xffff, v4  }
0xc3: {  	s22 =	simm.s32 $0x200;
	s4 =	simm.s32 $0x80;
	v4 =	vld [tilespmem:s21+$0x430]  }
0xc4: {  	s6 =	sand.u32 $0x3000, s22;
	s7 =	sand.u32 $0x380, s4  }
0xc5: {  	s16 =	sor.u32 s7, s6  }
0xc6: {  	[tilespmem:s16+$0x8880] =	vst.add.f32.msk $0xffff, v5  }
0xc7: {  	v5 =	vld [tilespmem:s15+$0x10]  }
0xc8: {  	[tilespmem:s26+$0x8CB0] =	vst.add.f32.msk $0xffff, v4  }
0xc9: {  	v4 =	vld [tilespmem:s21+$0x440];
	_ =	sdelay $0x2  }
0xca: {  	[tilespmem:s16+$0x8890] =	vst.add.f32.msk $0xffff, v5  }
0xcb: {  	v5 =	vld [tilespmem:s15+$0x20]  }
0xcc: {  	[tilespmem:s26+$0x8CC0] =	vst.add.f32.msk $0xffff, v4  }
0xcd: {  	v4 =	vld [tilespmem:s21+$0x450];
	_ =	sdelay $0x2  }
0xce: {  	[tilespmem:s16+$0x88A0] =	vst.add.f32.msk $0xffff, v5  }
0xcf: {  	v5 =	vld [tilespmem:s15+$0x30]  }
0xd0: {  	[tilespmem:s26+$0x8CD0] =	vst.add.f32.msk $0xffff, v4  }
0xd1: {  	v4 =	vld [tilespmem:s21+$0x460];
	_ =	sdelay $0x2  }
0xd2: {  	[tilespmem:s16+$0x88B0] =	vst.add.f32.msk $0xffff, v5  }
0xd3: {  	v5 =	vld [tilespmem:s15+$0x40]  }
0xd4: {  	[tilespmem:s26+$0x8CE0] =	vst.add.f32.msk $0xffff, v4  }
0xd5: {  	v4 =	vld [tilespmem:s21+$0x470];
	_ =	sdelay $0x2  }
0xd6: {  	[tilespmem:s16+$0x88C0] =	vst.add.f32.msk $0xffff, v5  }
0xd7: {  	v5 =	vld [tilespmem:s15+$0x50]  }
0xd8: {  	[tilespmem:s26+$0x8CF0] =	vst.add.f32.msk $0xffff, v4  }
0xd9: {  	v4 =	vld [tilespmem:s21+$0x800]  }
0xda: {  	s5 =	sadd.s32 $0x1, s9  }
0xdb: {  	v6 =	vld [tilespmem:s5+$0x0]  }
0xdc: {  	[tilespmem:s16+$0x88D0] =	vst.add.f32.msk $0xffff, v5  }
0xdd: {  	v5 =	vld [tilespmem:s15+$0x60]  }
0xde: {  	[tilespmem:s26+$0x9080] =	vst.add.f32.msk $0xffff, v4  }
0xdf: {  	v4 =	vld [tilespmem:s21+$0x810]  }
0xe0: {  	(v2sf) =	vpush v6, $0x0;
	_ =	sdelay $0x1  }
0xe1: {  	[tilespmem:s16+$0x88E0] =	vst.add.f32.msk $0xffff, v5  }
0xe2: {  	v5 =	vld [tilespmem:s15+$0x70]  }
0xe3: {  	[tilespmem:s26+$0x9090] =	vst.add.f32.msk $0xffff, v4  }
0xe4: {  	v4 =	vld [tilespmem:s21+$0x820];
	_ =	sdelay $0x2  }
0xe5: {  	[tilespmem:s16+$0x88F0] =	vst.add.f32.msk $0xffff, v5  }
0xe6: {  	v5 =	vld [tilespmem:s15+$0x400]  }
0xe7: {  	[tilespmem:s26+$0x90A0] =	vst.add.f32.msk $0xffff, v4  }
0xe8: {  	v4 =	vld [tilespmem:s21+$0x830];
	_ =	sdelay $0x2  }
0xe9: {  	[tilespmem:s16+$0x8C80] =	vst.add.f32.msk $0xffff, v5  }
0xea: {  	s9 =	spop (v2sf);
	v5 =	vld [tilespmem:s15+$0x410]  }
0xeb: {  	s17 =	sshll.u32 s9, $0x9;
	s6 =	sshll.u32 s9, $0x7;
	[tilespmem:s26+$0x90B0] =	vst.add.f32.msk $0xffff, v4  }
0xec: {  	s7 =	sand.u32 $0xFFFFF000, s17;
	s6 =	sand.u32 $0x380, s6;
	v4 =	vld [tilespmem:s21+$0x840]  }
0xed: {  	s6 =	sor.u32 s6, s7  }
0xee: {  	v7 =	vld [tilespmem:s6+$0x0]  }
0xef: {  	[tilespmem:s16+$0x8C90] =	vst.add.f32.msk $0xffff, v5  }
0xf0: {  	s22 =	simm.s32 $0x400;
	s7 =	simm.s32 $0x100;
	v5 =	vld [tilespmem:s15+$0x420]  }
0xf1: {  	s9 =	sadd.s32 $0x1, s5;
	s5 =	sand.u32 $0x3000, s22;
	s17 =	sand.u32 $0x380, s7;
	[tilespmem:s26+$0x90C0] =	vst.add.f32.msk $0xffff, v4  }
0xf2: {  	s5 =	sor.u32 s17, s5;
	v6 =	vld [tilespmem:s21+$0x850]  }
0xf3: {  	[tilespmem:s5+$0x8880] =	vst.add.f32.msk $0xffff, v7  }
0xf4: {  	v7 =	vld [tilespmem:s6+$0x10]  }
0xf5: {  	[tilespmem:s16+$0x8CA0] =	vst.add.f32.msk $0xffff, v5  }
0xf6: {  	v5 =	vld [tilespmem:s15+$0x430]  }
0xf7: {  	[tilespmem:s26+$0x90D0] =	vst.add.f32.msk $0xffff, v6  }
0xf8: {  	v6 =	vld [tilespmem:s21+$0x860]  }
0xf9: {  	[tilespmem:s5+$0x8890] =	vst.add.f32.msk $0xffff, v7  }
0xfa: {  	v7 =	vld [tilespmem:s6+$0x20]  }
0xfb: {  	[tilespmem:s16+$0x8CB0] =	vst.add.f32.msk $0xffff, v5  }
0xfc: {  	v5 =	vld [tilespmem:s15+$0x440]  }
0xfd: {  	[tilespmem:s26+$0x90E0] =	vst.add.f32.msk $0xffff, v6  }
0xfe: {  	v6 =	vld [tilespmem:s21+$0x870]  }
0xff: {  	[tilespmem:s5+$0x88A0] =	vst.add.f32.msk $0xffff, v7  }
0x100: {  	v7 =	vld [tilespmem:s6+$0x30]  }
0x101: {  	[tilespmem:s16+$0x8CC0] =	vst.add.f32.msk $0xffff, v5  }
0x102: {  	v5 =	vld [tilespmem:s15+$0x450]  }
0x103: {  	[tilespmem:s26+$0x90F0] =	vst.add.f32.msk $0xffff, v6  }
0x104: {  	v6 =	vld [tilespmem:s21+$0xC00]  }
0x105: {  	[tilespmem:s5+$0x88B0] =	vst.add.f32.msk $0xffff, v7  }
0x106: {  	v7 =	vld [tilespmem:s6+$0x40]  }
0x107: {  	[tilespmem:s16+$0x8CD0] =	vst.add.f32.msk $0xffff, v5  }
0x108: {  	v5 =	vld [tilespmem:s15+$0x460]  }
0x109: {  	[tilespmem:s26+$0x9480] =	vst.add.f32.msk $0xffff, v6  }
0x10a: {  	v6 =	vld [tilespmem:s21+$0xC10]  }
0x10b: {  	[tilespmem:s5+$0x88C0] =	vst.add.f32.msk $0xffff, v7  }
0x10c: {  	v7 =	vld [tilespmem:s6+$0x50]  }
0x10d: {  	[tilespmem:s16+$0x8CE0] =	vst.add.f32.msk $0xffff, v5  }
0x10e: {  	v5 =	vld [tilespmem:s15+$0x470]  }
0x10f: {  	[tilespmem:s26+$0x9490] =	vst.add.f32.msk $0xffff, v6  }
0x110: {  	v6 =	vld [tilespmem:s21+$0xC20]  }
0x111: {  	[tilespmem:s5+$0x88D0] =	vst.add.f32.msk $0xffff, v7  }
0x112: {  	v7 =	vld [tilespmem:s6+$0x60]  }
0x113: {  	[tilespmem:s16+$0x8CF0] =	vst.add.f32.msk $0xffff, v5  }
0x114: {  	v5 =	vld [tilespmem:s15+$0x800]  }
0x115: {  	[tilespmem:s26+$0x94A0] =	vst.add.f32.msk $0xffff, v6  }
0x116: {  	v6 =	vld [tilespmem:s21+$0xC30];
	_ =	sdelay $0x1  }
0x117: {  	[tilespmem:s5+$0x88E0] =	vst.add.f32.msk $0xffff, v7  }
0x118: {  	[tilespmem:s16+$0x9080] =	vst.add.f32.msk $0xffff, v5  }
0x119: {  	v8 =	vld [tilespmem:s15+$0x810]  }
0x11a: {  	[tilespmem:s26+$0x94B0] =	vst.add.f32.msk $0xffff, v6  }
0x11b: {  	v5 =	vld [tilespmem:s21+$0xC40]  }
0x11c: {  	v4 =	vld [tilespmem:s9+$0x0]  }
0x11d: {  	v6 =	vld [tilespmem:s6+$0x70]  }
0x11e: {  	s30 =	sshll.u32 s25, $0x9;
	s29 =	simm.s32 $0x600;
	s17 =	simm.s32 $0x800;
	[tilespmem:s16+$0x9090] =	vst.add.f32.msk $0xffff, v8  }
.LBB2_5:
0x11f: {  	p1 =	sne.s32 s17, $0x3E00;
	v7 =	vld [tilespmem:s15+$0x820]  }
0x120: {  	[tilespmem:s26+$0x94C0] =	vst.add.f32.msk $0xffff, v5  }
0x121: {  	(v2sf) =	vpush v4, $0x0;
	v4 =	vld [tilespmem:s21+$0xC50]  }
0x122: {  	[tilespmem:s5+$0x88F0] =	vst.add.f32.msk $0xffff, v6  }
0x123: {  	v5 =	vld [tilespmem:s6+$0x400]  }
0x124: {  	[tilespmem:s16+$0x90A0] =	vst.add.f32.msk $0xffff, v7  }
0x125: {  	v6 =	vld [tilespmem:s15+$0x830]  }
0x126: {  	[tilespmem:s26+$0x94D0] =	vst.add.f32.msk $0xffff, v4  }
0x127: {  	v4 =	vld [tilespmem:s21+$0xC60]  }
0x128: {  	[tilespmem:s5+$0x8C80] =	vst.add.f32.msk $0xffff, v5  }
0x129: {  	v5 =	vld [tilespmem:s6+$0x410]  }
0x12a: {  	[tilespmem:s16+$0x90B0] =	vst.add.f32.msk $0xffff, v6  }
0x12b: {  	v6 =	vld [tilespmem:s15+$0x840]  }
0x12c: {  	[tilespmem:s26+$0x94E0] =	vst.add.f32.msk $0xffff, v4  }
0x12d: {  	v4 =	vld [tilespmem:s21+$0xC70];
	s21 =	smov.u32 s15;
	s15 =	smov.u32 s6  }
0x12e: {  	[tilespmem:s5+$0x8C90] =	vst.add.f32.msk $0xffff, v5  }
0x12f: {  	v5 =	vld [tilespmem:s15+$0x420]  }
0x130: {  	s6 =	spop (v2sf);
	[tilespmem:s16+$0x90C0] =	vst.add.f32.msk $0xffff, v6  }
0x131: {  	s22 =	sshll.u32 s6, $0x9;
	s6 =	sshll.u32 s6, $0x7;
	v6 =	vld [tilespmem:s21+$0x850]  }
0x132: {  	s9 =	sadd.s32 $0x1, s9;
	s22 =	sand.u32 $0xFFFFF000, s22;
	s6 =	sand.u32 $0x380, s6;
	[tilespmem:s26+$0x94F0] =	vst.add.f32.msk $0xffff, v4  }
0x133: {  	s26 =	smov.u32 s16;
	s16 =	smov.u32 s5;
	v4 =	vld [tilespmem:s9+$0x0];
	s6 =	sor.u32 s6, s22  }
0x134: {  	v7 =	vld [tilespmem:s6+$0x0]  }
0x135: {  	[tilespmem:s16+$0x8CA0] =	vst.add.f32.msk $0xffff, v5  }
0x136: {  	s7 =	sadd.s32 $0x80, s7;
	v5 =	vld [tilespmem:s15+$0x430]  }
0x137: {  	s5 =	sand.u32 $0x3000, s29;
	s29 =	smov.u32 s17;
	s22 =	sand.u32 $0x380, s7;
	[tilespmem:s26+$0x90D0] =	vst.add.f32.msk $0xffff, v6  }
0x138: {  	s5 =	sor.u32 s22, s5;
	v6 =	vld [tilespmem:s21+$0x860]  }
0x139: {  	[tilespmem:s5+$0x8880] =	vst.add.f32.msk $0xffff, v7  }
0x13a: {  	v7 =	vld [tilespmem:s6+$0x10]  }
0x13b: {  	[tilespmem:s16+$0x8CB0] =	vst.add.f32.msk $0xffff, v5  }
0x13c: {  	v5 =	vld [tilespmem:s15+$0x440]  }
0x13d: {  	[tilespmem:s26+$0x90E0] =	vst.add.f32.msk $0xffff, v6  }
0x13e: {  	v6 =	vld [tilespmem:s21+$0x870]  }
0x13f: {  	[tilespmem:s5+$0x8890] =	vst.add.f32.msk $0xffff, v7  }
0x140: {  	v7 =	vld [tilespmem:s6+$0x20]  }
0x141: {  	[tilespmem:s16+$0x8CC0] =	vst.add.f32.msk $0xffff, v5  }
0x142: {  	v5 =	vld [tilespmem:s15+$0x450]  }
0x143: {  	[tilespmem:s26+$0x90F0] =	vst.add.f32.msk $0xffff, v6  }
0x144: {  	v6 =	vld [tilespmem:s21+$0xC00]  }
0x145: {  	[tilespmem:s5+$0x88A0] =	vst.add.f32.msk $0xffff, v7  }
0x146: {  	v7 =	vld [tilespmem:s6+$0x30]  }
0x147: {  	[tilespmem:s16+$0x8CD0] =	vst.add.f32.msk $0xffff, v5  }
0x148: {  	v5 =	vld [tilespmem:s15+$0x460]  }
0x149: {  	[tilespmem:s26+$0x9480] =	vst.add.f32.msk $0xffff, v6  }
0x14a: {  	v6 =	vld [tilespmem:s21+$0xC10]  }
0x14b: {  	[tilespmem:s5+$0x88B0] =	vst.add.f32.msk $0xffff, v7  }
0x14c: {  	v7 =	vld [tilespmem:s6+$0x40]  }
0x14d: {  	[tilespmem:s16+$0x8CE0] =	vst.add.f32.msk $0xffff, v5  }
0x14e: {  	v5 =	vld [tilespmem:s15+$0x470]  }
0x14f: {  	[tilespmem:s26+$0x9490] =	vst.add.f32.msk $0xffff, v6  }
0x150: {  	v6 =	vld [tilespmem:s21+$0xC20]  }
0x151: {  	[tilespmem:s5+$0x88C0] =	vst.add.f32.msk $0xffff, v7  }
0x152: {  	v7 =	vld [tilespmem:s6+$0x50]  }
0x153: {  	[tilespmem:s16+$0x8CF0] =	vst.add.f32.msk $0xffff, v5  }
0x154: {  	v5 =	vld [tilespmem:s15+$0x800]  }
0x155: {  	[tilespmem:s26+$0x94A0] =	vst.add.f32.msk $0xffff, v6  }
0x156: {  	v6 =	vld [tilespmem:s21+$0xC30]  }
0x157: {  	[tilespmem:s5+$0x88D0] =	vst.add.f32.msk $0xffff, v7  }
0x158: {  	v7 =	vld [tilespmem:s6+$0x60]  }
0x159: {  	[tilespmem:s16+$0x9080] =	vst.add.f32.msk $0xffff, v5  }
0x15a: {  	v8 =	vld [tilespmem:s15+$0x810]  }
.Ltmp1:
0x15b: {  	[tilespmem:s26+$0x94B0] =	vst.add.f32.msk $0xffff, v6;
	(pc) =	sbr.rel @p1 .LBB2_5-.Ltmp1, $4  }
0x15c: {  	v5 =	vld [tilespmem:s21+$0xC40]  }
0x15d: {  	[tilespmem:s5+$0x88E0] =	vst.add.f32.msk $0xffff, v7  }
0x15e: {  	v6 =	vld [tilespmem:s6+$0x70]  }
0x15f: {  	s17 =	sadd.s32 $0x200, s17;
	[tilespmem:s16+$0x9090] =	vst.add.f32.msk $0xffff, v8  }
0x160: {  	(v2sf) =	vpush v4, $0x0;
	_ =	sdelay $0xe  }
0x161: {  	s9 =	spop (v2sf)  }
0x162: {  	s17 =	sshll.u32 s9, $0x9;
	s9 =	sshll.u32 s9, $0x7  }
0x163: {  	s17 =	sand.u32 $0xFFFFF000, s17;
	s9 =	sand.u32 $0x380, s9  }
0x164: {  	s9 =	sor.u32 s9, s17  }
0x165: {  	v4 =	vld [tilespmem:s9+$0x0];
	_ =	sdelay $0x1  }
0x166: {  	s7 =	sadd.s32 $0x80, s7  }
0x167: {  	s22 =	sand.u32 $0x3000, s29;
	s7 =	sand.u32 $0x380, s7  }
0x168: {  	s7 =	sor.u32 s7, s22  }
0x169: {  	[tilespmem:s7+$0x8880] =	vst.add.f32.msk $0xffff, v4  }
0x16a: {  	v4 =	vld [tilespmem:s9+$0x10];
	_ =	sdelay $0x4  }
0x16b: {  	[tilespmem:s7+$0x8890] =	vst.add.f32.msk $0xffff, v4  }
0x16c: {  	v4 =	vld [tilespmem:s9+$0x20];
	_ =	sdelay $0x4  }
0x16d: {  	[tilespmem:s7+$0x88A0] =	vst.add.f32.msk $0xffff, v4  }
0x16e: {  	v4 =	vld [tilespmem:s9+$0x30];
	_ =	sdelay $0x4  }
0x16f: {  	[tilespmem:s7+$0x88B0] =	vst.add.f32.msk $0xffff, v4  }
0x170: {  	v4 =	vld [tilespmem:s9+$0x40];
	_ =	sdelay $0x4  }
0x171: {  	[tilespmem:s7+$0x88C0] =	vst.add.f32.msk $0xffff, v4  }
0x172: {  	v4 =	vld [tilespmem:s9+$0x50];
	_ =	sdelay $0x4  }
0x173: {  	[tilespmem:s7+$0x88D0] =	vst.add.f32.msk $0xffff, v4  }
0x174: {  	v4 =	vld [tilespmem:s9+$0x60];
	_ =	sdelay $0x4  }
0x175: {  	[tilespmem:s7+$0x88E0] =	vst.add.f32.msk $0xffff, v4  }
0x176: {  	v4 =	vld [tilespmem:s9+$0x70];
	_ =	sdelay $0x2  }
0x177: {  	[tilespmem:s5+$0x88F0] =	vst.add.f32.msk $0xffff, v6  }
0x178: {  	v6 =	vld [tilespmem:s6+$0x400]  }
0x179: {  	[tilespmem:s7+$0x88F0] =	vst.add.f32.msk $0xffff, v4  }
0x17a: {  	v4 =	vld [tilespmem:s9+$0x400];
	_ =	sdelay $0x2  }
0x17b: {  	[tilespmem:s5+$0x8C80] =	vst.add.f32.msk $0xffff, v6  }
0x17c: {  	v6 =	vld [tilespmem:s6+$0x410]  }
0x17d: {  	[tilespmem:s7+$0x8C80] =	vst.add.f32.msk $0xffff, v4  }
0x17e: {  	v4 =	vld [tilespmem:s9+$0x410];
	_ =	sdelay $0x2  }
0x17f: {  	[tilespmem:s5+$0x8C90] =	vst.add.f32.msk $0xffff, v6  }
0x180: {  	v6 =	vld [tilespmem:s6+$0x420]  }
0x181: {  	[tilespmem:s7+$0x8C90] =	vst.add.f32.msk $0xffff, v4  }
0x182: {  	v4 =	vld [tilespmem:s9+$0x420];
	_ =	sdelay $0x2  }
0x183: {  	[tilespmem:s5+$0x8CA0] =	vst.add.f32.msk $0xffff, v6  }
0x184: {  	v6 =	vld [tilespmem:s6+$0x430]  }
0x185: {  	[tilespmem:s7+$0x8CA0] =	vst.add.f32.msk $0xffff, v4  }
0x186: {  	v4 =	vld [tilespmem:s9+$0x430];
	_ =	sdelay $0x2  }
0x187: {  	[tilespmem:s5+$0x8CB0] =	vst.add.f32.msk $0xffff, v6  }
0x188: {  	v6 =	vld [tilespmem:s6+$0x440]  }
0x189: {  	[tilespmem:s7+$0x8CB0] =	vst.add.f32.msk $0xffff, v4  }
0x18a: {  	v4 =	vld [tilespmem:s9+$0x440];
	_ =	sdelay $0x2  }
0x18b: {  	[tilespmem:s5+$0x8CC0] =	vst.add.f32.msk $0xffff, v6  }
0x18c: {  	v6 =	vld [tilespmem:s6+$0x450]  }
0x18d: {  	[tilespmem:s7+$0x8CC0] =	vst.add.f32.msk $0xffff, v4  }
0x18e: {  	v4 =	vld [tilespmem:s9+$0x450];
	_ =	sdelay $0x2  }
0x18f: {  	[tilespmem:s5+$0x8CD0] =	vst.add.f32.msk $0xffff, v6  }
0x190: {  	v6 =	vld [tilespmem:s6+$0x460]  }
0x191: {  	[tilespmem:s7+$0x8CD0] =	vst.add.f32.msk $0xffff, v4  }
0x192: {  	v4 =	vld [tilespmem:s9+$0x460];
	_ =	sdelay $0x1  }
0x193: {  	v7 =	vld [tilespmem:s15+$0x820]  }
0x194: {  	[tilespmem:s5+$0x8CE0] =	vst.add.f32.msk $0xffff, v6  }
0x195: {  	v6 =	vld [tilespmem:s6+$0x470]  }
0x196: {  	[tilespmem:s7+$0x8CE0] =	vst.add.f32.msk $0xffff, v4  }
0x197: {  	v4 =	vld [tilespmem:s9+$0x470]  }
0x198: {  	[tilespmem:s26+$0x94C0] =	vst.add.f32.msk $0xffff, v5  }
0x199: {  	v5 =	vld [tilespmem:s21+$0xC50]  }
0x19a: {  	[tilespmem:s5+$0x8CF0] =	vst.add.f32.msk $0xffff, v6  }
0x19b: {  	v6 =	vld [tilespmem:s6+$0x800]  }
0x19c: {  	[tilespmem:s7+$0x8CF0] =	vst.add.f32.msk $0xffff, v4  }
0x19d: {  	v4 =	vld [tilespmem:s9+$0x800]  }
0x19e: {  	[tilespmem:s16+$0x90A0] =	vst.add.f32.msk $0xffff, v7  }
0x19f: {  	v7 =	vld [tilespmem:s15+$0x830]  }
0x1a0: {  	[tilespmem:s5+$0x9080] =	vst.add.f32.msk $0xffff, v6  }
0x1a1: {  	v6 =	vld [tilespmem:s6+$0x810]  }
0x1a2: {  	[tilespmem:s7+$0x9080] =	vst.add.f32.msk $0xffff, v4  }
0x1a3: {  	v4 =	vld [tilespmem:s9+$0x810]  }
0x1a4: {  	[tilespmem:s26+$0x94D0] =	vst.add.f32.msk $0xffff, v5  }
0x1a5: {  	v5 =	vld [tilespmem:s21+$0xC60]  }
0x1a6: {  	[tilespmem:s5+$0x9090] =	vst.add.f32.msk $0xffff, v6  }
0x1a7: {  	v6 =	vld [tilespmem:s6+$0x820]  }
0x1a8: {  	[tilespmem:s7+$0x9090] =	vst.add.f32.msk $0xffff, v4  }
0x1a9: {  	v4 =	vld [tilespmem:s9+$0x820]  }
0x1aa: {  	[tilespmem:s16+$0x90B0] =	vst.add.f32.msk $0xffff, v7  }
0x1ab: {  	v7 =	vld [tilespmem:s15+$0x840]  }
0x1ac: {  	[tilespmem:s5+$0x90A0] =	vst.add.f32.msk $0xffff, v6  }
0x1ad: {  	v6 =	vld [tilespmem:s6+$0x830]  }
0x1ae: {  	[tilespmem:s7+$0x90A0] =	vst.add.f32.msk $0xffff, v4  }
0x1af: {  	v4 =	vld [tilespmem:s9+$0x830]  }
0x1b0: {  	[tilespmem:s26+$0x94E0] =	vst.add.f32.msk $0xffff, v5  }
0x1b1: {  	v5 =	vld [tilespmem:s21+$0xC70]  }
0x1b2: {  	[tilespmem:s5+$0x90B0] =	vst.add.f32.msk $0xffff, v6  }
0x1b3: {  	v6 =	vld [tilespmem:s6+$0x840]  }
0x1b4: {  	[tilespmem:s7+$0x90B0] =	vst.add.f32.msk $0xffff, v4  }
0x1b5: {  	v4 =	vld [tilespmem:s9+$0x840]  }
0x1b6: {  	[tilespmem:s16+$0x90C0] =	vst.add.f32.msk $0xffff, v7  }
0x1b7: {  	v7 =	vld [tilespmem:s15+$0x850]  }
0x1b8: {  	[tilespmem:s5+$0x90C0] =	vst.add.f32.msk $0xffff, v6  }
0x1b9: {  	v6 =	vld [tilespmem:s6+$0x850]  }
0x1ba: {  	[tilespmem:s7+$0x90C0] =	vst.add.f32.msk $0xffff, v4  }
0x1bb: {  	v4 =	vld [tilespmem:s9+$0x850]  }
0x1bc: {  	[tilespmem:s16+$0x90D0] =	vst.add.f32.msk $0xffff, v7  }
0x1bd: {  	v7 =	vld [tilespmem:s15+$0x860]  }
0x1be: {  	[tilespmem:s5+$0x90D0] =	vst.add.f32.msk $0xffff, v6  }
0x1bf: {  	v6 =	vld [tilespmem:s6+$0x860]  }
0x1c0: {  	[tilespmem:s7+$0x90D0] =	vst.add.f32.msk $0xffff, v4  }
0x1c1: {  	v4 =	vld [tilespmem:s9+$0x860]  }
0x1c2: {  	[tilespmem:s16+$0x90E0] =	vst.add.f32.msk $0xffff, v7  }
0x1c3: {  	v7 =	vld [tilespmem:s15+$0x870]  }
0x1c4: {  	[tilespmem:s5+$0x90E0] =	vst.add.f32.msk $0xffff, v6  }
0x1c5: {  	v6 =	vld [tilespmem:s6+$0x870]  }
0x1c6: {  	[tilespmem:s7+$0x90E0] =	vst.add.f32.msk $0xffff, v4  }
0x1c7: {  	v4 =	vld [tilespmem:s9+$0x870]  }
0x1c8: {  	[tilespmem:s16+$0x90F0] =	vst.add.f32.msk $0xffff, v7  }
0x1c9: {  	v7 =	vld [tilespmem:s15+$0xC00]  }
0x1ca: {  	[tilespmem:s5+$0x90F0] =	vst.add.f32.msk $0xffff, v6  }
0x1cb: {  	v6 =	vld [tilespmem:s6+$0xC00]  }
0x1cc: {  	[tilespmem:s7+$0x90F0] =	vst.add.f32.msk $0xffff, v4  }
0x1cd: {  	v4 =	vld [tilespmem:s9+$0xC00]  }
0x1ce: {  	[tilespmem:s16+$0x9480] =	vst.add.f32.msk $0xffff, v7  }
0x1cf: {  	v7 =	vld [tilespmem:s15+$0xC10]  }
0x1d0: {  	[tilespmem:s5+$0x9480] =	vst.add.f32.msk $0xffff, v6  }
0x1d1: {  	v6 =	vld [tilespmem:s6+$0xC10]  }
0x1d2: {  	[tilespmem:s7+$0x9480] =	vst.add.f32.msk $0xffff, v4  }
0x1d3: {  	v4 =	vld [tilespmem:s9+$0xC10]  }
0x1d4: {  	[tilespmem:s16+$0x9490] =	vst.add.f32.msk $0xffff, v7  }
0x1d5: {  	v7 =	vld [tilespmem:s15+$0xC20]  }
0x1d6: {  	[tilespmem:s5+$0x9490] =	vst.add.f32.msk $0xffff, v6  }
0x1d7: {  	v6 =	vld [tilespmem:s6+$0xC20]  }
0x1d8: {  	[tilespmem:s7+$0x9490] =	vst.add.f32.msk $0xffff, v4  }
0x1d9: {  	v4 =	vld [tilespmem:s9+$0xC20]  }
0x1da: {  	[tilespmem:s16+$0x94A0] =	vst.add.f32.msk $0xffff, v7  }
0x1db: {  	v7 =	vld [tilespmem:s15+$0xC30]  }
0x1dc: {  	[tilespmem:s5+$0x94A0] =	vst.add.f32.msk $0xffff, v6  }
0x1dd: {  	v6 =	vld [tilespmem:s6+$0xC30]  }
0x1de: {  	[tilespmem:s7+$0x94A0] =	vst.add.f32.msk $0xffff, v4  }
0x1df: {  	v4 =	vld [tilespmem:s9+$0xC30]  }
0x1e0: {  	[tilespmem:s16+$0x94B0] =	vst.add.f32.msk $0xffff, v7  }
0x1e1: {  	v7 =	vld [tilespmem:s15+$0xC40]  }
0x1e2: {  	[tilespmem:s5+$0x94B0] =	vst.add.f32.msk $0xffff, v6  }
0x1e3: {  	v6 =	vld [tilespmem:s6+$0xC40]  }
0x1e4: {  	[tilespmem:s7+$0x94B0] =	vst.add.f32.msk $0xffff, v4  }
0x1e5: {  	v4 =	vld [tilespmem:s9+$0xC40]  }
0x1e6: {  	[tilespmem:s16+$0x94C0] =	vst.add.f32.msk $0xffff, v7  }
0x1e7: {  	v7 =	vld [tilespmem:s15+$0xC50]  }
0x1e8: {  	[tilespmem:s5+$0x94C0] =	vst.add.f32.msk $0xffff, v6  }
0x1e9: {  	v6 =	vld [tilespmem:s6+$0xC50]  }
0x1ea: {  	[tilespmem:s7+$0x94C0] =	vst.add.f32.msk $0xffff, v4  }
0x1eb: {  	v4 =	vld [tilespmem:s9+$0xC50]  }
0x1ec: {  	[tilespmem:s16+$0x94D0] =	vst.add.f32.msk $0xffff, v7  }
0x1ed: {  	v7 =	vld [tilespmem:s15+$0xC60]  }
0x1ee: {  	[tilespmem:s5+$0x94D0] =	vst.add.f32.msk $0xffff, v6  }
0x1ef: {  	v6 =	vld [tilespmem:s6+$0xC60]  }
0x1f0: {  	[tilespmem:s7+$0x94D0] =	vst.add.f32.msk $0xffff, v4  }
0x1f1: {  	v4 =	vld [tilespmem:s9+$0xC60]  }
0x1f2: {  	[tilespmem:s16+$0x94E0] =	vst.add.f32.msk $0xffff, v7  }
0x1f3: {  	v7 =	vld [tilespmem:s15+$0xC70]  }
0x1f4: {  	[tilespmem:s5+$0x94E0] =	vst.add.f32.msk $0xffff, v6  }
0x1f5: {  	v6 =	vld [tilespmem:s6+$0xC70]  }
0x1f6: {  	[tilespmem:s7+$0x94E0] =	vst.add.f32.msk $0xffff, v4  }
0x1f7: {  	v4 =	vld [tilespmem:s9+$0xC70];
	_ =	sdelay $0x1  }
0x1f8: {  	s4 =	sshll.u32 s25, $0x11;
	[tilespmem:s26+$0x94F0] =	vst.add.f32.msk $0xffff, v5  }
0x1f9: {  	[tilespmem:s16+$0x94F0] =	vst.add.f32.msk $0xffff, v7;
	s6 =	sadd.s32 s10, s4  }
0x1fa: {  	s6 =	sshrl.u32 s6, $0x3;
	[tilespmem:s5+$0x94F0] =	vst.add.f32.msk $0xffff, v6  }
0x1fb: {  	s4 =	simm.s32 $0x8880;
	s5 =	sadd.s32 s1, s6;
	[tilespmem:s7+$0x94F0] =	vst.add.f32.msk $0xffff, v4  }
0x1fc: {  	[hbm4b:s5+s12] =	stream.strided.scatter [tilespmem:s4], [sflag:$0x5], $0x4000, s13, s12, $0x38;
	[tilespmem:$0x18880] =	vst v63  }
0x1fd: {  	s5 =	simm.s32 @!p0 $0x8  }
0x1fe: {  	s26 =	sor.u32 $0x3, s31;
	_ =	swait.ge @!p0 [sflag:s5], $0x4000  }
0x1ff: {  	s9 =	sshll.u32 s26, $0x5;
	[sflag:s5] =	ssyncset.done @!p0 $0x0  }
0x200: {  	s15 =	sand.u32 $0x3FFFFFE0, s9;
	[sflag:s5] =	ssyncadd.s32 @!p0 $0xFFFFC000  }
0x201: {  	v4 =	vld [tilespmem:s15+$0x8480];
	_ =	sdelay $0x4  }
0x202: {  	v5 =	vshll.u32 v4, $0x2  }
0x203: {  	v4 =	vand.u32 $0x7, v4;
	v5 =	vand.u32 $0xFFFFFFE0, v5  }
0x204: {  	v4 =	vor.u32 v4, v5  }
0x205: {  	v5 =	vperm.xlane v4, v1;
	_ =	sdelay $0x1  }
0x206: {  	v5 =	vadd.s32 v2, v5;
	_ =	sdelay $0x1  }
0x207: {  	v4 =	vperm.xlane v4, v3;
	_ =	sdelay $0x1  }
0x208: {  	s16 =	simm.s32 $0x14880;
	s6 =	simm.s32 $0x0;
	v4 =	vadd.s32 v2, v4  }
0x209: {  	[tilespmem:s16], [sflag:$0x4] =	stream.indirect_vreg.gather [hbm4b:s2+s6], $0x80, v5, vm0, $0xb8;
	[tilespmem:$0x18880] =	vst v63  }
0x20a: {  	s17 =	simm.s32 $0x15080  }
0x20b: {  	[tilespmem:s17], [sflag:$0x4] =	stream.indirect_vreg.gather [hbm4b:s20+s6], $0x80, v5, vm0, $0xb8;
	[tilespmem:$0x18880] =	vst v63  }
0x20c: {  	s21 =	simm.s32 $0x15880  }
0x20d: {  	[tilespmem:s21], [sflag:$0x4] =	stream.indirect_vreg.gather [hbm4b:s2+s6], $0x80, v4, vm0, $0xb8;
	[tilespmem:$0x18880] =	vst v63  }
0x20e: {  	s22 =	simm.s32 $0x16080  }
0x20f: {  	[tilespmem:s22], [sflag:$0x4] =	stream.indirect_vreg.gather [hbm4b:s20+s6], $0x80, v4, vm0, $0xb8;
	[tilespmem:$0x18880] =	vst v63  }
0x210: {  	v4 =	vld [tilespmem:s15+$0x8490];
	_ =	sdelay $0x4  }
0x211: {  	v5 =	vshll.u32 v4, $0x2  }
0x212: {  	v4 =	vand.u32 $0x7, v4;
	v5 =	vand.u32 $0xFFFFFFE0, v5  }
0x213: {  	v4 =	vor.u32 v4, v5  }
0x214: {  	v5 =	vperm.xlane v4, v1;
	_ =	sdelay $0x1  }
0x215: {  	v5 =	vadd.s32 v2, v5;
	_ =	sdelay $0x1  }
0x216: {  	v4 =	vperm.xlane v4, v3;
	_ =	sdelay $0x1  }
0x217: {  	s7 =	simm.s32 $0x16880;
	v4 =	vadd.s32 v2, v4  }
0x218: {  	[tilespmem:s7], [sflag:$0x4] =	stream.indirect_vreg.gather [hbm4b:s2+s6], $0x80, v5, vm0, $0xb8;
	[tilespmem:$0x18880] =	vst v63  }
0x219: {  	s9 =	simm.s32 $0x17080  }
0x21a: {  	[tilespmem:s9], [sflag:$0x4] =	stream.indirect_vreg.gather [hbm4b:s20+s6], $0x80, v5, vm0, $0xb8;
	[tilespmem:$0x18880] =	vst v63  }
0x21b: {  	s15 =	simm.s32 $0x17880  }
0x21c: {  	[tilespmem:s15], [sflag:$0x4] =	stream.indirect_vreg.gather [hbm4b:s2+s6], $0x80, v4, vm0, $0xb8;
	[tilespmem:$0x18880] =	vst v63  }
0x21d: {  	s16 =	simm.s32 $0x18080  }
0x21e: {  	[tilespmem:s16], [sflag:$0x4] =	stream.indirect_vreg.gather [hbm4b:s20+s6], $0x80, v4, vm0, $0xb8;
	[tilespmem:$0x18880] =	vst v63  }
0x21f: {  	_ =	swait.ge [sflag:s11], $0x4000  }
0x220: {  	[sflag:s11] =	ssyncset.done $0x0  }
0x221: {  	[sflag:s11] =	ssyncadd.s32 $0xFFFFC000  }
0x222: {  	v4 =	vld [tilespmem:s14+$0x0];
	_ =	sdelay $0x4  }
0x223: {  	(v2sf) =	vpush v4, $0x0;
	_ =	sdelay $0xe  }
0x224: {  	s17 =	spop (v2sf)  }
0x225: {  	s21 =	sshll.u32 s17, $0x9;
	s5 =	sshll.u32 s17, $0x7  }
0x226: {  	s7 =	sand.u32 $0xFFFFF000, s21;
	s5 =	sand.u32 $0x380, s5  }
0x227: {  	s5 =	sor.u32 s5, s7  }
0x228: {  	v4 =	vld [tilespmem:s5+$0x0];
	_ =	sdelay $0x2  }
0x229: {  	s22 =	sand.u32 $0x3000, s6;
	s6 =	sand.u32 $0x380, s6  }
0x22a: {  	s15 =	sor.u32 s6, s22  }
0x22b: {  	[tilespmem:s15+$0xC880] =	vst.add.f32.msk $0xffff, v4  }
0x22c: {  	v4 =	vld [tilespmem:s5+$0x10];
	_ =	sdelay $0x4  }
0x22d: {  	[tilespmem:s15+$0xC890] =	vst.add.f32.msk $0xffff, v4  }
0x22e: {  	v4 =	vld [tilespmem:s5+$0x20];
	_ =	sdelay $0x4  }
0x22f: {  	[tilespmem:s15+$0xC8A0] =	vst.add.f32.msk $0xffff, v4  }
0x230: {  	v4 =	vld [tilespmem:s5+$0x30];
	_ =	sdelay $0x4  }
0x231: {  	[tilespmem:s15+$0xC8B0] =	vst.add.f32.msk $0xffff, v4  }
0x232: {  	v4 =	vld [tilespmem:s5+$0x40];
	_ =	sdelay $0x4  }
0x233: {  	[tilespmem:s15+$0xC8C0] =	vst.add.f32.msk $0xffff, v4  }
0x234: {  	v4 =	vld [tilespmem:s5+$0x50];
	_ =	sdelay $0x4  }
0x235: {  	[tilespmem:s15+$0xC8D0] =	vst.add.f32.msk $0xffff, v4  }
0x236: {  	v4 =	vld [tilespmem:s5+$0x60];
	_ =	sdelay $0x2  }
0x237: {  	s4 =	sadd.s32 $0x1, s14  }
0x238: {  	v5 =	vld [tilespmem:s4+$0x0]  }
0x239: {  	[tilespmem:s15+$0xC8E0] =	vst.add.f32.msk $0xffff, v4  }
0x23a: {  	v4 =	vld [tilespmem:s5+$0x70];
	_ =	sdelay $0x2  }
0x23b: {  	(v2sf) =	vpush v5, $0x0;
	_ =	sdelay $0x1  }
0x23c: {  	[tilespmem:s15+$0xC8F0] =	vst.add.f32.msk $0xffff, v4  }
0x23d: {  	v4 =	vld [tilespmem:s5+$0x400];
	_ =	sdelay $0x4  }
0x23e: {  	[tilespmem:s15+$0xCC80] =	vst.add.f32.msk $0xffff, v4  }
0x23f: {  	v4 =	vld [tilespmem:s5+$0x410];
	_ =	sdelay $0x4  }
0x240: {  	[tilespmem:s15+$0xCC90] =	vst.add.f32.msk $0xffff, v4  }
0x241: {  	s9 =	spop (v2sf);
	v4 =	vld [tilespmem:s5+$0x420]  }
0x242: {  	s16 =	sshll.u32 s9, $0x9;
	s7 =	sshll.u32 s9, $0x7  }
0x243: {  	s9 =	sand.u32 $0xFFFFF000, s16;
	s7 =	sand.u32 $0x380, s7  }
0x244: {  	s16 =	sor.u32 s7, s9  }
0x245: {  	v5 =	vld [tilespmem:s16+$0x0]  }
0x246: {  	[tilespmem:s15+$0xCCA0] =	vst.add.f32.msk $0xffff, v4  }
0x247: {  	s17 =	simm.s32 $0x200;
	s21 =	simm.s32 $0x80;
	v4 =	vld [tilespmem:s5+$0x430]  }
0x248: {  	s7 =	sand.u32 $0x3000, s17;
	s9 =	sand.u32 $0x380, s21  }
0x249: {  	s21 =	sor.u32 s9, s7  }
0x24a: {  	[tilespmem:s21+$0xC880] =	vst.add.f32.msk $0xffff, v5  }
0x24b: {  	v5 =	vld [tilespmem:s16+$0x10]  }
0x24c: {  	[tilespmem:s15+$0xCCB0] =	vst.add.f32.msk $0xffff, v4  }
0x24d: {  	v4 =	vld [tilespmem:s5+$0x440];
	_ =	sdelay $0x2  }
0x24e: {  	[tilespmem:s21+$0xC890] =	vst.add.f32.msk $0xffff, v5  }
0x24f: {  	v5 =	vld [tilespmem:s16+$0x20]  }
0x250: {  	[tilespmem:s15+$0xCCC0] =	vst.add.f32.msk $0xffff, v4  }
0x251: {  	v4 =	vld [tilespmem:s5+$0x450];
	_ =	sdelay $0x2  }
0x252: {  	[tilespmem:s21+$0xC8A0] =	vst.add.f32.msk $0xffff, v5  }
0x253: {  	v5 =	vld [tilespmem:s16+$0x30]  }
0x254: {  	[tilespmem:s15+$0xCCD0] =	vst.add.f32.msk $0xffff, v4  }
0x255: {  	v4 =	vld [tilespmem:s5+$0x460];
	_ =	sdelay $0x2  }
0x256: {  	[tilespmem:s21+$0xC8B0] =	vst.add.f32.msk $0xffff, v5  }
0x257: {  	v5 =	vld [tilespmem:s16+$0x40]  }
0x258: {  	[tilespmem:s15+$0xCCE0] =	vst.add.f32.msk $0xffff, v4  }
0x259: {  	v4 =	vld [tilespmem:s5+$0x470];
	_ =	sdelay $0x2  }
0x25a: {  	[tilespmem:s21+$0xC8C0] =	vst.add.f32.msk $0xffff, v5  }
0x25b: {  	v5 =	vld [tilespmem:s16+$0x50]  }
0x25c: {  	[tilespmem:s15+$0xCCF0] =	vst.add.f32.msk $0xffff, v4  }
0x25d: {  	v4 =	vld [tilespmem:s5+$0x800]  }
0x25e: {  	s6 =	sadd.s32 $0x1, s4  }
0x25f: {  	v6 =	vld [tilespmem:s6+$0x0]  }
0x260: {  	[tilespmem:s21+$0xC8D0] =	vst.add.f32.msk $0xffff, v5  }
0x261: {  	v5 =	vld [tilespmem:s16+$0x60]  }
0x262: {  	[tilespmem:s15+$0xD080] =	vst.add.f32.msk $0xffff, v4  }
0x263: {  	v4 =	vld [tilespmem:s5+$0x810]  }
0x264: {  	(v2sf) =	vpush v6, $0x0;
	_ =	sdelay $0x1  }
0x265: {  	[tilespmem:s21+$0xC8E0] =	vst.add.f32.msk $0xffff, v5  }
0x266: {  	v5 =	vld [tilespmem:s16+$0x70]  }
0x267: {  	[tilespmem:s15+$0xD090] =	vst.add.f32.msk $0xffff, v4  }
0x268: {  	v4 =	vld [tilespmem:s5+$0x820];
	_ =	sdelay $0x2  }
0x269: {  	[tilespmem:s21+$0xC8F0] =	vst.add.f32.msk $0xffff, v5  }
0x26a: {  	v5 =	vld [tilespmem:s16+$0x400]  }
0x26b: {  	[tilespmem:s15+$0xD0A0] =	vst.add.f32.msk $0xffff, v4  }
0x26c: {  	v4 =	vld [tilespmem:s5+$0x830];
	_ =	sdelay $0x2  }
0x26d: {  	[tilespmem:s21+$0xCC80] =	vst.add.f32.msk $0xffff, v5  }
0x26e: {  	s22 =	spop (v2sf);
	v5 =	vld [tilespmem:s16+$0x410]  }
0x26f: {  	s4 =	sshll.u32 s22, $0x9;
	s7 =	sshll.u32 s22, $0x7;
	[tilespmem:s15+$0xD0B0] =	vst.add.f32.msk $0xffff, v4  }
0x270: {  	s9 =	sand.u32 $0xFFFFF000, s4;
	s7 =	sand.u32 $0x380, s7;
	v4 =	vld [tilespmem:s5+$0x840]  }
0x271: {  	s7 =	sor.u32 s7, s9  }
0x272: {  	v7 =	vld [tilespmem:s7+$0x0]  }
0x273: {  	[tilespmem:s21+$0xCC90] =	vst.add.f32.msk $0xffff, v5  }
0x274: {  	s17 =	simm.s32 $0x400;
	s9 =	simm.s32 $0x100;
	v5 =	vld [tilespmem:s16+$0x420]  }
0x275: {  	s29 =	sadd.s32 $0x1, s6;
	s6 =	sand.u32 $0x3000, s17;
	s22 =	sand.u32 $0x380, s9;
	[tilespmem:s15+$0xD0C0] =	vst.add.f32.msk $0xffff, v4  }
0x276: {  	s6 =	sor.u32 s22, s6;
	v6 =	vld [tilespmem:s5+$0x850]  }
0x277: {  	[tilespmem:s6+$0xC880] =	vst.add.f32.msk $0xffff, v7  }
0x278: {  	v7 =	vld [tilespmem:s7+$0x10]  }
0x279: {  	[tilespmem:s21+$0xCCA0] =	vst.add.f32.msk $0xffff, v5  }
0x27a: {  	v5 =	vld [tilespmem:s16+$0x430]  }
0x27b: {  	[tilespmem:s15+$0xD0D0] =	vst.add.f32.msk $0xffff, v6  }
0x27c: {  	v6 =	vld [tilespmem:s5+$0x860]  }
0x27d: {  	[tilespmem:s6+$0xC890] =	vst.add.f32.msk $0xffff, v7  }
0x27e: {  	v7 =	vld [tilespmem:s7+$0x20]  }
0x27f: {  	[tilespmem:s21+$0xCCB0] =	vst.add.f32.msk $0xffff, v5  }
0x280: {  	v5 =	vld [tilespmem:s16+$0x440]  }
0x281: {  	[tilespmem:s15+$0xD0E0] =	vst.add.f32.msk $0xffff, v6  }
0x282: {  	v6 =	vld [tilespmem:s5+$0x870]  }
0x283: {  	[tilespmem:s6+$0xC8A0] =	vst.add.f32.msk $0xffff, v7  }
0x284: {  	v7 =	vld [tilespmem:s7+$0x30]  }
0x285: {  	[tilespmem:s21+$0xCCC0] =	vst.add.f32.msk $0xffff, v5  }
0x286: {  	v5 =	vld [tilespmem:s16+$0x450]  }
0x287: {  	[tilespmem:s15+$0xD0F0] =	vst.add.f32.msk $0xffff, v6  }
0x288: {  	v6 =	vld [tilespmem:s5+$0xC00]  }
0x289: {  	[tilespmem:s6+$0xC8B0] =	vst.add.f32.msk $0xffff, v7  }
0x28a: {  	v7 =	vld [tilespmem:s7+$0x40]  }
0x28b: {  	[tilespmem:s21+$0xCCD0] =	vst.add.f32.msk $0xffff, v5  }
0x28c: {  	v5 =	vld [tilespmem:s16+$0x460]  }
0x28d: {  	[tilespmem:s15+$0xD480] =	vst.add.f32.msk $0xffff, v6  }
0x28e: {  	v6 =	vld [tilespmem:s5+$0xC10]  }
0x28f: {  	[tilespmem:s6+$0xC8C0] =	vst.add.f32.msk $0xffff, v7  }
0x290: {  	v7 =	vld [tilespmem:s7+$0x50]  }
0x291: {  	[tilespmem:s21+$0xCCE0] =	vst.add.f32.msk $0xffff, v5  }
0x292: {  	v5 =	vld [tilespmem:s16+$0x470]  }
0x293: {  	[tilespmem:s15+$0xD490] =	vst.add.f32.msk $0xffff, v6  }
0x294: {  	v6 =	vld [tilespmem:s5+$0xC20]  }
0x295: {  	[tilespmem:s6+$0xC8D0] =	vst.add.f32.msk $0xffff, v7  }
0x296: {  	v7 =	vld [tilespmem:s7+$0x60]  }
0x297: {  	[tilespmem:s21+$0xCCF0] =	vst.add.f32.msk $0xffff, v5  }
0x298: {  	v5 =	vld [tilespmem:s16+$0x800]  }
0x299: {  	[tilespmem:s15+$0xD4A0] =	vst.add.f32.msk $0xffff, v6  }
0x29a: {  	v6 =	vld [tilespmem:s5+$0xC30];
	_ =	sdelay $0x1  }
0x29b: {  	[tilespmem:s6+$0xC8E0] =	vst.add.f32.msk $0xffff, v7  }
0x29c: {  	[tilespmem:s21+$0xD080] =	vst.add.f32.msk $0xffff, v5  }
0x29d: {  	v8 =	vld [tilespmem:s16+$0x810]  }
0x29e: {  	[tilespmem:s15+$0xD4B0] =	vst.add.f32.msk $0xffff, v6  }
0x29f: {  	v5 =	vld [tilespmem:s5+$0xC40]  }
0x2a0: {  	v4 =	vld [tilespmem:s29+$0x0]  }
0x2a1: {  	v6 =	vld [tilespmem:s7+$0x70]  }
0x2a2: {  	s31 =	sor.u32 $0x1, s31;
	s17 =	simm.s32 $0x600;
	s22 =	simm.s32 $0x800;
	[tilespmem:s21+$0xD090] =	vst.add.f32.msk $0xffff, v8  }
.LBB2_7:
0x2a3: {  	p0 =	sne.s32 s22, $0x3E00;
	v7 =	vld [tilespmem:s16+$0x820]  }
0x2a4: {  	[tilespmem:s15+$0xD4C0] =	vst.add.f32.msk $0xffff, v5  }
0x2a5: {  	(v2sf) =	vpush v4, $0x0;
	v4 =	vld [tilespmem:s5+$0xC50]  }
0x2a6: {  	[tilespmem:s6+$0xC8F0] =	vst.add.f32.msk $0xffff, v6  }
0x2a7: {  	v5 =	vld [tilespmem:s7+$0x400]  }
0x2a8: {  	[tilespmem:s21+$0xD0A0] =	vst.add.f32.msk $0xffff, v7  }
0x2a9: {  	v6 =	vld [tilespmem:s16+$0x830]  }
0x2aa: {  	[tilespmem:s15+$0xD4D0] =	vst.add.f32.msk $0xffff, v4  }
0x2ab: {  	v4 =	vld [tilespmem:s5+$0xC60]  }
0x2ac: {  	[tilespmem:s6+$0xCC80] =	vst.add.f32.msk $0xffff, v5  }
0x2ad: {  	v5 =	vld [tilespmem:s7+$0x410]  }
0x2ae: {  	[tilespmem:s21+$0xD0B0] =	vst.add.f32.msk $0xffff, v6  }
0x2af: {  	v6 =	vld [tilespmem:s16+$0x840]  }
0x2b0: {  	[tilespmem:s15+$0xD4E0] =	vst.add.f32.msk $0xffff, v4  }
0x2b1: {  	v4 =	vld [tilespmem:s5+$0xC70];
	s5 =	smov.u32 s16;
	s16 =	smov.u32 s7  }
0x2b2: {  	[tilespmem:s6+$0xCC90] =	vst.add.f32.msk $0xffff, v5  }
0x2b3: {  	v5 =	vld [tilespmem:s16+$0x420]  }
0x2b4: {  	s7 =	spop (v2sf);
	[tilespmem:s21+$0xD0C0] =	vst.add.f32.msk $0xffff, v6  }
0x2b5: {  	s4 =	sshll.u32 s7, $0x9;
	s7 =	sshll.u32 s7, $0x7;
	v6 =	vld [tilespmem:s5+$0x850]  }
0x2b6: {  	s29 =	sadd.s32 $0x1, s29;
	s4 =	sand.u32 $0xFFFFF000, s4;
	s7 =	sand.u32 $0x380, s7;
	[tilespmem:s15+$0xD4F0] =	vst.add.f32.msk $0xffff, v4  }
0x2b7: {  	s15 =	smov.u32 s21;
	s21 =	smov.u32 s6;
	v4 =	vld [tilespmem:s29+$0x0];
	s7 =	sor.u32 s7, s4  }
0x2b8: {  	v7 =	vld [tilespmem:s7+$0x0]  }
0x2b9: {  	[tilespmem:s21+$0xCCA0] =	vst.add.f32.msk $0xffff, v5  }
0x2ba: {  	s9 =	sadd.s32 $0x80, s9;
	v5 =	vld [tilespmem:s16+$0x430]  }
0x2bb: {  	s6 =	sand.u32 $0x380, s9;
	s4 =	sand.u32 $0x3000, s17;
	s17 =	smov.u32 s22;
	[tilespmem:s15+$0xD0D0] =	vst.add.f32.msk $0xffff, v6  }
0x2bc: {  	s6 =	sor.u32 s6, s4;
	v6 =	vld [tilespmem:s5+$0x860]  }
0x2bd: {  	[tilespmem:s6+$0xC880] =	vst.add.f32.msk $0xffff, v7  }
0x2be: {  	v7 =	vld [tilespmem:s7+$0x10]  }
0x2bf: {  	[tilespmem:s21+$0xCCB0] =	vst.add.f32.msk $0xffff, v5  }
0x2c0: {  	v5 =	vld [tilespmem:s16+$0x440]  }
0x2c1: {  	[tilespmem:s15+$0xD0E0] =	vst.add.f32.msk $0xffff, v6  }
0x2c2: {  	v6 =	vld [tilespmem:s5+$0x870]  }
0x2c3: {  	[tilespmem:s6+$0xC890] =	vst.add.f32.msk $0xffff, v7  }
0x2c4: {  	v7 =	vld [tilespmem:s7+$0x20]  }
0x2c5: {  	[tilespmem:s21+$0xCCC0] =	vst.add.f32.msk $0xffff, v5  }
0x2c6: {  	v5 =	vld [tilespmem:s16+$0x450]  }
0x2c7: {  	[tilespmem:s15+$0xD0F0] =	vst.add.f32.msk $0xffff, v6  }
0x2c8: {  	v6 =	vld [tilespmem:s5+$0xC00]  }
0x2c9: {  	[tilespmem:s6+$0xC8A0] =	vst.add.f32.msk $0xffff, v7  }
0x2ca: {  	v7 =	vld [tilespmem:s7+$0x30]  }
0x2cb: {  	[tilespmem:s21+$0xCCD0] =	vst.add.f32.msk $0xffff, v5  }
0x2cc: {  	v5 =	vld [tilespmem:s16+$0x460]  }
0x2cd: {  	[tilespmem:s15+$0xD480] =	vst.add.f32.msk $0xffff, v6  }
0x2ce: {  	v6 =	vld [tilespmem:s5+$0xC10]  }
0x2cf: {  	[tilespmem:s6+$0xC8B0] =	vst.add.f32.msk $0xffff, v7  }
0x2d0: {  	v7 =	vld [tilespmem:s7+$0x40]  }
0x2d1: {  	[tilespmem:s21+$0xCCE0] =	vst.add.f32.msk $0xffff, v5  }
0x2d2: {  	v5 =	vld [tilespmem:s16+$0x470]  }
0x2d3: {  	[tilespmem:s15+$0xD490] =	vst.add.f32.msk $0xffff, v6  }
0x2d4: {  	v6 =	vld [tilespmem:s5+$0xC20]  }
0x2d5: {  	[tilespmem:s6+$0xC8C0] =	vst.add.f32.msk $0xffff, v7  }
0x2d6: {  	v7 =	vld [tilespmem:s7+$0x50]  }
0x2d7: {  	[tilespmem:s21+$0xCCF0] =	vst.add.f32.msk $0xffff, v5  }
0x2d8: {  	v5 =	vld [tilespmem:s16+$0x800]  }
0x2d9: {  	[tilespmem:s15+$0xD4A0] =	vst.add.f32.msk $0xffff, v6  }
0x2da: {  	v6 =	vld [tilespmem:s5+$0xC30]  }
0x2db: {  	[tilespmem:s6+$0xC8D0] =	vst.add.f32.msk $0xffff, v7  }
0x2dc: {  	v7 =	vld [tilespmem:s7+$0x60]  }
0x2dd: {  	[tilespmem:s21+$0xD080] =	vst.add.f32.msk $0xffff, v5  }
0x2de: {  	v8 =	vld [tilespmem:s16+$0x810]  }
.Ltmp2:
0x2df: {  	[tilespmem:s15+$0xD4B0] =	vst.add.f32.msk $0xffff, v6;
	(pc) =	sbr.rel @p0 .LBB2_7-.Ltmp2, $4  }
0x2e0: {  	v5 =	vld [tilespmem:s5+$0xC40]  }
0x2e1: {  	[tilespmem:s6+$0xC8E0] =	vst.add.f32.msk $0xffff, v7  }
0x2e2: {  	v6 =	vld [tilespmem:s7+$0x70]  }
0x2e3: {  	s22 =	sadd.s32 $0x200, s22;
	[tilespmem:s21+$0xD090] =	vst.add.f32.msk $0xffff, v8  }
0x2e4: {  	(v2sf) =	vpush v4, $0x0;
	_ =	sdelay $0xe  }
0x2e5: {  	s4 =	spop (v2sf)  }
0x2e6: {  	s22 =	sshll.u32 s4, $0x9;
	s4 =	sshll.u32 s4, $0x7  }
0x2e7: {  	s22 =	sand.u32 $0xFFFFF000, s22;
	s4 =	sand.u32 $0x380, s4  }
0x2e8: {  	s22 =	sor.u32 s4, s22  }
0x2e9: {  	v4 =	vld [tilespmem:s22+$0x0];
	_ =	sdelay $0x1  }
0x2ea: {  	s9 =	sadd.s32 $0x80, s9  }
0x2eb: {  	s17 =	sand.u32 $0x3000, s17;
	s4 =	sand.u32 $0x380, s9  }
0x2ec: {  	s9 =	sor.u32 s4, s17  }
0x2ed: {  	[tilespmem:s9+$0xC880] =	vst.add.f32.msk $0xffff, v4  }
0x2ee: {  	v4 =	vld [tilespmem:s22+$0x10];
	_ =	sdelay $0x4  }
0x2ef: {  	[tilespmem:s9+$0xC890] =	vst.add.f32.msk $0xffff, v4  }
0x2f0: {  	v4 =	vld [tilespmem:s22+$0x20];
	_ =	sdelay $0x4  }
0x2f1: {  	[tilespmem:s9+$0xC8A0] =	vst.add.f32.msk $0xffff, v4  }
0x2f2: {  	v4 =	vld [tilespmem:s22+$0x30];
	_ =	sdelay $0x4  }
0x2f3: {  	[tilespmem:s9+$0xC8B0] =	vst.add.f32.msk $0xffff, v4  }
0x2f4: {  	v4 =	vld [tilespmem:s22+$0x40];
	_ =	sdelay $0x4  }
0x2f5: {  	[tilespmem:s9+$0xC8C0] =	vst.add.f32.msk $0xffff, v4  }
0x2f6: {  	v4 =	vld [tilespmem:s22+$0x50];
	_ =	sdelay $0x4  }
0x2f7: {  	[tilespmem:s9+$0xC8D0] =	vst.add.f32.msk $0xffff, v4  }
0x2f8: {  	v4 =	vld [tilespmem:s22+$0x60];
	_ =	sdelay $0x4  }
0x2f9: {  	[tilespmem:s9+$0xC8E0] =	vst.add.f32.msk $0xffff, v4  }
0x2fa: {  	v4 =	vld [tilespmem:s22+$0x70];
	_ =	sdelay $0x2  }
0x2fb: {  	[tilespmem:s6+$0xC8F0] =	vst.add.f32.msk $0xffff, v6  }
0x2fc: {  	v6 =	vld [tilespmem:s7+$0x400]  }
0x2fd: {  	[tilespmem:s9+$0xC8F0] =	vst.add.f32.msk $0xffff, v4  }
0x2fe: {  	v4 =	vld [tilespmem:s22+$0x400];
	_ =	sdelay $0x2  }
0x2ff: {  	[tilespmem:s6+$0xCC80] =	vst.add.f32.msk $0xffff, v6  }
0x300: {  	v6 =	vld [tilespmem:s7+$0x410]  }
0x301: {  	[tilespmem:s9+$0xCC80] =	vst.add.f32.msk $0xffff, v4  }
0x302: {  	v4 =	vld [tilespmem:s22+$0x410];
	_ =	sdelay $0x2  }
0x303: {  	[tilespmem:s6+$0xCC90] =	vst.add.f32.msk $0xffff, v6  }
0x304: {  	v6 =	vld [tilespmem:s7+$0x420]  }
0x305: {  	[tilespmem:s9+$0xCC90] =	vst.add.f32.msk $0xffff, v4  }
0x306: {  	v4 =	vld [tilespmem:s22+$0x420];
	_ =	sdelay $0x2  }
0x307: {  	[tilespmem:s6+$0xCCA0] =	vst.add.f32.msk $0xffff, v6  }
0x308: {  	v6 =	vld [tilespmem:s7+$0x430]  }
0x309: {  	[tilespmem:s9+$0xCCA0] =	vst.add.f32.msk $0xffff, v4  }
0x30a: {  	v4 =	vld [tilespmem:s22+$0x430];
	_ =	sdelay $0x2  }
0x30b: {  	[tilespmem:s6+$0xCCB0] =	vst.add.f32.msk $0xffff, v6  }
0x30c: {  	v6 =	vld [tilespmem:s7+$0x440]  }
0x30d: {  	[tilespmem:s9+$0xCCB0] =	vst.add.f32.msk $0xffff, v4  }
0x30e: {  	v4 =	vld [tilespmem:s22+$0x440];
	_ =	sdelay $0x2  }
0x30f: {  	[tilespmem:s6+$0xCCC0] =	vst.add.f32.msk $0xffff, v6  }
0x310: {  	v6 =	vld [tilespmem:s7+$0x450]  }
0x311: {  	[tilespmem:s9+$0xCCC0] =	vst.add.f32.msk $0xffff, v4  }
0x312: {  	v4 =	vld [tilespmem:s22+$0x450];
	_ =	sdelay $0x2  }
0x313: {  	[tilespmem:s6+$0xCCD0] =	vst.add.f32.msk $0xffff, v6  }
0x314: {  	v6 =	vld [tilespmem:s7+$0x460]  }
0x315: {  	[tilespmem:s9+$0xCCD0] =	vst.add.f32.msk $0xffff, v4  }
0x316: {  	v4 =	vld [tilespmem:s22+$0x460];
	_ =	sdelay $0x1  }
0x317: {  	v7 =	vld [tilespmem:s16+$0x820]  }
0x318: {  	[tilespmem:s6+$0xCCE0] =	vst.add.f32.msk $0xffff, v6  }
0x319: {  	v6 =	vld [tilespmem:s7+$0x470]  }
0x31a: {  	[tilespmem:s9+$0xCCE0] =	vst.add.f32.msk $0xffff, v4  }
0x31b: {  	v4 =	vld [tilespmem:s22+$0x470]  }
0x31c: {  	[tilespmem:s15+$0xD4C0] =	vst.add.f32.msk $0xffff, v5  }
0x31d: {  	v5 =	vld [tilespmem:s5+$0xC50]  }
0x31e: {  	[tilespmem:s6+$0xCCF0] =	vst.add.f32.msk $0xffff, v6  }
0x31f: {  	v6 =	vld [tilespmem:s7+$0x800]  }
0x320: {  	[tilespmem:s9+$0xCCF0] =	vst.add.f32.msk $0xffff, v4  }
0x321: {  	v4 =	vld [tilespmem:s22+$0x800]  }
0x322: {  	[tilespmem:s21+$0xD0A0] =	vst.add.f32.msk $0xffff, v7  }
0x323: {  	v7 =	vld [tilespmem:s16+$0x830]  }
0x324: {  	[tilespmem:s6+$0xD080] =	vst.add.f32.msk $0xffff, v6  }
0x325: {  	v6 =	vld [tilespmem:s7+$0x810]  }
0x326: {  	[tilespmem:s9+$0xD080] =	vst.add.f32.msk $0xffff, v4  }
0x327: {  	v4 =	vld [tilespmem:s22+$0x810]  }
0x328: {  	[tilespmem:s15+$0xD4D0] =	vst.add.f32.msk $0xffff, v5  }
0x329: {  	v5 =	vld [tilespmem:s5+$0xC60]  }
0x32a: {  	[tilespmem:s6+$0xD090] =	vst.add.f32.msk $0xffff, v6  }
0x32b: {  	v6 =	vld [tilespmem:s7+$0x820]  }
0x32c: {  	[tilespmem:s9+$0xD090] =	vst.add.f32.msk $0xffff, v4  }
0x32d: {  	v4 =	vld [tilespmem:s22+$0x820]  }
0x32e: {  	[tilespmem:s21+$0xD0B0] =	vst.add.f32.msk $0xffff, v7  }
0x32f: {  	v7 =	vld [tilespmem:s16+$0x840]  }
0x330: {  	[tilespmem:s6+$0xD0A0] =	vst.add.f32.msk $0xffff, v6  }
0x331: {  	v6 =	vld [tilespmem:s7+$0x830]  }
0x332: {  	[tilespmem:s9+$0xD0A0] =	vst.add.f32.msk $0xffff, v4  }
0x333: {  	v4 =	vld [tilespmem:s22+$0x830]  }
0x334: {  	[tilespmem:s15+$0xD4E0] =	vst.add.f32.msk $0xffff, v5  }
0x335: {  	v5 =	vld [tilespmem:s5+$0xC70]  }
0x336: {  	[tilespmem:s6+$0xD0B0] =	vst.add.f32.msk $0xffff, v6  }
0x337: {  	v6 =	vld [tilespmem:s7+$0x840]  }
0x338: {  	[tilespmem:s9+$0xD0B0] =	vst.add.f32.msk $0xffff, v4  }
0x339: {  	v4 =	vld [tilespmem:s22+$0x840]  }
0x33a: {  	[tilespmem:s21+$0xD0C0] =	vst.add.f32.msk $0xffff, v7  }
0x33b: {  	v7 =	vld [tilespmem:s16+$0x850]  }
0x33c: {  	[tilespmem:s6+$0xD0C0] =	vst.add.f32.msk $0xffff, v6  }
0x33d: {  	v6 =	vld [tilespmem:s7+$0x850]  }
0x33e: {  	[tilespmem:s9+$0xD0C0] =	vst.add.f32.msk $0xffff, v4  }
0x33f: {  	v4 =	vld [tilespmem:s22+$0x850]  }
0x340: {  	[tilespmem:s21+$0xD0D0] =	vst.add.f32.msk $0xffff, v7  }
0x341: {  	v7 =	vld [tilespmem:s16+$0x860]  }
0x342: {  	[tilespmem:s6+$0xD0D0] =	vst.add.f32.msk $0xffff, v6  }
0x343: {  	v6 =	vld [tilespmem:s7+$0x860]  }
0x344: {  	[tilespmem:s9+$0xD0D0] =	vst.add.f32.msk $0xffff, v4  }
0x345: {  	v4 =	vld [tilespmem:s22+$0x860]  }
0x346: {  	[tilespmem:s21+$0xD0E0] =	vst.add.f32.msk $0xffff, v7  }
0x347: {  	v7 =	vld [tilespmem:s16+$0x870]  }
0x348: {  	[tilespmem:s6+$0xD0E0] =	vst.add.f32.msk $0xffff, v6  }
0x349: {  	v6 =	vld [tilespmem:s7+$0x870]  }
0x34a: {  	[tilespmem:s9+$0xD0E0] =	vst.add.f32.msk $0xffff, v4  }
0x34b: {  	v4 =	vld [tilespmem:s22+$0x870]  }
0x34c: {  	[tilespmem:s21+$0xD0F0] =	vst.add.f32.msk $0xffff, v7  }
0x34d: {  	v7 =	vld [tilespmem:s16+$0xC00]  }
0x34e: {  	[tilespmem:s6+$0xD0F0] =	vst.add.f32.msk $0xffff, v6  }
0x34f: {  	v6 =	vld [tilespmem:s7+$0xC00]  }
0x350: {  	[tilespmem:s9+$0xD0F0] =	vst.add.f32.msk $0xffff, v4  }
0x351: {  	v4 =	vld [tilespmem:s22+$0xC00]  }
0x352: {  	[tilespmem:s21+$0xD480] =	vst.add.f32.msk $0xffff, v7  }
0x353: {  	v7 =	vld [tilespmem:s16+$0xC10]  }
0x354: {  	[tilespmem:s6+$0xD480] =	vst.add.f32.msk $0xffff, v6  }
0x355: {  	v6 =	vld [tilespmem:s7+$0xC10]  }
0x356: {  	[tilespmem:s9+$0xD480] =	vst.add.f32.msk $0xffff, v4  }
0x357: {  	v4 =	vld [tilespmem:s22+$0xC10]  }
0x358: {  	[tilespmem:s21+$0xD490] =	vst.add.f32.msk $0xffff, v7  }
0x359: {  	v7 =	vld [tilespmem:s16+$0xC20]  }
0x35a: {  	[tilespmem:s6+$0xD490] =	vst.add.f32.msk $0xffff, v6  }
0x35b: {  	v6 =	vld [tilespmem:s7+$0xC20]  }
0x35c: {  	[tilespmem:s9+$0xD490] =	vst.add.f32.msk $0xffff, v4  }
0x35d: {  	v4 =	vld [tilespmem:s22+$0xC20]  }
0x35e: {  	[tilespmem:s21+$0xD4A0] =	vst.add.f32.msk $0xffff, v7  }
0x35f: {  	v7 =	vld [tilespmem:s16+$0xC30]  }
0x360: {  	[tilespmem:s6+$0xD4A0] =	vst.add.f32.msk $0xffff, v6  }
0x361: {  	v6 =	vld [tilespmem:s7+$0xC30]  }
0x362: {  	[tilespmem:s9+$0xD4A0] =	vst.add.f32.msk $0xffff, v4  }
0x363: {  	v4 =	vld [tilespmem:s22+$0xC30]  }
0x364: {  	[tilespmem:s21+$0xD4B0] =	vst.add.f32.msk $0xffff, v7  }
0x365: {  	v7 =	vld [tilespmem:s16+$0xC40]  }
0x366: {  	[tilespmem:s6+$0xD4B0] =	vst.add.f32.msk $0xffff, v6  }
0x367: {  	v6 =	vld [tilespmem:s7+$0xC40]  }
0x368: {  	[tilespmem:s9+$0xD4B0] =	vst.add.f32.msk $0xffff, v4  }
0x369: {  	v4 =	vld [tilespmem:s22+$0xC40]  }
0x36a: {  	[tilespmem:s21+$0xD4C0] =	vst.add.f32.msk $0xffff, v7  }
0x36b: {  	v7 =	vld [tilespmem:s16+$0xC50]  }
0x36c: {  	[tilespmem:s6+$0xD4C0] =	vst.add.f32.msk $0xffff, v6  }
0x36d: {  	v6 =	vld [tilespmem:s7+$0xC50]  }
0x36e: {  	[tilespmem:s9+$0xD4C0] =	vst.add.f32.msk $0xffff, v4  }
0x36f: {  	v4 =	vld [tilespmem:s22+$0xC50]  }
0x370: {  	[tilespmem:s21+$0xD4D0] =	vst.add.f32.msk $0xffff, v7  }
0x371: {  	v7 =	vld [tilespmem:s16+$0xC60]  }
0x372: {  	[tilespmem:s6+$0xD4D0] =	vst.add.f32.msk $0xffff, v6  }
0x373: {  	v6 =	vld [tilespmem:s7+$0xC60]  }
0x374: {  	[tilespmem:s9+$0xD4D0] =	vst.add.f32.msk $0xffff, v4  }
0x375: {  	v4 =	vld [tilespmem:s22+$0xC60]  }
0x376: {  	[tilespmem:s21+$0xD4E0] =	vst.add.f32.msk $0xffff, v7  }
0x377: {  	v7 =	vld [tilespmem:s16+$0xC70]  }
0x378: {  	[tilespmem:s6+$0xD4E0] =	vst.add.f32.msk $0xffff, v6  }
0x379: {  	v6 =	vld [tilespmem:s7+$0xC70]  }
0x37a: {  	[tilespmem:s9+$0xD4E0] =	vst.add.f32.msk $0xffff, v4  }
0x37b: {  	v4 =	vld [tilespmem:s22+$0xC70];
	_ =	sdelay $0x1  }
0x37c: {  	[tilespmem:s15+$0xD4F0] =	vst.add.f32.msk $0xffff, v5;
	s7 =	sshll.u32 s31, $0xF  }
0x37d: {  	[tilespmem:s21+$0xD4F0] =	vst.add.f32.msk $0xffff, v7;
	s4 =	sadd.s32 s10, s7  }
0x37e: {  	s4 =	sshrl.u32 s4, $0x3;
	[tilespmem:s6+$0xD4F0] =	vst.add.f32.msk $0xffff, v6  }
0x37f: {  	p0 =	seq.s32 s25, $0x7;
	s4 =	sadd.s32 s1, s4;
	[tilespmem:s9+$0xD4F0] =	vst.add.f32.msk $0xffff, v4;
	s9 =	simm.s32 $0xC880  }
0x380: {  	[hbm4b:s4+s12] =	stream.strided.scatter [tilespmem:s9], [sflag:$0x6], $0x4000, s13, s12, $0x38;
	[tilespmem:$0x18880] =	vst v63  }
0x381: {  	s4 =	simm.s32 @!p0 $0x5  }
0x382: {  	_ =	swait.ge @!p0 [sflag:s4], $0x4000  }
0x383: {  	[sflag:s4] =	ssyncset.done @!p0 $0x0  }
0x384: {  	s30 =	sshrl.u32 @!p0 s30, $0x2;
	[sflag:s4] =	ssyncadd.s32 @!p0 $0xFFFFC000  }
0x385: {  	v4 =	vld @!p0 [tilespmem:s30+$0x8500];
	_ =	sdelay $0x4  }
0x386: {  	v5 =	vshll.u32 @!p0 v4, $0x2  }
0x387: {  	v6 =	vlaneseq.u32 @!p0;
	v4 =	vand.u32 @!p0 $0x7, v4;
	v5 =	vand.u32 @!p0 $0xFFFFFFE0, v5  }
0x388: {  	v7 =	vshrl.u32 @!p0 v6, $0x3;
	v4 =	vor.u32 @!p0 v4, v5;
	v5 =	vand.u32 @!p0 $0x7, v6  }
0x389: {  	v7 =	vmul.u32 @!p0 $0x8, v7;
	v8 =	vperm.xlane @!p0 v4, v5;
	_ =	sdelay $0x1  }
0x38a: {  	v8 =	vadd.s32 @!p0 v7, v8  }
0x38b: {  	v6 =	vor.u32 @!p0 $0x8, v6  }
0x38c: {  	v4 =	vperm.xlane @!p0 v4, v6;
	_ =	sdelay $0x1  }
0x38d: {  	vm1 =	vmmov @!p0 $0xffff;
	s5 =	simm.s32 @!p0 $0x8880;
	s4 =	simm.s32 @!p0 $0x0;
	v4 =	vadd.s32 @!p0 v7, v4  }
0x38e: {  	[tilespmem:s5], [sflag:$0x1] =	stream.indirect_vreg.gather @!p0 [hbm4b:s2+s4], $0x80, v8, vm1, $0xb8;
	[tilespmem:$0x18880] =	vst v63  }
0x38f: {  	s5 =	simm.s32 @!p0 $0x9080  }
0x390: {  	[tilespmem:s5], [sflag:$0x1] =	stream.indirect_vreg.gather @!p0 [hbm4b:s20+s4], $0x80, v8, vm1, $0xb8;
	[tilespmem:$0x18880] =	vst v63  }
0x391: {  	s5 =	simm.s32 @!p0 $0x9880  }
0x392: {  	[tilespmem:s5], [sflag:$0x1] =	stream.indirect_vreg.gather @!p0 [hbm4b:s2+s4], $0x80, v4, vm1, $0xb8;
	[tilespmem:$0x18880] =	vst v63  }
0x393: {  	s5 =	simm.s32 @!p0 $0xA080  }
0x394: {  	[tilespmem:s5], [sflag:$0x1] =	stream.indirect_vreg.gather @!p0 [hbm4b:s20+s4], $0x80, v4, vm1, $0xb8;
	[tilespmem:$0x18880] =	vst v63  }
0x395: {  	v4 =	vld @!p0 [tilespmem:s30+$0x8510];
	_ =	sdelay $0x4  }
0x396: {  	v8 =	vshll.u32 @!p0 v4, $0x2  }
0x397: {  	v4 =	vand.u32 @!p0 $0x7, v4;
	v8 =	vand.u32 @!p0 $0xFFFFFFE0, v8  }
0x398: {  	v4 =	vor.u32 @!p0 v4, v8  }
0x399: {  	v5 =	vperm.xlane @!p0 v4, v5;
	_ =	sdelay $0x1  }
0x39a: {  	v5 =	vadd.s32 @!p0 v7, v5;
	_ =	sdelay $0x1  }
0x39b: {  	v4 =	vperm.xlane @!p0 v4, v6;
	_ =	sdelay $0x1  }
0x39c: {  	s5 =	simm.s32 @!p0 $0xA880;
	v4 =	vadd.s32 @!p0 v7, v4  }
0x39d: {  	[tilespmem:s5], [sflag:$0x1] =	stream.indirect_vreg.gather @!p0 [hbm4b:s2+s4], $0x80, v5, vm1, $0xb8;
	[tilespmem:$0x18880] =	vst v63  }
0x39e: {  	s5 =	simm.s32 @!p0 $0xB080  }
0x39f: {  	[tilespmem:s5], [sflag:$0x1] =	stream.indirect_vreg.gather @!p0 [hbm4b:s20+s4], $0x80, v5, vm1, $0xb8;
	[tilespmem:$0x18880] =	vst v63  }
0x3a0: {  	s5 =	simm.s32 @!p0 $0xB880  }
0x3a1: {  	[tilespmem:s5], [sflag:$0x1] =	stream.indirect_vreg.gather @!p0 [hbm4b:s2+s4], $0x80, v4, vm1, $0xb8;
	[tilespmem:$0x18880] =	vst v63  }
0x3a2: {  	s5 =	simm.s32 @!p0 $0xC080  }
0x3a3: {  	[tilespmem:s5], [sflag:$0x1] =	stream.indirect_vreg.gather @!p0 [hbm4b:s20+s4], $0x80, v4, vm1, $0xb8;
	[tilespmem:$0x18880] =	vst v63  }
0x3a4: {  	_ =	swait.ge [sflag:s18], $0x4000  }
0x3a5: {  	[sflag:s18] =	ssyncset.done $0x0  }
0x3a6: {  	[sflag:s18] =	ssyncadd.s32 $0xFFFFC000  }
0x3a7: {  	v4 =	vld [tilespmem:s23+$0x0];
	_ =	sdelay $0x4  }
0x3a8: {  	(v2sf) =	vpush v4, $0x0;
	_ =	sdelay $0xe  }
0x3a9: {  	s15 =	spop (v2sf)  }
0x3aa: {  	s16 =	sshll.u32 s15, $0x9;
	s4 =	sshll.u32 s15, $0x7  }
0x3ab: {  	s5 =	sand.u32 $0xFFFFF000, s16;
	s4 =	sand.u32 $0x380, s4  }
0x3ac: {  	s21 =	sor.u32 s4, s5  }
0x3ad: {  	v4 =	vld [tilespmem:s21+$0x0];
	_ =	sdelay $0x1  }
0x3ae: {  	s17 =	simm.s32 $0x0  }
0x3af: {  	s22 =	sand.u32 $0x3000, s17;
	s4 =	sand.u32 $0x380, s17  }
0x3b0: {  	s4 =	sor.u32 s4, s22  }
0x3b1: {  	[tilespmem:s4+$0x10880] =	vst.add.f32.msk $0xffff, v4  }
0x3b2: {  	v4 =	vld [tilespmem:s21+$0x10];
	_ =	sdelay $0x2  }
0x3b3: {  	s31 =	sadd.s32 $0x10880, s4  }
0x3b4: {  	s4 =	sor.u32 $0x10, s31  }
0x3b5: {  	[tilespmem:s4+$0x0] =	vst.add.f32.msk $0xffff, v4  }
0x3b6: {  	v4 =	vld [tilespmem:s21+$0x20];
	_ =	sdelay $0x3  }
0x3b7: {  	s5 =	sor.u32 $0x20, s31  }
0x3b8: {  	[tilespmem:s5+$0x0] =	vst.add.f32.msk $0xffff, v4  }
0x3b9: {  	v4 =	vld [tilespmem:s21+$0x30];
	_ =	sdelay $0x3  }
0x3ba: {  	s6 =	sor.u32 $0x30, s31  }
0x3bb: {  	[tilespmem:s6+$0x0] =	vst.add.f32.msk $0xffff, v4  }
0x3bc: {  	v4 =	vld [tilespmem:s21+$0x40];
	_ =	sdelay $0x3  }
0x3bd: {  	s7 =	sor.u32 $0x40, s31  }
0x3be: {  	[tilespmem:s7+$0x0] =	vst.add.f32.msk $0xffff, v4  }
0x3bf: {  	v4 =	vld [tilespmem:s21+$0x50];
	_ =	sdelay $0x3  }
0x3c0: {  	s9 =	sor.u32 $0x50, s31  }
0x3c1: {  	[tilespmem:s9+$0x0] =	vst.add.f32.msk $0xffff, v4  }
0x3c2: {  	v4 =	vld [tilespmem:s21+$0x60];
	_ =	sdelay $0x2  }
0x3c3: {  	s4 =	sadd.s32 $0x1, s23  }
0x3c4: {  	s15 =	sor.u32 $0x60, s31;
	v5 =	vld [tilespmem:s4+$0x0]  }
0x3c5: {  	[tilespmem:s15+$0x0] =	vst.add.f32.msk $0xffff, v4  }
0x3c6: {  	v4 =	vld [tilespmem:s21+$0x70];
	_ =	sdelay $0x2  }
0x3c7: {  	(v2sf) =	vpush v5, $0x0  }
0x3c8: {  	s16 =	sor.u32 $0x70, s31  }
0x3c9: {  	[tilespmem:s16+$0x0] =	vst.add.f32.msk $0xffff, v4  }
0x3ca: {  	v4 =	vld [tilespmem:s21+$0x400];
	_ =	sdelay $0x4  }
0x3cb: {  	[tilespmem:s31+$0x400] =	vst.add.f32.msk $0xffff, v4  }
0x3cc: {  	v4 =	vld [tilespmem:s21+$0x410];
	_ =	sdelay $0x4  }
0x3cd: {  	[tilespmem:s31+$0x410] =	vst.add.f32.msk $0xffff, v4  }
0x3ce: {  	s17 =	spop (v2sf);
	v4 =	vld [tilespmem:s21+$0x420]  }
0x3cf: {  	s22 =	sshll.u32 s17, $0x9;
	s5 =	sshll.u32 s17, $0x7  }
0x3d0: {  	s6 =	sand.u32 $0xFFFFF000, s22;
	s5 =	sand.u32 $0x380, s5  }
0x3d1: {  	s15 =	sor.u32 s5, s6  }
0x3d2: {  	v5 =	vld [tilespmem:s15+$0x0]  }
0x3d3: {  	[tilespmem:s31+$0x420] =	vst.add.f32.msk $0xffff, v4  }
0x3d4: {  	s7 =	simm.s32 $0x80;
	s6 =	simm.s32 $0x200;
	v4 =	vld [tilespmem:s21+$0x430]  }
0x3d5: {  	s5 =	sand.u32 $0x3000, s6;
	s6 =	sand.u32 $0x380, s7  }
0x3d6: {  	s5 =	sor.u32 s6, s5  }
0x3d7: {  	[tilespmem:s5+$0x10880] =	vst.add.f32.msk $0xffff, v5  }
0x3d8: {  	v5 =	vld [tilespmem:s15+$0x10]  }
0x3d9: {  	[tilespmem:s31+$0x430] =	vst.add.f32.msk $0xffff, v4  }
0x3da: {  	v4 =	vld [tilespmem:s21+$0x440]  }
0x3db: {  	s16 =	sadd.s32 $0x10880, s5  }
0x3dc: {  	s5 =	sor.u32 $0x10, s16  }
0x3dd: {  	[tilespmem:s5+$0x0] =	vst.add.f32.msk $0xffff, v5  }
0x3de: {  	v5 =	vld [tilespmem:s15+$0x20]  }
0x3df: {  	[tilespmem:s31+$0x440] =	vst.add.f32.msk $0xffff, v4  }
0x3e0: {  	v4 =	vld [tilespmem:s21+$0x450];
	_ =	sdelay $0x1  }
0x3e1: {  	s9 =	sor.u32 $0x20, s16  }
0x3e2: {  	[tilespmem:s9+$0x0] =	vst.add.f32.msk $0xffff, v5  }
0x3e3: {  	v5 =	vld [tilespmem:s15+$0x30]  }
0x3e4: {  	[tilespmem:s31+$0x450] =	vst.add.f32.msk $0xffff, v4  }
0x3e5: {  	v4 =	vld [tilespmem:s21+$0x460];
	_ =	sdelay $0x1  }
0x3e6: {  	s17 =	sor.u32 $0x30, s16  }
0x3e7: {  	[tilespmem:s17+$0x0] =	vst.add.f32.msk $0xffff, v5  }
0x3e8: {  	v5 =	vld [tilespmem:s15+$0x40]  }
0x3e9: {  	[tilespmem:s31+$0x460] =	vst.add.f32.msk $0xffff, v4  }
0x3ea: {  	v4 =	vld [tilespmem:s21+$0x470];
	_ =	sdelay $0x1  }
0x3eb: {  	s22 =	sor.u32 $0x40, s16  }
0x3ec: {  	[tilespmem:s22+$0x0] =	vst.add.f32.msk $0xffff, v5  }
0x3ed: {  	v5 =	vld [tilespmem:s15+$0x50]  }
0x3ee: {  	[tilespmem:s31+$0x470] =	vst.add.f32.msk $0xffff, v4  }
0x3ef: {  	v4 =	vld [tilespmem:s21+$0x800]  }
0x3f0: {  	s4 =	sadd.s32 $0x1, s4  }
0x3f1: {  	v6 =	vld [tilespmem:s4+$0x0];
	s6 =	sor.u32 $0x50, s16  }
0x3f2: {  	[tilespmem:s6+$0x0] =	vst.add.f32.msk $0xffff, v5  }
0x3f3: {  	v5 =	vld [tilespmem:s15+$0x60]  }
0x3f4: {  	[tilespmem:s31+$0x800] =	vst.add.f32.msk $0xffff, v4  }
0x3f5: {  	v4 =	vld [tilespmem:s21+$0x810]  }
0x3f6: {  	(v2sf) =	vpush v6, $0x0  }
0x3f7: {  	s7 =	sor.u32 $0x60, s16  }
0x3f8: {  	[tilespmem:s7+$0x0] =	vst.add.f32.msk $0xffff, v5  }
0x3f9: {  	v5 =	vld [tilespmem:s15+$0x70]  }
0x3fa: {  	[tilespmem:s31+$0x810] =	vst.add.f32.msk $0xffff, v4  }
0x3fb: {  	v4 =	vld [tilespmem:s21+$0x820];
	_ =	sdelay $0x1  }
0x3fc: {  	s9 =	sor.u32 $0x70, s16  }
0x3fd: {  	[tilespmem:s9+$0x0] =	vst.add.f32.msk $0xffff, v5  }
0x3fe: {  	v5 =	vld [tilespmem:s15+$0x400]  }
0x3ff: {  	[tilespmem:s31+$0x820] =	vst.add.f32.msk $0xffff, v4  }
0x400: {  	v4 =	vld [tilespmem:s21+$0x830];
	_ =	sdelay $0x2  }
0x401: {  	[tilespmem:s16+$0x400] =	vst.add.f32.msk $0xffff, v5  }
0x402: {  	s17 =	spop (v2sf);
	v5 =	vld [tilespmem:s15+$0x410]  }
0x403: {  	s5 =	sshll.u32 s17, $0x7;
	s22 =	sshll.u32 s17, $0x9;
	[tilespmem:s31+$0x830] =	vst.add.f32.msk $0xffff, v4  }
0x404: {  	s5 =	sand.u32 $0x380, s5;
	s6 =	sand.u32 $0xFFFFF000, s22;
	v4 =	vld [tilespmem:s21+$0x840]  }
0x405: {  	s5 =	sor.u32 s5, s6  }
0x406: {  	v7 =	vld [tilespmem:s5+$0x0]  }
0x407: {  	[tilespmem:s16+$0x410] =	vst.add.f32.msk $0xffff, v5  }
0x408: {  	s6 =	simm.s32 $0x400;
	s7 =	simm.s32 $0x100;
	v5 =	vld [tilespmem:s15+$0x420]  }
0x409: {  	s17 =	sand.u32 $0x380, s7;
	s9 =	sadd.s32 $0x1, s4;
	s4 =	sand.u32 $0x3000, s6;
	[tilespmem:s31+$0x840] =	vst.add.f32.msk $0xffff, v4  }
0x40a: {  	s4 =	sor.u32 s17, s4;
	v6 =	vld [tilespmem:s21+$0x850]  }
0x40b: {  	[tilespmem:s4+$0x10880] =	vst.add.f32.msk $0xffff, v7  }
0x40c: {  	v7 =	vld [tilespmem:s5+$0x10]  }
0x40d: {  	[tilespmem:s16+$0x420] =	vst.add.f32.msk $0xffff, v5  }
0x40e: {  	v5 =	vld [tilespmem:s15+$0x430]  }
0x40f: {  	s6 =	sadd.s32 $0x10880, s4;
	[tilespmem:s31+$0x850] =	vst.add.f32.msk $0xffff, v6  }
0x410: {  	s4 =	sor.u32 $0x10, s6;
	v6 =	vld [tilespmem:s21+$0x860]  }
0x411: {  	[tilespmem:s4+$0x0] =	vst.add.f32.msk $0xffff, v7  }
0x412: {  	v7 =	vld [tilespmem:s5+$0x20]  }
0x413: {  	[tilespmem:s16+$0x430] =	vst.add.f32.msk $0xffff, v5  }
0x414: {  	v5 =	vld [tilespmem:s15+$0x440]  }
0x415: {  	[tilespmem:s31+$0x860] =	vst.add.f32.msk $0xffff, v6  }
0x416: {  	s22 =	sor.u32 $0x20, s6;
	v6 =	vld [tilespmem:s21+$0x870]  }
0x417: {  	[tilespmem:s22+$0x0] =	vst.add.f32.msk $0xffff, v7  }
0x418: {  	v7 =	vld [tilespmem:s5+$0x30]  }
0x419: {  	[tilespmem:s16+$0x440] =	vst.add.f32.msk $0xffff, v5  }
0x41a: {  	v5 =	vld [tilespmem:s15+$0x450]  }
0x41b: {  	[tilespmem:s31+$0x870] =	vst.add.f32.msk $0xffff, v6  }
0x41c: {  	s17 =	sor.u32 $0x30, s6;
	v6 =	vld [tilespmem:s21+$0xC00]  }
0x41d: {  	[tilespmem:s17+$0x0] =	vst.add.f32.msk $0xffff, v7  }
0x41e: {  	v7 =	vld [tilespmem:s5+$0x40]  }
0x41f: {  	[tilespmem:s16+$0x450] =	vst.add.f32.msk $0xffff, v5  }
0x420: {  	v5 =	vld [tilespmem:s15+$0x460]  }
0x421: {  	[tilespmem:s31+$0xC00] =	vst.add.f32.msk $0xffff, v6  }
0x422: {  	s22 =	sor.u32 $0x40, s6;
	v6 =	vld [tilespmem:s21+$0xC10]  }
0x423: {  	[tilespmem:s22+$0x0] =	vst.add.f32.msk $0xffff, v7  }
0x424: {  	v7 =	vld [tilespmem:s5+$0x50]  }
0x425: {  	[tilespmem:s16+$0x460] =	vst.add.f32.msk $0xffff, v5  }
0x426: {  	v5 =	vld [tilespmem:s15+$0x470]  }
0x427: {  	[tilespmem:s31+$0xC10] =	vst.add.f32.msk $0xffff, v6  }
0x428: {  	v6 =	vld [tilespmem:s21+$0xC20]  }
0x429: {  	s17 =	sor.u32 $0x50, s6  }
0x42a: {  	[tilespmem:s17+$0x0] =	vst.add.f32.msk $0xffff, v7  }
0x42b: {  	[tilespmem:s16+$0x470] =	vst.add.f32.msk $0xffff, v5  }
0x42c: {  	v5 =	vld [tilespmem:s15+$0x800]  }
0x42d: {  	[tilespmem:s31+$0xC20] =	vst.add.f32.msk $0xffff, v6  }
0x42e: {  	v6 =	vld [tilespmem:s21+$0xC30]  }
0x42f: {  	v7 =	vld [tilespmem:s5+$0x60]  }
0x430: {  	v4 =	vld [tilespmem:s9+$0x0]  }
0x431: {  	[tilespmem:s16+$0x800] =	vst.add.f32.msk $0xffff, v5  }
0x432: {  	v8 =	vld [tilespmem:s15+$0x810]  }
0x433: {  	[tilespmem:s31+$0xC30] =	vst.add.f32.msk $0xffff, v6  }
0x434: {  	s22 =	sor.u32 $0x60, s6;
	v5 =	vld [tilespmem:s21+$0xC40]  }
0x435: {  	[tilespmem:s22+$0x0] =	vst.add.f32.msk $0xffff, v7  }
0x436: {  	v6 =	vld [tilespmem:s5+$0x70]  }
0x437: {  	s29 =	simm.s32 $0x600;
	s17 =	simm.s32 $0x800;
	[tilespmem:s16+$0x810] =	vst.add.f32.msk $0xffff, v8  }
.LBB2_9:
0x438: {  	p1 =	sne.s32 s17, $0x3E00;
	v7 =	vld [tilespmem:s15+$0x820]  }
0x439: {  	[tilespmem:s31+$0xC40] =	vst.add.f32.msk $0xffff, v5  }
0x43a: {  	s4 =	sor.u32 $0x70, s6;
	(v2sf) =	vpush v4, $0x0;
	v4 =	vld [tilespmem:s21+$0xC50]  }
0x43b: {  	[tilespmem:s4+$0x0] =	vst.add.f32.msk $0xffff, v6  }
0x43c: {  	v5 =	vld [tilespmem:s5+$0x400]  }
0x43d: {  	[tilespmem:s16+$0x820] =	vst.add.f32.msk $0xffff, v7  }
0x43e: {  	v6 =	vld [tilespmem:s15+$0x830]  }
0x43f: {  	[tilespmem:s31+$0xC50] =	vst.add.f32.msk $0xffff, v4  }
0x440: {  	v4 =	vld [tilespmem:s21+$0xC60]  }
0x441: {  	[tilespmem:s6+$0x400] =	vst.add.f32.msk $0xffff, v5  }
0x442: {  	v5 =	vld [tilespmem:s5+$0x410]  }
0x443: {  	[tilespmem:s16+$0x830] =	vst.add.f32.msk $0xffff, v6  }
0x444: {  	v6 =	vld [tilespmem:s15+$0x840]  }
0x445: {  	[tilespmem:s31+$0xC60] =	vst.add.f32.msk $0xffff, v4  }
0x446: {  	v4 =	vld [tilespmem:s21+$0xC70];
	s21 =	smov.u32 s15;
	s15 =	smov.u32 s5  }
0x447: {  	[tilespmem:s6+$0x410] =	vst.add.f32.msk $0xffff, v5  }
0x448: {  	v5 =	vld [tilespmem:s15+$0x420]  }
0x449: {  	s4 =	spop (v2sf);
	[tilespmem:s16+$0x840] =	vst.add.f32.msk $0xffff, v6  }
0x44a: {  	s5 =	sshll.u32 s4, $0x9;
	s4 =	sshll.u32 s4, $0x7;
	v6 =	vld [tilespmem:s21+$0x850]  }
0x44b: {  	s9 =	sadd.s32 $0x1, s9;
	s5 =	sand.u32 $0xFFFFF000, s5;
	s4 =	sand.u32 $0x380, s4;
	[tilespmem:s31+$0xC70] =	vst.add.f32.msk $0xffff, v4  }
0x44c: {  	s31 =	smov.u32 s16;
	s16 =	smov.u32 s6;
	v4 =	vld [tilespmem:s9+$0x0];
	s5 =	sor.u32 s4, s5  }
0x44d: {  	v7 =	vld [tilespmem:s5+$0x0]  }
0x44e: {  	[tilespmem:s16+$0x420] =	vst.add.f32.msk $0xffff, v5  }
0x44f: {  	s7 =	sadd.s32 $0x80, s7;
	v5 =	vld [tilespmem:s15+$0x430]  }
0x450: {  	s6 =	sand.u32 $0x380, s7;
	s4 =	sand.u32 $0x3000, s29;
	s29 =	smov.u32 s17;
	[tilespmem:s31+$0x850] =	vst.add.f32.msk $0xffff, v6  }
0x451: {  	s4 =	sor.u32 s6, s4;
	v6 =	vld [tilespmem:s21+$0x860]  }
0x452: {  	[tilespmem:s4+$0x10880] =	vst.add.f32.msk $0xffff, v7  }
0x453: {  	v7 =	vld [tilespmem:s5+$0x10]  }
0x454: {  	[tilespmem:s16+$0x430] =	vst.add.f32.msk $0xffff, v5  }
0x455: {  	v5 =	vld [tilespmem:s15+$0x440]  }
0x456: {  	s6 =	sadd.s32 $0x10880, s4;
	[tilespmem:s31+$0x860] =	vst.add.f32.msk $0xffff, v6  }
0x457: {  	s4 =	sor.u32 $0x10, s6;
	v6 =	vld [tilespmem:s21+$0x870]  }
0x458: {  	[tilespmem:s4+$0x0] =	vst.add.f32.msk $0xffff, v7  }
0x459: {  	v7 =	vld [tilespmem:s5+$0x20]  }
0x45a: {  	[tilespmem:s16+$0x440] =	vst.add.f32.msk $0xffff, v5  }
0x45b: {  	v5 =	vld [tilespmem:s15+$0x450]  }
0x45c: {  	[tilespmem:s31+$0x870] =	vst.add.f32.msk $0xffff, v6  }
0x45d: {  	s4 =	sor.u32 $0x20, s6;
	v6 =	vld [tilespmem:s21+$0xC00]  }
0x45e: {  	[tilespmem:s4+$0x0] =	vst.add.f32.msk $0xffff, v7  }
0x45f: {  	v7 =	vld [tilespmem:s5+$0x30]  }
0x460: {  	[tilespmem:s16+$0x450] =	vst.add.f32.msk $0xffff, v5  }
0x461: {  	v5 =	vld [tilespmem:s15+$0x460]  }
0x462: {  	[tilespmem:s31+$0xC00] =	vst.add.f32.msk $0xffff, v6  }
0x463: {  	s4 =	sor.u32 $0x30, s6;
	v6 =	vld [tilespmem:s21+$0xC10]  }
0x464: {  	[tilespmem:s4+$0x0] =	vst.add.f32.msk $0xffff, v7  }
0x465: {  	v7 =	vld [tilespmem:s5+$0x40]  }
0x466: {  	[tilespmem:s16+$0x460] =	vst.add.f32.msk $0xffff, v5  }
0x467: {  	v5 =	vld [tilespmem:s15+$0x470]  }
0x468: {  	[tilespmem:s31+$0xC10] =	vst.add.f32.msk $0xffff, v6  }
0x469: {  	s4 =	sor.u32 $0x40, s6;
	v6 =	vld [tilespmem:s21+$0xC20]  }
0x46a: {  	[tilespmem:s4+$0x0] =	vst.add.f32.msk $0xffff, v7  }
0x46b: {  	v7 =	vld [tilespmem:s5+$0x50]  }
0x46c: {  	[tilespmem:s16+$0x470] =	vst.add.f32.msk $0xffff, v5  }
0x46d: {  	v5 =	vld [tilespmem:s15+$0x800]  }
0x46e: {  	[tilespmem:s31+$0xC20] =	vst.add.f32.msk $0xffff, v6  }
0x46f: {  	s4 =	sor.u32 $0x50, s6;
	v6 =	vld [tilespmem:s21+$0xC30]  }
0x470: {  	[tilespmem:s4+$0x0] =	vst.add.f32.msk $0xffff, v7  }
0x471: {  	v7 =	vld [tilespmem:s5+$0x60]  }
0x472: {  	[tilespmem:s16+$0x800] =	vst.add.f32.msk $0xffff, v5  }
0x473: {  	v8 =	vld [tilespmem:s15+$0x810]  }
.Ltmp3:
0x474: {  	[tilespmem:s31+$0xC30] =	vst.add.f32.msk $0xffff, v6;
	(pc) =	sbr.rel @p1 .LBB2_9-.Ltmp3, $4  }
0x475: {  	s4 =	sor.u32 $0x60, s6;
	v5 =	vld [tilespmem:s21+$0xC40]  }
0x476: {  	[tilespmem:s4+$0x0] =	vst.add.f32.msk $0xffff, v7  }
0x477: {  	v6 =	vld [tilespmem:s5+$0x70]  }
0x478: {  	s17 =	sadd.s32 $0x200, s17;
	[tilespmem:s16+$0x810] =	vst.add.f32.msk $0xffff, v8  }
0x479: {  	(v2sf) =	vpush v4, $0x0;
	_ =	sdelay $0xe  }
0x47a: {  	s4 =	spop (v2sf)  }
0x47b: {  	s9 =	sshll.u32 s4, $0x9;
	s4 =	sshll.u32 s4, $0x7  }
0x47c: {  	s9 =	sand.u32 $0xFFFFF000, s9;
	s4 =	sand.u32 $0x380, s4  }
0x47d: {  	s9 =	sor.u32 s4, s9  }
0x47e: {  	v4 =	vld [tilespmem:s9+$0x0];
	_ =	sdelay $0x1  }
0x47f: {  	s7 =	sadd.s32 $0x80, s7  }
0x480: {  	s17 =	sand.u32 $0x3000, s29;
	s4 =	sand.u32 $0x380, s7  }
0x481: {  	s4 =	sor.u32 s4, s17  }
0x482: {  	[tilespmem:s4+$0x10880] =	vst.add.f32.msk $0xffff, v4  }
0x483: {  	v4 =	vld [tilespmem:s9+$0x10];
	_ =	sdelay $0x2  }
0x484: {  	s7 =	sadd.s32 $0x10880, s4  }
0x485: {  	s4 =	sor.u32 $0x10, s7  }
0x486: {  	[tilespmem:s4+$0x0] =	vst.add.f32.msk $0xffff, v4  }
0x487: {  	v4 =	vld [tilespmem:s9+$0x20];
	_ =	sdelay $0x3  }
0x488: {  	s22 =	sor.u32 $0x20, s7  }
0x489: {  	[tilespmem:s22+$0x0] =	vst.add.f32.msk $0xffff, v4  }
0x48a: {  	v4 =	vld [tilespmem:s9+$0x30];
	_ =	sdelay $0x3  }
0x48b: {  	s17 =	sor.u32 $0x30, s7  }
0x48c: {  	[tilespmem:s17+$0x0] =	vst.add.f32.msk $0xffff, v4  }
0x48d: {  	v4 =	vld [tilespmem:s9+$0x40];
	_ =	sdelay $0x3  }
0x48e: {  	s22 =	sor.u32 $0x40, s7  }
0x48f: {  	[tilespmem:s22+$0x0] =	vst.add.f32.msk $0xffff, v4  }
0x490: {  	v4 =	vld [tilespmem:s9+$0x50];
	_ =	sdelay $0x3  }
0x491: {  	s17 =	sor.u32 $0x50, s7  }
0x492: {  	[tilespmem:s17+$0x0] =	vst.add.f32.msk $0xffff, v4  }
0x493: {  	v4 =	vld [tilespmem:s9+$0x60];
	_ =	sdelay $0x3  }
0x494: {  	s22 =	sor.u32 $0x60, s7  }
0x495: {  	[tilespmem:s22+$0x0] =	vst.add.f32.msk $0xffff, v4  }
0x496: {  	v4 =	vld [tilespmem:s9+$0x70];
	_ =	sdelay $0x1  }
0x497: {  	s17 =	sor.u32 $0x70, s6  }
0x498: {  	[tilespmem:s17+$0x0] =	vst.add.f32.msk $0xffff, v6  }
0x499: {  	v6 =	vld [tilespmem:s5+$0x400];
	s22 =	sor.u32 $0x70, s7  }
0x49a: {  	[tilespmem:s22+$0x0] =	vst.add.f32.msk $0xffff, v4  }
0x49b: {  	v4 =	vld [tilespmem:s9+$0x400];
	_ =	sdelay $0x2  }
0x49c: {  	[tilespmem:s6+$0x400] =	vst.add.f32.msk $0xffff, v6  }
0x49d: {  	v6 =	vld [tilespmem:s5+$0x410]  }
0x49e: {  	[tilespmem:s7+$0x400] =	vst.add.f32.msk $0xffff, v4  }
0x49f: {  	v4 =	vld [tilespmem:s9+$0x410];
	_ =	sdelay $0x2  }
0x4a0: {  	[tilespmem:s6+$0x410] =	vst.add.f32.msk $0xffff, v6  }
0x4a1: {  	v6 =	vld [tilespmem:s5+$0x420]  }
0x4a2: {  	[tilespmem:s7+$0x410] =	vst.add.f32.msk $0xffff, v4  }
0x4a3: {  	v4 =	vld [tilespmem:s9+$0x420];
	_ =	sdelay $0x2  }
0x4a4: {  	[tilespmem:s6+$0x420] =	vst.add.f32.msk $0xffff, v6  }
0x4a5: {  	v6 =	vld [tilespmem:s5+$0x430]  }
0x4a6: {  	[tilespmem:s7+$0x420] =	vst.add.f32.msk $0xffff, v4  }
0x4a7: {  	v4 =	vld [tilespmem:s9+$0x430];
	_ =	sdelay $0x2  }
0x4a8: {  	[tilespmem:s6+$0x430] =	vst.add.f32.msk $0xffff, v6  }
0x4a9: {  	v6 =	vld [tilespmem:s5+$0x440]  }
0x4aa: {  	[tilespmem:s7+$0x430] =	vst.add.f32.msk $0xffff, v4  }
0x4ab: {  	v4 =	vld [tilespmem:s9+$0x440];
	_ =	sdelay $0x2  }
0x4ac: {  	[tilespmem:s6+$0x440] =	vst.add.f32.msk $0xffff, v6  }
0x4ad: {  	v6 =	vld [tilespmem:s5+$0x450]  }
0x4ae: {  	[tilespmem:s7+$0x440] =	vst.add.f32.msk $0xffff, v4  }
0x4af: {  	v4 =	vld [tilespmem:s9+$0x450];
	_ =	sdelay $0x2  }
0x4b0: {  	[tilespmem:s6+$0x450] =	vst.add.f32.msk $0xffff, v6  }
0x4b1: {  	v6 =	vld [tilespmem:s5+$0x460]  }
0x4b2: {  	[tilespmem:s7+$0x450] =	vst.add.f32.msk $0xffff, v4  }
0x4b3: {  	v4 =	vld [tilespmem:s9+$0x460];
	_ =	sdelay $0x1  }
0x4b4: {  	v7 =	vld [tilespmem:s15+$0x820]  }
0x4b5: {  	[tilespmem:s6+$0x460] =	vst.add.f32.msk $0xffff, v6  }
0x4b6: {  	v6 =	vld [tilespmem:s5+$0x470]  }
0x4b7: {  	[tilespmem:s7+$0x460] =	vst.add.f32.msk $0xffff, v4  }
0x4b8: {  	v4 =	vld [tilespmem:s9+$0x470]  }
0x4b9: {  	[tilespmem:s31+$0xC40] =	vst.add.f32.msk $0xffff, v5  }
0x4ba: {  	v5 =	vld [tilespmem:s21+$0xC50]  }
0x4bb: {  	[tilespmem:s6+$0x470] =	vst.add.f32.msk $0xffff, v6  }
0x4bc: {  	v6 =	vld [tilespmem:s5+$0x800]  }
0x4bd: {  	[tilespmem:s7+$0x470] =	vst.add.f32.msk $0xffff, v4  }
0x4be: {  	v4 =	vld [tilespmem:s9+$0x800]  }
0x4bf: {  	[tilespmem:s16+$0x820] =	vst.add.f32.msk $0xffff, v7  }
0x4c0: {  	v7 =	vld [tilespmem:s15+$0x830]  }
0x4c1: {  	[tilespmem:s6+$0x800] =	vst.add.f32.msk $0xffff, v6  }
0x4c2: {  	v6 =	vld [tilespmem:s5+$0x810]  }
0x4c3: {  	[tilespmem:s7+$0x800] =	vst.add.f32.msk $0xffff, v4  }
0x4c4: {  	v4 =	vld [tilespmem:s9+$0x810]  }
0x4c5: {  	[tilespmem:s31+$0xC50] =	vst.add.f32.msk $0xffff, v5  }
0x4c6: {  	v5 =	vld [tilespmem:s21+$0xC60]  }
0x4c7: {  	[tilespmem:s6+$0x810] =	vst.add.f32.msk $0xffff, v6  }
0x4c8: {  	v6 =	vld [tilespmem:s5+$0x820]  }
0x4c9: {  	[tilespmem:s7+$0x810] =	vst.add.f32.msk $0xffff, v4  }
0x4ca: {  	v4 =	vld [tilespmem:s9+$0x820]  }
0x4cb: {  	[tilespmem:s16+$0x830] =	vst.add.f32.msk $0xffff, v7  }
0x4cc: {  	v7 =	vld [tilespmem:s15+$0x840]  }
0x4cd: {  	[tilespmem:s6+$0x820] =	vst.add.f32.msk $0xffff, v6  }
0x4ce: {  	v6 =	vld [tilespmem:s5+$0x830]  }
0x4cf: {  	[tilespmem:s7+$0x820] =	vst.add.f32.msk $0xffff, v4  }
0x4d0: {  	v4 =	vld [tilespmem:s9+$0x830]  }
0x4d1: {  	[tilespmem:s31+$0xC60] =	vst.add.f32.msk $0xffff, v5  }
0x4d2: {  	v5 =	vld [tilespmem:s21+$0xC70]  }
0x4d3: {  	[tilespmem:s6+$0x830] =	vst.add.f32.msk $0xffff, v6  }
0x4d4: {  	v6 =	vld [tilespmem:s5+$0x840]  }
0x4d5: {  	[tilespmem:s7+$0x830] =	vst.add.f32.msk $0xffff, v4  }
0x4d6: {  	v4 =	vld [tilespmem:s9+$0x840]  }
0x4d7: {  	[tilespmem:s16+$0x840] =	vst.add.f32.msk $0xffff, v7  }
0x4d8: {  	v7 =	vld [tilespmem:s15+$0x850]  }
0x4d9: {  	[tilespmem:s6+$0x840] =	vst.add.f32.msk $0xffff, v6  }
0x4da: {  	v6 =	vld [tilespmem:s5+$0x850]  }
0x4db: {  	[tilespmem:s7+$0x840] =	vst.add.f32.msk $0xffff, v4  }
0x4dc: {  	v4 =	vld [tilespmem:s9+$0x850]  }
0x4dd: {  	[tilespmem:s16+$0x850] =	vst.add.f32.msk $0xffff, v7  }
0x4de: {  	v7 =	vld [tilespmem:s15+$0x860]  }
0x4df: {  	[tilespmem:s6+$0x850] =	vst.add.f32.msk $0xffff, v6  }
0x4e0: {  	v6 =	vld [tilespmem:s5+$0x860]  }
0x4e1: {  	[tilespmem:s7+$0x850] =	vst.add.f32.msk $0xffff, v4  }
0x4e2: {  	v4 =	vld [tilespmem:s9+$0x860]  }
0x4e3: {  	[tilespmem:s16+$0x860] =	vst.add.f32.msk $0xffff, v7  }
0x4e4: {  	v7 =	vld [tilespmem:s15+$0x870]  }
0x4e5: {  	[tilespmem:s6+$0x860] =	vst.add.f32.msk $0xffff, v6  }
0x4e6: {  	v6 =	vld [tilespmem:s5+$0x870]  }
0x4e7: {  	[tilespmem:s7+$0x860] =	vst.add.f32.msk $0xffff, v4  }
0x4e8: {  	v4 =	vld [tilespmem:s9+$0x870]  }
0x4e9: {  	[tilespmem:s16+$0x870] =	vst.add.f32.msk $0xffff, v7  }
0x4ea: {  	v7 =	vld [tilespmem:s15+$0xC00]  }
0x4eb: {  	[tilespmem:s6+$0x870] =	vst.add.f32.msk $0xffff, v6  }
0x4ec: {  	v6 =	vld [tilespmem:s5+$0xC00]  }
0x4ed: {  	[tilespmem:s7+$0x870] =	vst.add.f32.msk $0xffff, v4  }
0x4ee: {  	v4 =	vld [tilespmem:s9+$0xC00]  }
0x4ef: {  	[tilespmem:s16+$0xC00] =	vst.add.f32.msk $0xffff, v7  }
0x4f0: {  	v7 =	vld [tilespmem:s15+$0xC10]  }
0x4f1: {  	[tilespmem:s6+$0xC00] =	vst.add.f32.msk $0xffff, v6  }
0x4f2: {  	v6 =	vld [tilespmem:s5+$0xC10]  }
0x4f3: {  	[tilespmem:s7+$0xC00] =	vst.add.f32.msk $0xffff, v4  }
0x4f4: {  	v4 =	vld [tilespmem:s9+$0xC10]  }
0x4f5: {  	[tilespmem:s16+$0xC10] =	vst.add.f32.msk $0xffff, v7  }
0x4f6: {  	v7 =	vld [tilespmem:s15+$0xC20]  }
0x4f7: {  	[tilespmem:s6+$0xC10] =	vst.add.f32.msk $0xffff, v6  }
0x4f8: {  	v6 =	vld [tilespmem:s5+$0xC20]  }
0x4f9: {  	[tilespmem:s7+$0xC10] =	vst.add.f32.msk $0xffff, v4  }
0x4fa: {  	v4 =	vld [tilespmem:s9+$0xC20]  }
0x4fb: {  	[tilespmem:s16+$0xC20] =	vst.add.f32.msk $0xffff, v7  }
0x4fc: {  	v7 =	vld [tilespmem:s15+$0xC30]  }
0x4fd: {  	[tilespmem:s6+$0xC20] =	vst.add.f32.msk $0xffff, v6  }
0x4fe: {  	v6 =	vld [tilespmem:s5+$0xC30]  }
0x4ff: {  	[tilespmem:s7+$0xC20] =	vst.add.f32.msk $0xffff, v4  }
0x500: {  	v4 =	vld [tilespmem:s9+$0xC30]  }
0x501: {  	[tilespmem:s16+$0xC30] =	vst.add.f32.msk $0xffff, v7  }
0x502: {  	v7 =	vld [tilespmem:s15+$0xC40]  }
0x503: {  	[tilespmem:s6+$0xC30] =	vst.add.f32.msk $0xffff, v6  }
0x504: {  	v6 =	vld [tilespmem:s5+$0xC40]  }
0x505: {  	[tilespmem:s7+$0xC30] =	vst.add.f32.msk $0xffff, v4  }
0x506: {  	v4 =	vld [tilespmem:s9+$0xC40]  }
0x507: {  	[tilespmem:s16+$0xC40] =	vst.add.f32.msk $0xffff, v7  }
0x508: {  	v7 =	vld [tilespmem:s15+$0xC50]  }
0x509: {  	[tilespmem:s6+$0xC40] =	vst.add.f32.msk $0xffff, v6  }
0x50a: {  	v6 =	vld [tilespmem:s5+$0xC50]  }
0x50b: {  	[tilespmem:s7+$0xC40] =	vst.add.f32.msk $0xffff, v4  }
0x50c: {  	v4 =	vld [tilespmem:s9+$0xC50]  }
0x50d: {  	[tilespmem:s16+$0xC50] =	vst.add.f32.msk $0xffff, v7  }
0x50e: {  	v7 =	vld [tilespmem:s15+$0xC60]  }
0x50f: {  	[tilespmem:s6+$0xC50] =	vst.add.f32.msk $0xffff, v6  }
0x510: {  	v6 =	vld [tilespmem:s5+$0xC60]  }
0x511: {  	[tilespmem:s7+$0xC50] =	vst.add.f32.msk $0xffff, v4  }
0x512: {  	v4 =	vld [tilespmem:s9+$0xC60]  }
0x513: {  	[tilespmem:s16+$0xC60] =	vst.add.f32.msk $0xffff, v7  }
0x514: {  	v7 =	vld [tilespmem:s15+$0xC70]  }
0x515: {  	[tilespmem:s6+$0xC60] =	vst.add.f32.msk $0xffff, v6  }
0x516: {  	v6 =	vld [tilespmem:s5+$0xC70]  }
0x517: {  	[tilespmem:s7+$0xC60] =	vst.add.f32.msk $0xffff, v4  }
0x518: {  	v4 =	vld [tilespmem:s9+$0xC70];
	_ =	sdelay $0x1  }
0x519: {  	[tilespmem:s31+$0xC70] =	vst.add.f32.msk $0xffff, v5;
	s5 =	sshll.u32 s28, $0xF  }
0x51a: {  	[tilespmem:s16+$0xC70] =	vst.add.f32.msk $0xffff, v7;
	s4 =	sadd.s32 s10, s5  }
0x51b: {  	s4 =	sshrl.u32 s4, $0x3;
	[tilespmem:s6+$0xC70] =	vst.add.f32.msk $0xffff, v6  }
0x51c: {  	s22 =	simm.s32 $0x10880;
	s4 =	sadd.s32 s1, s4;
	[tilespmem:s7+$0xC70] =	vst.add.f32.msk $0xffff, v4  }
0x51d: {  	[hbm4b:s4+s12] =	stream.strided.scatter [tilespmem:s22], [sflag:$0x7], $0x4000, s13, s12, $0x38;
	[tilespmem:$0x18880] =	vst v63  }
0x51e: {  	s4 =	simm.s32 @!p0 $0x6  }
0x51f: {  	_ =	swait.ge @!p0 [sflag:s4], $0x4000  }
0x520: {  	[sflag:s4] =	ssyncset.done @!p0 $0x0  }
0x521: {  	[sflag:s4] =	ssyncadd.s32 @!p0 $0xFFFFC000  }
0x522: {  	v4 =	vld @!p0 [tilespmem:s30+$0x8520];
	_ =	sdelay $0x4  }
0x523: {  	v5 =	vshll.u32 @!p0 v4, $0x2  }
0x524: {  	v6 =	vlaneseq.u32 @!p0;
	v4 =	vand.u32 @!p0 $0x7, v4;
	v5 =	vand.u32 @!p0 $0xFFFFFFE0, v5  }
0x525: {  	v7 =	vshrl.u32 @!p0 v6, $0x3;
	v4 =	vor.u32 @!p0 v4, v5;
	v5 =	vand.u32 @!p0 $0x7, v6  }
0x526: {  	v7 =	vmul.u32 @!p0 $0x8, v7;
	v8 =	vperm.xlane @!p0 v4, v5;
	_ =	sdelay $0x1  }
0x527: {  	v8 =	vadd.s32 @!p0 v7, v8  }
0x528: {  	v6 =	vor.u32 @!p0 $0x8, v6  }
0x529: {  	v4 =	vperm.xlane @!p0 v4, v6;
	_ =	sdelay $0x1  }
0x52a: {  	s5 =	simm.s32 @!p0 $0xC880;
	s4 =	simm.s32 @!p0 $0x0;
	v4 =	vadd.s32 @!p0 v7, v4  }
0x52b: {  	[tilespmem:s5], [sflag:$0x2] =	stream.indirect_vreg.gather @!p0 [hbm4b:s2+s4], $0x80, v8, vm1, $0xb8;
	[tilespmem:$0x18880] =	vst v63  }
0x52c: {  	s5 =	simm.s32 @!p0 $0xD080  }
0x52d: {  	[tilespmem:s5], [sflag:$0x2] =	stream.indirect_vreg.gather @!p0 [hbm4b:s20+s4], $0x80, v8, vm1, $0xb8;
	[tilespmem:$0x18880] =	vst v63  }
0x52e: {  	s5 =	simm.s32 @!p0 $0xD880  }
0x52f: {  	[tilespmem:s5], [sflag:$0x2] =	stream.indirect_vreg.gather @!p0 [hbm4b:s2+s4], $0x80, v4, vm1, $0xb8;
	[tilespmem:$0x18880] =	vst v63  }
0x530: {  	s5 =	simm.s32 @!p0 $0xE080  }
0x531: {  	[tilespmem:s5], [sflag:$0x2] =	stream.indirect_vreg.gather @!p0 [hbm4b:s20+s4], $0x80, v4, vm1, $0xb8;
	[tilespmem:$0x18880] =	vst v63  }
0x532: {  	v4 =	vld @!p0 [tilespmem:s30+$0x8530];
	_ =	sdelay $0x4  }
0x533: {  	v8 =	vshll.u32 @!p0 v4, $0x2  }
0x534: {  	v4 =	vand.u32 @!p0 $0x7, v4;
	v8 =	vand.u32 @!p0 $0xFFFFFFE0, v8  }
0x535: {  	v4 =	vor.u32 @!p0 v4, v8  }
0x536: {  	v5 =	vperm.xlane @!p0 v4, v5;
	_ =	sdelay $0x1  }
0x537: {  	v5 =	vadd.s32 @!p0 v7, v5;
	_ =	sdelay $0x1  }
0x538: {  	v4 =	vperm.xlane @!p0 v4, v6;
	_ =	sdelay $0x1  }
0x539: {  	s5 =	simm.s32 @!p0 $0xE880;
	v4 =	vadd.s32 @!p0 v7, v4  }
0x53a: {  	[tilespmem:s5], [sflag:$0x2] =	stream.indirect_vreg.gather @!p0 [hbm4b:s2+s4], $0x80, v5, vm1, $0xb8;
	[tilespmem:$0x18880] =	vst v63  }
0x53b: {  	s5 =	simm.s32 @!p0 $0xF080  }
0x53c: {  	[tilespmem:s5], [sflag:$0x2] =	stream.indirect_vreg.gather @!p0 [hbm4b:s20+s4], $0x80, v5, vm1, $0xb8;
	[tilespmem:$0x18880] =	vst v63  }
0x53d: {  	s5 =	simm.s32 @!p0 $0xF880  }
0x53e: {  	[tilespmem:s5], [sflag:$0x2] =	stream.indirect_vreg.gather @!p0 [hbm4b:s2+s4], $0x80, v4, vm1, $0xb8;
	[tilespmem:$0x18880] =	vst v63  }
0x53f: {  	s5 =	simm.s32 @!p0 $0x10080  }
0x540: {  	[tilespmem:s5], [sflag:$0x2] =	stream.indirect_vreg.gather @!p0 [hbm4b:s20+s4], $0x80, v4, vm1, $0xb8;
	[tilespmem:$0x18880] =	vst v63  }
0x541: {  	_ =	swait.ge [sflag:s19], $0x4000  }
0x542: {  	[sflag:s19] =	ssyncset.done $0x0  }
0x543: {  	[sflag:s19] =	ssyncadd.s32 $0xFFFFC000  }
0x544: {  	v4 =	vld [tilespmem:s24+$0x0];
	_ =	sdelay $0x4  }
0x545: {  	(v2sf) =	vpush v4, $0x0;
	_ =	sdelay $0xe  }
0x546: {  	s7 =	spop (v2sf)  }
0x547: {  	s9 =	sshll.u32 s7, $0x9;
	s4 =	sshll.u32 s7, $0x7  }
0x548: {  	s5 =	sand.u32 $0xFFFFF000, s9;
	s4 =	sand.u32 $0x380, s4  }
0x549: {  	s21 =	sor.u32 s4, s5  }
0x54a: {  	v4 =	vld [tilespmem:s21+$0x0];
	_ =	sdelay $0x1  }
0x54b: {  	s15 =	simm.s32 $0x0  }
0x54c: {  	s16 =	sand.u32 $0x3000, s15;
	s4 =	sand.u32 $0x380, s15  }
0x54d: {  	s4 =	sor.u32 s4, s16  }
0x54e: {  	[tilespmem:s4+$0x14880] =	vst.add.f32.msk $0xffff, v4  }
0x54f: {  	v4 =	vld [tilespmem:s21+$0x10];
	_ =	sdelay $0x2  }
0x550: {  	s28 =	sadd.s32 $0x14880, s4  }
0x551: {  	s4 =	sor.u32 $0x10, s28  }
0x552: {  	[tilespmem:s4+$0x0] =	vst.add.f32.msk $0xffff, v4  }
0x553: {  	v4 =	vld [tilespmem:s21+$0x20];
	_ =	sdelay $0x3  }
0x554: {  	s17 =	sor.u32 $0x20, s28  }
0x555: {  	[tilespmem:s17+$0x0] =	vst.add.f32.msk $0xffff, v4  }
0x556: {  	v4 =	vld [tilespmem:s21+$0x30];
	_ =	sdelay $0x3  }
0x557: {  	s30 =	sor.u32 $0x30, s28  }
0x558: {  	[tilespmem:s30+$0x0] =	vst.add.f32.msk $0xffff, v4  }
0x559: {  	v4 =	vld [tilespmem:s21+$0x40];
	_ =	sdelay $0x3  }
0x55a: {  	s31 =	sor.u32 $0x40, s28  }
0x55b: {  	[tilespmem:s31+$0x0] =	vst.add.f32.msk $0xffff, v4  }
0x55c: {  	v4 =	vld [tilespmem:s21+$0x50];
	_ =	sdelay $0x3  }
0x55d: {  	s5 =	sor.u32 $0x50, s28  }
0x55e: {  	[tilespmem:s5+$0x0] =	vst.add.f32.msk $0xffff, v4  }
0x55f: {  	v4 =	vld [tilespmem:s21+$0x60];
	_ =	sdelay $0x2  }
0x560: {  	s4 =	sadd.s32 $0x1, s24  }
0x561: {  	s6 =	sor.u32 $0x60, s28;
	v5 =	vld [tilespmem:s4+$0x0]  }
0x562: {  	[tilespmem:s6+$0x0] =	vst.add.f32.msk $0xffff, v4  }
0x563: {  	v4 =	vld [tilespmem:s21+$0x70];
	_ =	sdelay $0x2  }
0x564: {  	(v2sf) =	vpush v5, $0x0  }
0x565: {  	s7 =	sor.u32 $0x70, s28  }
0x566: {  	[tilespmem:s7+$0x0] =	vst.add.f32.msk $0xffff, v4  }
0x567: {  	v4 =	vld [tilespmem:s21+$0x400];
	_ =	sdelay $0x4  }
0x568: {  	[tilespmem:s28+$0x400] =	vst.add.f32.msk $0xffff, v4  }
0x569: {  	v4 =	vld [tilespmem:s21+$0x410];
	_ =	sdelay $0x4  }
0x56a: {  	[tilespmem:s28+$0x410] =	vst.add.f32.msk $0xffff, v4  }
0x56b: {  	s9 =	spop (v2sf);
	v4 =	vld [tilespmem:s21+$0x420]  }
0x56c: {  	s15 =	sshll.u32 s9, $0x9;
	s5 =	sshll.u32 s9, $0x7  }
0x56d: {  	s5 =	sand.u32 $0x380, s5;
	s6 =	sand.u32 $0xFFFFF000, s15  }
0x56e: {  	s15 =	sor.u32 s5, s6  }
0x56f: {  	v5 =	vld [tilespmem:s15+$0x0]  }
0x570: {  	[tilespmem:s28+$0x420] =	vst.add.f32.msk $0xffff, v4  }
0x571: {  	s16 =	simm.s32 $0x200;
	s17 =	simm.s32 $0x80;
	v4 =	vld [tilespmem:s21+$0x430]  }
0x572: {  	s5 =	sand.u32 $0x3000, s16;
	s6 =	sand.u32 $0x380, s17  }
0x573: {  	s5 =	sor.u32 s6, s5  }
0x574: {  	[tilespmem:s5+$0x14880] =	vst.add.f32.msk $0xffff, v5  }
0x575: {  	v5 =	vld [tilespmem:s15+$0x10]  }
0x576: {  	[tilespmem:s28+$0x430] =	vst.add.f32.msk $0xffff, v4  }
0x577: {  	v4 =	vld [tilespmem:s21+$0x440]  }
0x578: {  	s16 =	sadd.s32 $0x14880, s5  }
0x579: {  	s5 =	sor.u32 $0x10, s16  }
0x57a: {  	[tilespmem:s5+$0x0] =	vst.add.f32.msk $0xffff, v5  }
0x57b: {  	v5 =	vld [tilespmem:s15+$0x20]  }
0x57c: {  	[tilespmem:s28+$0x440] =	vst.add.f32.msk $0xffff, v4  }
0x57d: {  	v4 =	vld [tilespmem:s21+$0x450];
	_ =	sdelay $0x1  }
0x57e: {  	s30 =	sor.u32 $0x20, s16  }
0x57f: {  	[tilespmem:s30+$0x0] =	vst.add.f32.msk $0xffff, v5  }
0x580: {  	v5 =	vld [tilespmem:s15+$0x30]  }
0x581: {  	[tilespmem:s28+$0x450] =	vst.add.f32.msk $0xffff, v4  }
0x582: {  	v4 =	vld [tilespmem:s21+$0x460];
	_ =	sdelay $0x1  }
0x583: {  	s31 =	sor.u32 $0x30, s16  }
0x584: {  	[tilespmem:s31+$0x0] =	vst.add.f32.msk $0xffff, v5  }
0x585: {  	v5 =	vld [tilespmem:s15+$0x40]  }
0x586: {  	[tilespmem:s28+$0x460] =	vst.add.f32.msk $0xffff, v4  }
0x587: {  	v4 =	vld [tilespmem:s21+$0x470];
	_ =	sdelay $0x1  }
0x588: {  	s6 =	sor.u32 $0x40, s16  }
0x589: {  	[tilespmem:s6+$0x0] =	vst.add.f32.msk $0xffff, v5  }
0x58a: {  	v5 =	vld [tilespmem:s15+$0x50]  }
0x58b: {  	[tilespmem:s28+$0x470] =	vst.add.f32.msk $0xffff, v4  }
0x58c: {  	v4 =	vld [tilespmem:s21+$0x800]  }
0x58d: {  	s4 =	sadd.s32 $0x1, s4  }
0x58e: {  	v6 =	vld [tilespmem:s4+$0x0];
	s7 =	sor.u32 $0x50, s16  }
0x58f: {  	[tilespmem:s7+$0x0] =	vst.add.f32.msk $0xffff, v5  }
0x590: {  	v5 =	vld [tilespmem:s15+$0x60]  }
0x591: {  	[tilespmem:s28+$0x800] =	vst.add.f32.msk $0xffff, v4  }
0x592: {  	v4 =	vld [tilespmem:s21+$0x810]  }
0x593: {  	(v2sf) =	vpush v6, $0x0  }
0x594: {  	s9 =	sor.u32 $0x60, s16  }
0x595: {  	[tilespmem:s9+$0x0] =	vst.add.f32.msk $0xffff, v5  }
0x596: {  	v5 =	vld [tilespmem:s15+$0x70]  }
0x597: {  	[tilespmem:s28+$0x810] =	vst.add.f32.msk $0xffff, v4  }
0x598: {  	v4 =	vld [tilespmem:s21+$0x820];
	_ =	sdelay $0x1  }
0x599: {  	s17 =	sor.u32 $0x70, s16  }
0x59a: {  	[tilespmem:s17+$0x0] =	vst.add.f32.msk $0xffff, v5  }
0x59b: {  	v5 =	vld [tilespmem:s15+$0x400]  }
0x59c: {  	[tilespmem:s28+$0x820] =	vst.add.f32.msk $0xffff, v4  }
0x59d: {  	v4 =	vld [tilespmem:s21+$0x830];
	_ =	sdelay $0x2  }
0x59e: {  	[tilespmem:s16+$0x400] =	vst.add.f32.msk $0xffff, v5  }
0x59f: {  	s30 =	spop (v2sf);
	v5 =	vld [tilespmem:s15+$0x410]  }
0x5a0: {  	s5 =	sshll.u32 s30, $0x7;
	s31 =	sshll.u32 s30, $0x9;
	[tilespmem:s28+$0x830] =	vst.add.f32.msk $0xffff, v4  }
0x5a1: {  	s5 =	sand.u32 $0x380, s5;
	s6 =	sand.u32 $0xFFFFF000, s31;
	v4 =	vld [tilespmem:s21+$0x840]  }
0x5a2: {  	s5 =	sor.u32 s5, s6  }
0x5a3: {  	v7 =	vld [tilespmem:s5+$0x0]  }
0x5a4: {  	[tilespmem:s16+$0x410] =	vst.add.f32.msk $0xffff, v5  }
0x5a5: {  	s6 =	simm.s32 $0x400;
	s7 =	simm.s32 $0x100;
	v5 =	vld [tilespmem:s15+$0x420]  }
0x5a6: {  	s9 =	sadd.s32 $0x1, s4;
	s4 =	sand.u32 $0x3000, s6;
	s17 =	sand.u32 $0x380, s7;
	[tilespmem:s28+$0x840] =	vst.add.f32.msk $0xffff, v4  }
0x5a7: {  	s4 =	sor.u32 s17, s4;
	v6 =	vld [tilespmem:s21+$0x850]  }
0x5a8: {  	[tilespmem:s4+$0x14880] =	vst.add.f32.msk $0xffff, v7  }
0x5a9: {  	v7 =	vld [tilespmem:s5+$0x10]  }
0x5aa: {  	[tilespmem:s16+$0x420] =	vst.add.f32.msk $0xffff, v5  }
0x5ab: {  	v5 =	vld [tilespmem:s15+$0x430]  }
0x5ac: {  	s6 =	sadd.s32 $0x14880, s4;
	[tilespmem:s28+$0x850] =	vst.add.f32.msk $0xffff, v6  }
0x5ad: {  	s4 =	sor.u32 $0x10, s6;
	v6 =	vld [tilespmem:s21+$0x860]  }
0x5ae: {  	[tilespmem:s4+$0x0] =	vst.add.f32.msk $0xffff, v7  }
0x5af: {  	v7 =	vld [tilespmem:s5+$0x20]  }
0x5b0: {  	[tilespmem:s16+$0x430] =	vst.add.f32.msk $0xffff, v5  }
0x5b1: {  	v5 =	vld [tilespmem:s15+$0x440]  }
0x5b2: {  	[tilespmem:s28+$0x860] =	vst.add.f32.msk $0xffff, v6  }
0x5b3: {  	s30 =	sor.u32 $0x20, s6;
	v6 =	vld [tilespmem:s21+$0x870]  }
0x5b4: {  	[tilespmem:s30+$0x0] =	vst.add.f32.msk $0xffff, v7  }
0x5b5: {  	v7 =	vld [tilespmem:s5+$0x30]  }
0x5b6: {  	[tilespmem:s16+$0x440] =	vst.add.f32.msk $0xffff, v5  }
0x5b7: {  	v5 =	vld [tilespmem:s15+$0x450]  }
0x5b8: {  	[tilespmem:s28+$0x870] =	vst.add.f32.msk $0xffff, v6  }
0x5b9: {  	s31 =	sor.u32 $0x30, s6;
	v6 =	vld [tilespmem:s21+$0xC00]  }
0x5ba: {  	[tilespmem:s31+$0x0] =	vst.add.f32.msk $0xffff, v7  }
0x5bb: {  	v7 =	vld [tilespmem:s5+$0x40]  }
0x5bc: {  	[tilespmem:s16+$0x450] =	vst.add.f32.msk $0xffff, v5  }
0x5bd: {  	v5 =	vld [tilespmem:s15+$0x460]  }
0x5be: {  	[tilespmem:s28+$0xC00] =	vst.add.f32.msk $0xffff, v6  }
0x5bf: {  	s17 =	sor.u32 $0x40, s6;
	v6 =	vld [tilespmem:s21+$0xC10]  }
0x5c0: {  	[tilespmem:s17+$0x0] =	vst.add.f32.msk $0xffff, v7  }
0x5c1: {  	v7 =	vld [tilespmem:s5+$0x50]  }
0x5c2: {  	[tilespmem:s16+$0x460] =	vst.add.f32.msk $0xffff, v5  }
0x5c3: {  	v5 =	vld [tilespmem:s15+$0x470]  }
0x5c4: {  	[tilespmem:s28+$0xC10] =	vst.add.f32.msk $0xffff, v6  }
0x5c5: {  	v6 =	vld [tilespmem:s21+$0xC20]  }
0x5c6: {  	s30 =	sor.u32 $0x50, s6  }
0x5c7: {  	[tilespmem:s30+$0x0] =	vst.add.f32.msk $0xffff, v7  }
0x5c8: {  	[tilespmem:s16+$0x470] =	vst.add.f32.msk $0xffff, v5  }
0x5c9: {  	v5 =	vld [tilespmem:s15+$0x800]  }
0x5ca: {  	[tilespmem:s28+$0xC20] =	vst.add.f32.msk $0xffff, v6  }
0x5cb: {  	v6 =	vld [tilespmem:s21+$0xC30]  }
0x5cc: {  	v7 =	vld [tilespmem:s5+$0x60]  }
0x5cd: {  	v4 =	vld [tilespmem:s9+$0x0]  }
0x5ce: {  	[tilespmem:s16+$0x800] =	vst.add.f32.msk $0xffff, v5  }
0x5cf: {  	v8 =	vld [tilespmem:s15+$0x810]  }
0x5d0: {  	[tilespmem:s28+$0xC30] =	vst.add.f32.msk $0xffff, v6  }
0x5d1: {  	s31 =	sor.u32 $0x60, s6;
	v5 =	vld [tilespmem:s21+$0xC40]  }
0x5d2: {  	[tilespmem:s31+$0x0] =	vst.add.f32.msk $0xffff, v7  }
0x5d3: {  	v6 =	vld [tilespmem:s5+$0x70]  }
0x5d4: {  	s29 =	simm.s32 $0x600;
	s17 =	simm.s32 $0x800;
	[tilespmem:s16+$0x810] =	vst.add.f32.msk $0xffff, v8  }
.LBB2_11:
0x5d5: {  	p0 =	sne.s32 s17, $0x3E00;
	v7 =	vld [tilespmem:s15+$0x820]  }
0x5d6: {  	[tilespmem:s28+$0xC40] =	vst.add.f32.msk $0xffff, v5  }
0x5d7: {  	s4 =	sor.u32 $0x70, s6;
	(v2sf) =	vpush v4, $0x0;
	v4 =	vld [tilespmem:s21+$0xC50]  }
0x5d8: {  	[tilespmem:s4+$0x0] =	vst.add.f32.msk $0xffff, v6  }
0x5d9: {  	v5 =	vld [tilespmem:s5+$0x400]  }
0x5da: {  	[tilespmem:s16+$0x820] =	vst.add.f32.msk $0xffff, v7  }
0x5db: {  	v6 =	vld [tilespmem:s15+$0x830]  }
0x5dc: {  	[tilespmem:s28+$0xC50] =	vst.add.f32.msk $0xffff, v4  }
0x5dd: {  	v4 =	vld [tilespmem:s21+$0xC60]  }
0x5de: {  	[tilespmem:s6+$0x400] =	vst.add.f32.msk $0xffff, v5  }
0x5df: {  	v5 =	vld [tilespmem:s5+$0x410]  }
0x5e0: {  	[tilespmem:s16+$0x830] =	vst.add.f32.msk $0xffff, v6  }
0x5e1: {  	v6 =	vld [tilespmem:s15+$0x840]  }
0x5e2: {  	[tilespmem:s28+$0xC60] =	vst.add.f32.msk $0xffff, v4  }
0x5e3: {  	v4 =	vld [tilespmem:s21+$0xC70];
	s21 =	smov.u32 s15;
	s15 =	smov.u32 s5  }
0x5e4: {  	[tilespmem:s6+$0x410] =	vst.add.f32.msk $0xffff, v5  }
0x5e5: {  	v5 =	vld [tilespmem:s15+$0x420]  }
0x5e6: {  	s4 =	spop (v2sf);
	[tilespmem:s16+$0x840] =	vst.add.f32.msk $0xffff, v6  }
0x5e7: {  	s5 =	sshll.u32 s4, $0x9;
	s4 =	sshll.u32 s4, $0x7;
	v6 =	vld [tilespmem:s21+$0x850]  }
0x5e8: {  	s9 =	sadd.s32 $0x1, s9;
	s5 =	sand.u32 $0xFFFFF000, s5;
	s4 =	sand.u32 $0x380, s4;
	[tilespmem:s28+$0xC70] =	vst.add.f32.msk $0xffff, v4  }
0x5e9: {  	s28 =	smov.u32 s16;
	s16 =	smov.u32 s6;
	v4 =	vld [tilespmem:s9+$0x0];
	s5 =	sor.u32 s4, s5  }
0x5ea: {  	v7 =	vld [tilespmem:s5+$0x0]  }
0x5eb: {  	[tilespmem:s16+$0x420] =	vst.add.f32.msk $0xffff, v5  }
0x5ec: {  	s7 =	sadd.s32 $0x80, s7;
	v5 =	vld [tilespmem:s15+$0x430]  }
0x5ed: {  	s6 =	sand.u32 $0x380, s7;
	s4 =	sand.u32 $0x3000, s29;
	s29 =	smov.u32 s17;
	[tilespmem:s28+$0x850] =	vst.add.f32.msk $0xffff, v6  }
0x5ee: {  	s4 =	sor.u32 s6, s4;
	v6 =	vld [tilespmem:s21+$0x860]  }
0x5ef: {  	[tilespmem:s4+$0x14880] =	vst.add.f32.msk $0xffff, v7  }
0x5f0: {  	v7 =	vld [tilespmem:s5+$0x10]  }
0x5f1: {  	[tilespmem:s16+$0x430] =	vst.add.f32.msk $0xffff, v5  }
0x5f2: {  	v5 =	vld [tilespmem:s15+$0x440]  }
0x5f3: {  	s6 =	sadd.s32 $0x14880, s4;
	[tilespmem:s28+$0x860] =	vst.add.f32.msk $0xffff, v6  }
0x5f4: {  	s4 =	sor.u32 $0x10, s6;
	v6 =	vld [tilespmem:s21+$0x870]  }
0x5f5: {  	[tilespmem:s4+$0x0] =	vst.add.f32.msk $0xffff, v7  }
0x5f6: {  	v7 =	vld [tilespmem:s5+$0x20]  }
0x5f7: {  	[tilespmem:s16+$0x440] =	vst.add.f32.msk $0xffff, v5  }
0x5f8: {  	v5 =	vld [tilespmem:s15+$0x450]  }
0x5f9: {  	[tilespmem:s28+$0x870] =	vst.add.f32.msk $0xffff, v6  }
0x5fa: {  	s4 =	sor.u32 $0x20, s6;
	v6 =	vld [tilespmem:s21+$0xC00]  }
0x5fb: {  	[tilespmem:s4+$0x0] =	vst.add.f32.msk $0xffff, v7  }
0x5fc: {  	v7 =	vld [tilespmem:s5+$0x30]  }
0x5fd: {  	[tilespmem:s16+$0x450] =	vst.add.f32.msk $0xffff, v5  }
0x5fe: {  	v5 =	vld [tilespmem:s15+$0x460]  }
0x5ff: {  	[tilespmem:s28+$0xC00] =	vst.add.f32.msk $0xffff, v6  }
0x600: {  	s4 =	sor.u32 $0x30, s6;
	v6 =	vld [tilespmem:s21+$0xC10]  }
0x601: {  	[tilespmem:s4+$0x0] =	vst.add.f32.msk $0xffff, v7  }
0x602: {  	v7 =	vld [tilespmem:s5+$0x40]  }
0x603: {  	[tilespmem:s16+$0x460] =	vst.add.f32.msk $0xffff, v5  }
0x604: {  	v5 =	vld [tilespmem:s15+$0x470]  }
0x605: {  	[tilespmem:s28+$0xC10] =	vst.add.f32.msk $0xffff, v6  }
0x606: {  	s4 =	sor.u32 $0x40, s6;
	v6 =	vld [tilespmem:s21+$0xC20]  }
0x607: {  	[tilespmem:s4+$0x0] =	vst.add.f32.msk $0xffff, v7  }
0x608: {  	v7 =	vld [tilespmem:s5+$0x50]  }
0x609: {  	[tilespmem:s16+$0x470] =	vst.add.f32.msk $0xffff, v5  }
0x60a: {  	v5 =	vld [tilespmem:s15+$0x800]  }
0x60b: {  	[tilespmem:s28+$0xC20] =	vst.add.f32.msk $0xffff, v6  }
0x60c: {  	s4 =	sor.u32 $0x50, s6;
	v6 =	vld [tilespmem:s21+$0xC30]  }
0x60d: {  	[tilespmem:s4+$0x0] =	vst.add.f32.msk $0xffff, v7  }
0x60e: {  	v7 =	vld [tilespmem:s5+$0x60]  }
0x60f: {  	[tilespmem:s16+$0x800] =	vst.add.f32.msk $0xffff, v5  }
0x610: {  	v8 =	vld [tilespmem:s15+$0x810]  }
.Ltmp4:
0x611: {  	[tilespmem:s28+$0xC30] =	vst.add.f32.msk $0xffff, v6;
	(pc) =	sbr.rel @p0 .LBB2_11-.Ltmp4, $4  }
0x612: {  	s4 =	sor.u32 $0x60, s6;
	v5 =	vld [tilespmem:s21+$0xC40]  }
0x613: {  	[tilespmem:s4+$0x0] =	vst.add.f32.msk $0xffff, v7  }
0x614: {  	v6 =	vld [tilespmem:s5+$0x70]  }
0x615: {  	s17 =	sadd.s32 $0x200, s17;
	[tilespmem:s16+$0x810] =	vst.add.f32.msk $0xffff, v8  }
0x616: {  	(v2sf) =	vpush v4, $0x0;
	_ =	sdelay $0xe  }
0x617: {  	s4 =	spop (v2sf)  }
0x618: {  	s9 =	sshll.u32 s4, $0x9;
	s4 =	sshll.u32 s4, $0x7  }
0x619: {  	s9 =	sand.u32 $0xFFFFF000, s9;
	s4 =	sand.u32 $0x380, s4  }
0x61a: {  	s9 =	sor.u32 s4, s9  }
0x61b: {  	v4 =	vld [tilespmem:s9+$0x0];
	_ =	sdelay $0x1  }
0x61c: {  	s17 =	sadd.s32 $0x80, s7  }
0x61d: {  	s30 =	sand.u32 $0x3000, s29;
	s4 =	sand.u32 $0x380, s17  }
0x61e: {  	s4 =	sor.u32 s4, s30  }
0x61f: {  	[tilespmem:s4+$0x14880] =	vst.add.f32.msk $0xffff, v4  }
0x620: {  	v4 =	vld [tilespmem:s9+$0x10];
	_ =	sdelay $0x2  }
0x621: {  	s7 =	sadd.s32 $0x14880, s4  }
0x622: {  	s4 =	sor.u32 $0x10, s7  }
0x623: {  	[tilespmem:s4+$0x0] =	vst.add.f32.msk $0xffff, v4  }
0x624: {  	v4 =	vld [tilespmem:s9+$0x20];
	_ =	sdelay $0x3  }
0x625: {  	s31 =	sor.u32 $0x20, s7  }
0x626: {  	[tilespmem:s31+$0x0] =	vst.add.f32.msk $0xffff, v4  }
0x627: {  	v4 =	vld [tilespmem:s9+$0x30];
	_ =	sdelay $0x3  }
0x628: {  	s17 =	sor.u32 $0x30, s7  }
0x629: {  	[tilespmem:s17+$0x0] =	vst.add.f32.msk $0xffff, v4  }
0x62a: {  	v4 =	vld [tilespmem:s9+$0x40];
	_ =	sdelay $0x3  }
0x62b: {  	s29 =	sor.u32 $0x40, s7  }
0x62c: {  	[tilespmem:s29+$0x0] =	vst.add.f32.msk $0xffff, v4  }
0x62d: {  	v4 =	vld [tilespmem:s9+$0x50];
	_ =	sdelay $0x3  }
0x62e: {  	s30 =	sor.u32 $0x50, s7  }
0x62f: {  	[tilespmem:s30+$0x0] =	vst.add.f32.msk $0xffff, v4  }
0x630: {  	v4 =	vld [tilespmem:s9+$0x60];
	_ =	sdelay $0x3  }
0x631: {  	s31 =	sor.u32 $0x60, s7  }
0x632: {  	[tilespmem:s31+$0x0] =	vst.add.f32.msk $0xffff, v4  }
0x633: {  	v4 =	vld [tilespmem:s9+$0x70];
	_ =	sdelay $0x1  }
0x634: {  	s17 =	sor.u32 $0x70, s6  }
0x635: {  	[tilespmem:s17+$0x0] =	vst.add.f32.msk $0xffff, v6  }
0x636: {  	v6 =	vld [tilespmem:s5+$0x400];
	s29 =	sor.u32 $0x70, s7  }
0x637: {  	[tilespmem:s29+$0x0] =	vst.add.f32.msk $0xffff, v4  }
0x638: {  	v4 =	vld [tilespmem:s9+$0x400];
	_ =	sdelay $0x2  }
0x639: {  	[tilespmem:s6+$0x400] =	vst.add.f32.msk $0xffff, v6  }
0x63a: {  	v6 =	vld [tilespmem:s5+$0x410]  }
0x63b: {  	[tilespmem:s7+$0x400] =	vst.add.f32.msk $0xffff, v4  }
0x63c: {  	v4 =	vld [tilespmem:s9+$0x410];
	_ =	sdelay $0x2  }
0x63d: {  	[tilespmem:s6+$0x410] =	vst.add.f32.msk $0xffff, v6  }
0x63e: {  	v6 =	vld [tilespmem:s5+$0x420]  }
0x63f: {  	[tilespmem:s7+$0x410] =	vst.add.f32.msk $0xffff, v4  }
0x640: {  	v4 =	vld [tilespmem:s9+$0x420];
	_ =	sdelay $0x2  }
0x641: {  	[tilespmem:s6+$0x420] =	vst.add.f32.msk $0xffff, v6  }
0x642: {  	v6 =	vld [tilespmem:s5+$0x430]  }
0x643: {  	[tilespmem:s7+$0x420] =	vst.add.f32.msk $0xffff, v4  }
0x644: {  	v4 =	vld [tilespmem:s9+$0x430];
	_ =	sdelay $0x2  }
0x645: {  	[tilespmem:s6+$0x430] =	vst.add.f32.msk $0xffff, v6  }
0x646: {  	v6 =	vld [tilespmem:s5+$0x440]  }
0x647: {  	[tilespmem:s7+$0x430] =	vst.add.f32.msk $0xffff, v4  }
0x648: {  	v4 =	vld [tilespmem:s9+$0x440];
	_ =	sdelay $0x2  }
0x649: {  	[tilespmem:s6+$0x440] =	vst.add.f32.msk $0xffff, v6  }
0x64a: {  	v6 =	vld [tilespmem:s5+$0x450]  }
0x64b: {  	[tilespmem:s7+$0x440] =	vst.add.f32.msk $0xffff, v4  }
0x64c: {  	v4 =	vld [tilespmem:s9+$0x450];
	_ =	sdelay $0x2  }
0x64d: {  	[tilespmem:s6+$0x450] =	vst.add.f32.msk $0xffff, v6  }
0x64e: {  	v6 =	vld [tilespmem:s5+$0x460]  }
0x64f: {  	[tilespmem:s7+$0x450] =	vst.add.f32.msk $0xffff, v4  }
0x650: {  	v4 =	vld [tilespmem:s9+$0x460];
	_ =	sdelay $0x1  }
0x651: {  	v7 =	vld [tilespmem:s15+$0x820]  }
0x652: {  	[tilespmem:s6+$0x460] =	vst.add.f32.msk $0xffff, v6  }
0x653: {  	v6 =	vld [tilespmem:s5+$0x470]  }
0x654: {  	[tilespmem:s7+$0x460] =	vst.add.f32.msk $0xffff, v4  }
0x655: {  	v4 =	vld [tilespmem:s9+$0x470]  }
0x656: {  	[tilespmem:s28+$0xC40] =	vst.add.f32.msk $0xffff, v5  }
0x657: {  	v5 =	vld [tilespmem:s21+$0xC50]  }
0x658: {  	[tilespmem:s6+$0x470] =	vst.add.f32.msk $0xffff, v6  }
0x659: {  	v6 =	vld [tilespmem:s5+$0x800]  }
0x65a: {  	[tilespmem:s7+$0x470] =	vst.add.f32.msk $0xffff, v4  }
0x65b: {  	v4 =	vld [tilespmem:s9+$0x800]  }
0x65c: {  	[tilespmem:s16+$0x820] =	vst.add.f32.msk $0xffff, v7  }
0x65d: {  	v7 =	vld [tilespmem:s15+$0x830]  }
0x65e: {  	[tilespmem:s6+$0x800] =	vst.add.f32.msk $0xffff, v6  }
0x65f: {  	v6 =	vld [tilespmem:s5+$0x810]  }
0x660: {  	[tilespmem:s7+$0x800] =	vst.add.f32.msk $0xffff, v4  }
0x661: {  	v4 =	vld [tilespmem:s9+$0x810]  }
0x662: {  	[tilespmem:s28+$0xC50] =	vst.add.f32.msk $0xffff, v5  }
0x663: {  	v5 =	vld [tilespmem:s21+$0xC60]  }
0x664: {  	[tilespmem:s6+$0x810] =	vst.add.f32.msk $0xffff, v6  }
0x665: {  	v6 =	vld [tilespmem:s5+$0x820]  }
0x666: {  	[tilespmem:s7+$0x810] =	vst.add.f32.msk $0xffff, v4  }
0x667: {  	v4 =	vld [tilespmem:s9+$0x820]  }
0x668: {  	[tilespmem:s16+$0x830] =	vst.add.f32.msk $0xffff, v7  }
0x669: {  	v7 =	vld [tilespmem:s15+$0x840]  }
0x66a: {  	[tilespmem:s6+$0x820] =	vst.add.f32.msk $0xffff, v6  }
0x66b: {  	v6 =	vld [tilespmem:s5+$0x830]  }
0x66c: {  	[tilespmem:s7+$0x820] =	vst.add.f32.msk $0xffff, v4  }
0x66d: {  	v4 =	vld [tilespmem:s9+$0x830]  }
0x66e: {  	[tilespmem:s28+$0xC60] =	vst.add.f32.msk $0xffff, v5  }
0x66f: {  	v5 =	vld [tilespmem:s21+$0xC70]  }
0x670: {  	[tilespmem:s6+$0x830] =	vst.add.f32.msk $0xffff, v6  }
0x671: {  	v6 =	vld [tilespmem:s5+$0x840]  }
0x672: {  	[tilespmem:s7+$0x830] =	vst.add.f32.msk $0xffff, v4  }
0x673: {  	v4 =	vld [tilespmem:s9+$0x840]  }
0x674: {  	[tilespmem:s16+$0x840] =	vst.add.f32.msk $0xffff, v7  }
0x675: {  	v7 =	vld [tilespmem:s15+$0x850]  }
0x676: {  	[tilespmem:s6+$0x840] =	vst.add.f32.msk $0xffff, v6  }
0x677: {  	v6 =	vld [tilespmem:s5+$0x850]  }
0x678: {  	[tilespmem:s7+$0x840] =	vst.add.f32.msk $0xffff, v4  }
0x679: {  	v4 =	vld [tilespmem:s9+$0x850]  }
0x67a: {  	[tilespmem:s16+$0x850] =	vst.add.f32.msk $0xffff, v7  }
0x67b: {  	v7 =	vld [tilespmem:s15+$0x860]  }
0x67c: {  	[tilespmem:s6+$0x850] =	vst.add.f32.msk $0xffff, v6  }
0x67d: {  	v6 =	vld [tilespmem:s5+$0x860]  }
0x67e: {  	[tilespmem:s7+$0x850] =	vst.add.f32.msk $0xffff, v4  }
0x67f: {  	v4 =	vld [tilespmem:s9+$0x860]  }
0x680: {  	[tilespmem:s16+$0x860] =	vst.add.f32.msk $0xffff, v7  }
0x681: {  	v7 =	vld [tilespmem:s15+$0x870]  }
0x682: {  	[tilespmem:s6+$0x860] =	vst.add.f32.msk $0xffff, v6  }
0x683: {  	v6 =	vld [tilespmem:s5+$0x870]  }
0x684: {  	[tilespmem:s7+$0x860] =	vst.add.f32.msk $0xffff, v4  }
0x685: {  	v4 =	vld [tilespmem:s9+$0x870]  }
0x686: {  	[tilespmem:s16+$0x870] =	vst.add.f32.msk $0xffff, v7  }
0x687: {  	v7 =	vld [tilespmem:s15+$0xC00]  }
0x688: {  	[tilespmem:s6+$0x870] =	vst.add.f32.msk $0xffff, v6  }
0x689: {  	v6 =	vld [tilespmem:s5+$0xC00]  }
0x68a: {  	[tilespmem:s7+$0x870] =	vst.add.f32.msk $0xffff, v4  }
0x68b: {  	v4 =	vld [tilespmem:s9+$0xC00]  }
0x68c: {  	[tilespmem:s16+$0xC00] =	vst.add.f32.msk $0xffff, v7  }
0x68d: {  	v7 =	vld [tilespmem:s15+$0xC10]  }
0x68e: {  	[tilespmem:s6+$0xC00] =	vst.add.f32.msk $0xffff, v6  }
0x68f: {  	v6 =	vld [tilespmem:s5+$0xC10]  }
0x690: {  	[tilespmem:s7+$0xC00] =	vst.add.f32.msk $0xffff, v4  }
0x691: {  	v4 =	vld [tilespmem:s9+$0xC10]  }
0x692: {  	[tilespmem:s16+$0xC10] =	vst.add.f32.msk $0xffff, v7  }
0x693: {  	v7 =	vld [tilespmem:s15+$0xC20]  }
0x694: {  	[tilespmem:s6+$0xC10] =	vst.add.f32.msk $0xffff, v6  }
0x695: {  	v6 =	vld [tilespmem:s5+$0xC20]  }
0x696: {  	[tilespmem:s7+$0xC10] =	vst.add.f32.msk $0xffff, v4  }
0x697: {  	v4 =	vld [tilespmem:s9+$0xC20]  }
0x698: {  	[tilespmem:s16+$0xC20] =	vst.add.f32.msk $0xffff, v7  }
0x699: {  	v7 =	vld [tilespmem:s15+$0xC30]  }
0x69a: {  	[tilespmem:s6+$0xC20] =	vst.add.f32.msk $0xffff, v6  }
0x69b: {  	v6 =	vld [tilespmem:s5+$0xC30]  }
0x69c: {  	[tilespmem:s7+$0xC20] =	vst.add.f32.msk $0xffff, v4  }
0x69d: {  	v4 =	vld [tilespmem:s9+$0xC30]  }
0x69e: {  	[tilespmem:s16+$0xC30] =	vst.add.f32.msk $0xffff, v7  }
0x69f: {  	v7 =	vld [tilespmem:s15+$0xC40]  }
0x6a0: {  	[tilespmem:s6+$0xC30] =	vst.add.f32.msk $0xffff, v6  }
0x6a1: {  	v6 =	vld [tilespmem:s5+$0xC40]  }
0x6a2: {  	[tilespmem:s7+$0xC30] =	vst.add.f32.msk $0xffff, v4  }
0x6a3: {  	v4 =	vld [tilespmem:s9+$0xC40]  }
0x6a4: {  	[tilespmem:s16+$0xC40] =	vst.add.f32.msk $0xffff, v7  }
0x6a5: {  	v7 =	vld [tilespmem:s15+$0xC50]  }
0x6a6: {  	[tilespmem:s6+$0xC40] =	vst.add.f32.msk $0xffff, v6  }
0x6a7: {  	v6 =	vld [tilespmem:s5+$0xC50]  }
0x6a8: {  	[tilespmem:s7+$0xC40] =	vst.add.f32.msk $0xffff, v4  }
0x6a9: {  	v4 =	vld [tilespmem:s9+$0xC50]  }
0x6aa: {  	[tilespmem:s16+$0xC50] =	vst.add.f32.msk $0xffff, v7  }
0x6ab: {  	v7 =	vld [tilespmem:s15+$0xC60]  }
0x6ac: {  	[tilespmem:s6+$0xC50] =	vst.add.f32.msk $0xffff, v6  }
0x6ad: {  	v6 =	vld [tilespmem:s5+$0xC60]  }
0x6ae: {  	[tilespmem:s7+$0xC50] =	vst.add.f32.msk $0xffff, v4  }
0x6af: {  	v4 =	vld [tilespmem:s9+$0xC60]  }
0x6b0: {  	[tilespmem:s16+$0xC60] =	vst.add.f32.msk $0xffff, v7  }
0x6b1: {  	v7 =	vld [tilespmem:s15+$0xC70]  }
0x6b2: {  	[tilespmem:s6+$0xC60] =	vst.add.f32.msk $0xffff, v6  }
0x6b3: {  	v6 =	vld [tilespmem:s5+$0xC70]  }
0x6b4: {  	[tilespmem:s7+$0xC60] =	vst.add.f32.msk $0xffff, v4  }
0x6b5: {  	s25 =	sadd.s32 $0x1, s25;
	v4 =	vld [tilespmem:s9+$0xC70]  }
0x6b6: {  	p0 =	sne.s32 s25, $0x8  }
.Ltmp5:
0x6b7: {  	[tilespmem:s28+$0xC70] =	vst.add.f32.msk $0xffff, v5;
	s30 =	sshll.u32 s26, $0xF;
	(pc) =	sbr.rel @p0 .LBB2_4-.Ltmp5, $4  }
0x6b8: {  	s8 =	sadd.s32 $0x80, s8;
	s4 =	sadd.s32 s10, s30;
	[tilespmem:s16+$0xC70] =	vst.add.f32.msk $0xffff, v7  }
0x6b9: {  	s14 =	sadd.s32 $0x80, s14;
	s23 =	sadd.s32 $0x80, s23;
	s4 =	sshrl.u32 s4, $0x3;
	[tilespmem:s6+$0xC70] =	vst.add.f32.msk $0xffff, v6  }
0x6ba: {  	s24 =	sadd.s32 $0x80, s24;
	s4 =	sadd.s32 s1, s4;
	s31 =	simm.s32 $0x14880;
	[tilespmem:s7+$0xC70] =	vst.add.f32.msk $0xffff, v4  }
0x6bb: {  	[hbm4b:s4+s12] =	stream.strided.scatter [tilespmem:s31], [sflag:$0x8], $0x4000, s13, s12, $0x38;
	[tilespmem:$0x18880] =	vst v63  }
0x6bc: {  	s3 =	simm.s32 $0x5  }
0x6bd: {  	_ =	swait.ge [sflag:s3], $0x4000  }
0x6be: {  	[sflag:s3] =	ssyncset.done $0x0  }
0x6bf: {  	s29 =	simm.s32 $0x6;
	[sflag:s3] =	ssyncadd.s32 $0xFFFFC000  }
0x6c0: {  	_ =	swait.ge [sflag:s29], $0x4000  }
0x6c1: {  	[sflag:s29] =	ssyncset.done $0x0  }
0x6c2: {  	s30 =	simm.s32 $0x7;
	[sflag:s29] =	ssyncadd.s32 $0xFFFFC000  }
0x6c3: {  	_ =	swait.ge [sflag:s30], $0x4000  }
0x6c4: {  	[sflag:s30] =	ssyncset.done $0x0  }
0x6c5: {  	s4 =	simm.s32 $0x8;
	[sflag:s30] =	ssyncadd.s32 $0xFFFFC000  }
0x6c6: {  	_ =	swait.ge [sflag:s4], $0x4000  }
0x6c7: {  	s5 =	rddreg [dreg:$0xf]  }
0x6c8: {  	s31 =	rddreg [dreg:$0xc];
	s5 =	sadd.s32 $0x1, s5  }
0x6c9: {  	p0 =	sne.s32 s5, s31  }
.Ltmp6:
0x6ca: {  	_ = 	snop;
	(pc) =	sbr.rel @p0 .LBB2_1-.Ltmp6, $3  }
0x6cb: {  	_ =	sdelay $0x1  }
0x6cc: {  	[sflag:s4] =	ssyncset.done $0x0  }
0x6cd: {  	[sflag:s4] =	ssyncadd.s32 $0xFFFFC000  }
0x6ce: {  	_ =	sfence.sel $0x180000  }
0x6cf: {  	[bflag:$0x0] =	sbarrier.arrive $0xFFFF  }
0x6d0: {  	_ =	strace $0x90000047  }
0x6d1: {  	s0 =	stileid.u32;
	[bflag:$0x2] =	sbarrier.arrive $0xFFFF  }
0x6d2: {  	p0 =	sne.s32 s0, $0x0;
	s0 =	rddreg [dreg:$0x6]  }
0x6d3: {  	s0 =	sadd.s32 @!p0 $0x100000, s0  }
0x6d4: {  	[sflag:s0] =	ssyncadd.tile.s32 @!p0 $0x1;
	_ =	shalt  }
.Lfunc_end2:
_tile_overlayer_lowered:
.L_overlay_start_2:
0x6d5: {  	(tag) =	ssettag $0x2  }
0x6d6: {  	s0 =	rddreg [dreg:$0x0];
	s2 =	stileid.u32  }
0x6d7: {  	s1 =	rddreg [dreg:$0x1];
	p0 =	sne.s32 s2, $0x0  }
0x6d8: {  	s3 =	rddreg [dreg:$0x2];
	[bflag:$0x3] =	sbarrier.arrive $0xFFFF;
	s2 =	simm.s32 @!p0 $0x1C09  }
0x6d9: {  	[timem:s3], [sflag:s2] =	dma.local @!p0 [hbm:s0], s1  }
0x6da: {  	s0 =	simm.s32 @!p0 $0x9  }
0x6db: {  	_ =	swait.ge @!p0 [sflag:s0], s1  }
0x6dc: {  	s1 =	ssub.s32 @!p0 $0x0, s1;
	[sflag:s0] =	ssyncset.done @!p0 $0x0  }
0x6dd: {  	[sflag:s0] =	ssyncadd.s32 @!p0 s1  }
0x6de: {  	[bflag:$0x3] =	sbarrier.arrive $0xFFFF  }
0x6df: {  	_ =	shalt  }

</sc_bundles>
